<compile_context>
chip_gen: v7x
topology: tpu7x:2x2x1
jax: 0.10.2.dev20260603
libtpu: 0.0.44.dev20260713+nightly
codegen_flags: <defaults>
</compile_context>

<pallas_src>
import numpy as np
import jax
import jax.numpy as jnp
from jax import lax
from jax.experimental import pallas as pl
from jax.experimental.pallas import tpu as pltpu
from jax.experimental.pallas import tpu_sc as plsc

_N_LEVELS = 17
_F = 4
_LOG2_T = 21
_T = 1 << _LOG2_T
_BASE_RES = 8
_MAX_RES = 8192
_SCALE = np.exp((np.log(_MAX_RES) - np.log(_BASE_RES)) / (_N_LEVELS - 1))
_RES = [int(np.floor(_BASE_RES * _SCALE ** l)) for l in range(_N_LEVELS)]
_SIZES = [min(_T, (r + 1) ** 3) for r in _RES]
_OFFS = np.concatenate([[0], np.cumsum(_SIZES)]).astype(np.int64)
_PRIME1 = np.int32(-1640531535)
_PRIME2 = np.int32(805459861)
_N_DENSE = sum(1 for l in range(_N_LEVELS) if _SIZES[l] == (_RES[l] + 1) ** 3)

_NC, _NS, _L = 2, 16, 16
_NW = _NC * _NS
_P = 512
_CIDX = 8 * _P
_GCH = 128
_ENCD = 128


_ICH = 4096


def _interleave_body(t0_hbm, t1_hbm, t2_hbm, t3_hbm, t8_hbm, planebuf, outbuf,
                     sem):
    wid = lax.axis_index("s") * _NC + lax.axis_index("c")
    rp = t0_hbm.shape[0]
    nch = rp // (_NW * _ICH)
    zero16 = jnp.zeros((_L,), jnp.float32)

    def zero_z(z, c):
        planebuf[pl.ds(4 * _ICH + z * _L, _L)] = zero16
        return c

    lax.fori_loop(0, (_ICH + _L) // _L, zero_z, 0)

    iota = lax.iota(jnp.int32, _L)
    k = iota & 7
    dr = iota >> 3
    pat = jnp.where(k < 4, k * _ICH + dr, 4 * _ICH)

    def chunk(t, c):
        rbase = (wid * nch + t) * _ICH
        for ci, th in enumerate((t0_hbm, t1_hbm, t2_hbm, t3_hbm)):
            pltpu.sync_copy(th.at[pl.ds(rbase, _ICH)],
                            planebuf.at[pl.ds(ci * _ICH, _ICH)])

        def vloop(q, cc):
            vals = plsc.load_gather(planebuf, [pat + 2 * q])
            plsc.store_scatter(outbuf, [dr + 2 * q, k], vals)
            return cc

        lax.fori_loop(0, _ICH // 2, vloop, 0)
        pltpu.sync_copy(outbuf, t8_hbm.at[pl.ds(rbase, _ICH)])
        return c

    lax.fori_loop(0, nch, chunk, 0)


def _pad_table(tcols, rp):
    mesh = plsc.VectorSubcoreMesh(core_axis_name="c", subcore_axis_name="s")
    f = pl.kernel(
        _interleave_body,
        out_type=jax.ShapeDtypeStruct((rp, 2 * _F), jnp.float32),
        mesh=mesh,
        compiler_params=pltpu.CompilerParams(
            needs_layout_passes=False, use_tc_tiling_on_sc=False),
        scratch_types=[
            pltpu.VMEM((5 * _ICH + _L,), jnp.float32),
            pltpu.VMEM((_ICH, 2 * _F), jnp.float32),
            pltpu.SemaphoreType.DMA,
        ],
    )
    return f(*tcols)


def _sc_body(px_hbm, py_hbm, pz_hbm, table_hbm, resf_hbm, offi_hbm, enc_hbm,
             pxv, pyv, pzv, resv, offv, idxv, wv, rowsv, encv, sem):
    wid = lax.axis_index("s") * _NC + lax.axis_index("c")
    npoints = px_hbm.shape[0]
    nper = npoints // _NW
    nchunks = nper // _P
    base = wid * nper

    pltpu.sync_copy(resf_hbm, resv)
    pltpu.sync_copy(offi_hbm, offv)

    iota = lax.iota(jnp.int32, _L)
    zero16 = jnp.zeros((_L,), jnp.float32)

    def zero_tail(i, c):
        for k in range(4):
            encv[i, pl.ds(64 + k * _L, _L)] = zero16
        return c

    lax.fori_loop(0, _P, zero_tail, 0)

    def floorv(v):
        vi = v.astype(jnp.int32)
        vf = vi.astype(jnp.float32)
        vi = vi - jnp.where(v < vf, 1, 0)
        return vi, v - vi.astype(jnp.float32)

    def chunk_body(ci, carry):
        cbase = base + ci * _P
        pltpu.sync_copy(px_hbm.at[pl.ds(cbase, _P)], pxv)
        pltpu.sync_copy(py_hbm.at[pl.ds(cbase, _P)], pyv)
        pltpu.sync_copy(pz_hbm.at[pl.ds(cbase, _P)], pzv)

        def do_level(l, r_f, off_i, dense):
            r_i = r_f.astype(jnp.int32)
            rp1 = r_i + 1

            def grp_idx(g, c):
                s = g * _L
                x = pxv[pl.ds(s, _L)] * r_f
                y = pyv[pl.ds(s, _L)] * r_f
                z = pzv[pl.ds(s, _L)] * r_f
                xi, fx = floorv(x)
                yi, fy = floorv(y)
                zi, fz = floorv(z)
                ox, oy, oz = 1.0 - fx, 1.0 - fy, 1.0 - fz
                for corner in range(8):
                    bx, by, bz = corner & 1, (corner >> 1) & 1, (corner >> 2) & 1
                    cx = xi + bx
                    cy = yi + by
                    cz = zi + bz
                    if dense:
                        cx2 = jnp.minimum(jnp.maximum(cx, 0), r_i)
                        cy2 = jnp.minimum(jnp.maximum(cy, 0), r_i)
                        cz2 = jnp.minimum(jnp.maximum(cz, 0), r_i)
                        idx = cx2 + rp1 * (cy2 + rp1 * cz2)
                    else:
                        idx = (cx ^ (cy * _PRIME1) ^ (cz * _PRIME2)) & jnp.int32(_T - 1)
                    idx = idx + off_i
                    w = (fx if bx else ox) * (fy if by else oy) * (fz if bz else oz)
                    flat = corner * _P + s
                    idxv[flat // _GCH, pl.ds(flat % _GCH, _L)] = idx
                    wv[pl.ds(flat, _L)] = w
                return c

            lax.fori_loop(0, _P // _L, grp_idx, 0)

            descs = []
            for j in range(_CIDX // _GCH):
                descs.append(pltpu.async_copy(
                    table_hbm.at[idxv.at[j]],
                    rowsv.at[pl.ds(j * _GCH, _GCH)], sem))
            for d in descs:
                d.wait()

            def grp_acc(g, c):
                s = g * _L
                acc = [jnp.zeros((_L,), jnp.float32) for _ in range(_F)]
                for corner in range(8):
                    flat = corner * _P + s
                    wc = wv[pl.ds(flat, _L)]
                    rids = iota + flat
                    for f in range(_F):
                        feat = plsc.load_gather(
                            rowsv, [rids, jnp.broadcast_to(jnp.int32(f), (_L,))])
                        acc[f] = acc[f] + wc * feat
                pids = iota + s
                for f in range(_F):
                    plsc.store_scatter(
                        encv, [pids, jnp.broadcast_to(l * _F + f, (_L,))], acc[f])
                return c

            lax.fori_loop(0, _P // _L, grp_acc, 0)

        def dense_level(l, c):
            do_level(l, resv[pl.ds(l * _L, _L)], offv[pl.ds(l * _L, _L)], True)
            return c

        def hash_level(l, c):
            do_level(l, resv[pl.ds(l * _L, _L)], offv[pl.ds(l * _L, _L)], False)
            return c

        lax.fori_loop(0, _N_DENSE, dense_level, 0)
        lax.fori_loop(_N_DENSE, _N_LEVELS, hash_level, 0)

        pltpu.sync_copy(encv, enc_hbm.at[pl.ds(cbase, _P)])
        return carry

    lax.fori_loop(0, nchunks, chunk_body, 0)


def _encode_sc(px, py, pz, table8):
    n = px.shape[0]
    resf = jnp.asarray(np.repeat(np.array(_RES, np.float32), _L))
    offi = jnp.asarray(np.repeat(_OFFS[:_N_LEVELS].astype(np.int32), _L))
    mesh = plsc.VectorSubcoreMesh(core_axis_name="c", subcore_axis_name="s")
    f = pl.kernel(
        _sc_body,
        out_type=jax.ShapeDtypeStruct((n, _ENCD), jnp.float32),
        mesh=mesh,
        compiler_params=pltpu.CompilerParams(
            needs_layout_passes=False, use_tc_tiling_on_sc=False),
        scratch_types=[
            pltpu.VMEM((_P,), jnp.float32),
            pltpu.VMEM((_P,), jnp.float32),
            pltpu.VMEM((_P,), jnp.float32),
            pltpu.VMEM((_N_LEVELS * _L,), jnp.float32),
            pltpu.VMEM((_N_LEVELS * _L,), jnp.int32),
            pltpu.VMEM((_CIDX // _GCH, _GCH), jnp.int32),
            pltpu.VMEM((_CIDX,), jnp.float32),
            pltpu.VMEM((_CIDX, 2 * _F), jnp.float32),
            pltpu.VMEM((_P, _ENCD), jnp.float32),
            pltpu.SemaphoreType.DMA,
        ],
    )
    return f(px, py, pz, table8, resf, offi)


def _mlp_body(enc_ref, w1_ref, w2_ref, o_ref):
    h = jnp.dot(enc_ref[...], w1_ref[...], preferred_element_type=jnp.float32)
    h = jnp.maximum(h, 0.0)
    o = jnp.dot(h, w2_ref[...], preferred_element_type=jnp.float32)
    col = lax.broadcasted_iota(jnp.int32, o.shape, 1)
    sig = 1.0 / (1.0 + jnp.exp(-o))
    o_ref[...] = jnp.where(col < 3, sig, o)


def _mlp(enc, w1p, w2p):
    n = enc.shape[0]
    blk = 4096
    return pl.pallas_call(
        _mlp_body,
        grid=(n // blk,),
        in_specs=[
            pl.BlockSpec((blk, _ENCD), lambda i: (i, 0)),
            pl.BlockSpec((_ENCD, 64), lambda i: (0, 0)),
            pl.BlockSpec((64, _F), lambda i: (0, 0)),
        ],
        out_specs=pl.BlockSpec((blk, _F), lambda i: (i, 0)),
        out_shape=jax.ShapeDtypeStruct((n, _F), jnp.float32),
    )(enc, w1p, w2p)


def kernel(viewdirs, table, W1, W2):
    sb, b, _ = viewdirs.shape
    n = sb * b
    pos = viewdirs.reshape(n, 3)
    px, py, pz = pos[:, 0], pos[:, 1], pos[:, 2]
    r = table.shape[0]
    rp = ((r + _NW * _ICH - 1) // (_NW * _ICH)) * _NW * _ICH
    tt = table.T
    tcols = [jnp.pad(tt[c], (0, rp - r)) for c in range(_F)]
    table8 = _pad_table(tcols, rp)
    enc = _encode_sc(px, py, pz, table8)
    w2p = jnp.concatenate([W2[:, 1:], W2[:, :1]], axis=1)
    w1p = jnp.concatenate(
        [W1, jnp.zeros((_ENCD - W1.shape[0], W1.shape[1]), W1.dtype)], axis=0)
    out = _mlp(enc, w1p, w2p)
    return out.reshape(sb, b, _F)

# --- scband reference (transcript-rebuilt; emitter-appended) ---
"""Pipeline reference for scband-sphere-ngpradiance-field-1881195676374 (READ-ONLY COPY).

The authoritative reference and input builder live on the scoring server;
editing this copy changes nothing except your own understanding.
"""

import jax, jax.numpy as jnp
import numpy as np

N_LEVELS = 17
F_PER_LEVEL = 4
LOG2_T = 21
T = 1 << LOG2_T
BASE_RES = 8
MAX_RES = 8192
GEO_FEAT_DIM = 3
PER_LEVEL_SCALE = np.exp((np.log(MAX_RES) - np.log(BASE_RES)) / (N_LEVELS - 1))
RES = [int(np.floor(BASE_RES * PER_LEVEL_SCALE ** l)) for l in range(N_LEVELS)]
SIZES = [min(T, (r + 1) ** 3) for r in RES]
OFFSETS = np.concatenate([[0], np.cumsum(SIZES)]).astype(np.int64)
TOTAL_ROWS = int(OFFSETS[-1])
PRIMES = np.array([1, 2654435761, 805459861], dtype=np.uint32).astype(np.int32)


def hash_grid_encode(pos, table):
    # pos: [N, 3] float32; table: [TOTAL_ROWS, F_PER_LEVEL] float32
    feats = []
    for l in range(N_LEVELS):
        r = RES[l]
        size = SIZES[l]
        off = int(OFFSETS[l])
        scaled = pos * r
        f0 = jnp.floor(scaled)
        frac = scaled - f0
        fi = f0.astype(jnp.int32)
        acc = jnp.zeros((pos.shape[0], F_PER_LEVEL), dtype=table.dtype)
        for corner in range(8):
            bits = jnp.array([(corner >> d) & 1 for d in range(3)], dtype=jnp.int32)
            c = fi + bits[None, :]
            if size == (r + 1) ** 3:
                # dense (tiled) indexing for coarse levels, as in tcnn
                cc = jnp.clip(c, 0, r)
                idx = cc[:, 0] + (r + 1) * (cc[:, 1] + (r + 1) * cc[:, 2])
            else:
                # spatial hash with XOR of primes, wrap-around int32 arithmetic
                idx = ((c[:, 0] * PRIMES[0]) ^ (c[:, 1] * PRIMES[1]) ^ (c[:, 2] * PRIMES[2])) & (T - 1)
            w = jnp.prod(jnp.where(bits[None, :] == 1, frac, 1.0 - frac), axis=-1)
            acc = acc + w[:, None] * jnp.take(table, off + idx, axis=0)
        feats.append(acc)
    return jnp.concatenate(feats, axis=-1)


def setup_inputs(seed: int = 0) -> dict:
    key = jax.random.key(seed)
    k1, k2, k3, k4 = jax.random.split(key, 4)
    viewdirs = jax.random.normal(k1, (4, 65536, 3), dtype=jnp.float32)
    table = jax.random.uniform(k2, (TOTAL_ROWS, F_PER_LEVEL), dtype=jnp.float32, minval=-1e-4, maxval=1e-4)
    enc_dim = N_LEVELS * F_PER_LEVEL
    W1 = jax.random.normal(k3, (enc_dim, 64), dtype=jnp.float32) * (1.0 / np.sqrt(enc_dim))
    W2 = jax.random.normal(k4, (64, GEO_FEAT_DIM + 1), dtype=jnp.float32) * (1.0 / 8.0)
    return {"viewdirs": viewdirs, "table": table, "W1": W1, "W2": W2}


def reference(viewdirs, table, W1, W2):
    SB, B, _ = viewdirs.shape
    pos = viewdirs.reshape(-1, 3)
    # viewdir_only=True, use_xyz_coords=True: positions = viewdirs directly
    enc = hash_grid_encode(pos, table)
    # FullyFusedMLP: ReLU, 64 neurons, 1 hidden layer, no output activation, no bias
    h = jax.nn.relu(enc @ W1)
    out = h @ W2  # [N, 1 + geo_feat_dim]
    density_before_activation = out[:, :1]
    embedding = out[:, 1:1 + GEO_FEAT_DIM]
    rgb = jax.nn.sigmoid(embedding)
    output = jnp.concatenate([rgb, density_before_activation], axis=-1)
    return output.reshape(SB, B, GEO_FEAT_DIM + 1)

if __name__ == "__main__":
    import jax
    _d = setup_inputs()
    print(jax.jit(kernel)(*tuple(_d.values())))

</pallas_src>

<mosaic_0001>
#map = affine_map<(d0, d1) -> (0)>
#map1 = affine_map<(d0, d1) -> (0, 0)>
module attributes {stable_mosaic.version = 14 : i64} {
  func.func @_interleave_body(%arg0: i32, %arg1: i32, %arg2: memref<22806528xf32, #tpu.memory_space<hbm>>, %arg3: memref<22806528xf32, #tpu.memory_space<hbm>>, %arg4: memref<22806528xf32, #tpu.memory_space<hbm>>, %arg5: memref<22806528xf32, #tpu.memory_space<hbm>>, %arg6: memref<22806528x8xf32, #tpu.memory_space<hbm>>, %arg7: memref<20496xf32, #tpu.memory_space<vmem>>, %arg8: memref<4096x8xf32, #tpu.memory_space<vmem>>, %arg9: memref<!tpu.dma_semaphore, #tpu.memory_space<semaphore_mem>>) attributes {dimension_semantics = [#tpu.dimension_semantics<core_parallel>, #tpu.dimension_semantics<subcore_parallel>], iteration_bounds = array<i64: 2, 16>, scalar_prefetch = 0 : i64, scratch_operands = 3 : i64, tpu.core_type = #tpu.core_type<sc_vector_subcore>, window_params = [{transform_indices = #map}, {transform_indices = #map}, {transform_indices = #map}, {transform_indices = #map}, {transform_indices = #map1}]} {
    %mul3A = arith.constant 2 : i32
    %mul3A_0 = arith.muli %arg1, %mul3A : i32
    %add3A = arith.addi %mul3A_0, %arg0 : i32
    %broadcast_in_dim3A = arith.constant 0.000000e+00 : f32
    %broadcast_in_dim3A_1 = vector.broadcast %broadcast_in_dim3A : f32 to vector<16xf32>
    %scan3A = arith.constant 0 : i32
    %scan3A_2 = arith.constant 0 : i32
    %scan3A_3 = arith.constant 257 : i32
    %scan3A_4 = arith.addi %scan3A_2, %scan3A_3 : i32
    %scan3A_5 = arith.constant 1 : i32
    scf.for %scan3A_24 = %scan3A_2 to %scan3A_4 step %scan3A_5  : i32 {
      %mul3A_25 = arith.constant 16 : i32
      %mul3A_26 = arith.muli %scan3A_24, %mul3A_25 : i32
      %add3A_27 = arith.constant 16384 : i32
      %add3A_28 = arith.addi %add3A_27, %mul3A_26 : i32
      %swap3A = arith.index_cast %add3A_28 : i32 to index
      %swap3A_29 = tpu.vector_load %arg7[%swap3A] {strides = array<i32>} : memref<20496xf32, #tpu.memory_space<vmem>>, vector<16xf32>,
      tpu.vector_store %arg7[%swap3A], %broadcast_in_dim3A_1 {strides = array<i32>} : memref<20496xf32, #tpu.memory_space<vmem>>, vector<16xf32>,
    }
    %scan3A_6 = arith.constant 257 : i32
    %iota3A = tpu.iota {dimensions = array<i32: 0>} : vector<16xi32>
    %and3A = arith.constant 7 : i32
    %and3A_7 = vector.broadcast %and3A : i32 to vector<16xi32>
    %and3A_8 = arith.andi %iota3A, %and3A_7 : vector<16xi32>
    %shift_right_arithmetic3A = arith.constant 3 : i32
    %shift_right_arithmetic3A_9 = vector.broadcast %shift_right_arithmetic3A : i32 to vector<16xi32>
    %shift_right_arithmetic3A_10 = arith.shrsi %iota3A, %shift_right_arithmetic3A_9 : vector<16xi32>
    %lt3A = arith.constant 4 : i32
    %lt3A_11 = vector.broadcast %lt3A : i32 to vector<16xi32>
    %lt3A_12 = arith.cmpi slt, %and3A_8, %lt3A_11 : vector<16xi32>
    %mul3A_13 = arith.constant 4096 : i32
    %mul3A_14 = vector.broadcast %mul3A_13 : i32 to vector<16xi32>
    %mul3A_15 = arith.muli %and3A_8, %mul3A_14 : vector<16xi32>
    %add3A_16 = arith.addi %mul3A_15, %shift_right_arithmetic3A_10 : vector<16xi32>
    %jit3A = arith.constant 16384 : i32
    %broadcast_in_dim3A_17 = vector.broadcast %jit3A : i32 to vector<16xi32>
    %select_n3A = arith.select %lt3A_12, %add3A_16, %broadcast_in_dim3A_17 : vector<16xi1>, vector<16xi32>
    %scan3A_18 = arith.constant 0 : i32
    %scan3A_19 = arith.constant 0 : i32
    %scan3A_20 = arith.constant 174 : i32
    %scan3A_21 = arith.addi %scan3A_19, %scan3A_20 : i32
    %scan3A_22 = arith.constant 1 : i32
    scf.for %scan3A_24 = %scan3A_19 to %scan3A_21 step %scan3A_22  : i32 {
      %mul3A_25 = arith.constant 174 : i32
      %mul3A_26 = arith.muli %add3A, %mul3A_25 : i32
      %add3A_27 = arith.addi %mul3A_26, %scan3A_24 : i32
      %mul3A_28 = arith.constant 4096 : i32
      %mul3A_29 = arith.muli %add3A_27, %mul3A_28 : i32
      "tpu.region"() ({
        %run_scoped3A = tpu.sem_alloc : memref<!tpu.dma_semaphore, #tpu.memory_space<semaphore_mem>>
        %dma_start3A = arith.constant 0 : i32
        %dma_start3A_36 = tpu.memref_slice %arg7[%dma_start3A] : memref<20496xf32, #tpu.memory_space<vmem>> -> memref<4096xf32, #tpu.memory_space<vmem>>
        %dma_start3A_37 = tpu.memref_slice %arg2[%mul3A_29] : memref<22806528xf32, #tpu.memory_space<hbm>> -> memref<4096xf32, #tpu.memory_space<hbm>>
        %dma_start3A_38 = arith.constant 0 : i32
        %dma_start3A_39 = tpu.memref_slice %arg7[%dma_start3A_38] : memref<20496xf32, #tpu.memory_space<vmem>> -> memref<4096xf32, #tpu.memory_space<vmem>>
        %dma_start3A_40 = tpu.memref_slice %arg2[%mul3A_29] : memref<22806528xf32, #tpu.memory_space<hbm>> -> memref<4096xf32, #tpu.memory_space<hbm>>
        tpu.enqueue_dma source(%dma_start3A_40 : memref<4096xf32, #tpu.memory_space<hbm>>) target(%dma_start3A_39 : memref<4096xf32, #tpu.memory_space<vmem>>) target_semaphore(%run_scoped3A : memref<!tpu.dma_semaphore, #tpu.memory_space<semaphore_mem>>)
        %dma_wait3A = arith.constant 0 : i32
        %dma_wait3A_41 = tpu.memref_slice %arg7[%dma_wait3A] : memref<20496xf32, #tpu.memory_space<vmem>> -> memref<4096xf32, #tpu.memory_space<vmem>>
        %dma_wait3A_42 = tpu.memref_slice %arg2[%mul3A_29] : memref<22806528xf32, #tpu.memory_space<hbm>> -> memref<4096xf32, #tpu.memory_space<hbm>>
        %dma_wait3A_43 = arith.constant 0 : i32
        %dma_wait3A_44 = tpu.memref_slice %arg7[%dma_wait3A_43] : memref<20496xf32, #tpu.memory_space<vmem>> -> memref<4096xf32, #tpu.memory_space<vmem>>
        %dma_wait3A_45 = tpu.memref_slice %arg2[%mul3A_29] : memref<22806528xf32, #tpu.memory_space<hbm>> -> memref<4096xf32, #tpu.memory_space<hbm>>
        tpu.wait_dma2 semaphore(%run_scoped3A : memref<!tpu.dma_semaphore, #tpu.memory_space<semaphore_mem>>) src(%dma_wait3A_45 : memref<4096xf32, #tpu.memory_space<hbm>>) dst(%dma_wait3A_44 : memref<4096xf32, #tpu.memory_space<vmem>>)
        tpu.yield
      }) : () -> ()
      "tpu.region"() ({
        %run_scoped3A = tpu.sem_alloc : memref<!tpu.dma_semaphore, #tpu.memory_space<semaphore_mem>>
        %dma_start3A = arith.constant 4096 : i32
        %dma_start3A_36 = tpu.memref_slice %arg7[%dma_start3A] : memref<20496xf32, #tpu.memory_space<vmem>> -> memref<4096xf32, #tpu.memory_space<vmem>>
        %dma_start3A_37 = tpu.memref_slice %arg3[%mul3A_29] : memref<22806528xf32, #tpu.memory_space<hbm>> -> memref<4096xf32, #tpu.memory_space<hbm>>
        %dma_start3A_38 = arith.constant 4096 : i32
        %dma_start3A_39 = tpu.memref_slice %arg7[%dma_start3A_38] : memref<20496xf32, #tpu.memory_space<vmem>> -> memref<4096xf32, #tpu.memory_space<vmem>>
        %dma_start3A_40 = tpu.memref_slice %arg3[%mul3A_29] : memref<22806528xf32, #tpu.memory_space<hbm>> -> memref<4096xf32, #tpu.memory_space<hbm>>
        tpu.enqueue_dma source(%dma_start3A_40 : memref<4096xf32, #tpu.memory_space<hbm>>) target(%dma_start3A_39 : memref<4096xf32, #tpu.memory_space<vmem>>) target_semaphore(%run_scoped3A : memref<!tpu.dma_semaphore, #tpu.memory_space<semaphore_mem>>)
        %dma_wait3A = arith.constant 4096 : i32
        %dma_wait3A_41 = tpu.memref_slice %arg7[%dma_wait3A] : memref<20496xf32, #tpu.memory_space<vmem>> -> memref<4096xf32, #tpu.memory_space<vmem>>
        %dma_wait3A_42 = tpu.memref_slice %arg3[%mul3A_29] : memref<22806528xf32, #tpu.memory_space<hbm>> -> memref<4096xf32, #tpu.memory_space<hbm>>
        %dma_wait3A_43 = arith.constant 4096 : i32
        %dma_wait3A_44 = tpu.memref_slice %arg7[%dma_wait3A_43] : memref<20496xf32, #tpu.memory_space<vmem>> -> memref<4096xf32, #tpu.memory_space<vmem>>
        %dma_wait3A_45 = tpu.memref_slice %arg3[%mul3A_29] : memref<22806528xf32, #tpu.memory_space<hbm>> -> memref<4096xf32, #tpu.memory_space<hbm>>
        tpu.wait_dma2 semaphore(%run_scoped3A : memref<!tpu.dma_semaphore, #tpu.memory_space<semaphore_mem>>) src(%dma_wait3A_45 : memref<4096xf32, #tpu.memory_space<hbm>>) dst(%dma_wait3A_44 : memref<4096xf32, #tpu.memory_space<vmem>>)
        tpu.yield
      }) : () -> ()
      "tpu.region"() ({
        %run_scoped3A = tpu.sem_alloc : memref<!tpu.dma_semaphore, #tpu.memory_space<semaphore_mem>>
        %dma_start3A = arith.constant 8192 : i32
        %dma_start3A_36 = tpu.memref_slice %arg7[%dma_start3A] : memref<20496xf32, #tpu.memory_space<vmem>> -> memref<4096xf32, #tpu.memory_space<vmem>>
        %dma_start3A_37 = tpu.memref_slice %arg4[%mul3A_29] : memref<22806528xf32, #tpu.memory_space<hbm>> -> memref<4096xf32, #tpu.memory_space<hbm>>
        %dma_start3A_38 = arith.constant 8192 : i32
        %dma_start3A_39 = tpu.memref_slice %arg7[%dma_start3A_38] : memref<20496xf32, #tpu.memory_space<vmem>> -> memref<4096xf32, #tpu.memory_space<vmem>>
        %dma_start3A_40 = tpu.memref_slice %arg4[%mul3A_29] : memref<22806528xf32, #tpu.memory_space<hbm>> -> memref<4096xf32, #tpu.memory_space<hbm>>
        tpu.enqueue_dma source(%dma_start3A_40 : memref<4096xf32, #tpu.memory_space<hbm>>) target(%dma_start3A_39 : memref<4096xf32, #tpu.memory_space<vmem>>) target_semaphore(%run_scoped3A : memref<!tpu.dma_semaphore, #tpu.memory_space<semaphore_mem>>)
        %dma_wait3A = arith.constant 8192 : i32
        %dma_wait3A_41 = tpu.memref_slice %arg7[%dma_wait3A] : memref<20496xf32, #tpu.memory_space<vmem>> -> memref<4096xf32, #tpu.memory_space<vmem>>
        %dma_wait3A_42 = tpu.memref_slice %arg4[%mul3A_29] : memref<22806528xf32, #tpu.memory_space<hbm>> -> memref<4096xf32, #tpu.memory_space<hbm>>
        %dma_wait3A_43 = arith.constant 8192 : i32
        %dma_wait3A_44 = tpu.memref_slice %arg7[%dma_wait3A_43] : memref<20496xf32, #tpu.memory_space<vmem>> -> memref<4096xf32, #tpu.memory_space<vmem>>
        %dma_wait3A_45 = tpu.memref_slice %arg4[%mul3A_29] : memref<22806528xf32, #tpu.memory_space<hbm>> -> memref<4096xf32, #tpu.memory_space<hbm>>
        tpu.wait_dma2 semaphore(%run_scoped3A : memref<!tpu.dma_semaphore, #tpu.memory_space<semaphore_mem>>) src(%dma_wait3A_45 : memref<4096xf32, #tpu.memory_space<hbm>>) dst(%dma_wait3A_44 : memref<4096xf32, #tpu.memory_space<vmem>>)
        tpu.yield
      }) : () -> ()
      "tpu.region"() ({
        %run_scoped3A = tpu.sem_alloc : memref<!tpu.dma_semaphore, #tpu.memory_space<semaphore_mem>>
        %dma_start3A = arith.constant 12288 : i32
        %dma_start3A_36 = tpu.memref_slice %arg7[%dma_start3A] : memref<20496xf32, #tpu.memory_space<vmem>> -> memref<4096xf32, #tpu.memory_space<vmem>>
        %dma_start3A_37 = tpu.memref_slice %arg5[%mul3A_29] : memref<22806528xf32, #tpu.memory_space<hbm>> -> memref<4096xf32, #tpu.memory_space<hbm>>
        %dma_start3A_38 = arith.constant 12288 : i32
        %dma_start3A_39 = tpu.memref_slice %arg7[%dma_start3A_38] : memref<20496xf32, #tpu.memory_space<vmem>> -> memref<4096xf32, #tpu.memory_space<vmem>>
        %dma_start3A_40 = tpu.memref_slice %arg5[%mul3A_29] : memref<22806528xf32, #tpu.memory_space<hbm>> -> memref<4096xf32, #tpu.memory_space<hbm>>
        tpu.enqueue_dma source(%dma_start3A_40 : memref<4096xf32, #tpu.memory_space<hbm>>) target(%dma_start3A_39 : memref<4096xf32, #tpu.memory_space<vmem>>) target_semaphore(%run_scoped3A : memref<!tpu.dma_semaphore, #tpu.memory_space<semaphore_mem>>)
        %dma_wait3A = arith.constant 12288 : i32
        %dma_wait3A_41 = tpu.memref_slice %arg7[%dma_wait3A] : memref<20496xf32, #tpu.memory_space<vmem>> -> memref<4096xf32, #tpu.memory_space<vmem>>
        %dma_wait3A_42 = tpu.memref_slice %arg5[%mul3A_29] : memref<22806528xf32, #tpu.memory_space<hbm>> -> memref<4096xf32, #tpu.memory_space<hbm>>
        %dma_wait3A_43 = arith.constant 12288 : i32
        %dma_wait3A_44 = tpu.memref_slice %arg7[%dma_wait3A_43] : memref<20496xf32, #tpu.memory_space<vmem>> -> memref<4096xf32, #tpu.memory_space<vmem>>
        %dma_wait3A_45 = tpu.memref_slice %arg5[%mul3A_29] : memref<22806528xf32, #tpu.memory_space<hbm>> -> memref<4096xf32, #tpu.memory_space<hbm>>
        tpu.wait_dma2 semaphore(%run_scoped3A : memref<!tpu.dma_semaphore, #tpu.memory_space<semaphore_mem>>) src(%dma_wait3A_45 : memref<4096xf32, #tpu.memory_space<hbm>>) dst(%dma_wait3A_44 : memref<4096xf32, #tpu.memory_space<vmem>>)
        tpu.yield
      }) : () -> ()
      %scan3A_30 = arith.constant 0 : i32
      %scan3A_31 = arith.constant 0 : i32
      %scan3A_32 = arith.constant 2048 : i32
      %scan3A_33 = arith.addi %scan3A_31, %scan3A_32 : i32
      %scan3A_34 = arith.constant 1 : i32
      scf.for %scan3A_36 = %scan3A_31 to %scan3A_33 step %scan3A_34  : i32 {
        %mul3A_37 = arith.constant 2 : i32
        %mul3A_38 = arith.muli %mul3A_37, %scan3A_36 : i32
        %add3A_39 = vector.broadcast %mul3A_38 : i32 to vector<16xi32>
        %add3A_40 = arith.addi %select_n3A, %add3A_39 : vector<16xi32>
        %gather3A = tpu.vector_load_idx %arg7[%add3A_40] : memref<20496xf32, #tpu.memory_space<vmem>>[vector<16xi32>], vector<16xf32>,
        %mul3A_41 = arith.constant 2 : i32
        %mul3A_42 = arith.muli %mul3A_41, %scan3A_36 : i32
        %add3A_43 = vector.broadcast %mul3A_42 : i32 to vector<16xi32>
        %add3A_44 = arith.addi %shift_right_arithmetic3A_10, %add3A_43 : vector<16xi32>
        tpu.vector_store_idx %arg8[%add3A_44, %and3A_8], %gather3A : memref<4096x8xf32, #tpu.memory_space<vmem>>[vector<16xi32>, vector<16xi32>], vector<16xf32>,
      }
      %scan3A_35 = arith.constant 2048 : i32
      "tpu.region"() ({
        %run_scoped3A = tpu.sem_alloc : memref<!tpu.dma_semaphore, #tpu.memory_space<semaphore_mem>>
        %dma_start3A = arith.constant 0 : i32
        %dma_start3A_36 = tpu.memref_slice %arg6[%mul3A_29, %dma_start3A] : memref<22806528x8xf32, #tpu.memory_space<hbm>> -> memref<4096x8xf32, #tpu.memory_space<hbm>>
        %dma_start3A_37 = arith.constant 0 : i32
        %dma_start3A_38 = tpu.memref_slice %arg6[%mul3A_29, %dma_start3A_37] : memref<22806528x8xf32, #tpu.memory_space<hbm>> -> memref<4096x8xf32, #tpu.memory_space<hbm>>
        tpu.enqueue_dma source(%arg8 : memref<4096x8xf32, #tpu.memory_space<vmem>>) target(%dma_start3A_38 : memref<4096x8xf32, #tpu.memory_space<hbm>>) target_semaphore(%run_scoped3A : memref<!tpu.dma_semaphore, #tpu.memory_space<semaphore_mem>>)
        %dma_wait3A = arith.constant 0 : i32
        %dma_wait3A_39 = tpu.memref_slice %arg6[%mul3A_29, %dma_wait3A] : memref<22806528x8xf32, #tpu.memory_space<hbm>> -> memref<4096x8xf32, #tpu.memory_space<hbm>>
        %dma_wait3A_40 = arith.constant 0 : i32
        %dma_wait3A_41 = tpu.memref_slice %arg6[%mul3A_29, %dma_wait3A_40] : memref<22806528x8xf32, #tpu.memory_space<hbm>> -> memref<4096x8xf32, #tpu.memory_space<hbm>>
        tpu.wait_dma2 semaphore(%run_scoped3A : memref<!tpu.dma_semaphore, #tpu.memory_space<semaphore_mem>>) src(%arg8 : memref<4096x8xf32, #tpu.memory_space<vmem>>) dst(%dma_wait3A_41 : memref<4096x8xf32, #tpu.memory_space<hbm>>)
        tpu.yield
      }) : () -> ()
    }
    %scan3A_23 = arith.constant 174 : i32
    return
  }
}

#map = affine_map<(d0, d1) -> (0)>
#map1 = affine_map<(d0, d1) -> (0, 0)>
module attributes {stable_mosaic.version = 14 : i64} {
  func.func @_sc_body(%arg0: i32, %arg1: i32, %arg2: memref<262144xf32, #tpu.memory_space<hbm>>, %arg3: memref<262144xf32, #tpu.memory_space<hbm>>, %arg4: memref<262144xf32, #tpu.memory_space<hbm>>, %arg5: memref<22806528x8xf32, #tpu.memory_space<hbm>>, %arg6: memref<272xf32, #tpu.memory_space<hbm>>, %arg7: memref<272xi32, #tpu.memory_space<hbm>>, %arg8: memref<262144x128xf32, #tpu.memory_space<hbm>>, %arg9: memref<512xf32, #tpu.memory_space<vmem>>, %arg10: memref<512xf32, #tpu.memory_space<vmem>>, %arg11: memref<512xf32, #tpu.memory_space<vmem>>, %arg12: memref<272xf32, #tpu.memory_space<vmem>>, %arg13: memref<272xi32, #tpu.memory_space<vmem>>, %arg14: memref<32x128xi32, #tpu.memory_space<vmem>>, %arg15: memref<4096xf32, #tpu.memory_space<vmem>>, %arg16: memref<4096x8xf32, #tpu.memory_space<vmem>>, %arg17: memref<512x128xf32, #tpu.memory_space<vmem>>, %arg18: memref<!tpu.dma_semaphore, #tpu.memory_space<semaphore_mem>>) attributes {dimension_semantics = [#tpu.dimension_semantics<core_parallel>, #tpu.dimension_semantics<subcore_parallel>], iteration_bounds = array<i64: 2, 16>, scalar_prefetch = 0 : i64, scratch_operands = 10 : i64, tpu.core_type = #tpu.core_type<sc_vector_subcore>, window_params = [{transform_indices = #map}, {transform_indices = #map}, {transform_indices = #map}, {transform_indices = #map1}, {transform_indices = #map}, {transform_indices = #map}, {transform_indices = #map1}]} {
    %mul3A = arith.constant 2 : i32
    %mul3A_0 = arith.muli %arg1, %mul3A : i32
    %add3A = arith.addi %mul3A_0, %arg0 : i32
    %mul3A_1 = arith.constant 8192 : i32
    %mul3A_2 = arith.muli %add3A, %mul3A_1 : i32
    "tpu.region"() ({
      %run_scoped3A = tpu.sem_alloc : memref<!tpu.dma_semaphore, #tpu.memory_space<semaphore_mem>>
      tpu.enqueue_dma source(%arg6 : memref<272xf32, #tpu.memory_space<hbm>>) target(%arg12 : memref<272xf32, #tpu.memory_space<vmem>>) target_semaphore(%run_scoped3A : memref<!tpu.dma_semaphore, #tpu.memory_space<semaphore_mem>>)
      tpu.wait_dma2 semaphore(%run_scoped3A : memref<!tpu.dma_semaphore, #tpu.memory_space<semaphore_mem>>) src(%arg6 : memref<272xf32, #tpu.memory_space<hbm>>) dst(%arg12 : memref<272xf32, #tpu.memory_space<vmem>>)
      tpu.yield
    }) : () -> ()
    "tpu.region"() ({
      %run_scoped3A = tpu.sem_alloc : memref<!tpu.dma_semaphore, #tpu.memory_space<semaphore_mem>>
      tpu.enqueue_dma source(%arg7 : memref<272xi32, #tpu.memory_space<hbm>>) target(%arg13 : memref<272xi32, #tpu.memory_space<vmem>>) target_semaphore(%run_scoped3A : memref<!tpu.dma_semaphore, #tpu.memory_space<semaphore_mem>>)
      tpu.wait_dma2 semaphore(%run_scoped3A : memref<!tpu.dma_semaphore, #tpu.memory_space<semaphore_mem>>) src(%arg7 : memref<272xi32, #tpu.memory_space<hbm>>) dst(%arg13 : memref<272xi32, #tpu.memory_space<vmem>>)
      tpu.yield
    }) : () -> ()
    %iota3A = tpu.iota {dimensions = array<i32: 0>} : vector<16xi32>
    %broadcast_in_dim3A = arith.constant 0.000000e+00 : f32
    %broadcast_in_dim3A_3 = vector.broadcast %broadcast_in_dim3A : f32 to vector<16xf32>
    %scan3A = arith.constant 0 : i32
    %scan3A_4 = arith.constant 0 : i32
    %scan3A_5 = arith.constant 512 : i32
    %scan3A_6 = arith.addi %scan3A_4, %scan3A_5 : i32
    %scan3A_7 = arith.constant 1 : i32
    scf.for %scan3A_15 = %scan3A_4 to %scan3A_6 step %scan3A_7  : i32 {
      %swap3A = arith.index_cast %scan3A_15 : i32 to index
      %swap3A_16 = arith.constant 64 : index
      %swap3A_17 = tpu.vector_load %arg17[%swap3A, %swap3A_16] {strides = array<i32>} : memref<512x128xf32, #tpu.memory_space<vmem>>, vector<16xf32>,
      tpu.vector_store %arg17[%swap3A, %swap3A_16], %broadcast_in_dim3A_3 {strides = array<i32>} : memref<512x128xf32, #tpu.memory_space<vmem>>, vector<16xf32>,
      %swap3A_18 = arith.index_cast %scan3A_15 : i32 to index
      %swap3A_19 = arith.constant 80 : index
      %swap3A_20 = tpu.vector_load %arg17[%swap3A_18, %swap3A_19] {strides = array<i32>} : memref<512x128xf32, #tpu.memory_space<vmem>>, vector<16xf32>,
      tpu.vector_store %arg17[%swap3A_18, %swap3A_19], %broadcast_in_dim3A_3 {strides = array<i32>} : memref<512x128xf32, #tpu.memory_space<vmem>>, vector<16xf32>,
      %swap3A_21 = arith.index_cast %scan3A_15 : i32 to index
      %swap3A_22 = arith.constant 96 : index
      %swap3A_23 = tpu.vector_load %arg17[%swap3A_21, %swap3A_22] {strides = array<i32>} : memref<512x128xf32, #tpu.memory_space<vmem>>, vector<16xf32>,
      tpu.vector_store %arg17[%swap3A_21, %swap3A_22], %broadcast_in_dim3A_3 {strides = array<i32>} : memref<512x128xf32, #tpu.memory_space<vmem>>, vector<16xf32>,
      %swap3A_24 = arith.index_cast %scan3A_15 : i32 to index
      %swap3A_25 = arith.constant 112 : index
      %swap3A_26 = tpu.vector_load %arg17[%swap3A_24, %swap3A_25] {strides = array<i32>} : memref<512x128xf32, #tpu.memory_space<vmem>>, vector<16xf32>,
      tpu.vector_store %arg17[%swap3A_24, %swap3A_25], %broadcast_in_dim3A_3 {strides = array<i32>} : memref<512x128xf32, #tpu.memory_space<vmem>>, vector<16xf32>,
    }
    %scan3A_8 = arith.constant 512 : i32
    %scan3A_9 = arith.constant 0 : i32
    %scan3A_10 = arith.constant 0 : i32
    %scan3A_11 = arith.constant 16 : i32
    %scan3A_12 = arith.addi %scan3A_10, %scan3A_11 : i32
    %scan3A_13 = arith.constant 1 : i32
    scf.for %scan3A_15 = %scan3A_10 to %scan3A_12 step %scan3A_13  : i32 {
      %mul3A_16 = arith.constant 512 : i32
      %mul3A_17 = arith.muli %scan3A_15, %mul3A_16 : i32
      %add3A_18 = arith.addi %mul3A_2, %mul3A_17 : i32
      "tpu.region"() ({
        %run_scoped3A = tpu.sem_alloc : memref<!tpu.dma_semaphore, #tpu.memory_space<semaphore_mem>>
        %dma_start3A = tpu.memref_slice %arg2[%add3A_18] : memref<262144xf32, #tpu.memory_space<hbm>> -> memref<512xf32, #tpu.memory_space<hbm>>
        %dma_start3A_31 = tpu.memref_slice %arg2[%add3A_18] : memref<262144xf32, #tpu.memory_space<hbm>> -> memref<512xf32, #tpu.memory_space<hbm>>
        tpu.enqueue_dma source(%dma_start3A_31 : memref<512xf32, #tpu.memory_space<hbm>>) target(%arg9 : memref<512xf32, #tpu.memory_space<vmem>>) target_semaphore(%run_scoped3A : memref<!tpu.dma_semaphore, #tpu.memory_space<semaphore_mem>>)
        %dma_wait3A = tpu.memref_slice %arg2[%add3A_18] : memref<262144xf32, #tpu.memory_space<hbm>> -> memref<512xf32, #tpu.memory_space<hbm>>
        %dma_wait3A_32 = tpu.memref_slice %arg2[%add3A_18] : memref<262144xf32, #tpu.memory_space<hbm>> -> memref<512xf32, #tpu.memory_space<hbm>>
        tpu.wait_dma2 semaphore(%run_scoped3A : memref<!tpu.dma_semaphore, #tpu.memory_space<semaphore_mem>>) src(%dma_wait3A_32 : memref<512xf32, #tpu.memory_space<hbm>>) dst(%arg9 : memref<512xf32, #tpu.memory_space<vmem>>)
        tpu.yield
      }) : () -> ()
      "tpu.region"() ({
        %run_scoped3A = tpu.sem_alloc : memref<!tpu.dma_semaphore, #tpu.memory_space<semaphore_mem>>
        %dma_start3A = tpu.memref_slice %arg3[%add3A_18] : memref<262144xf32, #tpu.memory_space<hbm>> -> memref<512xf32, #tpu.memory_space<hbm>>
        %dma_start3A_31 = tpu.memref_slice %arg3[%add3A_18] : memref<262144xf32, #tpu.memory_space<hbm>> -> memref<512xf32, #tpu.memory_space<hbm>>
        tpu.enqueue_dma source(%dma_start3A_31 : memref<512xf32, #tpu.memory_space<hbm>>) target(%arg10 : memref<512xf32, #tpu.memory_space<vmem>>) target_semaphore(%run_scoped3A : memref<!tpu.dma_semaphore, #tpu.memory_space<semaphore_mem>>)
        %dma_wait3A = tpu.memref_slice %arg3[%add3A_18] : memref<262144xf32, #tpu.memory_space<hbm>> -> memref<512xf32, #tpu.memory_space<hbm>>
        %dma_wait3A_32 = tpu.memref_slice %arg3[%add3A_18] : memref<262144xf32, #tpu.memory_space<hbm>> -> memref<512xf32, #tpu.memory_space<hbm>>
        tpu.wait_dma2 semaphore(%run_scoped3A : memref<!tpu.dma_semaphore, #tpu.memory_space<semaphore_mem>>) src(%dma_wait3A_32 : memref<512xf32, #tpu.memory_space<hbm>>) dst(%arg10 : memref<512xf32, #tpu.memory_space<vmem>>)
        tpu.yield
      }) : () -> ()
      "tpu.region"() ({
        %run_scoped3A = tpu.sem_alloc : memref<!tpu.dma_semaphore, #tpu.memory_space<semaphore_mem>>
        %dma_start3A = tpu.memref_slice %arg4[%add3A_18] : memref<262144xf32, #tpu.memory_space<hbm>> -> memref<512xf32, #tpu.memory_space<hbm>>
        %dma_start3A_31 = tpu.memref_slice %arg4[%add3A_18] : memref<262144xf32, #tpu.memory_space<hbm>> -> memref<512xf32, #tpu.memory_space<hbm>>
        tpu.enqueue_dma source(%dma_start3A_31 : memref<512xf32, #tpu.memory_space<hbm>>) target(%arg11 : memref<512xf32, #tpu.memory_space<vmem>>) target_semaphore(%run_scoped3A : memref<!tpu.dma_semaphore, #tpu.memory_space<semaphore_mem>>)
        %dma_wait3A = tpu.memref_slice %arg4[%add3A_18] : memref<262144xf32, #tpu.memory_space<hbm>> -> memref<512xf32, #tpu.memory_space<hbm>>
        %dma_wait3A_32 = tpu.memref_slice %arg4[%add3A_18] : memref<262144xf32, #tpu.memory_space<hbm>> -> memref<512xf32, #tpu.memory_space<hbm>>
        tpu.wait_dma2 semaphore(%run_scoped3A : memref<!tpu.dma_semaphore, #tpu.memory_space<semaphore_mem>>) src(%dma_wait3A_32 : memref<512xf32, #tpu.memory_space<hbm>>) dst(%arg11 : memref<512xf32, #tpu.memory_space<vmem>>)
        tpu.yield
      }) : () -> ()
      %scan3A_19 = arith.constant 0 : i32
      %scan3A_20 = arith.constant 0 : i32
      %scan3A_21 = arith.constant 7 : i32
      %scan3A_22 = arith.addi %scan3A_20, %scan3A_21 : i32
      %scan3A_23 = arith.constant 1 : i32
      scf.for %scan3A_31 = %scan3A_20 to %scan3A_22 step %scan3A_23  : i32 {
        %mul3A_32 = arith.constant 16 : i32
        %mul3A_33 = arith.muli %scan3A_31, %mul3A_32 : i32
        %get3A = arith.index_cast %mul3A_33 : i32 to index
        %get3A_34 = tpu.vector_load %arg12[%get3A] {strides = array<i32>} : memref<272xf32, #tpu.memory_space<vmem>>, vector<16xf32>,
        %mul3A_35 = arith.constant 16 : i32
        %mul3A_36 = arith.muli %scan3A_31, %mul3A_35 : i32
        %get3A_37 = arith.index_cast %mul3A_36 : i32 to index
        %get3A_38 = tpu.vector_load %arg13[%get3A_37] {strides = array<i32>} : memref<272xi32, #tpu.memory_space<vmem>>, vector<16xi32>,
        %convert_element_type3A = arith.fptosi %get3A_34 : vector<16xf32> to vector<16xi32>
        %add3A_39 = arith.constant 1 : i32
        %add3A_40 = vector.broadcast %add3A_39 : i32 to vector<16xi32>
        %add3A_41 = arith.addi %convert_element_type3A, %add3A_40 : vector<16xi32>
        %scan3A_42 = arith.constant 0 : i32
        %scan3A_43 = arith.constant 0 : i32
        %scan3A_44 = arith.constant 32 : i32
        %scan3A_45 = arith.addi %scan3A_43, %scan3A_44 : i32
        %scan3A_46 = arith.constant 1 : i32
        scf.for %scan3A_692 = %scan3A_43 to %scan3A_45 step %scan3A_46  : i32 {
          %mul3A_693 = arith.constant 16 : i32
          %mul3A_694 = arith.muli %scan3A_692, %mul3A_693 : i32
          %get3A_695 = arith.index_cast %mul3A_694 : i32 to index
          %get3A_696 = tpu.vector_load %arg9[%get3A_695] {strides = array<i32>} : memref<512xf32, #tpu.memory_space<vmem>>, vector<16xf32>,
          %mul3A_697 = arith.mulf %get3A_696, %get3A_34 : vector<16xf32>
          %get3A_698 = arith.index_cast %mul3A_694 : i32 to index
          %get3A_699 = tpu.vector_load %arg10[%get3A_698] {strides = array<i32>} : memref<512xf32, #tpu.memory_space<vmem>>, vector<16xf32>,
          %mul3A_700 = arith.mulf %get3A_699, %get3A_34 : vector<16xf32>
          %get3A_701 = arith.index_cast %mul3A_694 : i32 to index
          %get3A_702 = tpu.vector_load %arg11[%get3A_701] {strides = array<i32>} : memref<512xf32, #tpu.memory_space<vmem>>, vector<16xf32>,
          %mul3A_703 = arith.mulf %get3A_702, %get3A_34 : vector<16xf32>
          %convert_element_type3A_704 = arith.fptosi %mul3A_697 : vector<16xf32> to vector<16xi32>
          %convert_element_type3A_705 = arith.sitofp %convert_element_type3A_704 : vector<16xi32> to vector<16xf32>
          %lt3A = arith.cmpf olt, %mul3A_697, %convert_element_type3A_705 : vector<16xf32>
          %jit3A = arith.constant 1 : i32
          %jit3A_706 = arith.constant 0 : i32
          %broadcast_in_dim3A_707 = vector.broadcast %jit3A : i32 to vector<16xi32>
          %broadcast_in_dim3A_708 = vector.broadcast %jit3A_706 : i32 to vector<16xi32>
          %select_n3A = arith.select %lt3A, %broadcast_in_dim3A_707, %broadcast_in_dim3A_708 : vector<16xi1>, vector<16xi32>
          %sub3A = arith.subi %convert_element_type3A_704, %select_n3A : vector<16xi32>
          %convert_element_type3A_709 = arith.sitofp %sub3A : vector<16xi32> to vector<16xf32>
          %sub3A_710 = arith.subf %mul3A_697, %convert_element_type3A_709 : vector<16xf32>
          %convert_element_type3A_711 = arith.fptosi %mul3A_700 : vector<16xf32> to vector<16xi32>
          %convert_element_type3A_712 = arith.sitofp %convert_element_type3A_711 : vector<16xi32> to vector<16xf32>
          %lt3A_713 = arith.cmpf olt, %mul3A_700, %convert_element_type3A_712 : vector<16xf32>
          %jit3A_714 = arith.constant 1 : i32
          %jit3A_715 = arith.constant 0 : i32
          %broadcast_in_dim3A_716 = vector.broadcast %jit3A_714 : i32 to vector<16xi32>
          %broadcast_in_dim3A_717 = vector.broadcast %jit3A_715 : i32 to vector<16xi32>
          %select_n3A_718 = arith.select %lt3A_713, %broadcast_in_dim3A_716, %broadcast_in_dim3A_717 : vector<16xi1>, vector<16xi32>
          %sub3A_719 = arith.subi %convert_element_type3A_711, %select_n3A_718 : vector<16xi32>
          %convert_element_type3A_720 = arith.sitofp %sub3A_719 : vector<16xi32> to vector<16xf32>
          %sub3A_721 = arith.subf %mul3A_700, %convert_element_type3A_720 : vector<16xf32>
          %convert_element_type3A_722 = arith.fptosi %mul3A_703 : vector<16xf32> to vector<16xi32>
          %convert_element_type3A_723 = arith.sitofp %convert_element_type3A_722 : vector<16xi32> to vector<16xf32>
          %lt3A_724 = arith.cmpf olt, %mul3A_703, %convert_element_type3A_723 : vector<16xf32>
          %jit3A_725 = arith.constant 1 : i32
          %jit3A_726 = arith.constant 0 : i32
          %broadcast_in_dim3A_727 = vector.broadcast %jit3A_725 : i32 to vector<16xi32>
          %broadcast_in_dim3A_728 = vector.broadcast %jit3A_726 : i32 to vector<16xi32>
          %select_n3A_729 = arith.select %lt3A_724, %broadcast_in_dim3A_727, %broadcast_in_dim3A_728 : vector<16xi1>, vector<16xi32>
          %sub3A_730 = arith.subi %convert_element_type3A_722, %select_n3A_729 : vector<16xi32>
          %convert_element_type3A_731 = arith.sitofp %sub3A_730 : vector<16xi32> to vector<16xf32>
          %sub3A_732 = arith.subf %mul3A_703, %convert_element_type3A_731 : vector<16xf32>
          %sub3A_733 = arith.constant 1.000000e+00 : f32
          %sub3A_734 = vector.broadcast %sub3A_733 : f32 to vector<16xf32>
          %sub3A_735 = arith.subf %sub3A_734, %sub3A_710 : vector<16xf32>
          %sub3A_736 = arith.constant 1.000000e+00 : f32
          %sub3A_737 = vector.broadcast %sub3A_736 : f32 to vector<16xf32>
          %sub3A_738 = arith.subf %sub3A_737, %sub3A_721 : vector<16xf32>
          %sub3A_739 = arith.constant 1.000000e+00 : f32
          %sub3A_740 = vector.broadcast %sub3A_739 : f32 to vector<16xf32>
          %sub3A_741 = arith.subf %sub3A_740, %sub3A_732 : vector<16xf32>
          %add3A_742 = arith.constant 0 : i32
          %add3A_743 = vector.broadcast %add3A_742 : i32 to vector<16xi32>
          %add3A_744 = arith.addi %sub3A, %add3A_743 : vector<16xi32>
          %add3A_745 = arith.constant 0 : i32
          %add3A_746 = vector.broadcast %add3A_745 : i32 to vector<16xi32>
          %add3A_747 = arith.addi %sub3A_719, %add3A_746 : vector<16xi32>
          %add3A_748 = arith.constant 0 : i32
          %add3A_749 = vector.broadcast %add3A_748 : i32 to vector<16xi32>
          %add3A_750 = arith.addi %sub3A_730, %add3A_749 : vector<16xi32>
          %max3A = arith.constant 0 : i32
          %max3A_751 = vector.broadcast %max3A : i32 to vector<16xi32>
          %max3A_752 = arith.maxsi %add3A_744, %max3A_751 : vector<16xi32>
          %min3A = arith.minsi %max3A_752, %convert_element_type3A : vector<16xi32>
          %max3A_753 = arith.constant 0 : i32
          %max3A_754 = vector.broadcast %max3A_753 : i32 to vector<16xi32>
          %max3A_755 = arith.maxsi %add3A_747, %max3A_754 : vector<16xi32>
          %min3A_756 = arith.minsi %max3A_755, %convert_element_type3A : vector<16xi32>
          %max3A_757 = arith.constant 0 : i32
          %max3A_758 = vector.broadcast %max3A_757 : i32 to vector<16xi32>
          %max3A_759 = arith.maxsi %add3A_750, %max3A_758 : vector<16xi32>
          %min3A_760 = arith.minsi %max3A_759, %convert_element_type3A : vector<16xi32>
          %mul3A_761 = arith.muli %add3A_41, %min3A_760 : vector<16xi32>
          %add3A_762 = arith.addi %min3A_756, %mul3A_761 : vector<16xi32>
          %mul3A_763 = arith.muli %add3A_41, %add3A_762 : vector<16xi32>
          %add3A_764 = arith.addi %min3A, %mul3A_763 : vector<16xi32>
          %add3A_765 = arith.addi %add3A_764, %get3A_38 : vector<16xi32>
          %mul3A_766 = arith.mulf %sub3A_735, %sub3A_738 : vector<16xf32>
          %mul3A_767 = arith.mulf %mul3A_766, %sub3A_741 : vector<16xf32>
          %add3A_768 = arith.constant 0 : i32
          %add3A_769 = arith.addi %add3A_768, %mul3A_694 : i32
          %jit3A_770 = arith.constant 128 : i32
          %div3A = arith.divsi %add3A_769, %jit3A_770 : i32
          %sign3A = arith.constant 0 : i32
          %sign3A_771 = arith.cmpi sgt, %add3A_769, %sign3A : i32
          %sign3A_772 = arith.extui %sign3A_771 : i1 to i32
          %sign3A_773 = arith.constant 0 : i32
          %sign3A_774 = arith.cmpi slt, %add3A_769, %sign3A_773 : i32
          %sign3A_775 = arith.extui %sign3A_774 : i1 to i32
          %sign3A_776 = arith.subi %sign3A_772, %sign3A_775 : i32
          %sign3A_777 = arith.constant 0 : i32
          %sign3A_778 = arith.cmpi sgt, %jit3A_770, %sign3A_777 : i32
          %sign3A_779 = arith.extui %sign3A_778 : i1 to i32
          %sign3A_780 = arith.constant 0 : i32
          %sign3A_781 = arith.cmpi slt, %jit3A_770, %sign3A_780 : i32
          %sign3A_782 = arith.extui %sign3A_781 : i1 to i32
          %sign3A_783 = arith.subi %sign3A_779, %sign3A_782 : i32
          %ne3A = arith.cmpi ne, %sign3A_776, %sign3A_783 : i32
          %rem3A = arith.remsi %add3A_769, %jit3A_770 : i32
          %ne3A_784 = arith.constant 0 : i32
          %ne3A_785 = arith.cmpi ne, %rem3A, %ne3A_784 : i32
          %and3A = arith.andi %ne3A, %ne3A_785 : i1
          %sub3A_786 = arith.constant 1 : i32
          %sub3A_787 = arith.subi %div3A, %sub3A_786 : i32
          %select_n3A_788 = arith.select %and3A, %sub3A_787, %div3A : i32
          %jit3A_789 = arith.constant 128 : i32
          %eq3A = arith.constant 0 : i32
          %eq3A_790 = arith.cmpi eq, %jit3A_789, %eq3A : i32
          %jit3A_791 = arith.constant 1 : i32
          %select_n3A_792 = arith.select %eq3A_790, %jit3A_791, %jit3A_789 : i32
          %rem3A_793 = arith.remsi %add3A_769, %select_n3A_792 : i32
          %ne3A_794 = arith.constant 0 : i32
          %ne3A_795 = arith.cmpi ne, %rem3A_793, %ne3A_794 : i32
          %lt3A_796 = arith.constant 0 : i32
          %lt3A_797 = arith.cmpi slt, %rem3A_793, %lt3A_796 : i32
          %lt3A_798 = arith.constant 0 : i32
          %lt3A_799 = arith.cmpi slt, %select_n3A_792, %lt3A_798 : i32
          %ne3A_800 = arith.xori %lt3A_797, %lt3A_799 : i1
          %and3A_801 = arith.andi %ne3A_800, %ne3A_795 : i1
          %add3A_802 = arith.addi %rem3A_793, %select_n3A_792 : i32
          %select_n3A_803 = arith.select %and3A_801, %add3A_802, %rem3A_793 : i32
          %swap3A = arith.index_cast %select_n3A_788 : i32 to index
          %swap3A_804 = arith.index_cast %select_n3A_803 : i32 to index
          %swap3A_805 = tpu.vector_load %arg14[%swap3A, %swap3A_804] {strides = array<i32>} : memref<32x128xi32, #tpu.memory_space<vmem>>, vector<16xi32>,
          tpu.vector_store %arg14[%swap3A, %swap3A_804], %add3A_765 {strides = array<i32>} : memref<32x128xi32, #tpu.memory_space<vmem>>, vector<16xi32>,
          %swap3A_806 = arith.index_cast %add3A_769 : i32 to index
          %swap3A_807 = tpu.vector_load %arg15[%swap3A_806] {strides = array<i32>} : memref<4096xf32, #tpu.memory_space<vmem>>, vector<16xf32>,
          tpu.vector_store %arg15[%swap3A_806], %mul3A_767 {strides = array<i32>} : memref<4096xf32, #tpu.memory_space<vmem>>, vector<16xf32>,
          %add3A_808 = arith.constant 1 : i32
          %add3A_809 = vector.broadcast %add3A_808 : i32 to vector<16xi32>
          %add3A_810 = arith.addi %sub3A, %add3A_809 : vector<16xi32>
          %add3A_811 = arith.constant 0 : i32
          %add3A_812 = vector.broadcast %add3A_811 : i32 to vector<16xi32>
          %add3A_813 = arith.addi %sub3A_719, %add3A_812 : vector<16xi32>
          %add3A_814 = arith.constant 0 : i32
          %add3A_815 = vector.broadcast %add3A_814 : i32 to vector<16xi32>
          %add3A_816 = arith.addi %sub3A_730, %add3A_815 : vector<16xi32>
          %max3A_817 = arith.constant 0 : i32
          %max3A_818 = vector.broadcast %max3A_817 : i32 to vector<16xi32>
          %max3A_819 = arith.maxsi %add3A_810, %max3A_818 : vector<16xi32>
          %min3A_820 = arith.minsi %max3A_819, %convert_element_type3A : vector<16xi32>
          %max3A_821 = arith.constant 0 : i32
          %max3A_822 = vector.broadcast %max3A_821 : i32 to vector<16xi32>
          %max3A_823 = arith.maxsi %add3A_813, %max3A_822 : vector<16xi32>
          %min3A_824 = arith.minsi %max3A_823, %convert_element_type3A : vector<16xi32>
          %max3A_825 = arith.constant 0 : i32
          %max3A_826 = vector.broadcast %max3A_825 : i32 to vector<16xi32>
          %max3A_827 = arith.maxsi %add3A_816, %max3A_826 : vector<16xi32>
          %min3A_828 = arith.minsi %max3A_827, %convert_element_type3A : vector<16xi32>
          %mul3A_829 = arith.muli %add3A_41, %min3A_828 : vector<16xi32>
          %add3A_830 = arith.addi %min3A_824, %mul3A_829 : vector<16xi32>
          %mul3A_831 = arith.muli %add3A_41, %add3A_830 : vector<16xi32>
          %add3A_832 = arith.addi %min3A_820, %mul3A_831 : vector<16xi32>
          %add3A_833 = arith.addi %add3A_832, %get3A_38 : vector<16xi32>
          %mul3A_834 = arith.mulf %sub3A_710, %sub3A_738 : vector<16xf32>
          %mul3A_835 = arith.mulf %mul3A_834, %sub3A_741 : vector<16xf32>
          %add3A_836 = arith.constant 512 : i32
          %add3A_837 = arith.addi %add3A_836, %mul3A_694 : i32
          %jit3A_838 = arith.constant 128 : i32
          %div3A_839 = arith.divsi %add3A_837, %jit3A_838 : i32
          %sign3A_840 = arith.constant 0 : i32
          %sign3A_841 = arith.cmpi sgt, %add3A_837, %sign3A_840 : i32
          %sign3A_842 = arith.extui %sign3A_841 : i1 to i32
          %sign3A_843 = arith.constant 0 : i32
          %sign3A_844 = arith.cmpi slt, %add3A_837, %sign3A_843 : i32
          %sign3A_845 = arith.extui %sign3A_844 : i1 to i32
          %sign3A_846 = arith.subi %sign3A_842, %sign3A_845 : i32
          %sign3A_847 = arith.constant 0 : i32
          %sign3A_848 = arith.cmpi sgt, %jit3A_838, %sign3A_847 : i32
          %sign3A_849 = arith.extui %sign3A_848 : i1 to i32
          %sign3A_850 = arith.constant 0 : i32
          %sign3A_851 = arith.cmpi slt, %jit3A_838, %sign3A_850 : i32
          %sign3A_852 = arith.extui %sign3A_851 : i1 to i32
          %sign3A_853 = arith.subi %sign3A_849, %sign3A_852 : i32
          %ne3A_854 = arith.cmpi ne, %sign3A_846, %sign3A_853 : i32
          %rem3A_855 = arith.remsi %add3A_837, %jit3A_838 : i32
          %ne3A_856 = arith.constant 0 : i32
          %ne3A_857 = arith.cmpi ne, %rem3A_855, %ne3A_856 : i32
          %and3A_858 = arith.andi %ne3A_854, %ne3A_857 : i1
          %sub3A_859 = arith.constant 1 : i32
          %sub3A_860 = arith.subi %div3A_839, %sub3A_859 : i32
          %select_n3A_861 = arith.select %and3A_858, %sub3A_860, %div3A_839 : i32
          %jit3A_862 = arith.constant 128 : i32
          %eq3A_863 = arith.constant 0 : i32
          %eq3A_864 = arith.cmpi eq, %jit3A_862, %eq3A_863 : i32
          %jit3A_865 = arith.constant 1 : i32
          %select_n3A_866 = arith.select %eq3A_864, %jit3A_865, %jit3A_862 : i32
          %rem3A_867 = arith.remsi %add3A_837, %select_n3A_866 : i32
          %ne3A_868 = arith.constant 0 : i32
          %ne3A_869 = arith.cmpi ne, %rem3A_867, %ne3A_868 : i32
          %lt3A_870 = arith.constant 0 : i32
          %lt3A_871 = arith.cmpi slt, %rem3A_867, %lt3A_870 : i32
          %lt3A_872 = arith.constant 0 : i32
          %lt3A_873 = arith.cmpi slt, %select_n3A_866, %lt3A_872 : i32
          %ne3A_874 = arith.xori %lt3A_871, %lt3A_873 : i1
          %and3A_875 = arith.andi %ne3A_874, %ne3A_869 : i1
          %add3A_876 = arith.addi %rem3A_867, %select_n3A_866 : i32
          %select_n3A_877 = arith.select %and3A_875, %add3A_876, %rem3A_867 : i32
          %swap3A_878 = arith.index_cast %select_n3A_861 : i32 to index
          %swap3A_879 = arith.index_cast %select_n3A_877 : i32 to index
          %swap3A_880 = tpu.vector_load %arg14[%swap3A_878, %swap3A_879] {strides = array<i32>} : memref<32x128xi32, #tpu.memory_space<vmem>>, vector<16xi32>,
          tpu.vector_store %arg14[%swap3A_878, %swap3A_879], %add3A_833 {strides = array<i32>} : memref<32x128xi32, #tpu.memory_space<vmem>>, vector<16xi32>,
          %swap3A_881 = arith.index_cast %add3A_837 : i32 to index
          %swap3A_882 = tpu.vector_load %arg15[%swap3A_881] {strides = array<i32>} : memref<4096xf32, #tpu.memory_space<vmem>>, vector<16xf32>,
          tpu.vector_store %arg15[%swap3A_881], %mul3A_835 {strides = array<i32>} : memref<4096xf32, #tpu.memory_space<vmem>>, vector<16xf32>,
          %add3A_883 = arith.constant 0 : i32
          %add3A_884 = vector.broadcast %add3A_883 : i32 to vector<16xi32>
          %add3A_885 = arith.addi %sub3A, %add3A_884 : vector<16xi32>
          %add3A_886 = arith.constant 1 : i32
          %add3A_887 = vector.broadcast %add3A_886 : i32 to vector<16xi32>
          %add3A_888 = arith.addi %sub3A_719, %add3A_887 : vector<16xi32>
          %add3A_889 = arith.constant 0 : i32
          %add3A_890 = vector.broadcast %add3A_889 : i32 to vector<16xi32>
          %add3A_891 = arith.addi %sub3A_730, %add3A_890 : vector<16xi32>
          %max3A_892 = arith.constant 0 : i32
          %max3A_893 = vector.broadcast %max3A_892 : i32 to vector<16xi32>
          %max3A_894 = arith.maxsi %add3A_885, %max3A_893 : vector<16xi32>
          %min3A_895 = arith.minsi %max3A_894, %convert_element_type3A : vector<16xi32>
          %max3A_896 = arith.constant 0 : i32
          %max3A_897 = vector.broadcast %max3A_896 : i32 to vector<16xi32>
          %max3A_898 = arith.maxsi %add3A_888, %max3A_897 : vector<16xi32>
          %min3A_899 = arith.minsi %max3A_898, %convert_element_type3A : vector<16xi32>
          %max3A_900 = arith.constant 0 : i32
          %max3A_901 = vector.broadcast %max3A_900 : i32 to vector<16xi32>
          %max3A_902 = arith.maxsi %add3A_891, %max3A_901 : vector<16xi32>
          %min3A_903 = arith.minsi %max3A_902, %convert_element_type3A : vector<16xi32>
          %mul3A_904 = arith.muli %add3A_41, %min3A_903 : vector<16xi32>
          %add3A_905 = arith.addi %min3A_899, %mul3A_904 : vector<16xi32>
          %mul3A_906 = arith.muli %add3A_41, %add3A_905 : vector<16xi32>
          %add3A_907 = arith.addi %min3A_895, %mul3A_906 : vector<16xi32>
          %add3A_908 = arith.addi %add3A_907, %get3A_38 : vector<16xi32>
          %mul3A_909 = arith.mulf %sub3A_735, %sub3A_721 : vector<16xf32>
          %mul3A_910 = arith.mulf %mul3A_909, %sub3A_741 : vector<16xf32>
          %add3A_911 = arith.constant 1024 : i32
          %add3A_912 = arith.addi %add3A_911, %mul3A_694 : i32
          %jit3A_913 = arith.constant 128 : i32
          %div3A_914 = arith.divsi %add3A_912, %jit3A_913 : i32
          %sign3A_915 = arith.constant 0 : i32
          %sign3A_916 = arith.cmpi sgt, %add3A_912, %sign3A_915 : i32
          %sign3A_917 = arith.extui %sign3A_916 : i1 to i32
          %sign3A_918 = arith.constant 0 : i32
          %sign3A_919 = arith.cmpi slt, %add3A_912, %sign3A_918 : i32
          %sign3A_920 = arith.extui %sign3A_919 : i1 to i32
          %sign3A_921 = arith.subi %sign3A_917, %sign3A_920 : i32
          %sign3A_922 = arith.constant 0 : i32
          %sign3A_923 = arith.cmpi sgt, %jit3A_913, %sign3A_922 : i32
          %sign3A_924 = arith.extui %sign3A_923 : i1 to i32
          %sign3A_925 = arith.constant 0 : i32
          %sign3A_926 = arith.cmpi slt, %jit3A_913, %sign3A_925 : i32
          %sign3A_927 = arith.extui %sign3A_926 : i1 to i32
          %sign3A_928 = arith.subi %sign3A_924, %sign3A_927 : i32
          %ne3A_929 = arith.cmpi ne, %sign3A_921, %sign3A_928 : i32
          %rem3A_930 = arith.remsi %add3A_912, %jit3A_913 : i32
          %ne3A_931 = arith.constant 0 : i32
          %ne3A_932 = arith.cmpi ne, %rem3A_930, %ne3A_931 : i32
          %and3A_933 = arith.andi %ne3A_929, %ne3A_932 : i1
          %sub3A_934 = arith.constant 1 : i32
          %sub3A_935 = arith.subi %div3A_914, %sub3A_934 : i32
          %select_n3A_936 = arith.select %and3A_933, %sub3A_935, %div3A_914 : i32
          %jit3A_937 = arith.constant 128 : i32
          %eq3A_938 = arith.constant 0 : i32
          %eq3A_939 = arith.cmpi eq, %jit3A_937, %eq3A_938 : i32
          %jit3A_940 = arith.constant 1 : i32
          %select_n3A_941 = arith.select %eq3A_939, %jit3A_940, %jit3A_937 : i32
          %rem3A_942 = arith.remsi %add3A_912, %select_n3A_941 : i32
          %ne3A_943 = arith.constant 0 : i32
          %ne3A_944 = arith.cmpi ne, %rem3A_942, %ne3A_943 : i32
          %lt3A_945 = arith.constant 0 : i32
          %lt3A_946 = arith.cmpi slt, %rem3A_942, %lt3A_945 : i32
          %lt3A_947 = arith.constant 0 : i32
          %lt3A_948 = arith.cmpi slt, %select_n3A_941, %lt3A_947 : i32
          %ne3A_949 = arith.xori %lt3A_946, %lt3A_948 : i1
          %and3A_950 = arith.andi %ne3A_949, %ne3A_944 : i1
          %add3A_951 = arith.addi %rem3A_942, %select_n3A_941 : i32
          %select_n3A_952 = arith.select %and3A_950, %add3A_951, %rem3A_942 : i32
          %swap3A_953 = arith.index_cast %select_n3A_936 : i32 to index
          %swap3A_954 = arith.index_cast %select_n3A_952 : i32 to index
          %swap3A_955 = tpu.vector_load %arg14[%swap3A_953, %swap3A_954] {strides = array<i32>} : memref<32x128xi32, #tpu.memory_space<vmem>>, vector<16xi32>,
          tpu.vector_store %arg14[%swap3A_953, %swap3A_954], %add3A_908 {strides = array<i32>} : memref<32x128xi32, #tpu.memory_space<vmem>>, vector<16xi32>,
          %swap3A_956 = arith.index_cast %add3A_912 : i32 to index
          %swap3A_957 = tpu.vector_load %arg15[%swap3A_956] {strides = array<i32>} : memref<4096xf32, #tpu.memory_space<vmem>>, vector<16xf32>,
          tpu.vector_store %arg15[%swap3A_956], %mul3A_910 {strides = array<i32>} : memref<4096xf32, #tpu.memory_space<vmem>>, vector<16xf32>,
          %add3A_958 = arith.constant 1 : i32
          %add3A_959 = vector.broadcast %add3A_958 : i32 to vector<16xi32>
          %add3A_960 = arith.addi %sub3A, %add3A_959 : vector<16xi32>
          %add3A_961 = arith.constant 1 : i32
          %add3A_962 = vector.broadcast %add3A_961 : i32 to vector<16xi32>
          %add3A_963 = arith.addi %sub3A_719, %add3A_962 : vector<16xi32>
          %add3A_964 = arith.constant 0 : i32
          %add3A_965 = vector.broadcast %add3A_964 : i32 to vector<16xi32>
          %add3A_966 = arith.addi %sub3A_730, %add3A_965 : vector<16xi32>
          %max3A_967 = arith.constant 0 : i32
          %max3A_968 = vector.broadcast %max3A_967 : i32 to vector<16xi32>
          %max3A_969 = arith.maxsi %add3A_960, %max3A_968 : vector<16xi32>
          %min3A_970 = arith.minsi %max3A_969, %convert_element_type3A : vector<16xi32>
          %max3A_971 = arith.constant 0 : i32
          %max3A_972 = vector.broadcast %max3A_971 : i32 to vector<16xi32>
          %max3A_973 = arith.maxsi %add3A_963, %max3A_972 : vector<16xi32>
          %min3A_974 = arith.minsi %max3A_973, %convert_element_type3A : vector<16xi32>
          %max3A_975 = arith.constant 0 : i32
          %max3A_976 = vector.broadcast %max3A_975 : i32 to vector<16xi32>
          %max3A_977 = arith.maxsi %add3A_966, %max3A_976 : vector<16xi32>
          %min3A_978 = arith.minsi %max3A_977, %convert_element_type3A : vector<16xi32>
          %mul3A_979 = arith.muli %add3A_41, %min3A_978 : vector<16xi32>
          %add3A_980 = arith.addi %min3A_974, %mul3A_979 : vector<16xi32>
          %mul3A_981 = arith.muli %add3A_41, %add3A_980 : vector<16xi32>
          %add3A_982 = arith.addi %min3A_970, %mul3A_981 : vector<16xi32>
          %add3A_983 = arith.addi %add3A_982, %get3A_38 : vector<16xi32>
          %mul3A_984 = arith.mulf %sub3A_710, %sub3A_721 : vector<16xf32>
          %mul3A_985 = arith.mulf %mul3A_984, %sub3A_741 : vector<16xf32>
          %add3A_986 = arith.constant 1536 : i32
          %add3A_987 = arith.addi %add3A_986, %mul3A_694 : i32
          %jit3A_988 = arith.constant 128 : i32
          %div3A_989 = arith.divsi %add3A_987, %jit3A_988 : i32
          %sign3A_990 = arith.constant 0 : i32
          %sign3A_991 = arith.cmpi sgt, %add3A_987, %sign3A_990 : i32
          %sign3A_992 = arith.extui %sign3A_991 : i1 to i32
          %sign3A_993 = arith.constant 0 : i32
          %sign3A_994 = arith.cmpi slt, %add3A_987, %sign3A_993 : i32
          %sign3A_995 = arith.extui %sign3A_994 : i1 to i32
          %sign3A_996 = arith.subi %sign3A_992, %sign3A_995 : i32
          %sign3A_997 = arith.constant 0 : i32
          %sign3A_998 = arith.cmpi sgt, %jit3A_988, %sign3A_997 : i32
          %sign3A_999 = arith.extui %sign3A_998 : i1 to i32
          %sign3A_1000 = arith.constant 0 : i32
          %sign3A_1001 = arith.cmpi slt, %jit3A_988, %sign3A_1000 : i32
          %sign3A_1002 = arith.extui %sign3A_1001 : i1 to i32
          %sign3A_1003 = arith.subi %sign3A_999, %sign3A_1002 : i32
          %ne3A_1004 = arith.cmpi ne, %sign3A_996, %sign3A_1003 : i32
          %rem3A_1005 = arith.remsi %add3A_987, %jit3A_988 : i32
          %ne3A_1006 = arith.constant 0 : i32
          %ne3A_1007 = arith.cmpi ne, %rem3A_1005, %ne3A_1006 : i32
          %and3A_1008 = arith.andi %ne3A_1004, %ne3A_1007 : i1
          %sub3A_1009 = arith.constant 1 : i32
          %sub3A_1010 = arith.subi %div3A_989, %sub3A_1009 : i32
          %select_n3A_1011 = arith.select %and3A_1008, %sub3A_1010, %div3A_989 : i32
          %jit3A_1012 = arith.constant 128 : i32
          %eq3A_1013 = arith.constant 0 : i32
          %eq3A_1014 = arith.cmpi eq, %jit3A_1012, %eq3A_1013 : i32
          %jit3A_1015 = arith.constant 1 : i32
          %select_n3A_1016 = arith.select %eq3A_1014, %jit3A_1015, %jit3A_1012 : i32
          %rem3A_1017 = arith.remsi %add3A_987, %select_n3A_1016 : i32
          %ne3A_1018 = arith.constant 0 : i32
          %ne3A_1019 = arith.cmpi ne, %rem3A_1017, %ne3A_1018 : i32
          %lt3A_1020 = arith.constant 0 : i32
          %lt3A_1021 = arith.cmpi slt, %rem3A_1017, %lt3A_1020 : i32
          %lt3A_1022 = arith.constant 0 : i32
          %lt3A_1023 = arith.cmpi slt, %select_n3A_1016, %lt3A_1022 : i32
          %ne3A_1024 = arith.xori %lt3A_1021, %lt3A_1023 : i1
          %and3A_1025 = arith.andi %ne3A_1024, %ne3A_1019 : i1
          %add3A_1026 = arith.addi %rem3A_1017, %select_n3A_1016 : i32
          %select_n3A_1027 = arith.select %and3A_1025, %add3A_1026, %rem3A_1017 : i32
          %swap3A_1028 = arith.index_cast %select_n3A_1011 : i32 to index
          %swap3A_1029 = arith.index_cast %select_n3A_1027 : i32 to index
          %swap3A_1030 = tpu.vector_load %arg14[%swap3A_1028, %swap3A_1029] {strides = array<i32>} : memref<32x128xi32, #tpu.memory_space<vmem>>, vector<16xi32>,
          tpu.vector_store %arg14[%swap3A_1028, %swap3A_1029], %add3A_983 {strides = array<i32>} : memref<32x128xi32, #tpu.memory_space<vmem>>, vector<16xi32>,
          %swap3A_1031 = arith.index_cast %add3A_987 : i32 to index
          %swap3A_1032 = tpu.vector_load %arg15[%swap3A_1031] {strides = array<i32>} : memref<4096xf32, #tpu.memory_space<vmem>>, vector<16xf32>,
          tpu.vector_store %arg15[%swap3A_1031], %mul3A_985 {strides = array<i32>} : memref<4096xf32, #tpu.memory_space<vmem>>, vector<16xf32>,
          %add3A_1033 = arith.constant 0 : i32
          %add3A_1034 = vector.broadcast %add3A_1033 : i32 to vector<16xi32>
          %add3A_1035 = arith.addi %sub3A, %add3A_1034 : vector<16xi32>
          %add3A_1036 = arith.constant 0 : i32
          %add3A_1037 = vector.broadcast %add3A_1036 : i32 to vector<16xi32>
          %add3A_1038 = arith.addi %sub3A_719, %add3A_1037 : vector<16xi32>
          %add3A_1039 = arith.constant 1 : i32
          %add3A_1040 = vector.broadcast %add3A_1039 : i32 to vector<16xi32>
          %add3A_1041 = arith.addi %sub3A_730, %add3A_1040 : vector<16xi32>
          %max3A_1042 = arith.constant 0 : i32
          %max3A_1043 = vector.broadcast %max3A_1042 : i32 to vector<16xi32>
          %max3A_1044 = arith.maxsi %add3A_1035, %max3A_1043 : vector<16xi32>
          %min3A_1045 = arith.minsi %max3A_1044, %convert_element_type3A : vector<16xi32>
          %max3A_1046 = arith.constant 0 : i32
          %max3A_1047 = vector.broadcast %max3A_1046 : i32 to vector<16xi32>
          %max3A_1048 = arith.maxsi %add3A_1038, %max3A_1047 : vector<16xi32>
          %min3A_1049 = arith.minsi %max3A_1048, %convert_element_type3A : vector<16xi32>
          %max3A_1050 = arith.constant 0 : i32
          %max3A_1051 = vector.broadcast %max3A_1050 : i32 to vector<16xi32>
          %max3A_1052 = arith.maxsi %add3A_1041, %max3A_1051 : vector<16xi32>
          %min3A_1053 = arith.minsi %max3A_1052, %convert_element_type3A : vector<16xi32>
          %mul3A_1054 = arith.muli %add3A_41, %min3A_1053 : vector<16xi32>
          %add3A_1055 = arith.addi %min3A_1049, %mul3A_1054 : vector<16xi32>
          %mul3A_1056 = arith.muli %add3A_41, %add3A_1055 : vector<16xi32>
          %add3A_1057 = arith.addi %min3A_1045, %mul3A_1056 : vector<16xi32>
          %add3A_1058 = arith.addi %add3A_1057, %get3A_38 : vector<16xi32>
          %mul3A_1059 = arith.mulf %sub3A_735, %sub3A_738 : vector<16xf32>
          %mul3A_1060 = arith.mulf %mul3A_1059, %sub3A_732 : vector<16xf32>
          %add3A_1061 = arith.constant 2048 : i32
          %add3A_1062 = arith.addi %add3A_1061, %mul3A_694 : i32
          %jit3A_1063 = arith.constant 128 : i32
          %div3A_1064 = arith.divsi %add3A_1062, %jit3A_1063 : i32
          %sign3A_1065 = arith.constant 0 : i32
          %sign3A_1066 = arith.cmpi sgt, %add3A_1062, %sign3A_1065 : i32
          %sign3A_1067 = arith.extui %sign3A_1066 : i1 to i32
          %sign3A_1068 = arith.constant 0 : i32
          %sign3A_1069 = arith.cmpi slt, %add3A_1062, %sign3A_1068 : i32
          %sign3A_1070 = arith.extui %sign3A_1069 : i1 to i32
          %sign3A_1071 = arith.subi %sign3A_1067, %sign3A_1070 : i32
          %sign3A_1072 = arith.constant 0 : i32
          %sign3A_1073 = arith.cmpi sgt, %jit3A_1063, %sign3A_1072 : i32
          %sign3A_1074 = arith.extui %sign3A_1073 : i1 to i32
          %sign3A_1075 = arith.constant 0 : i32
          %sign3A_1076 = arith.cmpi slt, %jit3A_1063, %sign3A_1075 : i32
          %sign3A_1077 = arith.extui %sign3A_1076 : i1 to i32
          %sign3A_1078 = arith.subi %sign3A_1074, %sign3A_1077 : i32
          %ne3A_1079 = arith.cmpi ne, %sign3A_1071, %sign3A_1078 : i32
          %rem3A_1080 = arith.remsi %add3A_1062, %jit3A_1063 : i32
          %ne3A_1081 = arith.constant 0 : i32
          %ne3A_1082 = arith.cmpi ne, %rem3A_1080, %ne3A_1081 : i32
          %and3A_1083 = arith.andi %ne3A_1079, %ne3A_1082 : i1
          %sub3A_1084 = arith.constant 1 : i32
          %sub3A_1085 = arith.subi %div3A_1064, %sub3A_1084 : i32
          %select_n3A_1086 = arith.select %and3A_1083, %sub3A_1085, %div3A_1064 : i32
          %jit3A_1087 = arith.constant 128 : i32
          %eq3A_1088 = arith.constant 0 : i32
          %eq3A_1089 = arith.cmpi eq, %jit3A_1087, %eq3A_1088 : i32
          %jit3A_1090 = arith.constant 1 : i32
          %select_n3A_1091 = arith.select %eq3A_1089, %jit3A_1090, %jit3A_1087 : i32
          %rem3A_1092 = arith.remsi %add3A_1062, %select_n3A_1091 : i32
          %ne3A_1093 = arith.constant 0 : i32
          %ne3A_1094 = arith.cmpi ne, %rem3A_1092, %ne3A_1093 : i32
          %lt3A_1095 = arith.constant 0 : i32
          %lt3A_1096 = arith.cmpi slt, %rem3A_1092, %lt3A_1095 : i32
          %lt3A_1097 = arith.constant 0 : i32
          %lt3A_1098 = arith.cmpi slt, %select_n3A_1091, %lt3A_1097 : i32
          %ne3A_1099 = arith.xori %lt3A_1096, %lt3A_1098 : i1
          %and3A_1100 = arith.andi %ne3A_1099, %ne3A_1094 : i1
          %add3A_1101 = arith.addi %rem3A_1092, %select_n3A_1091 : i32
          %select_n3A_1102 = arith.select %and3A_1100, %add3A_1101, %rem3A_1092 : i32
          %swap3A_1103 = arith.index_cast %select_n3A_1086 : i32 to index
          %swap3A_1104 = arith.index_cast %select_n3A_1102 : i32 to index
          %swap3A_1105 = tpu.vector_load %arg14[%swap3A_1103, %swap3A_1104] {strides = array<i32>} : memref<32x128xi32, #tpu.memory_space<vmem>>, vector<16xi32>,
          tpu.vector_store %arg14[%swap3A_1103, %swap3A_1104], %add3A_1058 {strides = array<i32>} : memref<32x128xi32, #tpu.memory_space<vmem>>, vector<16xi32>,
          %swap3A_1106 = arith.index_cast %add3A_1062 : i32 to index
          %swap3A_1107 = tpu.vector_load %arg15[%swap3A_1106] {strides = array<i32>} : memref<4096xf32, #tpu.memory_space<vmem>>, vector<16xf32>,
          tpu.vector_store %arg15[%swap3A_1106], %mul3A_1060 {strides = array<i32>} : memref<4096xf32, #tpu.memory_space<vmem>>, vector<16xf32>,
          %add3A_1108 = arith.constant 1 : i32
          %add3A_1109 = vector.broadcast %add3A_1108 : i32 to vector<16xi32>
          %add3A_1110 = arith.addi %sub3A, %add3A_1109 : vector<16xi32>
          %add3A_1111 = arith.constant 0 : i32
          %add3A_1112 = vector.broadcast %add3A_1111 : i32 to vector<16xi32>
          %add3A_1113 = arith.addi %sub3A_719, %add3A_1112 : vector<16xi32>
          %add3A_1114 = arith.constant 1 : i32
          %add3A_1115 = vector.broadcast %add3A_1114 : i32 to vector<16xi32>
          %add3A_1116 = arith.addi %sub3A_730, %add3A_1115 : vector<16xi32>
          %max3A_1117 = arith.constant 0 : i32
          %max3A_1118 = vector.broadcast %max3A_1117 : i32 to vector<16xi32>
          %max3A_1119 = arith.maxsi %add3A_1110, %max3A_1118 : vector<16xi32>
          %min3A_1120 = arith.minsi %max3A_1119, %convert_element_type3A : vector<16xi32>
          %max3A_1121 = arith.constant 0 : i32
          %max3A_1122 = vector.broadcast %max3A_1121 : i32 to vector<16xi32>
          %max3A_1123 = arith.maxsi %add3A_1113, %max3A_1122 : vector<16xi32>
          %min3A_1124 = arith.minsi %max3A_1123, %convert_element_type3A : vector<16xi32>
          %max3A_1125 = arith.constant 0 : i32
          %max3A_1126 = vector.broadcast %max3A_1125 : i32 to vector<16xi32>
          %max3A_1127 = arith.maxsi %add3A_1116, %max3A_1126 : vector<16xi32>
          %min3A_1128 = arith.minsi %max3A_1127, %convert_element_type3A : vector<16xi32>
          %mul3A_1129 = arith.muli %add3A_41, %min3A_1128 : vector<16xi32>
          %add3A_1130 = arith.addi %min3A_1124, %mul3A_1129 : vector<16xi32>
          %mul3A_1131 = arith.muli %add3A_41, %add3A_1130 : vector<16xi32>
          %add3A_1132 = arith.addi %min3A_1120, %mul3A_1131 : vector<16xi32>
          %add3A_1133 = arith.addi %add3A_1132, %get3A_38 : vector<16xi32>
          %mul3A_1134 = arith.mulf %sub3A_710, %sub3A_738 : vector<16xf32>
          %mul3A_1135 = arith.mulf %mul3A_1134, %sub3A_732 : vector<16xf32>
          %add3A_1136 = arith.constant 2560 : i32
          %add3A_1137 = arith.addi %add3A_1136, %mul3A_694 : i32
          %jit3A_1138 = arith.constant 128 : i32
          %div3A_1139 = arith.divsi %add3A_1137, %jit3A_1138 : i32
          %sign3A_1140 = arith.constant 0 : i32
          %sign3A_1141 = arith.cmpi sgt, %add3A_1137, %sign3A_1140 : i32
          %sign3A_1142 = arith.extui %sign3A_1141 : i1 to i32
          %sign3A_1143 = arith.constant 0 : i32
          %sign3A_1144 = arith.cmpi slt, %add3A_1137, %sign3A_1143 : i32
          %sign3A_1145 = arith.extui %sign3A_1144 : i1 to i32
          %sign3A_1146 = arith.subi %sign3A_1142, %sign3A_1145 : i32
          %sign3A_1147 = arith.constant 0 : i32
          %sign3A_1148 = arith.cmpi sgt, %jit3A_1138, %sign3A_1147 : i32
          %sign3A_1149 = arith.extui %sign3A_1148 : i1 to i32
          %sign3A_1150 = arith.constant 0 : i32
          %sign3A_1151 = arith.cmpi slt, %jit3A_1138, %sign3A_1150 : i32
          %sign3A_1152 = arith.extui %sign3A_1151 : i1 to i32
          %sign3A_1153 = arith.subi %sign3A_1149, %sign3A_1152 : i32
          %ne3A_1154 = arith.cmpi ne, %sign3A_1146, %sign3A_1153 : i32
          %rem3A_1155 = arith.remsi %add3A_1137, %jit3A_1138 : i32
          %ne3A_1156 = arith.constant 0 : i32
          %ne3A_1157 = arith.cmpi ne, %rem3A_1155, %ne3A_1156 : i32
          %and3A_1158 = arith.andi %ne3A_1154, %ne3A_1157 : i1
          %sub3A_1159 = arith.constant 1 : i32
          %sub3A_1160 = arith.subi %div3A_1139, %sub3A_1159 : i32
          %select_n3A_1161 = arith.select %and3A_1158, %sub3A_1160, %div3A_1139 : i32
          %jit3A_1162 = arith.constant 128 : i32
          %eq3A_1163 = arith.constant 0 : i32
          %eq3A_1164 = arith.cmpi eq, %jit3A_1162, %eq3A_1163 : i32
          %jit3A_1165 = arith.constant 1 : i32
          %select_n3A_1166 = arith.select %eq3A_1164, %jit3A_1165, %jit3A_1162 : i32
          %rem3A_1167 = arith.remsi %add3A_1137, %select_n3A_1166 : i32
          %ne3A_1168 = arith.constant 0 : i32
          %ne3A_1169 = arith.cmpi ne, %rem3A_1167, %ne3A_1168 : i32
          %lt3A_1170 = arith.constant 0 : i32
          %lt3A_1171 = arith.cmpi slt, %rem3A_1167, %lt3A_1170 : i32
          %lt3A_1172 = arith.constant 0 : i32
          %lt3A_1173 = arith.cmpi slt, %select_n3A_1166, %lt3A_1172 : i32
          %ne3A_1174 = arith.xori %lt3A_1171, %lt3A_1173 : i1
          %and3A_1175 = arith.andi %ne3A_1174, %ne3A_1169 : i1
          %add3A_1176 = arith.addi %rem3A_1167, %select_n3A_1166 : i32
          %select_n3A_1177 = arith.select %and3A_1175, %add3A_1176, %rem3A_1167 : i32
          %swap3A_1178 = arith.index_cast %select_n3A_1161 : i32 to index
          %swap3A_1179 = arith.index_cast %select_n3A_1177 : i32 to index
          %swap3A_1180 = tpu.vector_load %arg14[%swap3A_1178, %swap3A_1179] {strides = array<i32>} : memref<32x128xi32, #tpu.memory_space<vmem>>, vector<16xi32>,
          tpu.vector_store %arg14[%swap3A_1178, %swap3A_1179], %add3A_1133 {strides = array<i32>} : memref<32x128xi32, #tpu.memory_space<vmem>>, vector<16xi32>,
          %swap3A_1181 = arith.index_cast %add3A_1137 : i32 to index
          %swap3A_1182 = tpu.vector_load %arg15[%swap3A_1181] {strides = array<i32>} : memref<4096xf32, #tpu.memory_space<vmem>>, vector<16xf32>,
          tpu.vector_store %arg15[%swap3A_1181], %mul3A_1135 {strides = array<i32>} : memref<4096xf32, #tpu.memory_space<vmem>>, vector<16xf32>,
          %add3A_1183 = arith.constant 0 : i32
          %add3A_1184 = vector.broadcast %add3A_1183 : i32 to vector<16xi32>
          %add3A_1185 = arith.addi %sub3A, %add3A_1184 : vector<16xi32>
          %add3A_1186 = arith.constant 1 : i32
          %add3A_1187 = vector.broadcast %add3A_1186 : i32 to vector<16xi32>
          %add3A_1188 = arith.addi %sub3A_719, %add3A_1187 : vector<16xi32>
          %add3A_1189 = arith.constant 1 : i32
          %add3A_1190 = vector.broadcast %add3A_1189 : i32 to vector<16xi32>
          %add3A_1191 = arith.addi %sub3A_730, %add3A_1190 : vector<16xi32>
          %max3A_1192 = arith.constant 0 : i32
          %max3A_1193 = vector.broadcast %max3A_1192 : i32 to vector<16xi32>
          %max3A_1194 = arith.maxsi %add3A_1185, %max3A_1193 : vector<16xi32>
          %min3A_1195 = arith.minsi %max3A_1194, %convert_element_type3A : vector<16xi32>
          %max3A_1196 = arith.constant 0 : i32
          %max3A_1197 = vector.broadcast %max3A_1196 : i32 to vector<16xi32>
          %max3A_1198 = arith.maxsi %add3A_1188, %max3A_1197 : vector<16xi32>
          %min3A_1199 = arith.minsi %max3A_1198, %convert_element_type3A : vector<16xi32>
          %max3A_1200 = arith.constant 0 : i32
          %max3A_1201 = vector.broadcast %max3A_1200 : i32 to vector<16xi32>
          %max3A_1202 = arith.maxsi %add3A_1191, %max3A_1201 : vector<16xi32>
          %min3A_1203 = arith.minsi %max3A_1202, %convert_element_type3A : vector<16xi32>
          %mul3A_1204 = arith.muli %add3A_41, %min3A_1203 : vector<16xi32>
          %add3A_1205 = arith.addi %min3A_1199, %mul3A_1204 : vector<16xi32>
          %mul3A_1206 = arith.muli %add3A_41, %add3A_1205 : vector<16xi32>
          %add3A_1207 = arith.addi %min3A_1195, %mul3A_1206 : vector<16xi32>
          %add3A_1208 = arith.addi %add3A_1207, %get3A_38 : vector<16xi32>
          %mul3A_1209 = arith.mulf %sub3A_735, %sub3A_721 : vector<16xf32>
          %mul3A_1210 = arith.mulf %mul3A_1209, %sub3A_732 : vector<16xf32>
          %add3A_1211 = arith.constant 3072 : i32
          %add3A_1212 = arith.addi %add3A_1211, %mul3A_694 : i32
          %jit3A_1213 = arith.constant 128 : i32
          %div3A_1214 = arith.divsi %add3A_1212, %jit3A_1213 : i32
          %sign3A_1215 = arith.constant 0 : i32
          %sign3A_1216 = arith.cmpi sgt, %add3A_1212, %sign3A_1215 : i32
          %sign3A_1217 = arith.extui %sign3A_1216 : i1 to i32
          %sign3A_1218 = arith.constant 0 : i32
          %sign3A_1219 = arith.cmpi slt, %add3A_1212, %sign3A_1218 : i32
          %sign3A_1220 = arith.extui %sign3A_1219 : i1 to i32
          %sign3A_1221 = arith.subi %sign3A_1217, %sign3A_1220 : i32
          %sign3A_1222 = arith.constant 0 : i32
          %sign3A_1223 = arith.cmpi sgt, %jit3A_1213, %sign3A_1222 : i32
          %sign3A_1224 = arith.extui %sign3A_1223 : i1 to i32
          %sign3A_1225 = arith.constant 0 : i32
          %sign3A_1226 = arith.cmpi slt, %jit3A_1213, %sign3A_1225 : i32
          %sign3A_1227 = arith.extui %sign3A_1226 : i1 to i32
          %sign3A_1228 = arith.subi %sign3A_1224, %sign3A_1227 : i32
          %ne3A_1229 = arith.cmpi ne, %sign3A_1221, %sign3A_1228 : i32
          %rem3A_1230 = arith.remsi %add3A_1212, %jit3A_1213 : i32
          %ne3A_1231 = arith.constant 0 : i32
          %ne3A_1232 = arith.cmpi ne, %rem3A_1230, %ne3A_1231 : i32
          %and3A_1233 = arith.andi %ne3A_1229, %ne3A_1232 : i1
          %sub3A_1234 = arith.constant 1 : i32
          %sub3A_1235 = arith.subi %div3A_1214, %sub3A_1234 : i32
          %select_n3A_1236 = arith.select %and3A_1233, %sub3A_1235, %div3A_1214 : i32
          %jit3A_1237 = arith.constant 128 : i32
          %eq3A_1238 = arith.constant 0 : i32
          %eq3A_1239 = arith.cmpi eq, %jit3A_1237, %eq3A_1238 : i32
          %jit3A_1240 = arith.constant 1 : i32
          %select_n3A_1241 = arith.select %eq3A_1239, %jit3A_1240, %jit3A_1237 : i32
          %rem3A_1242 = arith.remsi %add3A_1212, %select_n3A_1241 : i32
          %ne3A_1243 = arith.constant 0 : i32
          %ne3A_1244 = arith.cmpi ne, %rem3A_1242, %ne3A_1243 : i32
          %lt3A_1245 = arith.constant 0 : i32
          %lt3A_1246 = arith.cmpi slt, %rem3A_1242, %lt3A_1245 : i32
          %lt3A_1247 = arith.constant 0 : i32
          %lt3A_1248 = arith.cmpi slt, %select_n3A_1241, %lt3A_1247 : i32
          %ne3A_1249 = arith.xori %lt3A_1246, %lt3A_1248 : i1
          %and3A_1250 = arith.andi %ne3A_1249, %ne3A_1244 : i1
          %add3A_1251 = arith.addi %rem3A_1242, %select_n3A_1241 : i32
          %select_n3A_1252 = arith.select %and3A_1250, %add3A_1251, %rem3A_1242 : i32
          %swap3A_1253 = arith.index_cast %select_n3A_1236 : i32 to index
          %swap3A_1254 = arith.index_cast %select_n3A_1252 : i32 to index
          %swap3A_1255 = tpu.vector_load %arg14[%swap3A_1253, %swap3A_1254] {strides = array<i32>} : memref<32x128xi32, #tpu.memory_space<vmem>>, vector<16xi32>,
          tpu.vector_store %arg14[%swap3A_1253, %swap3A_1254], %add3A_1208 {strides = array<i32>} : memref<32x128xi32, #tpu.memory_space<vmem>>, vector<16xi32>,
          %swap3A_1256 = arith.index_cast %add3A_1212 : i32 to index
          %swap3A_1257 = tpu.vector_load %arg15[%swap3A_1256] {strides = array<i32>} : memref<4096xf32, #tpu.memory_space<vmem>>, vector<16xf32>,
          tpu.vector_store %arg15[%swap3A_1256], %mul3A_1210 {strides = array<i32>} : memref<4096xf32, #tpu.memory_space<vmem>>, vector<16xf32>,
          %add3A_1258 = arith.constant 1 : i32
          %add3A_1259 = vector.broadcast %add3A_1258 : i32 to vector<16xi32>
          %add3A_1260 = arith.addi %sub3A, %add3A_1259 : vector<16xi32>
          %add3A_1261 = arith.constant 1 : i32
          %add3A_1262 = vector.broadcast %add3A_1261 : i32 to vector<16xi32>
          %add3A_1263 = arith.addi %sub3A_719, %add3A_1262 : vector<16xi32>
          %add3A_1264 = arith.constant 1 : i32
          %add3A_1265 = vector.broadcast %add3A_1264 : i32 to vector<16xi32>
          %add3A_1266 = arith.addi %sub3A_730, %add3A_1265 : vector<16xi32>
          %max3A_1267 = arith.constant 0 : i32
          %max3A_1268 = vector.broadcast %max3A_1267 : i32 to vector<16xi32>
          %max3A_1269 = arith.maxsi %add3A_1260, %max3A_1268 : vector<16xi32>
          %min3A_1270 = arith.minsi %max3A_1269, %convert_element_type3A : vector<16xi32>
          %max3A_1271 = arith.constant 0 : i32
          %max3A_1272 = vector.broadcast %max3A_1271 : i32 to vector<16xi32>
          %max3A_1273 = arith.maxsi %add3A_1263, %max3A_1272 : vector<16xi32>
          %min3A_1274 = arith.minsi %max3A_1273, %convert_element_type3A : vector<16xi32>
          %max3A_1275 = arith.constant 0 : i32
          %max3A_1276 = vector.broadcast %max3A_1275 : i32 to vector<16xi32>
          %max3A_1277 = arith.maxsi %add3A_1266, %max3A_1276 : vector<16xi32>
          %min3A_1278 = arith.minsi %max3A_1277, %convert_element_type3A : vector<16xi32>
          %mul3A_1279 = arith.muli %add3A_41, %min3A_1278 : vector<16xi32>
          %add3A_1280 = arith.addi %min3A_1274, %mul3A_1279 : vector<16xi32>
          %mul3A_1281 = arith.muli %add3A_41, %add3A_1280 : vector<16xi32>
          %add3A_1282 = arith.addi %min3A_1270, %mul3A_1281 : vector<16xi32>
          %add3A_1283 = arith.addi %add3A_1282, %get3A_38 : vector<16xi32>
          %mul3A_1284 = arith.mulf %sub3A_710, %sub3A_721 : vector<16xf32>
          %mul3A_1285 = arith.mulf %mul3A_1284, %sub3A_732 : vector<16xf32>
          %add3A_1286 = arith.constant 3584 : i32
          %add3A_1287 = arith.addi %add3A_1286, %mul3A_694 : i32
          %jit3A_1288 = arith.constant 128 : i32
          %div3A_1289 = arith.divsi %add3A_1287, %jit3A_1288 : i32
          %sign3A_1290 = arith.constant 0 : i32
          %sign3A_1291 = arith.cmpi sgt, %add3A_1287, %sign3A_1290 : i32
          %sign3A_1292 = arith.extui %sign3A_1291 : i1 to i32
          %sign3A_1293 = arith.constant 0 : i32
          %sign3A_1294 = arith.cmpi slt, %add3A_1287, %sign3A_1293 : i32
          %sign3A_1295 = arith.extui %sign3A_1294 : i1 to i32
          %sign3A_1296 = arith.subi %sign3A_1292, %sign3A_1295 : i32
          %sign3A_1297 = arith.constant 0 : i32
          %sign3A_1298 = arith.cmpi sgt, %jit3A_1288, %sign3A_1297 : i32
          %sign3A_1299 = arith.extui %sign3A_1298 : i1 to i32
          %sign3A_1300 = arith.constant 0 : i32
          %sign3A_1301 = arith.cmpi slt, %jit3A_1288, %sign3A_1300 : i32
          %sign3A_1302 = arith.extui %sign3A_1301 : i1 to i32
          %sign3A_1303 = arith.subi %sign3A_1299, %sign3A_1302 : i32
          %ne3A_1304 = arith.cmpi ne, %sign3A_1296, %sign3A_1303 : i32
          %rem3A_1305 = arith.remsi %add3A_1287, %jit3A_1288 : i32
          %ne3A_1306 = arith.constant 0 : i32
          %ne3A_1307 = arith.cmpi ne, %rem3A_1305, %ne3A_1306 : i32
          %and3A_1308 = arith.andi %ne3A_1304, %ne3A_1307 : i1
          %sub3A_1309 = arith.constant 1 : i32
          %sub3A_1310 = arith.subi %div3A_1289, %sub3A_1309 : i32
          %select_n3A_1311 = arith.select %and3A_1308, %sub3A_1310, %div3A_1289 : i32
          %jit3A_1312 = arith.constant 128 : i32
          %eq3A_1313 = arith.constant 0 : i32
          %eq3A_1314 = arith.cmpi eq, %jit3A_1312, %eq3A_1313 : i32
          %jit3A_1315 = arith.constant 1 : i32
          %select_n3A_1316 = arith.select %eq3A_1314, %jit3A_1315, %jit3A_1312 : i32
          %rem3A_1317 = arith.remsi %add3A_1287, %select_n3A_1316 : i32
          %ne3A_1318 = arith.constant 0 : i32
          %ne3A_1319 = arith.cmpi ne, %rem3A_1317, %ne3A_1318 : i32
          %lt3A_1320 = arith.constant 0 : i32
          %lt3A_1321 = arith.cmpi slt, %rem3A_1317, %lt3A_1320 : i32
          %lt3A_1322 = arith.constant 0 : i32
          %lt3A_1323 = arith.cmpi slt, %select_n3A_1316, %lt3A_1322 : i32
          %ne3A_1324 = arith.xori %lt3A_1321, %lt3A_1323 : i1
          %and3A_1325 = arith.andi %ne3A_1324, %ne3A_1319 : i1
          %add3A_1326 = arith.addi %rem3A_1317, %select_n3A_1316 : i32
          %select_n3A_1327 = arith.select %and3A_1325, %add3A_1326, %rem3A_1317 : i32
          %swap3A_1328 = arith.index_cast %select_n3A_1311 : i32 to index
          %swap3A_1329 = arith.index_cast %select_n3A_1327 : i32 to index
          %swap3A_1330 = tpu.vector_load %arg14[%swap3A_1328, %swap3A_1329] {strides = array<i32>} : memref<32x128xi32, #tpu.memory_space<vmem>>, vector<16xi32>,
          tpu.vector_store %arg14[%swap3A_1328, %swap3A_1329], %add3A_1283 {strides = array<i32>} : memref<32x128xi32, #tpu.memory_space<vmem>>, vector<16xi32>,
          %swap3A_1331 = arith.index_cast %add3A_1287 : i32 to index
          %swap3A_1332 = tpu.vector_load %arg15[%swap3A_1331] {strides = array<i32>} : memref<4096xf32, #tpu.memory_space<vmem>>, vector<16xf32>,
          tpu.vector_store %arg15[%swap3A_1331], %mul3A_1285 {strides = array<i32>} : memref<4096xf32, #tpu.memory_space<vmem>>, vector<16xf32>,
        }
        %scan3A_47 = arith.constant 32 : i32
        %dma_start3A = arith.constant 0 : i32
        %dma_start3A_48 = arith.constant 0 : i32
        %dma_start3A_49 = arith.constant 0 : i32
        %dma_start3A_50 = tpu.memref_slice %arg16[%dma_start3A_48, %dma_start3A_49] : memref<4096x8xf32, #tpu.memory_space<vmem>> -> memref<128x8xf32, #tpu.memory_space<vmem>>
        %dma_start3A_51 = arith.constant 0 : i32
        %dma_start3A_52 = tpu.memref_slice %arg14[%dma_start3A, %dma_start3A_51] : memref<32x128xi32, #tpu.memory_space<vmem>> -> memref<1x128xi32, #tpu.memory_space<vmem>>
        %dma_start3A_53 = tpu.memref_squeeze %dma_start3A_52 : memref<1x128xi32, #tpu.memory_space<vmem>> -> memref<128xi32, #tpu.memory_space<vmem>>
        %dma_start3A_54 = arith.constant 0 : i32
        %dma_start3A_55 = arith.constant 0 : i32
        %dma_start3A_56 = tpu.memref_slice %arg5[%dma_start3A_54, %dma_start3A_55] : memref<22806528x8xf32, #tpu.memory_space<hbm>> -> memref<22806528x8xf32, #tpu.memory_space<hbm>>
        tpu.enqueue_indirect_dma source(%dma_start3A_56 : memref<22806528x8xf32, #tpu.memory_space<hbm>>) target(%dma_start3A_50 : memref<128x8xf32, #tpu.memory_space<vmem>>) offsets(%dma_start3A_53 : memref<128xi32, #tpu.memory_space<vmem>>) semaphore(%arg18 : memref<!tpu.dma_semaphore, #tpu.memory_space<semaphore_mem>>)
        %dma_start3A_57 = arith.constant 1 : i32
        %dma_start3A_58 = arith.constant 128 : i32
        %dma_start3A_59 = arith.constant 0 : i32
        %dma_start3A_60 = tpu.memref_slice %arg16[%dma_start3A_58, %dma_start3A_59] : memref<4096x8xf32, #tpu.memory_space<vmem>> -> memref<128x8xf32, #tpu.memory_space<vmem>>
        %dma_start3A_61 = arith.constant 0 : i32
        %dma_start3A_62 = tpu.memref_slice %arg14[%dma_start3A_57, %dma_start3A_61] : memref<32x128xi32, #tpu.memory_space<vmem>> -> memref<1x128xi32, #tpu.memory_space<vmem>>
        %dma_start3A_63 = tpu.memref_squeeze %dma_start3A_62 : memref<1x128xi32, #tpu.memory_space<vmem>> -> memref<128xi32, #tpu.memory_space<vmem>>
        %dma_start3A_64 = arith.constant 0 : i32
        %dma_start3A_65 = arith.constant 0 : i32
        %dma_start3A_66 = tpu.memref_slice %arg5[%dma_start3A_64, %dma_start3A_65] : memref<22806528x8xf32, #tpu.memory_space<hbm>> -> memref<22806528x8xf32, #tpu.memory_space<hbm>>
        tpu.enqueue_indirect_dma source(%dma_start3A_66 : memref<22806528x8xf32, #tpu.memory_space<hbm>>) target(%dma_start3A_60 : memref<128x8xf32, #tpu.memory_space<vmem>>) offsets(%dma_start3A_63 : memref<128xi32, #tpu.memory_space<vmem>>) semaphore(%arg18 : memref<!tpu.dma_semaphore, #tpu.memory_space<semaphore_mem>>)
        %dma_start3A_67 = arith.constant 2 : i32
        %dma_start3A_68 = arith.constant 256 : i32
        %dma_start3A_69 = arith.constant 0 : i32
        %dma_start3A_70 = tpu.memref_slice %arg16[%dma_start3A_68, %dma_start3A_69] : memref<4096x8xf32, #tpu.memory_space<vmem>> -> memref<128x8xf32, #tpu.memory_space<vmem>>
        %dma_start3A_71 = arith.constant 0 : i32
        %dma_start3A_72 = tpu.memref_slice %arg14[%dma_start3A_67, %dma_start3A_71] : memref<32x128xi32, #tpu.memory_space<vmem>> -> memref<1x128xi32, #tpu.memory_space<vmem>>
        %dma_start3A_73 = tpu.memref_squeeze %dma_start3A_72 : memref<1x128xi32, #tpu.memory_space<vmem>> -> memref<128xi32, #tpu.memory_space<vmem>>
        %dma_start3A_74 = arith.constant 0 : i32
        %dma_start3A_75 = arith.constant 0 : i32
        %dma_start3A_76 = tpu.memref_slice %arg5[%dma_start3A_74, %dma_start3A_75] : memref<22806528x8xf32, #tpu.memory_space<hbm>> -> memref<22806528x8xf32, #tpu.memory_space<hbm>>
        tpu.enqueue_indirect_dma source(%dma_start3A_76 : memref<22806528x8xf32, #tpu.memory_space<hbm>>) target(%dma_start3A_70 : memref<128x8xf32, #tpu.memory_space<vmem>>) offsets(%dma_start3A_73 : memref<128xi32, #tpu.memory_space<vmem>>) semaphore(%arg18 : memref<!tpu.dma_semaphore, #tpu.memory_space<semaphore_mem>>)
        %dma_start3A_77 = arith.constant 3 : i32
        %dma_start3A_78 = arith.constant 384 : i32
        %dma_start3A_79 = arith.constant 0 : i32
        %dma_start3A_80 = tpu.memref_slice %arg16[%dma_start3A_78, %dma_start3A_79] : memref<4096x8xf32, #tpu.memory_space<vmem>> -> memref<128x8xf32, #tpu.memory_space<vmem>>
        %dma_start3A_81 = arith.constant 0 : i32
        %dma_start3A_82 = tpu.memref_slice %arg14[%dma_start3A_77, %dma_start3A_81] : memref<32x128xi32, #tpu.memory_space<vmem>> -> memref<1x128xi32, #tpu.memory_space<vmem>>
        %dma_start3A_83 = tpu.memref_squeeze %dma_start3A_82 : memref<1x128xi32, #tpu.memory_space<vmem>> -> memref<128xi32, #tpu.memory_space<vmem>>
        %dma_start3A_84 = arith.constant 0 : i32
        %dma_start3A_85 = arith.constant 0 : i32
        %dma_start3A_86 = tpu.memref_slice %arg5[%dma_start3A_84, %dma_start3A_85] : memref<22806528x8xf32, #tpu.memory_space<hbm>> -> memref<22806528x8xf32, #tpu.memory_space<hbm>>
        tpu.enqueue_indirect_dma source(%dma_start3A_86 : memref<22806528x8xf32, #tpu.memory_space<hbm>>) target(%dma_start3A_80 : memref<128x8xf32, #tpu.memory_space<vmem>>) offsets(%dma_start3A_83 : memref<128xi32, #tpu.memory_space<vmem>>) semaphore(%arg18 : memref<!tpu.dma_semaphore, #tpu.memory_space<semaphore_mem>>)
        %dma_start3A_87 = arith.constant 4 : i32
        %dma_start3A_88 = arith.constant 512 : i32
        %dma_start3A_89 = arith.constant 0 : i32
        %dma_start3A_90 = tpu.memref_slice %arg16[%dma_start3A_88, %dma_start3A_89] : memref<4096x8xf32, #tpu.memory_space<vmem>> -> memref<128x8xf32, #tpu.memory_space<vmem>>
        %dma_start3A_91 = arith.constant 0 : i32
        %dma_start3A_92 = tpu.memref_slice %arg14[%dma_start3A_87, %dma_start3A_91] : memref<32x128xi32, #tpu.memory_space<vmem>> -> memref<1x128xi32, #tpu.memory_space<vmem>>
        %dma_start3A_93 = tpu.memref_squeeze %dma_start3A_92 : memref<1x128xi32, #tpu.memory_space<vmem>> -> memref<128xi32, #tpu.memory_space<vmem>>
        %dma_start3A_94 = arith.constant 0 : i32
        %dma_start3A_95 = arith.constant 0 : i32
        %dma_start3A_96 = tpu.memref_slice %arg5[%dma_start3A_94, %dma_start3A_95] : memref<22806528x8xf32, #tpu.memory_space<hbm>> -> memref<22806528x8xf32, #tpu.memory_space<hbm>>
        tpu.enqueue_indirect_dma source(%dma_start3A_96 : memref<22806528x8xf32, #tpu.memory_space<hbm>>) target(%dma_start3A_90 : memref<128x8xf32, #tpu.memory_space<vmem>>) offsets(%dma_start3A_93 : memref<128xi32, #tpu.memory_space<vmem>>) semaphore(%arg18 : memref<!tpu.dma_semaphore, #tpu.memory_space<semaphore_mem>>)
        %dma_start3A_97 = arith.constant 5 : i32
        %dma_start3A_98 = arith.constant 640 : i32
        %dma_start3A_99 = arith.constant 0 : i32
        %dma_start3A_100 = tpu.memref_slice %arg16[%dma_start3A_98, %dma_start3A_99] : memref<4096x8xf32, #tpu.memory_space<vmem>> -> memref<128x8xf32, #tpu.memory_space<vmem>>
        %dma_start3A_101 = arith.constant 0 : i32
        %dma_start3A_102 = tpu.memref_slice %arg14[%dma_start3A_97, %dma_start3A_101] : memref<32x128xi32, #tpu.memory_space<vmem>> -> memref<1x128xi32, #tpu.memory_space<vmem>>
        %dma_start3A_103 = tpu.memref_squeeze %dma_start3A_102 : memref<1x128xi32, #tpu.memory_space<vmem>> -> memref<128xi32, #tpu.memory_space<vmem>>
        %dma_start3A_104 = arith.constant 0 : i32
        %dma_start3A_105 = arith.constant 0 : i32
        %dma_start3A_106 = tpu.memref_slice %arg5[%dma_start3A_104, %dma_start3A_105] : memref<22806528x8xf32, #tpu.memory_space<hbm>> -> memref<22806528x8xf32, #tpu.memory_space<hbm>>
        tpu.enqueue_indirect_dma source(%dma_start3A_106 : memref<22806528x8xf32, #tpu.memory_space<hbm>>) target(%dma_start3A_100 : memref<128x8xf32, #tpu.memory_space<vmem>>) offsets(%dma_start3A_103 : memref<128xi32, #tpu.memory_space<vmem>>) semaphore(%arg18 : memref<!tpu.dma_semaphore, #tpu.memory_space<semaphore_mem>>)
        %dma_start3A_107 = arith.constant 6 : i32
        %dma_start3A_108 = arith.constant 768 : i32
        %dma_start3A_109 = arith.constant 0 : i32
        %dma_start3A_110 = tpu.memref_slice %arg16[%dma_start3A_108, %dma_start3A_109] : memref<4096x8xf32, #tpu.memory_space<vmem>> -> memref<128x8xf32, #tpu.memory_space<vmem>>
        %dma_start3A_111 = arith.constant 0 : i32
        %dma_start3A_112 = tpu.memref_slice %arg14[%dma_start3A_107, %dma_start3A_111] : memref<32x128xi32, #tpu.memory_space<vmem>> -> memref<1x128xi32, #tpu.memory_space<vmem>>
        %dma_start3A_113 = tpu.memref_squeeze %dma_start3A_112 : memref<1x128xi32, #tpu.memory_space<vmem>> -> memref<128xi32, #tpu.memory_space<vmem>>
        %dma_start3A_114 = arith.constant 0 : i32
        %dma_start3A_115 = arith.constant 0 : i32
        %dma_start3A_116 = tpu.memref_slice %arg5[%dma_start3A_114, %dma_start3A_115] : memref<22806528x8xf32, #tpu.memory_space<hbm>> -> memref<22806528x8xf32, #tpu.memory_space<hbm>>
        tpu.enqueue_indirect_dma source(%dma_start3A_116 : memref<22806528x8xf32, #tpu.memory_space<hbm>>) target(%dma_start3A_110 : memref<128x8xf32, #tpu.memory_space<vmem>>) offsets(%dma_start3A_113 : memref<128xi32, #tpu.memory_space<vmem>>) semaphore(%arg18 : memref<!tpu.dma_semaphore, #tpu.memory_space<semaphore_mem>>)
        %dma_start3A_117 = arith.constant 7 : i32
        %dma_start3A_118 = arith.constant 896 : i32
        %dma_start3A_119 = arith.constant 0 : i32
        %dma_start3A_120 = tpu.memref_slice %arg16[%dma_start3A_118, %dma_start3A_119] : memref<4096x8xf32, #tpu.memory_space<vmem>> -> memref<128x8xf32, #tpu.memory_space<vmem>>
        %dma_start3A_121 = arith.constant 0 : i32
        %dma_start3A_122 = tpu.memref_slice %arg14[%dma_start3A_117, %dma_start3A_121] : memref<32x128xi32, #tpu.memory_space<vmem>> -> memref<1x128xi32, #tpu.memory_space<vmem>>
        %dma_start3A_123 = tpu.memref_squeeze %dma_start3A_122 : memref<1x128xi32, #tpu.memory_space<vmem>> -> memref<128xi32, #tpu.memory_space<vmem>>
        %dma_start3A_124 = arith.constant 0 : i32
        %dma_start3A_125 = arith.constant 0 : i32
        %dma_start3A_126 = tpu.memref_slice %arg5[%dma_start3A_124, %dma_start3A_125] : memref<22806528x8xf32, #tpu.memory_space<hbm>> -> memref<22806528x8xf32, #tpu.memory_space<hbm>>
        tpu.enqueue_indirect_dma source(%dma_start3A_126 : memref<22806528x8xf32, #tpu.memory_space<hbm>>) target(%dma_start3A_120 : memref<128x8xf32, #tpu.memory_space<vmem>>) offsets(%dma_start3A_123 : memref<128xi32, #tpu.memory_space<vmem>>) semaphore(%arg18 : memref<!tpu.dma_semaphore, #tpu.memory_space<semaphore_mem>>)
        %dma_start3A_127 = arith.constant 8 : i32
        %dma_start3A_128 = arith.constant 1024 : i32
        %dma_start3A_129 = arith.constant 0 : i32
        %dma_start3A_130 = tpu.memref_slice %arg16[%dma_start3A_128, %dma_start3A_129] : memref<4096x8xf32, #tpu.memory_space<vmem>> -> memref<128x8xf32, #tpu.memory_space<vmem>>
        %dma_start3A_131 = arith.constant 0 : i32
        %dma_start3A_132 = tpu.memref_slice %arg14[%dma_start3A_127, %dma_start3A_131] : memref<32x128xi32, #tpu.memory_space<vmem>> -> memref<1x128xi32, #tpu.memory_space<vmem>>
        %dma_start3A_133 = tpu.memref_squeeze %dma_start3A_132 : memref<1x128xi32, #tpu.memory_space<vmem>> -> memref<128xi32, #tpu.memory_space<vmem>>
        %dma_start3A_134 = arith.constant 0 : i32
        %dma_start3A_135 = arith.constant 0 : i32
        %dma_start3A_136 = tpu.memref_slice %arg5[%dma_start3A_134, %dma_start3A_135] : memref<22806528x8xf32, #tpu.memory_space<hbm>> -> memref<22806528x8xf32, #tpu.memory_space<hbm>>
        tpu.enqueue_indirect_dma source(%dma_start3A_136 : memref<22806528x8xf32, #tpu.memory_space<hbm>>) target(%dma_start3A_130 : memref<128x8xf32, #tpu.memory_space<vmem>>) offsets(%dma_start3A_133 : memref<128xi32, #tpu.memory_space<vmem>>) semaphore(%arg18 : memref<!tpu.dma_semaphore, #tpu.memory_space<semaphore_mem>>)
        %dma_start3A_137 = arith.constant 9 : i32
        %dma_start3A_138 = arith.constant 1152 : i32
        %dma_start3A_139 = arith.constant 0 : i32
        %dma_start3A_140 = tpu.memref_slice %arg16[%dma_start3A_138, %dma_start3A_139] : memref<4096x8xf32, #tpu.memory_space<vmem>> -> memref<128x8xf32, #tpu.memory_space<vmem>>
        %dma_start3A_141 = arith.constant 0 : i32
        %dma_start3A_142 = tpu.memref_slice %arg14[%dma_start3A_137, %dma_start3A_141] : memref<32x128xi32, #tpu.memory_space<vmem>> -> memref<1x128xi32, #tpu.memory_space<vmem>>
        %dma_start3A_143 = tpu.memref_squeeze %dma_start3A_142 : memref<1x128xi32, #tpu.memory_space<vmem>> -> memref<128xi32, #tpu.memory_space<vmem>>
        %dma_start3A_144 = arith.constant 0 : i32
        %dma_start3A_145 = arith.constant 0 : i32
        %dma_start3A_146 = tpu.memref_slice %arg5[%dma_start3A_144, %dma_start3A_145] : memref<22806528x8xf32, #tpu.memory_space<hbm>> -> memref<22806528x8xf32, #tpu.memory_space<hbm>>
        tpu.enqueue_indirect_dma source(%dma_start3A_146 : memref<22806528x8xf32, #tpu.memory_space<hbm>>) target(%dma_start3A_140 : memref<128x8xf32, #tpu.memory_space<vmem>>) offsets(%dma_start3A_143 : memref<128xi32, #tpu.memory_space<vmem>>) semaphore(%arg18 : memref<!tpu.dma_semaphore, #tpu.memory_space<semaphore_mem>>)
        %dma_start3A_147 = arith.constant 10 : i32
        %dma_start3A_148 = arith.constant 1280 : i32
        %dma_start3A_149 = arith.constant 0 : i32
        %dma_start3A_150 = tpu.memref_slice %arg16[%dma_start3A_148, %dma_start3A_149] : memref<4096x8xf32, #tpu.memory_space<vmem>> -> memref<128x8xf32, #tpu.memory_space<vmem>>
        %dma_start3A_151 = arith.constant 0 : i32
        %dma_start3A_152 = tpu.memref_slice %arg14[%dma_start3A_147, %dma_start3A_151] : memref<32x128xi32, #tpu.memory_space<vmem>> -> memref<1x128xi32, #tpu.memory_space<vmem>>
        %dma_start3A_153 = tpu.memref_squeeze %dma_start3A_152 : memref<1x128xi32, #tpu.memory_space<vmem>> -> memref<128xi32, #tpu.memory_space<vmem>>
        %dma_start3A_154 = arith.constant 0 : i32
        %dma_start3A_155 = arith.constant 0 : i32
        %dma_start3A_156 = tpu.memref_slice %arg5[%dma_start3A_154, %dma_start3A_155] : memref<22806528x8xf32, #tpu.memory_space<hbm>> -> memref<22806528x8xf32, #tpu.memory_space<hbm>>
        tpu.enqueue_indirect_dma source(%dma_start3A_156 : memref<22806528x8xf32, #tpu.memory_space<hbm>>) target(%dma_start3A_150 : memref<128x8xf32, #tpu.memory_space<vmem>>) offsets(%dma_start3A_153 : memref<128xi32, #tpu.memory_space<vmem>>) semaphore(%arg18 : memref<!tpu.dma_semaphore, #tpu.memory_space<semaphore_mem>>)
        %dma_start3A_157 = arith.constant 11 : i32
        %dma_start3A_158 = arith.constant 1408 : i32
        %dma_start3A_159 = arith.constant 0 : i32
        %dma_start3A_160 = tpu.memref_slice %arg16[%dma_start3A_158, %dma_start3A_159] : memref<4096x8xf32, #tpu.memory_space<vmem>> -> memref<128x8xf32, #tpu.memory_space<vmem>>
        %dma_start3A_161 = arith.constant 0 : i32
        %dma_start3A_162 = tpu.memref_slice %arg14[%dma_start3A_157, %dma_start3A_161] : memref<32x128xi32, #tpu.memory_space<vmem>> -> memref<1x128xi32, #tpu.memory_space<vmem>>
        %dma_start3A_163 = tpu.memref_squeeze %dma_start3A_162 : memref<1x128xi32, #tpu.memory_space<vmem>> -> memref<128xi32, #tpu.memory_space<vmem>>
        %dma_start3A_164 = arith.constant 0 : i32
        %dma_start3A_165 = arith.constant 0 : i32
        %dma_start3A_166 = tpu.memref_slice %arg5[%dma_start3A_164, %dma_start3A_165] : memref<22806528x8xf32, #tpu.memory_space<hbm>> -> memref<22806528x8xf32, #tpu.memory_space<hbm>>
        tpu.enqueue_indirect_dma source(%dma_start3A_166 : memref<22806528x8xf32, #tpu.memory_space<hbm>>) target(%dma_start3A_160 : memref<128x8xf32, #tpu.memory_space<vmem>>) offsets(%dma_start3A_163 : memref<128xi32, #tpu.memory_space<vmem>>) semaphore(%arg18 : memref<!tpu.dma_semaphore, #tpu.memory_space<semaphore_mem>>)
        %dma_start3A_167 = arith.constant 12 : i32
        %dma_start3A_168 = arith.constant 1536 : i32
        %dma_start3A_169 = arith.constant 0 : i32
        %dma_start3A_170 = tpu.memref_slice %arg16[%dma_start3A_168, %dma_start3A_169] : memref<4096x8xf32, #tpu.memory_space<vmem>> -> memref<128x8xf32, #tpu.memory_space<vmem>>
        %dma_start3A_171 = arith.constant 0 : i32
        %dma_start3A_172 = tpu.memref_slice %arg14[%dma_start3A_167, %dma_start3A_171] : memref<32x128xi32, #tpu.memory_space<vmem>> -> memref<1x128xi32, #tpu.memory_space<vmem>>
        %dma_start3A_173 = tpu.memref_squeeze %dma_start3A_172 : memref<1x128xi32, #tpu.memory_space<vmem>> -> memref<128xi32, #tpu.memory_space<vmem>>
        %dma_start3A_174 = arith.constant 0 : i32
        %dma_start3A_175 = arith.constant 0 : i32
        %dma_start3A_176 = tpu.memref_slice %arg5[%dma_start3A_174, %dma_start3A_175] : memref<22806528x8xf32, #tpu.memory_space<hbm>> -> memref<22806528x8xf32, #tpu.memory_space<hbm>>
        tpu.enqueue_indirect_dma source(%dma_start3A_176 : memref<22806528x8xf32, #tpu.memory_space<hbm>>) target(%dma_start3A_170 : memref<128x8xf32, #tpu.memory_space<vmem>>) offsets(%dma_start3A_173 : memref<128xi32, #tpu.memory_space<vmem>>) semaphore(%arg18 : memref<!tpu.dma_semaphore, #tpu.memory_space<semaphore_mem>>)
        %dma_start3A_177 = arith.constant 13 : i32
        %dma_start3A_178 = arith.constant 1664 : i32
        %dma_start3A_179 = arith.constant 0 : i32
        %dma_start3A_180 = tpu.memref_slice %arg16[%dma_start3A_178, %dma_start3A_179] : memref<4096x8xf32, #tpu.memory_space<vmem>> -> memref<128x8xf32, #tpu.memory_space<vmem>>
        %dma_start3A_181 = arith.constant 0 : i32
        %dma_start3A_182 = tpu.memref_slice %arg14[%dma_start3A_177, %dma_start3A_181] : memref<32x128xi32, #tpu.memory_space<vmem>> -> memref<1x128xi32, #tpu.memory_space<vmem>>
        %dma_start3A_183 = tpu.memref_squeeze %dma_start3A_182 : memref<1x128xi32, #tpu.memory_space<vmem>> -> memref<128xi32, #tpu.memory_space<vmem>>
        %dma_start3A_184 = arith.constant 0 : i32
        %dma_start3A_185 = arith.constant 0 : i32
        %dma_start3A_186 = tpu.memref_slice %arg5[%dma_start3A_184, %dma_start3A_185] : memref<22806528x8xf32, #tpu.memory_space<hbm>> -> memref<22806528x8xf32, #tpu.memory_space<hbm>>
        tpu.enqueue_indirect_dma source(%dma_start3A_186 : memref<22806528x8xf32, #tpu.memory_space<hbm>>) target(%dma_start3A_180 : memref<128x8xf32, #tpu.memory_space<vmem>>) offsets(%dma_start3A_183 : memref<128xi32, #tpu.memory_space<vmem>>) semaphore(%arg18 : memref<!tpu.dma_semaphore, #tpu.memory_space<semaphore_mem>>)
        %dma_start3A_187 = arith.constant 14 : i32
        %dma_start3A_188 = arith.constant 1792 : i32
        %dma_start3A_189 = arith.constant 0 : i32
        %dma_start3A_190 = tpu.memref_slice %arg16[%dma_start3A_188, %dma_start3A_189] : memref<4096x8xf32, #tpu.memory_space<vmem>> -> memref<128x8xf32, #tpu.memory_space<vmem>>
        %dma_start3A_191 = arith.constant 0 : i32
        %dma_start3A_192 = tpu.memref_slice %arg14[%dma_start3A_187, %dma_start3A_191] : memref<32x128xi32, #tpu.memory_space<vmem>> -> memref<1x128xi32, #tpu.memory_space<vmem>>
        %dma_start3A_193 = tpu.memref_squeeze %dma_start3A_192 : memref<1x128xi32, #tpu.memory_space<vmem>> -> memref<128xi32, #tpu.memory_space<vmem>>
        %dma_start3A_194 = arith.constant 0 : i32
        %dma_start3A_195 = arith.constant 0 : i32
        %dma_start3A_196 = tpu.memref_slice %arg5[%dma_start3A_194, %dma_start3A_195] : memref<22806528x8xf32, #tpu.memory_space<hbm>> -> memref<22806528x8xf32, #tpu.memory_space<hbm>>
        tpu.enqueue_indirect_dma source(%dma_start3A_196 : memref<22806528x8xf32, #tpu.memory_space<hbm>>) target(%dma_start3A_190 : memref<128x8xf32, #tpu.memory_space<vmem>>) offsets(%dma_start3A_193 : memref<128xi32, #tpu.memory_space<vmem>>) semaphore(%arg18 : memref<!tpu.dma_semaphore, #tpu.memory_space<semaphore_mem>>)
        %dma_start3A_197 = arith.constant 15 : i32
        %dma_start3A_198 = arith.constant 1920 : i32
        %dma_start3A_199 = arith.constant 0 : i32
        %dma_start3A_200 = tpu.memref_slice %arg16[%dma_start3A_198, %dma_start3A_199] : memref<4096x8xf32, #tpu.memory_space<vmem>> -> memref<128x8xf32, #tpu.memory_space<vmem>>
        %dma_start3A_201 = arith.constant 0 : i32
        %dma_start3A_202 = tpu.memref_slice %arg14[%dma_start3A_197, %dma_start3A_201] : memref<32x128xi32, #tpu.memory_space<vmem>> -> memref<1x128xi32, #tpu.memory_space<vmem>>
        %dma_start3A_203 = tpu.memref_squeeze %dma_start3A_202 : memref<1x128xi32, #tpu.memory_space<vmem>> -> memref<128xi32, #tpu.memory_space<vmem>>
        %dma_start3A_204 = arith.constant 0 : i32
        %dma_start3A_205 = arith.constant 0 : i32
        %dma_start3A_206 = tpu.memref_slice %arg5[%dma_start3A_204, %dma_start3A_205] : memref<22806528x8xf32, #tpu.memory_space<hbm>> -> memref<22806528x8xf32, #tpu.memory_space<hbm>>
        tpu.enqueue_indirect_dma source(%dma_start3A_206 : memref<22806528x8xf32, #tpu.memory_space<hbm>>) target(%dma_start3A_200 : memref<128x8xf32, #tpu.memory_space<vmem>>) offsets(%dma_start3A_203 : memref<128xi32, #tpu.memory_space<vmem>>) semaphore(%arg18 : memref<!tpu.dma_semaphore, #tpu.memory_space<semaphore_mem>>)
        %dma_start3A_207 = arith.constant 16 : i32
        %dma_start3A_208 = arith.constant 2048 : i32
        %dma_start3A_209 = arith.constant 0 : i32
        %dma_start3A_210 = tpu.memref_slice %arg16[%dma_start3A_208, %dma_start3A_209] : memref<4096x8xf32, #tpu.memory_space<vmem>> -> memref<128x8xf32, #tpu.memory_space<vmem>>
        %dma_start3A_211 = arith.constant 0 : i32
        %dma_start3A_212 = tpu.memref_slice %arg14[%dma_start3A_207, %dma_start3A_211] : memref<32x128xi32, #tpu.memory_space<vmem>> -> memref<1x128xi32, #tpu.memory_space<vmem>>
        %dma_start3A_213 = tpu.memref_squeeze %dma_start3A_212 : memref<1x128xi32, #tpu.memory_space<vmem>> -> memref<128xi32, #tpu.memory_space<vmem>>
        %dma_start3A_214 = arith.constant 0 : i32
        %dma_start3A_215 = arith.constant 0 : i32
        %dma_start3A_216 = tpu.memref_slice %arg5[%dma_start3A_214, %dma_start3A_215] : memref<22806528x8xf32, #tpu.memory_space<hbm>> -> memref<22806528x8xf32, #tpu.memory_space<hbm>>
        tpu.enqueue_indirect_dma source(%dma_start3A_216 : memref<22806528x8xf32, #tpu.memory_space<hbm>>) target(%dma_start3A_210 : memref<128x8xf32, #tpu.memory_space<vmem>>) offsets(%dma_start3A_213 : memref<128xi32, #tpu.memory_space<vmem>>) semaphore(%arg18 : memref<!tpu.dma_semaphore, #tpu.memory_space<semaphore_mem>>)
        %dma_start3A_217 = arith.constant 17 : i32
        %dma_start3A_218 = arith.constant 2176 : i32
        %dma_start3A_219 = arith.constant 0 : i32
        %dma_start3A_220 = tpu.memref_slice %arg16[%dma_start3A_218, %dma_start3A_219] : memref<4096x8xf32, #tpu.memory_space<vmem>> -> memref<128x8xf32, #tpu.memory_space<vmem>>
        %dma_start3A_221 = arith.constant 0 : i32
        %dma_start3A_222 = tpu.memref_slice %arg14[%dma_start3A_217, %dma_start3A_221] : memref<32x128xi32, #tpu.memory_space<vmem>> -> memref<1x128xi32, #tpu.memory_space<vmem>>
        %dma_start3A_223 = tpu.memref_squeeze %dma_start3A_222 : memref<1x128xi32, #tpu.memory_space<vmem>> -> memref<128xi32, #tpu.memory_space<vmem>>
        %dma_start3A_224 = arith.constant 0 : i32
        %dma_start3A_225 = arith.constant 0 : i32
        %dma_start3A_226 = tpu.memref_slice %arg5[%dma_start3A_224, %dma_start3A_225] : memref<22806528x8xf32, #tpu.memory_space<hbm>> -> memref<22806528x8xf32, #tpu.memory_space<hbm>>
        tpu.enqueue_indirect_dma source(%dma_start3A_226 : memref<22806528x8xf32, #tpu.memory_space<hbm>>) target(%dma_start3A_220 : memref<128x8xf32, #tpu.memory_space<vmem>>) offsets(%dma_start3A_223 : memref<128xi32, #tpu.memory_space<vmem>>) semaphore(%arg18 : memref<!tpu.dma_semaphore, #tpu.memory_space<semaphore_mem>>)
        %dma_start3A_227 = arith.constant 18 : i32
        %dma_start3A_228 = arith.constant 2304 : i32
        %dma_start3A_229 = arith.constant 0 : i32
        %dma_start3A_230 = tpu.memref_slice %arg16[%dma_start3A_228, %dma_start3A_229] : memref<4096x8xf32, #tpu.memory_space<vmem>> -> memref<128x8xf32, #tpu.memory_space<vmem>>
        %dma_start3A_231 = arith.constant 0 : i32
        %dma_start3A_232 = tpu.memref_slice %arg14[%dma_start3A_227, %dma_start3A_231] : memref<32x128xi32, #tpu.memory_space<vmem>> -> memref<1x128xi32, #tpu.memory_space<vmem>>
        %dma_start3A_233 = tpu.memref_squeeze %dma_start3A_232 : memref<1x128xi32, #tpu.memory_space<vmem>> -> memref<128xi32, #tpu.memory_space<vmem>>
        %dma_start3A_234 = arith.constant 0 : i32
        %dma_start3A_235 = arith.constant 0 : i32
        %dma_start3A_236 = tpu.memref_slice %arg5[%dma_start3A_234, %dma_start3A_235] : memref<22806528x8xf32, #tpu.memory_space<hbm>> -> memref<22806528x8xf32, #tpu.memory_space<hbm>>
        tpu.enqueue_indirect_dma source(%dma_start3A_236 : memref<22806528x8xf32, #tpu.memory_space<hbm>>) target(%dma_start3A_230 : memref<128x8xf32, #tpu.memory_space<vmem>>) offsets(%dma_start3A_233 : memref<128xi32, #tpu.memory_space<vmem>>) semaphore(%arg18 : memref<!tpu.dma_semaphore, #tpu.memory_space<semaphore_mem>>)
        %dma_start3A_237 = arith.constant 19 : i32
        %dma_start3A_238 = arith.constant 2432 : i32
        %dma_start3A_239 = arith.constant 0 : i32
        %dma_start3A_240 = tpu.memref_slice %arg16[%dma_start3A_238, %dma_start3A_239] : memref<4096x8xf32, #tpu.memory_space<vmem>> -> memref<128x8xf32, #tpu.memory_space<vmem>>
        %dma_start3A_241 = arith.constant 0 : i32
        %dma_start3A_242 = tpu.memref_slice %arg14[%dma_start3A_237, %dma_start3A_241] : memref<32x128xi32, #tpu.memory_space<vmem>> -> memref<1x128xi32, #tpu.memory_space<vmem>>
        %dma_start3A_243 = tpu.memref_squeeze %dma_start3A_242 : memref<1x128xi32, #tpu.memory_space<vmem>> -> memref<128xi32, #tpu.memory_space<vmem>>
        %dma_start3A_244 = arith.constant 0 : i32
        %dma_start3A_245 = arith.constant 0 : i32
        %dma_start3A_246 = tpu.memref_slice %arg5[%dma_start3A_244, %dma_start3A_245] : memref<22806528x8xf32, #tpu.memory_space<hbm>> -> memref<22806528x8xf32, #tpu.memory_space<hbm>>
        tpu.enqueue_indirect_dma source(%dma_start3A_246 : memref<22806528x8xf32, #tpu.memory_space<hbm>>) target(%dma_start3A_240 : memref<128x8xf32, #tpu.memory_space<vmem>>) offsets(%dma_start3A_243 : memref<128xi32, #tpu.memory_space<vmem>>) semaphore(%arg18 : memref<!tpu.dma_semaphore, #tpu.memory_space<semaphore_mem>>)
        %dma_start3A_247 = arith.constant 20 : i32
        %dma_start3A_248 = arith.constant 2560 : i32
        %dma_start3A_249 = arith.constant 0 : i32
        %dma_start3A_250 = tpu.memref_slice %arg16[%dma_start3A_248, %dma_start3A_249] : memref<4096x8xf32, #tpu.memory_space<vmem>> -> memref<128x8xf32, #tpu.memory_space<vmem>>
        %dma_start3A_251 = arith.constant 0 : i32
        %dma_start3A_252 = tpu.memref_slice %arg14[%dma_start3A_247, %dma_start3A_251] : memref<32x128xi32, #tpu.memory_space<vmem>> -> memref<1x128xi32, #tpu.memory_space<vmem>>
        %dma_start3A_253 = tpu.memref_squeeze %dma_start3A_252 : memref<1x128xi32, #tpu.memory_space<vmem>> -> memref<128xi32, #tpu.memory_space<vmem>>
        %dma_start3A_254 = arith.constant 0 : i32
        %dma_start3A_255 = arith.constant 0 : i32
        %dma_start3A_256 = tpu.memref_slice %arg5[%dma_start3A_254, %dma_start3A_255] : memref<22806528x8xf32, #tpu.memory_space<hbm>> -> memref<22806528x8xf32, #tpu.memory_space<hbm>>
        tpu.enqueue_indirect_dma source(%dma_start3A_256 : memref<22806528x8xf32, #tpu.memory_space<hbm>>) target(%dma_start3A_250 : memref<128x8xf32, #tpu.memory_space<vmem>>) offsets(%dma_start3A_253 : memref<128xi32, #tpu.memory_space<vmem>>) semaphore(%arg18 : memref<!tpu.dma_semaphore, #tpu.memory_space<semaphore_mem>>)
        %dma_start3A_257 = arith.constant 21 : i32
        %dma_start3A_258 = arith.constant 2688 : i32
        %dma_start3A_259 = arith.constant 0 : i32
        %dma_start3A_260 = tpu.memref_slice %arg16[%dma_start3A_258, %dma_start3A_259] : memref<4096x8xf32, #tpu.memory_space<vmem>> -> memref<128x8xf32, #tpu.memory_space<vmem>>
        %dma_start3A_261 = arith.constant 0 : i32
        %dma_start3A_262 = tpu.memref_slice %arg14[%dma_start3A_257, %dma_start3A_261] : memref<32x128xi32, #tpu.memory_space<vmem>> -> memref<1x128xi32, #tpu.memory_space<vmem>>
        %dma_start3A_263 = tpu.memref_squeeze %dma_start3A_262 : memref<1x128xi32, #tpu.memory_space<vmem>> -> memref<128xi32, #tpu.memory_space<vmem>>
        %dma_start3A_264 = arith.constant 0 : i32
        %dma_start3A_265 = arith.constant 0 : i32
        %dma_start3A_266 = tpu.memref_slice %arg5[%dma_start3A_264, %dma_start3A_265] : memref<22806528x8xf32, #tpu.memory_space<hbm>> -> memref<22806528x8xf32, #tpu.memory_space<hbm>>
        tpu.enqueue_indirect_dma source(%dma_start3A_266 : memref<22806528x8xf32, #tpu.memory_space<hbm>>) target(%dma_start3A_260 : memref<128x8xf32, #tpu.memory_space<vmem>>) offsets(%dma_start3A_263 : memref<128xi32, #tpu.memory_space<vmem>>) semaphore(%arg18 : memref<!tpu.dma_semaphore, #tpu.memory_space<semaphore_mem>>)
        %dma_start3A_267 = arith.constant 22 : i32
        %dma_start3A_268 = arith.constant 2816 : i32
        %dma_start3A_269 = arith.constant 0 : i32
        %dma_start3A_270 = tpu.memref_slice %arg16[%dma_start3A_268, %dma_start3A_269] : memref<4096x8xf32, #tpu.memory_space<vmem>> -> memref<128x8xf32, #tpu.memory_space<vmem>>
        %dma_start3A_271 = arith.constant 0 : i32
        %dma_start3A_272 = tpu.memref_slice %arg14[%dma_start3A_267, %dma_start3A_271] : memref<32x128xi32, #tpu.memory_space<vmem>> -> memref<1x128xi32, #tpu.memory_space<vmem>>
        %dma_start3A_273 = tpu.memref_squeeze %dma_start3A_272 : memref<1x128xi32, #tpu.memory_space<vmem>> -> memref<128xi32, #tpu.memory_space<vmem>>
        %dma_start3A_274 = arith.constant 0 : i32
        %dma_start3A_275 = arith.constant 0 : i32
        %dma_start3A_276 = tpu.memref_slice %arg5[%dma_start3A_274, %dma_start3A_275] : memref<22806528x8xf32, #tpu.memory_space<hbm>> -> memref<22806528x8xf32, #tpu.memory_space<hbm>>
        tpu.enqueue_indirect_dma source(%dma_start3A_276 : memref<22806528x8xf32, #tpu.memory_space<hbm>>) target(%dma_start3A_270 : memref<128x8xf32, #tpu.memory_space<vmem>>) offsets(%dma_start3A_273 : memref<128xi32, #tpu.memory_space<vmem>>) semaphore(%arg18 : memref<!tpu.dma_semaphore, #tpu.memory_space<semaphore_mem>>)
        %dma_start3A_277 = arith.constant 23 : i32
        %dma_start3A_278 = arith.constant 2944 : i32
        %dma_start3A_279 = arith.constant 0 : i32
        %dma_start3A_280 = tpu.memref_slice %arg16[%dma_start3A_278, %dma_start3A_279] : memref<4096x8xf32, #tpu.memory_space<vmem>> -> memref<128x8xf32, #tpu.memory_space<vmem>>
        %dma_start3A_281 = arith.constant 0 : i32
        %dma_start3A_282 = tpu.memref_slice %arg14[%dma_start3A_277, %dma_start3A_281] : memref<32x128xi32, #tpu.memory_space<vmem>> -> memref<1x128xi32, #tpu.memory_space<vmem>>
        %dma_start3A_283 = tpu.memref_squeeze %dma_start3A_282 : memref<1x128xi32, #tpu.memory_space<vmem>> -> memref<128xi32, #tpu.memory_space<vmem>>
        %dma_start3A_284 = arith.constant 0 : i32
        %dma_start3A_285 = arith.constant 0 : i32
        %dma_start3A_286 = tpu.memref_slice %arg5[%dma_start3A_284, %dma_start3A_285] : memref<22806528x8xf32, #tpu.memory_space<hbm>> -> memref<22806528x8xf32, #tpu.memory_space<hbm>>
        tpu.enqueue_indirect_dma source(%dma_start3A_286 : memref<22806528x8xf32, #tpu.memory_space<hbm>>) target(%dma_start3A_280 : memref<128x8xf32, #tpu.memory_space<vmem>>) offsets(%dma_start3A_283 : memref<128xi32, #tpu.memory_space<vmem>>) semaphore(%arg18 : memref<!tpu.dma_semaphore, #tpu.memory_space<semaphore_mem>>)
        %dma_start3A_287 = arith.constant 24 : i32
        %dma_start3A_288 = arith.constant 3072 : i32
        %dma_start3A_289 = arith.constant 0 : i32
        %dma_start3A_290 = tpu.memref_slice %arg16[%dma_start3A_288, %dma_start3A_289] : memref<4096x8xf32, #tpu.memory_space<vmem>> -> memref<128x8xf32, #tpu.memory_space<vmem>>
        %dma_start3A_291 = arith.constant 0 : i32
        %dma_start3A_292 = tpu.memref_slice %arg14[%dma_start3A_287, %dma_start3A_291] : memref<32x128xi32, #tpu.memory_space<vmem>> -> memref<1x128xi32, #tpu.memory_space<vmem>>
        %dma_start3A_293 = tpu.memref_squeeze %dma_start3A_292 : memref<1x128xi32, #tpu.memory_space<vmem>> -> memref<128xi32, #tpu.memory_space<vmem>>
        %dma_start3A_294 = arith.constant 0 : i32
        %dma_start3A_295 = arith.constant 0 : i32
        %dma_start3A_296 = tpu.memref_slice %arg5[%dma_start3A_294, %dma_start3A_295] : memref<22806528x8xf32, #tpu.memory_space<hbm>> -> memref<22806528x8xf32, #tpu.memory_space<hbm>>
        tpu.enqueue_indirect_dma source(%dma_start3A_296 : memref<22806528x8xf32, #tpu.memory_space<hbm>>) target(%dma_start3A_290 : memref<128x8xf32, #tpu.memory_space<vmem>>) offsets(%dma_start3A_293 : memref<128xi32, #tpu.memory_space<vmem>>) semaphore(%arg18 : memref<!tpu.dma_semaphore, #tpu.memory_space<semaphore_mem>>)
        %dma_start3A_297 = arith.constant 25 : i32
        %dma_start3A_298 = arith.constant 3200 : i32
        %dma_start3A_299 = arith.constant 0 : i32
        %dma_start3A_300 = tpu.memref_slice %arg16[%dma_start3A_298, %dma_start3A_299] : memref<4096x8xf32, #tpu.memory_space<vmem>> -> memref<128x8xf32, #tpu.memory_space<vmem>>
        %dma_start3A_301 = arith.constant 0 : i32
        %dma_start3A_302 = tpu.memref_slice %arg14[%dma_start3A_297, %dma_start3A_301] : memref<32x128xi32, #tpu.memory_space<vmem>> -> memref<1x128xi32, #tpu.memory_space<vmem>>
        %dma_start3A_303 = tpu.memref_squeeze %dma_start3A_302 : memref<1x128xi32, #tpu.memory_space<vmem>> -> memref<128xi32, #tpu.memory_space<vmem>>
        %dma_start3A_304 = arith.constant 0 : i32
        %dma_start3A_305 = arith.constant 0 : i32
        %dma_start3A_306 = tpu.memref_slice %arg5[%dma_start3A_304, %dma_start3A_305] : memref<22806528x8xf32, #tpu.memory_space<hbm>> -> memref<22806528x8xf32, #tpu.memory_space<hbm>>
        tpu.enqueue_indirect_dma source(%dma_start3A_306 : memref<22806528x8xf32, #tpu.memory_space<hbm>>) target(%dma_start3A_300 : memref<128x8xf32, #tpu.memory_space<vmem>>) offsets(%dma_start3A_303 : memref<128xi32, #tpu.memory_space<vmem>>) semaphore(%arg18 : memref<!tpu.dma_semaphore, #tpu.memory_space<semaphore_mem>>)
        %dma_start3A_307 = arith.constant 26 : i32
        %dma_start3A_308 = arith.constant 3328 : i32
        %dma_start3A_309 = arith.constant 0 : i32
        %dma_start3A_310 = tpu.memref_slice %arg16[%dma_start3A_308, %dma_start3A_309] : memref<4096x8xf32, #tpu.memory_space<vmem>> -> memref<128x8xf32, #tpu.memory_space<vmem>>
        %dma_start3A_311 = arith.constant 0 : i32
        %dma_start3A_312 = tpu.memref_slice %arg14[%dma_start3A_307, %dma_start3A_311] : memref<32x128xi32, #tpu.memory_space<vmem>> -> memref<1x128xi32, #tpu.memory_space<vmem>>
        %dma_start3A_313 = tpu.memref_squeeze %dma_start3A_312 : memref<1x128xi32, #tpu.memory_space<vmem>> -> memref<128xi32, #tpu.memory_space<vmem>>
        %dma_start3A_314 = arith.constant 0 : i32
        %dma_start3A_315 = arith.constant 0 : i32
        %dma_start3A_316 = tpu.memref_slice %arg5[%dma_start3A_314, %dma_start3A_315] : memref<22806528x8xf32, #tpu.memory_space<hbm>> -> memref<22806528x8xf32, #tpu.memory_space<hbm>>
        tpu.enqueue_indirect_dma source(%dma_start3A_316 : memref<22806528x8xf32, #tpu.memory_space<hbm>>) target(%dma_start3A_310 : memref<128x8xf32, #tpu.memory_space<vmem>>) offsets(%dma_start3A_313 : memref<128xi32, #tpu.memory_space<vmem>>) semaphore(%arg18 : memref<!tpu.dma_semaphore, #tpu.memory_space<semaphore_mem>>)
        %dma_start3A_317 = arith.constant 27 : i32
        %dma_start3A_318 = arith.constant 3456 : i32
        %dma_start3A_319 = arith.constant 0 : i32
        %dma_start3A_320 = tpu.memref_slice %arg16[%dma_start3A_318, %dma_start3A_319] : memref<4096x8xf32, #tpu.memory_space<vmem>> -> memref<128x8xf32, #tpu.memory_space<vmem>>
        %dma_start3A_321 = arith.constant 0 : i32
        %dma_start3A_322 = tpu.memref_slice %arg14[%dma_start3A_317, %dma_start3A_321] : memref<32x128xi32, #tpu.memory_space<vmem>> -> memref<1x128xi32, #tpu.memory_space<vmem>>
        %dma_start3A_323 = tpu.memref_squeeze %dma_start3A_322 : memref<1x128xi32, #tpu.memory_space<vmem>> -> memref<128xi32, #tpu.memory_space<vmem>>
        %dma_start3A_324 = arith.constant 0 : i32
        %dma_start3A_325 = arith.constant 0 : i32
        %dma_start3A_326 = tpu.memref_slice %arg5[%dma_start3A_324, %dma_start3A_325] : memref<22806528x8xf32, #tpu.memory_space<hbm>> -> memref<22806528x8xf32, #tpu.memory_space<hbm>>
        tpu.enqueue_indirect_dma source(%dma_start3A_326 : memref<22806528x8xf32, #tpu.memory_space<hbm>>) target(%dma_start3A_320 : memref<128x8xf32, #tpu.memory_space<vmem>>) offsets(%dma_start3A_323 : memref<128xi32, #tpu.memory_space<vmem>>) semaphore(%arg18 : memref<!tpu.dma_semaphore, #tpu.memory_space<semaphore_mem>>)
        %dma_start3A_327 = arith.constant 28 : i32
        %dma_start3A_328 = arith.constant 3584 : i32
        %dma_start3A_329 = arith.constant 0 : i32
        %dma_start3A_330 = tpu.memref_slice %arg16[%dma_start3A_328, %dma_start3A_329] : memref<4096x8xf32, #tpu.memory_space<vmem>> -> memref<128x8xf32, #tpu.memory_space<vmem>>
        %dma_start3A_331 = arith.constant 0 : i32
        %dma_start3A_332 = tpu.memref_slice %arg14[%dma_start3A_327, %dma_start3A_331] : memref<32x128xi32, #tpu.memory_space<vmem>> -> memref<1x128xi32, #tpu.memory_space<vmem>>
        %dma_start3A_333 = tpu.memref_squeeze %dma_start3A_332 : memref<1x128xi32, #tpu.memory_space<vmem>> -> memref<128xi32, #tpu.memory_space<vmem>>
        %dma_start3A_334 = arith.constant 0 : i32
        %dma_start3A_335 = arith.constant 0 : i32
        %dma_start3A_336 = tpu.memref_slice %arg5[%dma_start3A_334, %dma_start3A_335] : memref<22806528x8xf32, #tpu.memory_space<hbm>> -> memref<22806528x8xf32, #tpu.memory_space<hbm>>
        tpu.enqueue_indirect_dma source(%dma_start3A_336 : memref<22806528x8xf32, #tpu.memory_space<hbm>>) target(%dma_start3A_330 : memref<128x8xf32, #tpu.memory_space<vmem>>) offsets(%dma_start3A_333 : memref<128xi32, #tpu.memory_space<vmem>>) semaphore(%arg18 : memref<!tpu.dma_semaphore, #tpu.memory_space<semaphore_mem>>)
        %dma_start3A_337 = arith.constant 29 : i32
        %dma_start3A_338 = arith.constant 3712 : i32
        %dma_start3A_339 = arith.constant 0 : i32
        %dma_start3A_340 = tpu.memref_slice %arg16[%dma_start3A_338, %dma_start3A_339] : memref<4096x8xf32, #tpu.memory_space<vmem>> -> memref<128x8xf32, #tpu.memory_space<vmem>>
        %dma_start3A_341 = arith.constant 0 : i32
        %dma_start3A_342 = tpu.memref_slice %arg14[%dma_start3A_337, %dma_start3A_341] : memref<32x128xi32, #tpu.memory_space<vmem>> -> memref<1x128xi32, #tpu.memory_space<vmem>>
        %dma_start3A_343 = tpu.memref_squeeze %dma_start3A_342 : memref<1x128xi32, #tpu.memory_space<vmem>> -> memref<128xi32, #tpu.memory_space<vmem>>
        %dma_start3A_344 = arith.constant 0 : i32
        %dma_start3A_345 = arith.constant 0 : i32
        %dma_start3A_346 = tpu.memref_slice %arg5[%dma_start3A_344, %dma_start3A_345] : memref<22806528x8xf32, #tpu.memory_space<hbm>> -> memref<22806528x8xf32, #tpu.memory_space<hbm>>
        tpu.enqueue_indirect_dma source(%dma_start3A_346 : memref<22806528x8xf32, #tpu.memory_space<hbm>>) target(%dma_start3A_340 : memref<128x8xf32, #tpu.memory_space<vmem>>) offsets(%dma_start3A_343 : memref<128xi32, #tpu.memory_space<vmem>>) semaphore(%arg18 : memref<!tpu.dma_semaphore, #tpu.memory_space<semaphore_mem>>)
        %dma_start3A_347 = arith.constant 30 : i32
        %dma_start3A_348 = arith.constant 3840 : i32
        %dma_start3A_349 = arith.constant 0 : i32
        %dma_start3A_350 = tpu.memref_slice %arg16[%dma_start3A_348, %dma_start3A_349] : memref<4096x8xf32, #tpu.memory_space<vmem>> -> memref<128x8xf32, #tpu.memory_space<vmem>>
        %dma_start3A_351 = arith.constant 0 : i32
        %dma_start3A_352 = tpu.memref_slice %arg14[%dma_start3A_347, %dma_start3A_351] : memref<32x128xi32, #tpu.memory_space<vmem>> -> memref<1x128xi32, #tpu.memory_space<vmem>>
        %dma_start3A_353 = tpu.memref_squeeze %dma_start3A_352 : memref<1x128xi32, #tpu.memory_space<vmem>> -> memref<128xi32, #tpu.memory_space<vmem>>
        %dma_start3A_354 = arith.constant 0 : i32
        %dma_start3A_355 = arith.constant 0 : i32
        %dma_start3A_356 = tpu.memref_slice %arg5[%dma_start3A_354, %dma_start3A_355] : memref<22806528x8xf32, #tpu.memory_space<hbm>> -> memref<22806528x8xf32, #tpu.memory_space<hbm>>
        tpu.enqueue_indirect_dma source(%dma_start3A_356 : memref<22806528x8xf32, #tpu.memory_space<hbm>>) target(%dma_start3A_350 : memref<128x8xf32, #tpu.memory_space<vmem>>) offsets(%dma_start3A_353 : memref<128xi32, #tpu.memory_space<vmem>>) semaphore(%arg18 : memref<!tpu.dma_semaphore, #tpu.memory_space<semaphore_mem>>)
        %dma_start3A_357 = arith.constant 31 : i32
        %dma_start3A_358 = arith.constant 3968 : i32
        %dma_start3A_359 = arith.constant 0 : i32
        %dma_start3A_360 = tpu.memref_slice %arg16[%dma_start3A_358, %dma_start3A_359] : memref<4096x8xf32, #tpu.memory_space<vmem>> -> memref<128x8xf32, #tpu.memory_space<vmem>>
        %dma_start3A_361 = arith.constant 0 : i32
        %dma_start3A_362 = tpu.memref_slice %arg14[%dma_start3A_357, %dma_start3A_361] : memref<32x128xi32, #tpu.memory_space<vmem>> -> memref<1x128xi32, #tpu.memory_space<vmem>>
        %dma_start3A_363 = tpu.memref_squeeze %dma_start3A_362 : memref<1x128xi32, #tpu.memory_space<vmem>> -> memref<128xi32, #tpu.memory_space<vmem>>
        %dma_start3A_364 = arith.constant 0 : i32
        %dma_start3A_365 = arith.constant 0 : i32
        %dma_start3A_366 = tpu.memref_slice %arg5[%dma_start3A_364, %dma_start3A_365] : memref<22806528x8xf32, #tpu.memory_space<hbm>> -> memref<22806528x8xf32, #tpu.memory_space<hbm>>
        tpu.enqueue_indirect_dma source(%dma_start3A_366 : memref<22806528x8xf32, #tpu.memory_space<hbm>>) target(%dma_start3A_360 : memref<128x8xf32, #tpu.memory_space<vmem>>) offsets(%dma_start3A_363 : memref<128xi32, #tpu.memory_space<vmem>>) semaphore(%arg18 : memref<!tpu.dma_semaphore, #tpu.memory_space<semaphore_mem>>)
        %dma_wait3A = arith.constant 0 : i32
        %dma_wait3A_367 = arith.constant 0 : i32
        %dma_wait3A_368 = arith.constant 0 : i32
        %dma_wait3A_369 = tpu.memref_slice %arg16[%dma_wait3A_367, %dma_wait3A_368] : memref<4096x8xf32, #tpu.memory_space<vmem>> -> memref<128x8xf32, #tpu.memory_space<vmem>>
        %dma_wait3A_370 = arith.constant 0 : i32
        %dma_wait3A_371 = tpu.memref_slice %arg14[%dma_wait3A, %dma_wait3A_370] : memref<32x128xi32, #tpu.memory_space<vmem>> -> memref<1x128xi32, #tpu.memory_space<vmem>>
        %dma_wait3A_372 = tpu.memref_squeeze %dma_wait3A_371 : memref<1x128xi32, #tpu.memory_space<vmem>> -> memref<128xi32, #tpu.memory_space<vmem>>
        %dma_wait3A_373 = arith.constant 0 : i32
        %dma_wait3A_374 = arith.constant 0 : i32
        %dma_wait3A_375 = tpu.memref_slice %arg5[%dma_wait3A_373, %dma_wait3A_374] : memref<22806528x8xf32, #tpu.memory_space<hbm>> -> memref<22806528x8xf32, #tpu.memory_space<hbm>>
        tpu.wait_indirect_dma semaphore(%arg18 : memref<!tpu.dma_semaphore, #tpu.memory_space<semaphore_mem>>) src(%dma_wait3A_375 : memref<22806528x8xf32, #tpu.memory_space<hbm>>) dst(%dma_wait3A_369 : memref<128x8xf32, #tpu.memory_space<vmem>>)
        %dma_wait3A_376 = arith.constant 1 : i32
        %dma_wait3A_377 = arith.constant 128 : i32
        %dma_wait3A_378 = arith.constant 0 : i32
        %dma_wait3A_379 = tpu.memref_slice %arg16[%dma_wait3A_377, %dma_wait3A_378] : memref<4096x8xf32, #tpu.memory_space<vmem>> -> memref<128x8xf32, #tpu.memory_space<vmem>>
        %dma_wait3A_380 = arith.constant 0 : i32
        %dma_wait3A_381 = tpu.memref_slice %arg14[%dma_wait3A_376, %dma_wait3A_380] : memref<32x128xi32, #tpu.memory_space<vmem>> -> memref<1x128xi32, #tpu.memory_space<vmem>>
        %dma_wait3A_382 = tpu.memref_squeeze %dma_wait3A_381 : memref<1x128xi32, #tpu.memory_space<vmem>> -> memref<128xi32, #tpu.memory_space<vmem>>
        %dma_wait3A_383 = arith.constant 0 : i32
        %dma_wait3A_384 = arith.constant 0 : i32
        %dma_wait3A_385 = tpu.memref_slice %arg5[%dma_wait3A_383, %dma_wait3A_384] : memref<22806528x8xf32, #tpu.memory_space<hbm>> -> memref<22806528x8xf32, #tpu.memory_space<hbm>>
        tpu.wait_indirect_dma semaphore(%arg18 : memref<!tpu.dma_semaphore, #tpu.memory_space<semaphore_mem>>) src(%dma_wait3A_385 : memref<22806528x8xf32, #tpu.memory_space<hbm>>) dst(%dma_wait3A_379 : memref<128x8xf32, #tpu.memory_space<vmem>>)
        %dma_wait3A_386 = arith.constant 2 : i32
        %dma_wait3A_387 = arith.constant 256 : i32
        %dma_wait3A_388 = arith.constant 0 : i32
        %dma_wait3A_389 = tpu.memref_slice %arg16[%dma_wait3A_387, %dma_wait3A_388] : memref<4096x8xf32, #tpu.memory_space<vmem>> -> memref<128x8xf32, #tpu.memory_space<vmem>>
        %dma_wait3A_390 = arith.constant 0 : i32
        %dma_wait3A_391 = tpu.memref_slice %arg14[%dma_wait3A_386, %dma_wait3A_390] : memref<32x128xi32, #tpu.memory_space<vmem>> -> memref<1x128xi32, #tpu.memory_space<vmem>>
        %dma_wait3A_392 = tpu.memref_squeeze %dma_wait3A_391 : memref<1x128xi32, #tpu.memory_space<vmem>> -> memref<128xi32, #tpu.memory_space<vmem>>
        %dma_wait3A_393 = arith.constant 0 : i32
        %dma_wait3A_394 = arith.constant 0 : i32
        %dma_wait3A_395 = tpu.memref_slice %arg5[%dma_wait3A_393, %dma_wait3A_394] : memref<22806528x8xf32, #tpu.memory_space<hbm>> -> memref<22806528x8xf32, #tpu.memory_space<hbm>>
        tpu.wait_indirect_dma semaphore(%arg18 : memref<!tpu.dma_semaphore, #tpu.memory_space<semaphore_mem>>) src(%dma_wait3A_395 : memref<22806528x8xf32, #tpu.memory_space<hbm>>) dst(%dma_wait3A_389 : memref<128x8xf32, #tpu.memory_space<vmem>>)
        %dma_wait3A_396 = arith.constant 3 : i32
        %dma_wait3A_397 = arith.constant 384 : i32
        %dma_wait3A_398 = arith.constant 0 : i32
        %dma_wait3A_399 = tpu.memref_slice %arg16[%dma_wait3A_397, %dma_wait3A_398] : memref<4096x8xf32, #tpu.memory_space<vmem>> -> memref<128x8xf32, #tpu.memory_space<vmem>>
        %dma_wait3A_400 = arith.constant 0 : i32
        %dma_wait3A_401 = tpu.memref_slice %arg14[%dma_wait3A_396, %dma_wait3A_400] : memref<32x128xi32, #tpu.memory_space<vmem>> -> memref<1x128xi32, #tpu.memory_space<vmem>>
        %dma_wait3A_402 = tpu.memref_squeeze %dma_wait3A_401 : memref<1x128xi32, #tpu.memory_space<vmem>> -> memref<128xi32, #tpu.memory_space<vmem>>
        %dma_wait3A_403 = arith.constant 0 : i32
        %dma_wait3A_404 = arith.constant 0 : i32
        %dma_wait3A_405 = tpu.memref_slice %arg5[%dma_wait3A_403, %dma_wait3A_404] : memref<22806528x8xf32, #tpu.memory_space<hbm>> -> memref<22806528x8xf32, #tpu.memory_space<hbm>>
        tpu.wait_indirect_dma semaphore(%arg18 : memref<!tpu.dma_semaphore, #tpu.memory_space<semaphore_mem>>) src(%dma_wait3A_405 : memref<22806528x8xf32, #tpu.memory_space<hbm>>) dst(%dma_wait3A_399 : memref<128x8xf32, #tpu.memory_space<vmem>>)
        %dma_wait3A_406 = arith.constant 4 : i32
        %dma_wait3A_407 = arith.constant 512 : i32
        %dma_wait3A_408 = arith.constant 0 : i32
        %dma_wait3A_409 = tpu.memref_slice %arg16[%dma_wait3A_407, %dma_wait3A_408] : memref<4096x8xf32, #tpu.memory_space<vmem>> -> memref<128x8xf32, #tpu.memory_space<vmem>>
        %dma_wait3A_410 = arith.constant 0 : i32
        %dma_wait3A_411 = tpu.memref_slice %arg14[%dma_wait3A_406, %dma_wait3A_410] : memref<32x128xi32, #tpu.memory_space<vmem>> -> memref<1x128xi32, #tpu.memory_space<vmem>>
        %dma_wait3A_412 = tpu.memref_squeeze %dma_wait3A_411 : memref<1x128xi32, #tpu.memory_space<vmem>> -> memref<128xi32, #tpu.memory_space<vmem>>
        %dma_wait3A_413 = arith.constant 0 : i32
        %dma_wait3A_414 = arith.constant 0 : i32
        %dma_wait3A_415 = tpu.memref_slice %arg5[%dma_wait3A_413, %dma_wait3A_414] : memref<22806528x8xf32, #tpu.memory_space<hbm>> -> memref<22806528x8xf32, #tpu.memory_space<hbm>>
        tpu.wait_indirect_dma semaphore(%arg18 : memref<!tpu.dma_semaphore, #tpu.memory_space<semaphore_mem>>) src(%dma_wait3A_415 : memref<22806528x8xf32, #tpu.memory_space<hbm>>) dst(%dma_wait3A_409 : memref<128x8xf32, #tpu.memory_space<vmem>>)
        %dma_wait3A_416 = arith.constant 5 : i32
        %dma_wait3A_417 = arith.constant 640 : i32
        %dma_wait3A_418 = arith.constant 0 : i32
        %dma_wait3A_419 = tpu.memref_slice %arg16[%dma_wait3A_417, %dma_wait3A_418] : memref<4096x8xf32, #tpu.memory_space<vmem>> -> memref<128x8xf32, #tpu.memory_space<vmem>>
        %dma_wait3A_420 = arith.constant 0 : i32
        %dma_wait3A_421 = tpu.memref_slice %arg14[%dma_wait3A_416, %dma_wait3A_420] : memref<32x128xi32, #tpu.memory_space<vmem>> -> memref<1x128xi32, #tpu.memory_space<vmem>>
        %dma_wait3A_422 = tpu.memref_squeeze %dma_wait3A_421 : memref<1x128xi32, #tpu.memory_space<vmem>> -> memref<128xi32, #tpu.memory_space<vmem>>
        %dma_wait3A_423 = arith.constant 0 : i32
        %dma_wait3A_424 = arith.constant 0 : i32
        %dma_wait3A_425 = tpu.memref_slice %arg5[%dma_wait3A_423, %dma_wait3A_424] : memref<22806528x8xf32, #tpu.memory_space<hbm>> -> memref<22806528x8xf32, #tpu.memory_space<hbm>>
        tpu.wait_indirect_dma semaphore(%arg18 : memref<!tpu.dma_semaphore, #tpu.memory_space<semaphore_mem>>) src(%dma_wait3A_425 : memref<22806528x8xf32, #tpu.memory_space<hbm>>) dst(%dma_wait3A_419 : memref<128x8xf32, #tpu.memory_space<vmem>>)
        %dma_wait3A_426 = arith.constant 6 : i32
        %dma_wait3A_427 = arith.constant 768 : i32
        %dma_wait3A_428 = arith.constant 0 : i32
        %dma_wait3A_429 = tpu.memref_slice %arg16[%dma_wait3A_427, %dma_wait3A_428] : memref<4096x8xf32, #tpu.memory_space<vmem>> -> memref<128x8xf32, #tpu.memory_space<vmem>>
        %dma_wait3A_430 = arith.constant 0 : i32
        %dma_wait3A_431 = tpu.memref_slice %arg14[%dma_wait3A_426, %dma_wait3A_430] : memref<32x128xi32, #tpu.memory_space<vmem>> -> memref<1x128xi32, #tpu.memory_space<vmem>>
        %dma_wait3A_432 = tpu.memref_squeeze %dma_wait3A_431 : memref<1x128xi32, #tpu.memory_space<vmem>> -> memref<128xi32, #tpu.memory_space<vmem>>
        %dma_wait3A_433 = arith.constant 0 : i32
        %dma_wait3A_434 = arith.constant 0 : i32
        %dma_wait3A_435 = tpu.memref_slice %arg5[%dma_wait3A_433, %dma_wait3A_434] : memref<22806528x8xf32, #tpu.memory_space<hbm>> -> memref<22806528x8xf32, #tpu.memory_space<hbm>>
        tpu.wait_indirect_dma semaphore(%arg18 : memref<!tpu.dma_semaphore, #tpu.memory_space<semaphore_mem>>) src(%dma_wait3A_435 : memref<22806528x8xf32, #tpu.memory_space<hbm>>) dst(%dma_wait3A_429 : memref<128x8xf32, #tpu.memory_space<vmem>>)
        %dma_wait3A_436 = arith.constant 7 : i32
        %dma_wait3A_437 = arith.constant 896 : i32
        %dma_wait3A_438 = arith.constant 0 : i32
        %dma_wait3A_439 = tpu.memref_slice %arg16[%dma_wait3A_437, %dma_wait3A_438] : memref<4096x8xf32, #tpu.memory_space<vmem>> -> memref<128x8xf32, #tpu.memory_space<vmem>>
        %dma_wait3A_440 = arith.constant 0 : i32
        %dma_wait3A_441 = tpu.memref_slice %arg14[%dma_wait3A_436, %dma_wait3A_440] : memref<32x128xi32, #tpu.memory_space<vmem>> -> memref<1x128xi32, #tpu.memory_space<vmem>>
        %dma_wait3A_442 = tpu.memref_squeeze %dma_wait3A_441 : memref<1x128xi32, #tpu.memory_space<vmem>> -> memref<128xi32, #tpu.memory_space<vmem>>
        %dma_wait3A_443 = arith.constant 0 : i32
        %dma_wait3A_444 = arith.constant 0 : i32
        %dma_wait3A_445 = tpu.memref_slice %arg5[%dma_wait3A_443, %dma_wait3A_444] : memref<22806528x8xf32, #tpu.memory_space<hbm>> -> memref<22806528x8xf32, #tpu.memory_space<hbm>>
        tpu.wait_indirect_dma semaphore(%arg18 : memref<!tpu.dma_semaphore, #tpu.memory_space<semaphore_mem>>) src(%dma_wait3A_445 : memref<22806528x8xf32, #tpu.memory_space<hbm>>) dst(%dma_wait3A_439 : memref<128x8xf32, #tpu.memory_space<vmem>>)
        %dma_wait3A_446 = arith.constant 8 : i32
        %dma_wait3A_447 = arith.constant 1024 : i32
        %dma_wait3A_448 = arith.constant 0 : i32
        %dma_wait3A_449 = tpu.memref_slice %arg16[%dma_wait3A_447, %dma_wait3A_448] : memref<4096x8xf32, #tpu.memory_space<vmem>> -> memref<128x8xf32, #tpu.memory_space<vmem>>
        %dma_wait3A_450 = arith.constant 0 : i32
        %dma_wait3A_451 = tpu.memref_slice %arg14[%dma_wait3A_446, %dma_wait3A_450] : memref<32x128xi32, #tpu.memory_space<vmem>> -> memref<1x128xi32, #tpu.memory_space<vmem>>
        %dma_wait3A_452 = tpu.memref_squeeze %dma_wait3A_451 : memref<1x128xi32, #tpu.memory_space<vmem>> -> memref<128xi32, #tpu.memory_space<vmem>>
        %dma_wait3A_453 = arith.constant 0 : i32
        %dma_wait3A_454 = arith.constant 0 : i32
        %dma_wait3A_455 = tpu.memref_slice %arg5[%dma_wait3A_453, %dma_wait3A_454] : memref<22806528x8xf32, #tpu.memory_space<hbm>> -> memref<22806528x8xf32, #tpu.memory_space<hbm>>
        tpu.wait_indirect_dma semaphore(%arg18 : memref<!tpu.dma_semaphore, #tpu.memory_space<semaphore_mem>>) src(%dma_wait3A_455 : memref<22806528x8xf32, #tpu.memory_space<hbm>>) dst(%dma_wait3A_449 : memref<128x8xf32, #tpu.memory_space<vmem>>)
        %dma_wait3A_456 = arith.constant 9 : i32
        %dma_wait3A_457 = arith.constant 1152 : i32
        %dma_wait3A_458 = arith.constant 0 : i32
        %dma_wait3A_459 = tpu.memref_slice %arg16[%dma_wait3A_457, %dma_wait3A_458] : memref<4096x8xf32, #tpu.memory_space<vmem>> -> memref<128x8xf32, #tpu.memory_space<vmem>>
        %dma_wait3A_460 = arith.constant 0 : i32
        %dma_wait3A_461 = tpu.memref_slice %arg14[%dma_wait3A_456, %dma_wait3A_460] : memref<32x128xi32, #tpu.memory_space<vmem>> -> memref<1x128xi32, #tpu.memory_space<vmem>>
        %dma_wait3A_462 = tpu.memref_squeeze %dma_wait3A_461 : memref<1x128xi32, #tpu.memory_space<vmem>> -> memref<128xi32, #tpu.memory_space<vmem>>
        %dma_wait3A_463 = arith.constant 0 : i32
        %dma_wait3A_464 = arith.constant 0 : i32
        %dma_wait3A_465 = tpu.memref_slice %arg5[%dma_wait3A_463, %dma_wait3A_464] : memref<22806528x8xf32, #tpu.memory_space<hbm>> -> memref<22806528x8xf32, #tpu.memory_space<hbm>>
        tpu.wait_indirect_dma semaphore(%arg18 : memref<!tpu.dma_semaphore, #tpu.memory_space<semaphore_mem>>) src(%dma_wait3A_465 : memref<22806528x8xf32, #tpu.memory_space<hbm>>) dst(%dma_wait3A_459 : memref<128x8xf32, #tpu.memory_space<vmem>>)
        %dma_wait3A_466 = arith.constant 10 : i32
        %dma_wait3A_467 = arith.constant 1280 : i32
        %dma_wait3A_468 = arith.constant 0 : i32
        %dma_wait3A_469 = tpu.memref_slice %arg16[%dma_wait3A_467, %dma_wait3A_468] : memref<4096x8xf32, #tpu.memory_space<vmem>> -> memref<128x8xf32, #tpu.memory_space<vmem>>
        %dma_wait3A_470 = arith.constant 0 : i32
        %dma_wait3A_471 = tpu.memref_slice %arg14[%dma_wait3A_466, %dma_wait3A_470] : memref<32x128xi32, #tpu.memory_space<vmem>> -> memref<1x128xi32, #tpu.memory_space<vmem>>
        %dma_wait3A_472 = tpu.memref_squeeze %dma_wait3A_471 : memref<1x128xi32, #tpu.memory_space<vmem>> -> memref<128xi32, #tpu.memory_space<vmem>>
        %dma_wait3A_473 = arith.constant 0 : i32
        %dma_wait3A_474 = arith.constant 0 : i32
        %dma_wait3A_475 = tpu.memref_slice %arg5[%dma_wait3A_473, %dma_wait3A_474] : memref<22806528x8xf32, #tpu.memory_space<hbm>> -> memref<22806528x8xf32, #tpu.memory_space<hbm>>
        tpu.wait_indirect_dma semaphore(%arg18 : memref<!tpu.dma_semaphore, #tpu.memory_space<semaphore_mem>>) src(%dma_wait3A_475 : memref<22806528x8xf32, #tpu.memory_space<hbm>>) dst(%dma_wait3A_469 : memref<128x8xf32, #tpu.memory_space<vmem>>)
        %dma_wait3A_476 = arith.constant 11 : i32
        %dma_wait3A_477 = arith.constant 1408 : i32
        %dma_wait3A_478 = arith.constant 0 : i32
        %dma_wait3A_479 = tpu.memref_slice %arg16[%dma_wait3A_477, %dma_wait3A_478] : memref<4096x8xf32, #tpu.memory_space<vmem>> -> memref<128x8xf32, #tpu.memory_space<vmem>>
        %dma_wait3A_480 = arith.constant 0 : i32
        %dma_wait3A_481 = tpu.memref_slice %arg14[%dma_wait3A_476, %dma_wait3A_480] : memref<32x128xi32, #tpu.memory_space<vmem>> -> memref<1x128xi32, #tpu.memory_space<vmem>>
        %dma_wait3A_482 = tpu.memref_squeeze %dma_wait3A_481 : memref<1x128xi32, #tpu.memory_space<vmem>> -> memref<128xi32, #tpu.memory_space<vmem>>
        %dma_wait3A_483 = arith.constant 0 : i32
        %dma_wait3A_484 = arith.constant 0 : i32
        %dma_wait3A_485 = tpu.memref_slice %arg5[%dma_wait3A_483, %dma_wait3A_484] : memref<22806528x8xf32, #tpu.memory_space<hbm>> -> memref<22806528x8xf32, #tpu.memory_space<hbm>>
        tpu.wait_indirect_dma semaphore(%arg18 : memref<!tpu.dma_semaphore, #tpu.memory_space<semaphore_mem>>) src(%dma_wait3A_485 : memref<22806528x8xf32, #tpu.memory_space<hbm>>) dst(%dma_wait3A_479 : memref<128x8xf32, #tpu.memory_space<vmem>>)
        %dma_wait3A_486 = arith.constant 12 : i32
        %dma_wait3A_487 = arith.constant 1536 : i32
        %dma_wait3A_488 = arith.constant 0 : i32
        %dma_wait3A_489 = tpu.memref_slice %arg16[%dma_wait3A_487, %dma_wait3A_488] : memref<4096x8xf32, #tpu.memory_space<vmem>> -> memref<128x8xf32, #tpu.memory_space<vmem>>
        %dma_wait3A_490 = arith.constant 0 : i32
        %dma_wait3A_491 = tpu.memref_slice %arg14[%dma_wait3A_486, %dma_wait3A_490] : memref<32x128xi32, #tpu.memory_space<vmem>> -> memref<1x128xi32, #tpu.memory_space<vmem>>
        %dma_wait3A_492 = tpu.memref_squeeze %dma_wait3A_491 : memref<1x128xi32, #tpu.memory_space<vmem>> -> memref<128xi32, #tpu.memory_space<vmem>>
        %dma_wait3A_493 = arith.constant 0 : i32
        %dma_wait3A_494 = arith.constant 0 : i32
        %dma_wait3A_495 = tpu.memref_slice %arg5[%dma_wait3A_493, %dma_wait3A_494] : memref<22806528x8xf32, #tpu.memory_space<hbm>> -> memref<22806528x8xf32, #tpu.memory_space<hbm>>
        tpu.wait_indirect_dma semaphore(%arg18 : memref<!tpu.dma_semaphore, #tpu.memory_space<semaphore_mem>>) src(%dma_wait3A_495 : memref<22806528x8xf32, #tpu.memory_space<hbm>>) dst(%dma_wait3A_489 : memref<128x8xf32, #tpu.memory_space<vmem>>)
        %dma_wait3A_496 = arith.constant 13 : i32
        %dma_wait3A_497 = arith.constant 1664 : i32
        %dma_wait3A_498 = arith.constant 0 : i32
        %dma_wait3A_499 = tpu.memref_slice %arg16[%dma_wait3A_497, %dma_wait3A_498] : memref<4096x8xf32, #tpu.memory_space<vmem>> -> memref<128x8xf32, #tpu.memory_space<vmem>>
        %dma_wait3A_500 = arith.constant 0 : i32
        %dma_wait3A_501 = tpu.memref_slice %arg14[%dma_wait3A_496, %dma_wait3A_500] : memref<32x128xi32, #tpu.memory_space<vmem>> -> memref<1x128xi32, #tpu.memory_space<vmem>>
        %dma_wait3A_502 = tpu.memref_squeeze %dma_wait3A_501 : memref<1x128xi32, #tpu.memory_space<vmem>> -> memref<128xi32, #tpu.memory_space<vmem>>
        %dma_wait3A_503 = arith.constant 0 : i32
        %dma_wait3A_504 = arith.constant 0 : i32
        %dma_wait3A_505 = tpu.memref_slice %arg5[%dma_wait3A_503, %dma_wait3A_504] : memref<22806528x8xf32, #tpu.memory_space<hbm>> -> memref<22806528x8xf32, #tpu.memory_space<hbm>>
        tpu.wait_indirect_dma semaphore(%arg18 : memref<!tpu.dma_semaphore, #tpu.memory_space<semaphore_mem>>) src(%dma_wait3A_505 : memref<22806528x8xf32, #tpu.memory_space<hbm>>) dst(%dma_wait3A_499 : memref<128x8xf32, #tpu.memory_space<vmem>>)
        %dma_wait3A_506 = arith.constant 14 : i32
        %dma_wait3A_507 = arith.constant 1792 : i32
        %dma_wait3A_508 = arith.constant 0 : i32
        %dma_wait3A_509 = tpu.memref_slice %arg16[%dma_wait3A_507, %dma_wait3A_508] : memref<4096x8xf32, #tpu.memory_space<vmem>> -> memref<128x8xf32, #tpu.memory_space<vmem>>
        %dma_wait3A_510 = arith.constant 0 : i32
        %dma_wait3A_511 = tpu.memref_slice %arg14[%dma_wait3A_506, %dma_wait3A_510] : memref<32x128xi32, #tpu.memory_space<vmem>> -> memref<1x128xi32, #tpu.memory_space<vmem>>
        %dma_wait3A_512 = tpu.memref_squeeze %dma_wait3A_511 : memref<1x128xi32, #tpu.memory_space<vmem>> -> memref<128xi32, #tpu.memory_space<vmem>>
        %dma_wait3A_513 = arith.constant 0 : i32
        %dma_wait3A_514 = arith.constant 0 : i32
        %dma_wait3A_515 = tpu.memref_slice %arg5[%dma_wait3A_513, %dma_wait3A_514] : memref<22806528x8xf32, #tpu.memory_space<hbm>> -> memref<22806528x8xf32, #tpu.memory_space<hbm>>
        tpu.wait_indirect_dma semaphore(%arg18 : memref<!tpu.dma_semaphore, #tpu.memory_space<semaphore_mem>>) src(%dma_wait3A_515 : memref<22806528x8xf32, #tpu.memory_space<hbm>>) dst(%dma_wait3A_509 : memref<128x8xf32, #tpu.memory_space<vmem>>)
        %dma_wait3A_516 = arith.constant 15 : i32
        %dma_wait3A_517 = arith.constant 1920 : i32
        %dma_wait3A_518 = arith.constant 0 : i32
        %dma_wait3A_519 = tpu.memref_slice %arg16[%dma_wait3A_517, %dma_wait3A_518] : memref<4096x8xf32, #tpu.memory_space<vmem>> -> memref<128x8xf32, #tpu.memory_space<vmem>>
        %dma_wait3A_520 = arith.constant 0 : i32
        %dma_wait3A_521 = tpu.memref_slice %arg14[%dma_wait3A_516, %dma_wait3A_520] : memref<32x128xi32, #tpu.memory_space<vmem>> -> memref<1x128xi32, #tpu.memory_space<vmem>>
        %dma_wait3A_522 = tpu.memref_squeeze %dma_wait3A_521 : memref<1x128xi32, #tpu.memory_space<vmem>> -> memref<128xi32, #tpu.memory_space<vmem>>
        %dma_wait3A_523 = arith.constant 0 : i32
        %dma_wait3A_524 = arith.constant 0 : i32
        %dma_wait3A_525 = tpu.memref_slice %arg5[%dma_wait3A_523, %dma_wait3A_524] : memref<22806528x8xf32, #tpu.memory_space<hbm>> -> memref<22806528x8xf32, #tpu.memory_space<hbm>>
        tpu.wait_indirect_dma semaphore(%arg18 : memref<!tpu.dma_semaphore, #tpu.memory_space<semaphore_mem>>) src(%dma_wait3A_525 : memref<22806528x8xf32, #tpu.memory_space<hbm>>) dst(%dma_wait3A_519 : memref<128x8xf32, #tpu.memory_space<vmem>>)
        %dma_wait3A_526 = arith.constant 16 : i32
        %dma_wait3A_527 = arith.constant 2048 : i32
        %dma_wait3A_528 = arith.constant 0 : i32
        %dma_wait3A_529 = tpu.memref_slice %arg16[%dma_wait3A_527, %dma_wait3A_528] : memref<4096x8xf32, #tpu.memory_space<vmem>> -> memref<128x8xf32, #tpu.memory_space<vmem>>
        %dma_wait3A_530 = arith.constant 0 : i32
        %dma_wait3A_531 = tpu.memref_slice %arg14[%dma_wait3A_526, %dma_wait3A_530] : memref<32x128xi32, #tpu.memory_space<vmem>> -> memref<1x128xi32, #tpu.memory_space<vmem>>
        %dma_wait3A_532 = tpu.memref_squeeze %dma_wait3A_531 : memref<1x128xi32, #tpu.memory_space<vmem>> -> memref<128xi32, #tpu.memory_space<vmem>>
        %dma_wait3A_533 = arith.constant 0 : i32
        %dma_wait3A_534 = arith.constant 0 : i32
        %dma_wait3A_535 = tpu.memref_slice %arg5[%dma_wait3A_533, %dma_wait3A_534] : memref<22806528x8xf32, #tpu.memory_space<hbm>> -> memref<22806528x8xf32, #tpu.memory_space<hbm>>
        tpu.wait_indirect_dma semaphore(%arg18 : memref<!tpu.dma_semaphore, #tpu.memory_space<semaphore_mem>>) src(%dma_wait3A_535 : memref<22806528x8xf32, #tpu.memory_space<hbm>>) dst(%dma_wait3A_529 : memref<128x8xf32, #tpu.memory_space<vmem>>)
        %dma_wait3A_536 = arith.constant 17 : i32
        %dma_wait3A_537 = arith.constant 2176 : i32
        %dma_wait3A_538 = arith.constant 0 : i32
        %dma_wait3A_539 = tpu.memref_slice %arg16[%dma_wait3A_537, %dma_wait3A_538] : memref<4096x8xf32, #tpu.memory_space<vmem>> -> memref<128x8xf32, #tpu.memory_space<vmem>>
        %dma_wait3A_540 = arith.constant 0 : i32
        %dma_wait3A_541 = tpu.memref_slice %arg14[%dma_wait3A_536, %dma_wait3A_540] : memref<32x128xi32, #tpu.memory_space<vmem>> -> memref<1x128xi32, #tpu.memory_space<vmem>>
        %dma_wait3A_542 = tpu.memref_squeeze %dma_wait3A_541 : memref<1x128xi32, #tpu.memory_space<vmem>> -> memref<128xi32, #tpu.memory_space<vmem>>
        %dma_wait3A_543 = arith.constant 0 : i32
        %dma_wait3A_544 = arith.constant 0 : i32
        %dma_wait3A_545 = tpu.memref_slice %arg5[%dma_wait3A_543, %dma_wait3A_544] : memref<22806528x8xf32, #tpu.memory_space<hbm>> -> memref<22806528x8xf32, #tpu.memory_space<hbm>>
        tpu.wait_indirect_dma semaphore(%arg18 : memref<!tpu.dma_semaphore, #tpu.memory_space<semaphore_mem>>) src(%dma_wait3A_545 : memref<22806528x8xf32, #tpu.memory_space<hbm>>) dst(%dma_wait3A_539 : memref<128x8xf32, #tpu.memory_space<vmem>>)
        %dma_wait3A_546 = arith.constant 18 : i32
        %dma_wait3A_547 = arith.constant 2304 : i32
        %dma_wait3A_548 = arith.constant 0 : i32
        %dma_wait3A_549 = tpu.memref_slice %arg16[%dma_wait3A_547, %dma_wait3A_548] : memref<4096x8xf32, #tpu.memory_space<vmem>> -> memref<128x8xf32, #tpu.memory_space<vmem>>
        %dma_wait3A_550 = arith.constant 0 : i32
        %dma_wait3A_551 = tpu.memref_slice %arg14[%dma_wait3A_546, %dma_wait3A_550] : memref<32x128xi32, #tpu.memory_space<vmem>> -> memref<1x128xi32, #tpu.memory_space<vmem>>
        %dma_wait3A_552 = tpu.memref_squeeze %dma_wait3A_551 : memref<1x128xi32, #tpu.memory_space<vmem>> -> memref<128xi32, #tpu.memory_space<vmem>>
        %dma_wait3A_553 = arith.constant 0 : i32
        %dma_wait3A_554 = arith.constant 0 : i32
        %dma_wait3A_555 = tpu.memref_slice %arg5[%dma_wait3A_553, %dma_wait3A_554] : memref<22806528x8xf32, #tpu.memory_space<hbm>> -> memref<22806528x8xf32, #tpu.memory_space<hbm>>
        tpu.wait_indirect_dma semaphore(%arg18 : memref<!tpu.dma_semaphore, #tpu.memory_space<semaphore_mem>>) src(%dma_wait3A_555 : memref<22806528x8xf32, #tpu.memory_space<hbm>>) dst(%dma_wait3A_549 : memref<128x8xf32, #tpu.memory_space<vmem>>)
        %dma_wait3A_556 = arith.constant 19 : i32
        %dma_wait3A_557 = arith.constant 2432 : i32
        %dma_wait3A_558 = arith.constant 0 : i32
        %dma_wait3A_559 = tpu.memref_slice %arg16[%dma_wait3A_557, %dma_wait3A_558] : memref<4096x8xf32, #tpu.memory_space<vmem>> -> memref<128x8xf32, #tpu.memory_space<vmem>>
        %dma_wait3A_560 = arith.constant 0 : i32
        %dma_wait3A_561 = tpu.memref_slice %arg14[%dma_wait3A_556, %dma_wait3A_560] : memref<32x128xi32, #tpu.memory_space<vmem>> -> memref<1x128xi32, #tpu.memory_space<vmem>>
        %dma_wait3A_562 = tpu.memref_squeeze %dma_wait3A_561 : memref<1x128xi32, #tpu.memory_space<vmem>> -> memref<128xi32, #tpu.memory_space<vmem>>
        %dma_wait3A_563 = arith.constant 0 : i32
        %dma_wait3A_564 = arith.constant 0 : i32
        %dma_wait3A_565 = tpu.memref_slice %arg5[%dma_wait3A_563, %dma_wait3A_564] : memref<22806528x8xf32, #tpu.memory_space<hbm>> -> memref<22806528x8xf32, #tpu.memory_space<hbm>>
        tpu.wait_indirect_dma semaphore(%arg18 : memref<!tpu.dma_semaphore, #tpu.memory_space<semaphore_mem>>) src(%dma_wait3A_565 : memref<22806528x8xf32, #tpu.memory_space<hbm>>) dst(%dma_wait3A_559 : memref<128x8xf32, #tpu.memory_space<vmem>>)
        %dma_wait3A_566 = arith.constant 20 : i32
        %dma_wait3A_567 = arith.constant 2560 : i32
        %dma_wait3A_568 = arith.constant 0 : i32
        %dma_wait3A_569 = tpu.memref_slice %arg16[%dma_wait3A_567, %dma_wait3A_568] : memref<4096x8xf32, #tpu.memory_space<vmem>> -> memref<128x8xf32, #tpu.memory_space<vmem>>
        %dma_wait3A_570 = arith.constant 0 : i32
        %dma_wait3A_571 = tpu.memref_slice %arg14[%dma_wait3A_566, %dma_wait3A_570] : memref<32x128xi32, #tpu.memory_space<vmem>> -> memref<1x128xi32, #tpu.memory_space<vmem>>
        %dma_wait3A_572 = tpu.memref_squeeze %dma_wait3A_571 : memref<1x128xi32, #tpu.memory_space<vmem>> -> memref<128xi32, #tpu.memory_space<vmem>>
        %dma_wait3A_573 = arith.constant 0 : i32
        %dma_wait3A_574 = arith.constant 0 : i32
        %dma_wait3A_575 = tpu.memref_slice %arg5[%dma_wait3A_573, %dma_wait3A_574] : memref<22806528x8xf32, #tpu.memory_space<hbm>> -> memref<22806528x8xf32, #tpu.memory_space<hbm>>
        tpu.wait_indirect_dma semaphore(%arg18 : memref<!tpu.dma_semaphore, #tpu.memory_space<semaphore_mem>>) src(%dma_wait3A_575 : memref<22806528x8xf32, #tpu.memory_space<hbm>>) dst(%dma_wait3A_569 : memref<128x8xf32, #tpu.memory_space<vmem>>)
        %dma_wait3A_576 = arith.constant 21 : i32
        %dma_wait3A_577 = arith.constant 2688 : i32
        %dma_wait3A_578 = arith.constant 0 : i32
        %dma_wait3A_579 = tpu.memref_slice %arg16[%dma_wait3A_577, %dma_wait3A_578] : memref<4096x8xf32, #tpu.memory_space<vmem>> -> memref<128x8xf32, #tpu.memory_space<vmem>>
        %dma_wait3A_580 = arith.constant 0 : i32
        %dma_wait3A_581 = tpu.memref_slice %arg14[%dma_wait3A_576, %dma_wait3A_580] : memref<32x128xi32, #tpu.memory_space<vmem>> -> memref<1x128xi32, #tpu.memory_space<vmem>>
        %dma_wait3A_582 = tpu.memref_squeeze %dma_wait3A_581 : memref<1x128xi32, #tpu.memory_space<vmem>> -> memref<128xi32, #tpu.memory_space<vmem>>
        %dma_wait3A_583 = arith.constant 0 : i32
        %dma_wait3A_584 = arith.constant 0 : i32
        %dma_wait3A_585 = tpu.memref_slice %arg5[%dma_wait3A_583, %dma_wait3A_584] : memref<22806528x8xf32, #tpu.memory_space<hbm>> -> memref<22806528x8xf32, #tpu.memory_space<hbm>>
        tpu.wait_indirect_dma semaphore(%arg18 : memref<!tpu.dma_semaphore, #tpu.memory_space<semaphore_mem>>) src(%dma_wait3A_585 : memref<22806528x8xf32, #tpu.memory_space<hbm>>) dst(%dma_wait3A_579 : memref<128x8xf32, #tpu.memory_space<vmem>>)
        %dma_wait3A_586 = arith.constant 22 : i32
        %dma_wait3A_587 = arith.constant 2816 : i32
        %dma_wait3A_588 = arith.constant 0 : i32
        %dma_wait3A_589 = tpu.memref_slice %arg16[%dma_wait3A_587, %dma_wait3A_588] : memref<4096x8xf32, #tpu.memory_space<vmem>> -> memref<128x8xf32, #tpu.memory_space<vmem>>
        %dma_wait3A_590 = arith.constant 0 : i32
        %dma_wait3A_591 = tpu.memref_slice %arg14[%dma_wait3A_586, %dma_wait3A_590] : memref<32x128xi32, #tpu.memory_space<vmem>> -> memref<1x128xi32, #tpu.memory_space<vmem>>
        %dma_wait3A_592 = tpu.memref_squeeze %dma_wait3A_591 : memref<1x128xi32, #tpu.memory_space<vmem>> -> memref<128xi32, #tpu.memory_space<vmem>>
        %dma_wait3A_593 = arith.constant 0 : i32
        %dma_wait3A_594 = arith.constant 0 : i32
        %dma_wait3A_595 = tpu.memref_slice %arg5[%dma_wait3A_593, %dma_wait3A_594] : memref<22806528x8xf32, #tpu.memory_space<hbm>> -> memref<22806528x8xf32, #tpu.memory_space<hbm>>
        tpu.wait_indirect_dma semaphore(%arg18 : memref<!tpu.dma_semaphore, #tpu.memory_space<semaphore_mem>>) src(%dma_wait3A_595 : memref<22806528x8xf32, #tpu.memory_space<hbm>>) dst(%dma_wait3A_589 : memref<128x8xf32, #tpu.memory_space<vmem>>)
        %dma_wait3A_596 = arith.constant 23 : i32
        %dma_wait3A_597 = arith.constant 2944 : i32
        %dma_wait3A_598 = arith.constant 0 : i32
        %dma_wait3A_599 = tpu.memref_slice %arg16[%dma_wait3A_597, %dma_wait3A_598] : memref<4096x8xf32, #tpu.memory_space<vmem>> -> memref<128x8xf32, #tpu.memory_space<vmem>>
        %dma_wait3A_600 = arith.constant 0 : i32
        %dma_wait3A_601 = tpu.memref_slice %arg14[%dma_wait3A_596, %dma_wait3A_600] : memref<32x128xi32, #tpu.memory_space<vmem>> -> memref<1x128xi32, #tpu.memory_space<vmem>>
        %dma_wait3A_602 = tpu.memref_squeeze %dma_wait3A_601 : memref<1x128xi32, #tpu.memory_space<vmem>> -> memref<128xi32, #tpu.memory_space<vmem>>
        %dma_wait3A_603 = arith.constant 0 : i32
        %dma_wait3A_604 = arith.constant 0 : i32
        %dma_wait3A_605 = tpu.memref_slice %arg5[%dma_wait3A_603, %dma_wait3A_604] : memref<22806528x8xf32, #tpu.memory_space<hbm>> -> memref<22806528x8xf32, #tpu.memory_space<hbm>>
        tpu.wait_indirect_dma semaphore(%arg18 : memref<!tpu.dma_semaphore, #tpu.memory_space<semaphore_mem>>) src(%dma_wait3A_605 : memref<22806528x8xf32, #tpu.memory_space<hbm>>) dst(%dma_wait3A_599 : memref<128x8xf32, #tpu.memory_space<vmem>>)
        %dma_wait3A_606 = arith.constant 24 : i32
        %dma_wait3A_607 = arith.constant 3072 : i32
        %dma_wait3A_608 = arith.constant 0 : i32
        %dma_wait3A_609 = tpu.memref_slice %arg16[%dma_wait3A_607, %dma_wait3A_608] : memref<4096x8xf32, #tpu.memory_space<vmem>> -> memref<128x8xf32, #tpu.memory_space<vmem>>
        %dma_wait3A_610 = arith.constant 0 : i32
        %dma_wait3A_611 = tpu.memref_slice %arg14[%dma_wait3A_606, %dma_wait3A_610] : memref<32x128xi32, #tpu.memory_space<vmem>> -> memref<1x128xi32, #tpu.memory_space<vmem>>
        %dma_wait3A_612 = tpu.memref_squeeze %dma_wait3A_611 : memref<1x128xi32, #tpu.memory_space<vmem>> -> memref<128xi32, #tpu.memory_space<vmem>>
        %dma_wait3A_613 = arith.constant 0 : i32
        %dma_wait3A_614 = arith.constant 0 : i32
        %dma_wait3A_615 = tpu.memref_slice %arg5[%dma_wait3A_613, %dma_wait3A_614] : memref<22806528x8xf32, #tpu.memory_space<hbm>> -> memref<22806528x8xf32, #tpu.memory_space<hbm>>
        tpu.wait_indirect_dma semaphore(%arg18 : memref<!tpu.dma_semaphore, #tpu.memory_space<semaphore_mem>>) src(%dma_wait3A_615 : memref<22806528x8xf32, #tpu.memory_space<hbm>>) dst(%dma_wait3A_609 : memref<128x8xf32, #tpu.memory_space<vmem>>)
        %dma_wait3A_616 = arith.constant 25 : i32
        %dma_wait3A_617 = arith.constant 3200 : i32
        %dma_wait3A_618 = arith.constant 0 : i32
        %dma_wait3A_619 = tpu.memref_slice %arg16[%dma_wait3A_617, %dma_wait3A_618] : memref<4096x8xf32, #tpu.memory_space<vmem>> -> memref<128x8xf32, #tpu.memory_space<vmem>>
        %dma_wait3A_620 = arith.constant 0 : i32
        %dma_wait3A_621 = tpu.memref_slice %arg14[%dma_wait3A_616, %dma_wait3A_620] : memref<32x128xi32, #tpu.memory_space<vmem>> -> memref<1x128xi32, #tpu.memory_space<vmem>>
        %dma_wait3A_622 = tpu.memref_squeeze %dma_wait3A_621 : memref<1x128xi32, #tpu.memory_space<vmem>> -> memref<128xi32, #tpu.memory_space<vmem>>
        %dma_wait3A_623 = arith.constant 0 : i32
        %dma_wait3A_624 = arith.constant 0 : i32
        %dma_wait3A_625 = tpu.memref_slice %arg5[%dma_wait3A_623, %dma_wait3A_624] : memref<22806528x8xf32, #tpu.memory_space<hbm>> -> memref<22806528x8xf32, #tpu.memory_space<hbm>>
        tpu.wait_indirect_dma semaphore(%arg18 : memref<!tpu.dma_semaphore, #tpu.memory_space<semaphore_mem>>) src(%dma_wait3A_625 : memref<22806528x8xf32, #tpu.memory_space<hbm>>) dst(%dma_wait3A_619 : memref<128x8xf32, #tpu.memory_space<vmem>>)
        %dma_wait3A_626 = arith.constant 26 : i32
        %dma_wait3A_627 = arith.constant 3328 : i32
        %dma_wait3A_628 = arith.constant 0 : i32
        %dma_wait3A_629 = tpu.memref_slice %arg16[%dma_wait3A_627, %dma_wait3A_628] : memref<4096x8xf32, #tpu.memory_space<vmem>> -> memref<128x8xf32, #tpu.memory_space<vmem>>
        %dma_wait3A_630 = arith.constant 0 : i32
        %dma_wait3A_631 = tpu.memref_slice %arg14[%dma_wait3A_626, %dma_wait3A_630] : memref<32x128xi32, #tpu.memory_space<vmem>> -> memref<1x128xi32, #tpu.memory_space<vmem>>
        %dma_wait3A_632 = tpu.memref_squeeze %dma_wait3A_631 : memref<1x128xi32, #tpu.memory_space<vmem>> -> memref<128xi32, #tpu.memory_space<vmem>>
        %dma_wait3A_633 = arith.constant 0 : i32
        %dma_wait3A_634 = arith.constant 0 : i32
        %dma_wait3A_635 = tpu.memref_slice %arg5[%dma_wait3A_633, %dma_wait3A_634] : memref<22806528x8xf32, #tpu.memory_space<hbm>> -> memref<22806528x8xf32, #tpu.memory_space<hbm>>
        tpu.wait_indirect_dma semaphore(%arg18 : memref<!tpu.dma_semaphore, #tpu.memory_space<semaphore_mem>>) src(%dma_wait3A_635 : memref<22806528x8xf32, #tpu.memory_space<hbm>>) dst(%dma_wait3A_629 : memref<128x8xf32, #tpu.memory_space<vmem>>)
        %dma_wait3A_636 = arith.constant 27 : i32
        %dma_wait3A_637 = arith.constant 3456 : i32
        %dma_wait3A_638 = arith.constant 0 : i32
        %dma_wait3A_639 = tpu.memref_slice %arg16[%dma_wait3A_637, %dma_wait3A_638] : memref<4096x8xf32, #tpu.memory_space<vmem>> -> memref<128x8xf32, #tpu.memory_space<vmem>>
        %dma_wait3A_640 = arith.constant 0 : i32
        %dma_wait3A_641 = tpu.memref_slice %arg14[%dma_wait3A_636, %dma_wait3A_640] : memref<32x128xi32, #tpu.memory_space<vmem>> -> memref<1x128xi32, #tpu.memory_space<vmem>>
        %dma_wait3A_642 = tpu.memref_squeeze %dma_wait3A_641 : memref<1x128xi32, #tpu.memory_space<vmem>> -> memref<128xi32, #tpu.memory_space<vmem>>
        %dma_wait3A_643 = arith.constant 0 : i32
        %dma_wait3A_644 = arith.constant 0 : i32
        %dma_wait3A_645 = tpu.memref_slice %arg5[%dma_wait3A_643, %dma_wait3A_644] : memref<22806528x8xf32, #tpu.memory_space<hbm>> -> memref<22806528x8xf32, #tpu.memory_space<hbm>>
        tpu.wait_indirect_dma semaphore(%arg18 : memref<!tpu.dma_semaphore, #tpu.memory_space<semaphore_mem>>) src(%dma_wait3A_645 : memref<22806528x8xf32, #tpu.memory_space<hbm>>) dst(%dma_wait3A_639 : memref<128x8xf32, #tpu.memory_space<vmem>>)
        %dma_wait3A_646 = arith.constant 28 : i32
        %dma_wait3A_647 = arith.constant 3584 : i32
        %dma_wait3A_648 = arith.constant 0 : i32
        %dma_wait3A_649 = tpu.memref_slice %arg16[%dma_wait3A_647, %dma_wait3A_648] : memref<4096x8xf32, #tpu.memory_space<vmem>> -> memref<128x8xf32, #tpu.memory_space<vmem>>
        %dma_wait3A_650 = arith.constant 0 : i32
        %dma_wait3A_651 = tpu.memref_slice %arg14[%dma_wait3A_646, %dma_wait3A_650] : memref<32x128xi32, #tpu.memory_space<vmem>> -> memref<1x128xi32, #tpu.memory_space<vmem>>
        %dma_wait3A_652 = tpu.memref_squeeze %dma_wait3A_651 : memref<1x128xi32, #tpu.memory_space<vmem>> -> memref<128xi32, #tpu.memory_space<vmem>>
        %dma_wait3A_653 = arith.constant 0 : i32
        %dma_wait3A_654 = arith.constant 0 : i32
        %dma_wait3A_655 = tpu.memref_slice %arg5[%dma_wait3A_653, %dma_wait3A_654] : memref<22806528x8xf32, #tpu.memory_space<hbm>> -> memref<22806528x8xf32, #tpu.memory_space<hbm>>
        tpu.wait_indirect_dma semaphore(%arg18 : memref<!tpu.dma_semaphore, #tpu.memory_space<semaphore_mem>>) src(%dma_wait3A_655 : memref<22806528x8xf32, #tpu.memory_space<hbm>>) dst(%dma_wait3A_649 : memref<128x8xf32, #tpu.memory_space<vmem>>)
        %dma_wait3A_656 = arith.constant 29 : i32
        %dma_wait3A_657 = arith.constant 3712 : i32
        %dma_wait3A_658 = arith.constant 0 : i32
        %dma_wait3A_659 = tpu.memref_slice %arg16[%dma_wait3A_657, %dma_wait3A_658] : memref<4096x8xf32, #tpu.memory_space<vmem>> -> memref<128x8xf32, #tpu.memory_space<vmem>>
        %dma_wait3A_660 = arith.constant 0 : i32
        %dma_wait3A_661 = tpu.memref_slice %arg14[%dma_wait3A_656, %dma_wait3A_660] : memref<32x128xi32, #tpu.memory_space<vmem>> -> memref<1x128xi32, #tpu.memory_space<vmem>>
        %dma_wait3A_662 = tpu.memref_squeeze %dma_wait3A_661 : memref<1x128xi32, #tpu.memory_space<vmem>> -> memref<128xi32, #tpu.memory_space<vmem>>
        %dma_wait3A_663 = arith.constant 0 : i32
        %dma_wait3A_664 = arith.constant 0 : i32
        %dma_wait3A_665 = tpu.memref_slice %arg5[%dma_wait3A_663, %dma_wait3A_664] : memref<22806528x8xf32, #tpu.memory_space<hbm>> -> memref<22806528x8xf32, #tpu.memory_space<hbm>>
        tpu.wait_indirect_dma semaphore(%arg18 : memref<!tpu.dma_semaphore, #tpu.memory_space<semaphore_mem>>) src(%dma_wait3A_665 : memref<22806528x8xf32, #tpu.memory_space<hbm>>) dst(%dma_wait3A_659 : memref<128x8xf32, #tpu.memory_space<vmem>>)
        %dma_wait3A_666 = arith.constant 30 : i32
        %dma_wait3A_667 = arith.constant 3840 : i32
        %dma_wait3A_668 = arith.constant 0 : i32
        %dma_wait3A_669 = tpu.memref_slice %arg16[%dma_wait3A_667, %dma_wait3A_668] : memref<4096x8xf32, #tpu.memory_space<vmem>> -> memref<128x8xf32, #tpu.memory_space<vmem>>
        %dma_wait3A_670 = arith.constant 0 : i32
        %dma_wait3A_671 = tpu.memref_slice %arg14[%dma_wait3A_666, %dma_wait3A_670] : memref<32x128xi32, #tpu.memory_space<vmem>> -> memref<1x128xi32, #tpu.memory_space<vmem>>
        %dma_wait3A_672 = tpu.memref_squeeze %dma_wait3A_671 : memref<1x128xi32, #tpu.memory_space<vmem>> -> memref<128xi32, #tpu.memory_space<vmem>>
        %dma_wait3A_673 = arith.constant 0 : i32
        %dma_wait3A_674 = arith.constant 0 : i32
        %dma_wait3A_675 = tpu.memref_slice %arg5[%dma_wait3A_673, %dma_wait3A_674] : memref<22806528x8xf32, #tpu.memory_space<hbm>> -> memref<22806528x8xf32, #tpu.memory_space<hbm>>
        tpu.wait_indirect_dma semaphore(%arg18 : memref<!tpu.dma_semaphore, #tpu.memory_space<semaphore_mem>>) src(%dma_wait3A_675 : memref<22806528x8xf32, #tpu.memory_space<hbm>>) dst(%dma_wait3A_669 : memref<128x8xf32, #tpu.memory_space<vmem>>)
        %dma_wait3A_676 = arith.constant 31 : i32
        %dma_wait3A_677 = arith.constant 3968 : i32
        %dma_wait3A_678 = arith.constant 0 : i32
        %dma_wait3A_679 = tpu.memref_slice %arg16[%dma_wait3A_677, %dma_wait3A_678] : memref<4096x8xf32, #tpu.memory_space<vmem>> -> memref<128x8xf32, #tpu.memory_space<vmem>>
        %dma_wait3A_680 = arith.constant 0 : i32
        %dma_wait3A_681 = tpu.memref_slice %arg14[%dma_wait3A_676, %dma_wait3A_680] : memref<32x128xi32, #tpu.memory_space<vmem>> -> memref<1x128xi32, #tpu.memory_space<vmem>>
        %dma_wait3A_682 = tpu.memref_squeeze %dma_wait3A_681 : memref<1x128xi32, #tpu.memory_space<vmem>> -> memref<128xi32, #tpu.memory_space<vmem>>
        %dma_wait3A_683 = arith.constant 0 : i32
        %dma_wait3A_684 = arith.constant 0 : i32
        %dma_wait3A_685 = tpu.memref_slice %arg5[%dma_wait3A_683, %dma_wait3A_684] : memref<22806528x8xf32, #tpu.memory_space<hbm>> -> memref<22806528x8xf32, #tpu.memory_space<hbm>>
        tpu.wait_indirect_dma semaphore(%arg18 : memref<!tpu.dma_semaphore, #tpu.memory_space<semaphore_mem>>) src(%dma_wait3A_685 : memref<22806528x8xf32, #tpu.memory_space<hbm>>) dst(%dma_wait3A_679 : memref<128x8xf32, #tpu.memory_space<vmem>>)
        %scan3A_686 = arith.constant 0 : i32
        %scan3A_687 = arith.constant 0 : i32
        %scan3A_688 = arith.constant 32 : i32
        %scan3A_689 = arith.addi %scan3A_687, %scan3A_688 : i32
        %scan3A_690 = arith.constant 1 : i32
        scf.for %scan3A_692 = %scan3A_687 to %scan3A_689 step %scan3A_690  : i32 {
          %mul3A_693 = arith.constant 16 : i32
          %mul3A_694 = arith.muli %scan3A_692, %mul3A_693 : i32
          %broadcast_in_dim3A_695 = arith.constant 0.000000e+00 : f32
          %broadcast_in_dim3A_696 = vector.broadcast %broadcast_in_dim3A_695 : f32 to vector<16xf32>
          %broadcast_in_dim3A_697 = arith.constant 0.000000e+00 : f32
          %broadcast_in_dim3A_698 = vector.broadcast %broadcast_in_dim3A_697 : f32 to vector<16xf32>
          %broadcast_in_dim3A_699 = arith.constant 0.000000e+00 : f32
          %broadcast_in_dim3A_700 = vector.broadcast %broadcast_in_dim3A_699 : f32 to vector<16xf32>
          %broadcast_in_dim3A_701 = arith.constant 0.000000e+00 : f32
          %broadcast_in_dim3A_702 = vector.broadcast %broadcast_in_dim3A_701 : f32 to vector<16xf32>
          %add3A_703 = arith.constant 0 : i32
          %add3A_704 = arith.addi %add3A_703, %mul3A_694 : i32
          %get3A_705 = arith.index_cast %add3A_704 : i32 to index
          %get3A_706 = tpu.vector_load %arg15[%get3A_705] {strides = array<i32>} : memref<4096xf32, #tpu.memory_space<vmem>>, vector<16xf32>,
          %add3A_707 = vector.broadcast %add3A_704 : i32 to vector<16xi32>
          %add3A_708 = arith.addi %iota3A, %add3A_707 : vector<16xi32>
          %broadcast_in_dim3A_709 = arith.constant 0 : i32
          %broadcast_in_dim3A_710 = vector.broadcast %broadcast_in_dim3A_709 : i32 to vector<16xi32>
          %gather3A = tpu.vector_load_idx %arg16[%add3A_708, %broadcast_in_dim3A_710] : memref<4096x8xf32, #tpu.memory_space<vmem>>[vector<16xi32>, vector<16xi32>], vector<16xf32>,
          %mul3A_711 = arith.mulf %get3A_706, %gather3A : vector<16xf32>
          %add3A_712 = arith.addf %broadcast_in_dim3A_696, %mul3A_711 : vector<16xf32>
          %broadcast_in_dim3A_713 = arith.constant 1 : i32
          %broadcast_in_dim3A_714 = vector.broadcast %broadcast_in_dim3A_713 : i32 to vector<16xi32>
          %gather3A_715 = tpu.vector_load_idx %arg16[%add3A_708, %broadcast_in_dim3A_714] : memref<4096x8xf32, #tpu.memory_space<vmem>>[vector<16xi32>, vector<16xi32>], vector<16xf32>,
          %mul3A_716 = arith.mulf %get3A_706, %gather3A_715 : vector<16xf32>
          %add3A_717 = arith.addf %broadcast_in_dim3A_698, %mul3A_716 : vector<16xf32>
          %broadcast_in_dim3A_718 = arith.constant 2 : i32
          %broadcast_in_dim3A_719 = vector.broadcast %broadcast_in_dim3A_718 : i32 to vector<16xi32>
          %gather3A_720 = tpu.vector_load_idx %arg16[%add3A_708, %broadcast_in_dim3A_719] : memref<4096x8xf32, #tpu.memory_space<vmem>>[vector<16xi32>, vector<16xi32>], vector<16xf32>,
          %mul3A_721 = arith.mulf %get3A_706, %gather3A_720 : vector<16xf32>
          %add3A_722 = arith.addf %broadcast_in_dim3A_700, %mul3A_721 : vector<16xf32>
          %broadcast_in_dim3A_723 = arith.constant 3 : i32
          %broadcast_in_dim3A_724 = vector.broadcast %broadcast_in_dim3A_723 : i32 to vector<16xi32>
          %gather3A_725 = tpu.vector_load_idx %arg16[%add3A_708, %broadcast_in_dim3A_724] : memref<4096x8xf32, #tpu.memory_space<vmem>>[vector<16xi32>, vector<16xi32>], vector<16xf32>,
          %mul3A_726 = arith.mulf %get3A_706, %gather3A_725 : vector<16xf32>
          %add3A_727 = arith.addf %broadcast_in_dim3A_702, %mul3A_726 : vector<16xf32>
          %add3A_728 = arith.constant 512 : i32
          %add3A_729 = arith.addi %add3A_728, %mul3A_694 : i32
          %get3A_730 = arith.index_cast %add3A_729 : i32 to index
          %get3A_731 = tpu.vector_load %arg15[%get3A_730] {strides = array<i32>} : memref<4096xf32, #tpu.memory_space<vmem>>, vector<16xf32>,
          %add3A_732 = vector.broadcast %add3A_729 : i32 to vector<16xi32>
          %add3A_733 = arith.addi %iota3A, %add3A_732 : vector<16xi32>
          %broadcast_in_dim3A_734 = arith.constant 0 : i32
          %broadcast_in_dim3A_735 = vector.broadcast %broadcast_in_dim3A_734 : i32 to vector<16xi32>
          %gather3A_736 = tpu.vector_load_idx %arg16[%add3A_733, %broadcast_in_dim3A_735] : memref<4096x8xf32, #tpu.memory_space<vmem>>[vector<16xi32>, vector<16xi32>], vector<16xf32>,
          %mul3A_737 = arith.mulf %get3A_731, %gather3A_736 : vector<16xf32>
          %add3A_738 = arith.addf %add3A_712, %mul3A_737 : vector<16xf32>
          %broadcast_in_dim3A_739 = arith.constant 1 : i32
          %broadcast_in_dim3A_740 = vector.broadcast %broadcast_in_dim3A_739 : i32 to vector<16xi32>
          %gather3A_741 = tpu.vector_load_idx %arg16[%add3A_733, %broadcast_in_dim3A_740] : memref<4096x8xf32, #tpu.memory_space<vmem>>[vector<16xi32>, vector<16xi32>], vector<16xf32>,
          %mul3A_742 = arith.mulf %get3A_731, %gather3A_741 : vector<16xf32>
          %add3A_743 = arith.addf %add3A_717, %mul3A_742 : vector<16xf32>
          %broadcast_in_dim3A_744 = arith.constant 2 : i32
          %broadcast_in_dim3A_745 = vector.broadcast %broadcast_in_dim3A_744 : i32 to vector<16xi32>
          %gather3A_746 = tpu.vector_load_idx %arg16[%add3A_733, %broadcast_in_dim3A_745] : memref<4096x8xf32, #tpu.memory_space<vmem>>[vector<16xi32>, vector<16xi32>], vector<16xf32>,
          %mul3A_747 = arith.mulf %get3A_731, %gather3A_746 : vector<16xf32>
          %add3A_748 = arith.addf %add3A_722, %mul3A_747 : vector<16xf32>
          %broadcast_in_dim3A_749 = arith.constant 3 : i32
          %broadcast_in_dim3A_750 = vector.broadcast %broadcast_in_dim3A_749 : i32 to vector<16xi32>
          %gather3A_751 = tpu.vector_load_idx %arg16[%add3A_733, %broadcast_in_dim3A_750] : memref<4096x8xf32, #tpu.memory_space<vmem>>[vector<16xi32>, vector<16xi32>], vector<16xf32>,
          %mul3A_752 = arith.mulf %get3A_731, %gather3A_751 : vector<16xf32>
          %add3A_753 = arith.addf %add3A_727, %mul3A_752 : vector<16xf32>
          %add3A_754 = arith.constant 1024 : i32
          %add3A_755 = arith.addi %add3A_754, %mul3A_694 : i32
          %get3A_756 = arith.index_cast %add3A_755 : i32 to index
          %get3A_757 = tpu.vector_load %arg15[%get3A_756] {strides = array<i32>} : memref<4096xf32, #tpu.memory_space<vmem>>, vector<16xf32>,
          %add3A_758 = vector.broadcast %add3A_755 : i32 to vector<16xi32>
          %add3A_759 = arith.addi %iota3A, %add3A_758 : vector<16xi32>
          %broadcast_in_dim3A_760 = arith.constant 0 : i32
          %broadcast_in_dim3A_761 = vector.broadcast %broadcast_in_dim3A_760 : i32 to vector<16xi32>
          %gather3A_762 = tpu.vector_load_idx %arg16[%add3A_759, %broadcast_in_dim3A_761] : memref<4096x8xf32, #tpu.memory_space<vmem>>[vector<16xi32>, vector<16xi32>], vector<16xf32>,
          %mul3A_763 = arith.mulf %get3A_757, %gather3A_762 : vector<16xf32>
          %add3A_764 = arith.addf %add3A_738, %mul3A_763 : vector<16xf32>
          %broadcast_in_dim3A_765 = arith.constant 1 : i32
          %broadcast_in_dim3A_766 = vector.broadcast %broadcast_in_dim3A_765 : i32 to vector<16xi32>
          %gather3A_767 = tpu.vector_load_idx %arg16[%add3A_759, %broadcast_in_dim3A_766] : memref<4096x8xf32, #tpu.memory_space<vmem>>[vector<16xi32>, vector<16xi32>], vector<16xf32>,
          %mul3A_768 = arith.mulf %get3A_757, %gather3A_767 : vector<16xf32>
          %add3A_769 = arith.addf %add3A_743, %mul3A_768 : vector<16xf32>
          %broadcast_in_dim3A_770 = arith.constant 2 : i32
          %broadcast_in_dim3A_771 = vector.broadcast %broadcast_in_dim3A_770 : i32 to vector<16xi32>
          %gather3A_772 = tpu.vector_load_idx %arg16[%add3A_759, %broadcast_in_dim3A_771] : memref<4096x8xf32, #tpu.memory_space<vmem>>[vector<16xi32>, vector<16xi32>], vector<16xf32>,
          %mul3A_773 = arith.mulf %get3A_757, %gather3A_772 : vector<16xf32>
          %add3A_774 = arith.addf %add3A_748, %mul3A_773 : vector<16xf32>
          %broadcast_in_dim3A_775 = arith.constant 3 : i32
          %broadcast_in_dim3A_776 = vector.broadcast %broadcast_in_dim3A_775 : i32 to vector<16xi32>
          %gather3A_777 = tpu.vector_load_idx %arg16[%add3A_759, %broadcast_in_dim3A_776] : memref<4096x8xf32, #tpu.memory_space<vmem>>[vector<16xi32>, vector<16xi32>], vector<16xf32>,
          %mul3A_778 = arith.mulf %get3A_757, %gather3A_777 : vector<16xf32>
          %add3A_779 = arith.addf %add3A_753, %mul3A_778 : vector<16xf32>
          %add3A_780 = arith.constant 1536 : i32
          %add3A_781 = arith.addi %add3A_780, %mul3A_694 : i32
          %get3A_782 = arith.index_cast %add3A_781 : i32 to index
          %get3A_783 = tpu.vector_load %arg15[%get3A_782] {strides = array<i32>} : memref<4096xf32, #tpu.memory_space<vmem>>, vector<16xf32>,
          %add3A_784 = vector.broadcast %add3A_781 : i32 to vector<16xi32>
          %add3A_785 = arith.addi %iota3A, %add3A_784 : vector<16xi32>
          %broadcast_in_dim3A_786 = arith.constant 0 : i32
          %broadcast_in_dim3A_787 = vector.broadcast %broadcast_in_dim3A_786 : i32 to vector<16xi32>
          %gather3A_788 = tpu.vector_load_idx %arg16[%add3A_785, %broadcast_in_dim3A_787] : memref<4096x8xf32, #tpu.memory_space<vmem>>[vector<16xi32>, vector<16xi32>], vector<16xf32>,
          %mul3A_789 = arith.mulf %get3A_783, %gather3A_788 : vector<16xf32>
          %add3A_790 = arith.addf %add3A_764, %mul3A_789 : vector<16xf32>
          %broadcast_in_dim3A_791 = arith.constant 1 : i32
          %broadcast_in_dim3A_792 = vector.broadcast %broadcast_in_dim3A_791 : i32 to vector<16xi32>
          %gather3A_793 = tpu.vector_load_idx %arg16[%add3A_785, %broadcast_in_dim3A_792] : memref<4096x8xf32, #tpu.memory_space<vmem>>[vector<16xi32>, vector<16xi32>], vector<16xf32>,
          %mul3A_794 = arith.mulf %get3A_783, %gather3A_793 : vector<16xf32>
          %add3A_795 = arith.addf %add3A_769, %mul3A_794 : vector<16xf32>
          %broadcast_in_dim3A_796 = arith.constant 2 : i32
          %broadcast_in_dim3A_797 = vector.broadcast %broadcast_in_dim3A_796 : i32 to vector<16xi32>
          %gather3A_798 = tpu.vector_load_idx %arg16[%add3A_785, %broadcast_in_dim3A_797] : memref<4096x8xf32, #tpu.memory_space<vmem>>[vector<16xi32>, vector<16xi32>], vector<16xf32>,
          %mul3A_799 = arith.mulf %get3A_783, %gather3A_798 : vector<16xf32>
          %add3A_800 = arith.addf %add3A_774, %mul3A_799 : vector<16xf32>
          %broadcast_in_dim3A_801 = arith.constant 3 : i32
          %broadcast_in_dim3A_802 = vector.broadcast %broadcast_in_dim3A_801 : i32 to vector<16xi32>
          %gather3A_803 = tpu.vector_load_idx %arg16[%add3A_785, %broadcast_in_dim3A_802] : memref<4096x8xf32, #tpu.memory_space<vmem>>[vector<16xi32>, vector<16xi32>], vector<16xf32>,
          %mul3A_804 = arith.mulf %get3A_783, %gather3A_803 : vector<16xf32>
          %add3A_805 = arith.addf %add3A_779, %mul3A_804 : vector<16xf32>
          %add3A_806 = arith.constant 2048 : i32
          %add3A_807 = arith.addi %add3A_806, %mul3A_694 : i32
          %get3A_808 = arith.index_cast %add3A_807 : i32 to index
          %get3A_809 = tpu.vector_load %arg15[%get3A_808] {strides = array<i32>} : memref<4096xf32, #tpu.memory_space<vmem>>, vector<16xf32>,
          %add3A_810 = vector.broadcast %add3A_807 : i32 to vector<16xi32>
          %add3A_811 = arith.addi %iota3A, %add3A_810 : vector<16xi32>
          %broadcast_in_dim3A_812 = arith.constant 0 : i32
          %broadcast_in_dim3A_813 = vector.broadcast %broadcast_in_dim3A_812 : i32 to vector<16xi32>
          %gather3A_814 = tpu.vector_load_idx %arg16[%add3A_811, %broadcast_in_dim3A_813] : memref<4096x8xf32, #tpu.memory_space<vmem>>[vector<16xi32>, vector<16xi32>], vector<16xf32>,
          %mul3A_815 = arith.mulf %get3A_809, %gather3A_814 : vector<16xf32>
          %add3A_816 = arith.addf %add3A_790, %mul3A_815 : vector<16xf32>
          %broadcast_in_dim3A_817 = arith.constant 1 : i32
          %broadcast_in_dim3A_818 = vector.broadcast %broadcast_in_dim3A_817 : i32 to vector<16xi32>
          %gather3A_819 = tpu.vector_load_idx %arg16[%add3A_811, %broadcast_in_dim3A_818] : memref<4096x8xf32, #tpu.memory_space<vmem>>[vector<16xi32>, vector<16xi32>], vector<16xf32>,
          %mul3A_820 = arith.mulf %get3A_809, %gather3A_819 : vector<16xf32>
          %add3A_821 = arith.addf %add3A_795, %mul3A_820 : vector<16xf32>
          %broadcast_in_dim3A_822 = arith.constant 2 : i32
          %broadcast_in_dim3A_823 = vector.broadcast %broadcast_in_dim3A_822 : i32 to vector<16xi32>
          %gather3A_824 = tpu.vector_load_idx %arg16[%add3A_811, %broadcast_in_dim3A_823] : memref<4096x8xf32, #tpu.memory_space<vmem>>[vector<16xi32>, vector<16xi32>], vector<16xf32>,
          %mul3A_825 = arith.mulf %get3A_809, %gather3A_824 : vector<16xf32>
          %add3A_826 = arith.addf %add3A_800, %mul3A_825 : vector<16xf32>
          %broadcast_in_dim3A_827 = arith.constant 3 : i32
          %broadcast_in_dim3A_828 = vector.broadcast %broadcast_in_dim3A_827 : i32 to vector<16xi32>
          %gather3A_829 = tpu.vector_load_idx %arg16[%add3A_811, %broadcast_in_dim3A_828] : memref<4096x8xf32, #tpu.memory_space<vmem>>[vector<16xi32>, vector<16xi32>], vector<16xf32>,
          %mul3A_830 = arith.mulf %get3A_809, %gather3A_829 : vector<16xf32>
          %add3A_831 = arith.addf %add3A_805, %mul3A_830 : vector<16xf32>
          %add3A_832 = arith.constant 2560 : i32
          %add3A_833 = arith.addi %add3A_832, %mul3A_694 : i32
          %get3A_834 = arith.index_cast %add3A_833 : i32 to index
          %get3A_835 = tpu.vector_load %arg15[%get3A_834] {strides = array<i32>} : memref<4096xf32, #tpu.memory_space<vmem>>, vector<16xf32>,
          %add3A_836 = vector.broadcast %add3A_833 : i32 to vector<16xi32>
          %add3A_837 = arith.addi %iota3A, %add3A_836 : vector<16xi32>
          %broadcast_in_dim3A_838 = arith.constant 0 : i32
          %broadcast_in_dim3A_839 = vector.broadcast %broadcast_in_dim3A_838 : i32 to vector<16xi32>
          %gather3A_840 = tpu.vector_load_idx %arg16[%add3A_837, %broadcast_in_dim3A_839] : memref<4096x8xf32, #tpu.memory_space<vmem>>[vector<16xi32>, vector<16xi32>], vector<16xf32>,
          %mul3A_841 = arith.mulf %get3A_835, %gather3A_840 : vector<16xf32>
          %add3A_842 = arith.addf %add3A_816, %mul3A_841 : vector<16xf32>
          %broadcast_in_dim3A_843 = arith.constant 1 : i32
          %broadcast_in_dim3A_844 = vector.broadcast %broadcast_in_dim3A_843 : i32 to vector<16xi32>
          %gather3A_845 = tpu.vector_load_idx %arg16[%add3A_837, %broadcast_in_dim3A_844] : memref<4096x8xf32, #tpu.memory_space<vmem>>[vector<16xi32>, vector<16xi32>], vector<16xf32>,
          %mul3A_846 = arith.mulf %get3A_835, %gather3A_845 : vector<16xf32>
          %add3A_847 = arith.addf %add3A_821, %mul3A_846 : vector<16xf32>
          %broadcast_in_dim3A_848 = arith.constant 2 : i32
          %broadcast_in_dim3A_849 = vector.broadcast %broadcast_in_dim3A_848 : i32 to vector<16xi32>
          %gather3A_850 = tpu.vector_load_idx %arg16[%add3A_837, %broadcast_in_dim3A_849] : memref<4096x8xf32, #tpu.memory_space<vmem>>[vector<16xi32>, vector<16xi32>], vector<16xf32>,
          %mul3A_851 = arith.mulf %get3A_835, %gather3A_850 : vector<16xf32>
          %add3A_852 = arith.addf %add3A_826, %mul3A_851 : vector<16xf32>
          %broadcast_in_dim3A_853 = arith.constant 3 : i32
          %broadcast_in_dim3A_854 = vector.broadcast %broadcast_in_dim3A_853 : i32 to vector<16xi32>
          %gather3A_855 = tpu.vector_load_idx %arg16[%add3A_837, %broadcast_in_dim3A_854] : memref<4096x8xf32, #tpu.memory_space<vmem>>[vector<16xi32>, vector<16xi32>], vector<16xf32>,
          %mul3A_856 = arith.mulf %get3A_835, %gather3A_855 : vector<16xf32>
          %add3A_857 = arith.addf %add3A_831, %mul3A_856 : vector<16xf32>
          %add3A_858 = arith.constant 3072 : i32
          %add3A_859 = arith.addi %add3A_858, %mul3A_694 : i32
          %get3A_860 = arith.index_cast %add3A_859 : i32 to index
          %get3A_861 = tpu.vector_load %arg15[%get3A_860] {strides = array<i32>} : memref<4096xf32, #tpu.memory_space<vmem>>, vector<16xf32>,
          %add3A_862 = vector.broadcast %add3A_859 : i32 to vector<16xi32>
          %add3A_863 = arith.addi %iota3A, %add3A_862 : vector<16xi32>
          %broadcast_in_dim3A_864 = arith.constant 0 : i32
          %broadcast_in_dim3A_865 = vector.broadcast %broadcast_in_dim3A_864 : i32 to vector<16xi32>
          %gather3A_866 = tpu.vector_load_idx %arg16[%add3A_863, %broadcast_in_dim3A_865] : memref<4096x8xf32, #tpu.memory_space<vmem>>[vector<16xi32>, vector<16xi32>], vector<16xf32>,
          %mul3A_867 = arith.mulf %get3A_861, %gather3A_866 : vector<16xf32>
          %add3A_868 = arith.addf %add3A_842, %mul3A_867 : vector<16xf32>
          %broadcast_in_dim3A_869 = arith.constant 1 : i32
          %broadcast_in_dim3A_870 = vector.broadcast %broadcast_in_dim3A_869 : i32 to vector<16xi32>
          %gather3A_871 = tpu.vector_load_idx %arg16[%add3A_863, %broadcast_in_dim3A_870] : memref<4096x8xf32, #tpu.memory_space<vmem>>[vector<16xi32>, vector<16xi32>], vector<16xf32>,
          %mul3A_872 = arith.mulf %get3A_861, %gather3A_871 : vector<16xf32>
          %add3A_873 = arith.addf %add3A_847, %mul3A_872 : vector<16xf32>
          %broadcast_in_dim3A_874 = arith.constant 2 : i32
          %broadcast_in_dim3A_875 = vector.broadcast %broadcast_in_dim3A_874 : i32 to vector<16xi32>
          %gather3A_876 = tpu.vector_load_idx %arg16[%add3A_863, %broadcast_in_dim3A_875] : memref<4096x8xf32, #tpu.memory_space<vmem>>[vector<16xi32>, vector<16xi32>], vector<16xf32>,
          %mul3A_877 = arith.mulf %get3A_861, %gather3A_876 : vector<16xf32>
          %add3A_878 = arith.addf %add3A_852, %mul3A_877 : vector<16xf32>
          %broadcast_in_dim3A_879 = arith.constant 3 : i32
          %broadcast_in_dim3A_880 = vector.broadcast %broadcast_in_dim3A_879 : i32 to vector<16xi32>
          %gather3A_881 = tpu.vector_load_idx %arg16[%add3A_863, %broadcast_in_dim3A_880] : memref<4096x8xf32, #tpu.memory_space<vmem>>[vector<16xi32>, vector<16xi32>], vector<16xf32>,
          %mul3A_882 = arith.mulf %get3A_861, %gather3A_881 : vector<16xf32>
          %add3A_883 = arith.addf %add3A_857, %mul3A_882 : vector<16xf32>
          %add3A_884 = arith.constant 3584 : i32
          %add3A_885 = arith.addi %add3A_884, %mul3A_694 : i32
          %get3A_886 = arith.index_cast %add3A_885 : i32 to index
          %get3A_887 = tpu.vector_load %arg15[%get3A_886] {strides = array<i32>} : memref<4096xf32, #tpu.memory_space<vmem>>, vector<16xf32>,
          %add3A_888 = vector.broadcast %add3A_885 : i32 to vector<16xi32>
          %add3A_889 = arith.addi %iota3A, %add3A_888 : vector<16xi32>
          %broadcast_in_dim3A_890 = arith.constant 0 : i32
          %broadcast_in_dim3A_891 = vector.broadcast %broadcast_in_dim3A_890 : i32 to vector<16xi32>
          %gather3A_892 = tpu.vector_load_idx %arg16[%add3A_889, %broadcast_in_dim3A_891] : memref<4096x8xf32, #tpu.memory_space<vmem>>[vector<16xi32>, vector<16xi32>], vector<16xf32>,
          %mul3A_893 = arith.mulf %get3A_887, %gather3A_892 : vector<16xf32>
          %add3A_894 = arith.addf %add3A_868, %mul3A_893 : vector<16xf32>
          %broadcast_in_dim3A_895 = arith.constant 1 : i32
          %broadcast_in_dim3A_896 = vector.broadcast %broadcast_in_dim3A_895 : i32 to vector<16xi32>
          %gather3A_897 = tpu.vector_load_idx %arg16[%add3A_889, %broadcast_in_dim3A_896] : memref<4096x8xf32, #tpu.memory_space<vmem>>[vector<16xi32>, vector<16xi32>], vector<16xf32>,
          %mul3A_898 = arith.mulf %get3A_887, %gather3A_897 : vector<16xf32>
          %add3A_899 = arith.addf %add3A_873, %mul3A_898 : vector<16xf32>
          %broadcast_in_dim3A_900 = arith.constant 2 : i32
          %broadcast_in_dim3A_901 = vector.broadcast %broadcast_in_dim3A_900 : i32 to vector<16xi32>
          %gather3A_902 = tpu.vector_load_idx %arg16[%add3A_889, %broadcast_in_dim3A_901] : memref<4096x8xf32, #tpu.memory_space<vmem>>[vector<16xi32>, vector<16xi32>], vector<16xf32>,
          %mul3A_903 = arith.mulf %get3A_887, %gather3A_902 : vector<16xf32>
          %add3A_904 = arith.addf %add3A_878, %mul3A_903 : vector<16xf32>
          %broadcast_in_dim3A_905 = arith.constant 3 : i32
          %broadcast_in_dim3A_906 = vector.broadcast %broadcast_in_dim3A_905 : i32 to vector<16xi32>
          %gather3A_907 = tpu.vector_load_idx %arg16[%add3A_889, %broadcast_in_dim3A_906] : memref<4096x8xf32, #tpu.memory_space<vmem>>[vector<16xi32>, vector<16xi32>], vector<16xf32>,
          %mul3A_908 = arith.mulf %get3A_887, %gather3A_907 : vector<16xf32>
          %add3A_909 = arith.addf %add3A_883, %mul3A_908 : vector<16xf32>
          %add3A_910 = vector.broadcast %mul3A_694 : i32 to vector<16xi32>
          %add3A_911 = arith.addi %iota3A, %add3A_910 : vector<16xi32>
          %mul3A_912 = arith.constant 4 : i32
          %mul3A_913 = arith.muli %scan3A_31, %mul3A_912 : i32
          %add3A_914 = arith.constant 0 : i32
          %add3A_915 = arith.addi %mul3A_913, %add3A_914 : i32
          %broadcast_in_dim3A_916 = vector.broadcast %add3A_915 : i32 to vector<16xi32>
          tpu.vector_store_idx %arg17[%add3A_911, %broadcast_in_dim3A_916], %add3A_894 : memref<512x128xf32, #tpu.memory_space<vmem>>[vector<16xi32>, vector<16xi32>], vector<16xf32>,
          %mul3A_917 = arith.constant 4 : i32
          %mul3A_918 = arith.muli %scan3A_31, %mul3A_917 : i32
          %add3A_919 = arith.constant 1 : i32
          %add3A_920 = arith.addi %mul3A_918, %add3A_919 : i32
          %broadcast_in_dim3A_921 = vector.broadcast %add3A_920 : i32 to vector<16xi32>
          tpu.vector_store_idx %arg17[%add3A_911, %broadcast_in_dim3A_921], %add3A_899 : memref<512x128xf32, #tpu.memory_space<vmem>>[vector<16xi32>, vector<16xi32>], vector<16xf32>,
          %mul3A_922 = arith.constant 4 : i32
          %mul3A_923 = arith.muli %scan3A_31, %mul3A_922 : i32
          %add3A_924 = arith.constant 2 : i32
          %add3A_925 = arith.addi %mul3A_923, %add3A_924 : i32
          %broadcast_in_dim3A_926 = vector.broadcast %add3A_925 : i32 to vector<16xi32>
          tpu.vector_store_idx %arg17[%add3A_911, %broadcast_in_dim3A_926], %add3A_904 : memref<512x128xf32, #tpu.memory_space<vmem>>[vector<16xi32>, vector<16xi32>], vector<16xf32>,
          %mul3A_927 = arith.constant 4 : i32
          %mul3A_928 = arith.muli %scan3A_31, %mul3A_927 : i32
          %add3A_929 = arith.constant 3 : i32
          %add3A_930 = arith.addi %mul3A_928, %add3A_929 : i32
          %broadcast_in_dim3A_931 = vector.broadcast %add3A_930 : i32 to vector<16xi32>
          tpu.vector_store_idx %arg17[%add3A_911, %broadcast_in_dim3A_931], %add3A_909 : memref<512x128xf32, #tpu.memory_space<vmem>>[vector<16xi32>, vector<16xi32>], vector<16xf32>,
        }
        %scan3A_691 = arith.constant 32 : i32
      }
      %scan3A_24 = arith.constant 7 : i32
      %scan3A_25 = arith.constant 0 : i32
      %scan3A_26 = arith.constant 7 : i32
      %scan3A_27 = arith.constant 10 : i32
      %scan3A_28 = arith.addi %scan3A_26, %scan3A_27 : i32
      %scan3A_29 = arith.constant 1 : i32
      scf.for %scan3A_31 = %scan3A_26 to %scan3A_28 step %scan3A_29  : i32 {
        %mul3A_32 = arith.constant 16 : i32
        %mul3A_33 = arith.muli %scan3A_31, %mul3A_32 : i32
        %get3A = arith.index_cast %mul3A_33 : i32 to index
        %get3A_34 = tpu.vector_load %arg12[%get3A] {strides = array<i32>} : memref<272xf32, #tpu.memory_space<vmem>>, vector<16xf32>,
        %mul3A_35 = arith.constant 16 : i32
        %mul3A_36 = arith.muli %scan3A_31, %mul3A_35 : i32
        %get3A_37 = arith.index_cast %mul3A_36 : i32 to index
        %get3A_38 = tpu.vector_load %arg13[%get3A_37] {strides = array<i32>} : memref<272xi32, #tpu.memory_space<vmem>>, vector<16xi32>,
        %convert_element_type3A = arith.fptosi %get3A_34 : vector<16xf32> to vector<16xi32>
        %add3A_39 = arith.constant 1 : i32
        %add3A_40 = vector.broadcast %add3A_39 : i32 to vector<16xi32>
        %add3A_41 = arith.addi %convert_element_type3A, %add3A_40 : vector<16xi32>
        %scan3A_42 = arith.constant 0 : i32
        %scan3A_43 = arith.constant 0 : i32
        %scan3A_44 = arith.constant 32 : i32
        %scan3A_45 = arith.addi %scan3A_43, %scan3A_44 : i32
        %scan3A_46 = arith.constant 1 : i32
        scf.for %scan3A_692 = %scan3A_43 to %scan3A_45 step %scan3A_46  : i32 {
          %mul3A_693 = arith.constant 16 : i32
          %mul3A_694 = arith.muli %scan3A_692, %mul3A_693 : i32
          %get3A_695 = arith.index_cast %mul3A_694 : i32 to index
          %get3A_696 = tpu.vector_load %arg9[%get3A_695] {strides = array<i32>} : memref<512xf32, #tpu.memory_space<vmem>>, vector<16xf32>,
          %mul3A_697 = arith.mulf %get3A_696, %get3A_34 : vector<16xf32>
          %get3A_698 = arith.index_cast %mul3A_694 : i32 to index
          %get3A_699 = tpu.vector_load %arg10[%get3A_698] {strides = array<i32>} : memref<512xf32, #tpu.memory_space<vmem>>, vector<16xf32>,
          %mul3A_700 = arith.mulf %get3A_699, %get3A_34 : vector<16xf32>
          %get3A_701 = arith.index_cast %mul3A_694 : i32 to index
          %get3A_702 = tpu.vector_load %arg11[%get3A_701] {strides = array<i32>} : memref<512xf32, #tpu.memory_space<vmem>>, vector<16xf32>,
          %mul3A_703 = arith.mulf %get3A_702, %get3A_34 : vector<16xf32>
          %convert_element_type3A_704 = arith.fptosi %mul3A_697 : vector<16xf32> to vector<16xi32>
          %convert_element_type3A_705 = arith.sitofp %convert_element_type3A_704 : vector<16xi32> to vector<16xf32>
          %lt3A = arith.cmpf olt, %mul3A_697, %convert_element_type3A_705 : vector<16xf32>
          %jit3A = arith.constant 1 : i32
          %jit3A_706 = arith.constant 0 : i32
          %broadcast_in_dim3A_707 = vector.broadcast %jit3A : i32 to vector<16xi32>
          %broadcast_in_dim3A_708 = vector.broadcast %jit3A_706 : i32 to vector<16xi32>
          %select_n3A = arith.select %lt3A, %broadcast_in_dim3A_707, %broadcast_in_dim3A_708 : vector<16xi1>, vector<16xi32>
          %sub3A = arith.subi %convert_element_type3A_704, %select_n3A : vector<16xi32>
          %convert_element_type3A_709 = arith.sitofp %sub3A : vector<16xi32> to vector<16xf32>
          %sub3A_710 = arith.subf %mul3A_697, %convert_element_type3A_709 : vector<16xf32>
          %convert_element_type3A_711 = arith.fptosi %mul3A_700 : vector<16xf32> to vector<16xi32>
          %convert_element_type3A_712 = arith.sitofp %convert_element_type3A_711 : vector<16xi32> to vector<16xf32>
          %lt3A_713 = arith.cmpf olt, %mul3A_700, %convert_element_type3A_712 : vector<16xf32>
          %jit3A_714 = arith.constant 1 : i32
          %jit3A_715 = arith.constant 0 : i32
          %broadcast_in_dim3A_716 = vector.broadcast %jit3A_714 : i32 to vector<16xi32>
          %broadcast_in_dim3A_717 = vector.broadcast %jit3A_715 : i32 to vector<16xi32>
          %select_n3A_718 = arith.select %lt3A_713, %broadcast_in_dim3A_716, %broadcast_in_dim3A_717 : vector<16xi1>, vector<16xi32>
          %sub3A_719 = arith.subi %convert_element_type3A_711, %select_n3A_718 : vector<16xi32>
          %convert_element_type3A_720 = arith.sitofp %sub3A_719 : vector<16xi32> to vector<16xf32>
          %sub3A_721 = arith.subf %mul3A_700, %convert_element_type3A_720 : vector<16xf32>
          %convert_element_type3A_722 = arith.fptosi %mul3A_703 : vector<16xf32> to vector<16xi32>
          %convert_element_type3A_723 = arith.sitofp %convert_element_type3A_722 : vector<16xi32> to vector<16xf32>
          %lt3A_724 = arith.cmpf olt, %mul3A_703, %convert_element_type3A_723 : vector<16xf32>
          %jit3A_725 = arith.constant 1 : i32
          %jit3A_726 = arith.constant 0 : i32
          %broadcast_in_dim3A_727 = vector.broadcast %jit3A_725 : i32 to vector<16xi32>
          %broadcast_in_dim3A_728 = vector.broadcast %jit3A_726 : i32 to vector<16xi32>
          %select_n3A_729 = arith.select %lt3A_724, %broadcast_in_dim3A_727, %broadcast_in_dim3A_728 : vector<16xi1>, vector<16xi32>
          %sub3A_730 = arith.subi %convert_element_type3A_722, %select_n3A_729 : vector<16xi32>
          %convert_element_type3A_731 = arith.sitofp %sub3A_730 : vector<16xi32> to vector<16xf32>
          %sub3A_732 = arith.subf %mul3A_703, %convert_element_type3A_731 : vector<16xf32>
          %sub3A_733 = arith.constant 1.000000e+00 : f32
          %sub3A_734 = vector.broadcast %sub3A_733 : f32 to vector<16xf32>
          %sub3A_735 = arith.subf %sub3A_734, %sub3A_710 : vector<16xf32>
          %sub3A_736 = arith.constant 1.000000e+00 : f32
          %sub3A_737 = vector.broadcast %sub3A_736 : f32 to vector<16xf32>
          %sub3A_738 = arith.subf %sub3A_737, %sub3A_721 : vector<16xf32>
          %sub3A_739 = arith.constant 1.000000e+00 : f32
          %sub3A_740 = vector.broadcast %sub3A_739 : f32 to vector<16xf32>
          %sub3A_741 = arith.subf %sub3A_740, %sub3A_732 : vector<16xf32>
          %add3A_742 = arith.constant 0 : i32
          %add3A_743 = vector.broadcast %add3A_742 : i32 to vector<16xi32>
          %add3A_744 = arith.addi %sub3A, %add3A_743 : vector<16xi32>
          %add3A_745 = arith.constant 0 : i32
          %add3A_746 = vector.broadcast %add3A_745 : i32 to vector<16xi32>
          %add3A_747 = arith.addi %sub3A_719, %add3A_746 : vector<16xi32>
          %add3A_748 = arith.constant 0 : i32
          %add3A_749 = vector.broadcast %add3A_748 : i32 to vector<16xi32>
          %add3A_750 = arith.addi %sub3A_730, %add3A_749 : vector<16xi32>
          %mul3A_751 = arith.constant -1640531535 : i32
          %mul3A_752 = vector.broadcast %mul3A_751 : i32 to vector<16xi32>
          %mul3A_753 = arith.muli %add3A_747, %mul3A_752 : vector<16xi32>
          %xor3A = arith.xori %add3A_744, %mul3A_753 : vector<16xi32>
          %mul3A_754 = arith.constant 805459861 : i32
          %mul3A_755 = vector.broadcast %mul3A_754 : i32 to vector<16xi32>
          %mul3A_756 = arith.muli %add3A_750, %mul3A_755 : vector<16xi32>
          %xor3A_757 = arith.xori %xor3A, %mul3A_756 : vector<16xi32>
          %and3A = arith.constant 2097151 : i32
          %and3A_758 = vector.broadcast %and3A : i32 to vector<16xi32>
          %and3A_759 = arith.andi %xor3A_757, %and3A_758 : vector<16xi32>
          %add3A_760 = arith.addi %and3A_759, %get3A_38 : vector<16xi32>
          %mul3A_761 = arith.mulf %sub3A_735, %sub3A_738 : vector<16xf32>
          %mul3A_762 = arith.mulf %mul3A_761, %sub3A_741 : vector<16xf32>
          %add3A_763 = arith.constant 0 : i32
          %add3A_764 = arith.addi %add3A_763, %mul3A_694 : i32
          %jit3A_765 = arith.constant 128 : i32
          %div3A = arith.divsi %add3A_764, %jit3A_765 : i32
          %sign3A = arith.constant 0 : i32
          %sign3A_766 = arith.cmpi sgt, %add3A_764, %sign3A : i32
          %sign3A_767 = arith.extui %sign3A_766 : i1 to i32
          %sign3A_768 = arith.constant 0 : i32
          %sign3A_769 = arith.cmpi slt, %add3A_764, %sign3A_768 : i32
          %sign3A_770 = arith.extui %sign3A_769 : i1 to i32
          %sign3A_771 = arith.subi %sign3A_767, %sign3A_770 : i32
          %sign3A_772 = arith.constant 0 : i32
          %sign3A_773 = arith.cmpi sgt, %jit3A_765, %sign3A_772 : i32
          %sign3A_774 = arith.extui %sign3A_773 : i1 to i32
          %sign3A_775 = arith.constant 0 : i32
          %sign3A_776 = arith.cmpi slt, %jit3A_765, %sign3A_775 : i32
          %sign3A_777 = arith.extui %sign3A_776 : i1 to i32
          %sign3A_778 = arith.subi %sign3A_774, %sign3A_777 : i32
          %ne3A = arith.cmpi ne, %sign3A_771, %sign3A_778 : i32
          %rem3A = arith.remsi %add3A_764, %jit3A_765 : i32
          %ne3A_779 = arith.constant 0 : i32
          %ne3A_780 = arith.cmpi ne, %rem3A, %ne3A_779 : i32
          %and3A_781 = arith.andi %ne3A, %ne3A_780 : i1
          %sub3A_782 = arith.constant 1 : i32
          %sub3A_783 = arith.subi %div3A, %sub3A_782 : i32
          %select_n3A_784 = arith.select %and3A_781, %sub3A_783, %div3A : i32
          %jit3A_785 = arith.constant 128 : i32
          %eq3A = arith.constant 0 : i32
          %eq3A_786 = arith.cmpi eq, %jit3A_785, %eq3A : i32
          %jit3A_787 = arith.constant 1 : i32
          %select_n3A_788 = arith.select %eq3A_786, %jit3A_787, %jit3A_785 : i32
          %rem3A_789 = arith.remsi %add3A_764, %select_n3A_788 : i32
          %ne3A_790 = arith.constant 0 : i32
          %ne3A_791 = arith.cmpi ne, %rem3A_789, %ne3A_790 : i32
          %lt3A_792 = arith.constant 0 : i32
          %lt3A_793 = arith.cmpi slt, %rem3A_789, %lt3A_792 : i32
          %lt3A_794 = arith.constant 0 : i32
          %lt3A_795 = arith.cmpi slt, %select_n3A_788, %lt3A_794 : i32
          %ne3A_796 = arith.xori %lt3A_793, %lt3A_795 : i1
          %and3A_797 = arith.andi %ne3A_796, %ne3A_791 : i1
          %add3A_798 = arith.addi %rem3A_789, %select_n3A_788 : i32
          %select_n3A_799 = arith.select %and3A_797, %add3A_798, %rem3A_789 : i32
          %swap3A = arith.index_cast %select_n3A_784 : i32 to index
          %swap3A_800 = arith.index_cast %select_n3A_799 : i32 to index
          %swap3A_801 = tpu.vector_load %arg14[%swap3A, %swap3A_800] {strides = array<i32>} : memref<32x128xi32, #tpu.memory_space<vmem>>, vector<16xi32>,
          tpu.vector_store %arg14[%swap3A, %swap3A_800], %add3A_760 {strides = array<i32>} : memref<32x128xi32, #tpu.memory_space<vmem>>, vector<16xi32>,
          %swap3A_802 = arith.index_cast %add3A_764 : i32 to index
          %swap3A_803 = tpu.vector_load %arg15[%swap3A_802] {strides = array<i32>} : memref<4096xf32, #tpu.memory_space<vmem>>, vector<16xf32>,
          tpu.vector_store %arg15[%swap3A_802], %mul3A_762 {strides = array<i32>} : memref<4096xf32, #tpu.memory_space<vmem>>, vector<16xf32>,
          %add3A_804 = arith.constant 1 : i32
          %add3A_805 = vector.broadcast %add3A_804 : i32 to vector<16xi32>
          %add3A_806 = arith.addi %sub3A, %add3A_805 : vector<16xi32>
          %add3A_807 = arith.constant 0 : i32
          %add3A_808 = vector.broadcast %add3A_807 : i32 to vector<16xi32>
          %add3A_809 = arith.addi %sub3A_719, %add3A_808 : vector<16xi32>
          %add3A_810 = arith.constant 0 : i32
          %add3A_811 = vector.broadcast %add3A_810 : i32 to vector<16xi32>
          %add3A_812 = arith.addi %sub3A_730, %add3A_811 : vector<16xi32>
          %mul3A_813 = arith.constant -1640531535 : i32
          %mul3A_814 = vector.broadcast %mul3A_813 : i32 to vector<16xi32>
          %mul3A_815 = arith.muli %add3A_809, %mul3A_814 : vector<16xi32>
          %xor3A_816 = arith.xori %add3A_806, %mul3A_815 : vector<16xi32>
          %mul3A_817 = arith.constant 805459861 : i32
          %mul3A_818 = vector.broadcast %mul3A_817 : i32 to vector<16xi32>
          %mul3A_819 = arith.muli %add3A_812, %mul3A_818 : vector<16xi32>
          %xor3A_820 = arith.xori %xor3A_816, %mul3A_819 : vector<16xi32>
          %and3A_821 = arith.constant 2097151 : i32
          %and3A_822 = vector.broadcast %and3A_821 : i32 to vector<16xi32>
          %and3A_823 = arith.andi %xor3A_820, %and3A_822 : vector<16xi32>
          %add3A_824 = arith.addi %and3A_823, %get3A_38 : vector<16xi32>
          %mul3A_825 = arith.mulf %sub3A_710, %sub3A_738 : vector<16xf32>
          %mul3A_826 = arith.mulf %mul3A_825, %sub3A_741 : vector<16xf32>
          %add3A_827 = arith.constant 512 : i32
          %add3A_828 = arith.addi %add3A_827, %mul3A_694 : i32
          %jit3A_829 = arith.constant 128 : i32
          %div3A_830 = arith.divsi %add3A_828, %jit3A_829 : i32
          %sign3A_831 = arith.constant 0 : i32
          %sign3A_832 = arith.cmpi sgt, %add3A_828, %sign3A_831 : i32
          %sign3A_833 = arith.extui %sign3A_832 : i1 to i32
          %sign3A_834 = arith.constant 0 : i32
          %sign3A_835 = arith.cmpi slt, %add3A_828, %sign3A_834 : i32
          %sign3A_836 = arith.extui %sign3A_835 : i1 to i32
          %sign3A_837 = arith.subi %sign3A_833, %sign3A_836 : i32
          %sign3A_838 = arith.constant 0 : i32
          %sign3A_839 = arith.cmpi sgt, %jit3A_829, %sign3A_838 : i32
          %sign3A_840 = arith.extui %sign3A_839 : i1 to i32
          %sign3A_841 = arith.constant 0 : i32
          %sign3A_842 = arith.cmpi slt, %jit3A_829, %sign3A_841 : i32
          %sign3A_843 = arith.extui %sign3A_842 : i1 to i32
          %sign3A_844 = arith.subi %sign3A_840, %sign3A_843 : i32
          %ne3A_845 = arith.cmpi ne, %sign3A_837, %sign3A_844 : i32
          %rem3A_846 = arith.remsi %add3A_828, %jit3A_829 : i32
          %ne3A_847 = arith.constant 0 : i32
          %ne3A_848 = arith.cmpi ne, %rem3A_846, %ne3A_847 : i32
          %and3A_849 = arith.andi %ne3A_845, %ne3A_848 : i1
          %sub3A_850 = arith.constant 1 : i32
          %sub3A_851 = arith.subi %div3A_830, %sub3A_850 : i32
          %select_n3A_852 = arith.select %and3A_849, %sub3A_851, %div3A_830 : i32
          %jit3A_853 = arith.constant 128 : i32
          %eq3A_854 = arith.constant 0 : i32
          %eq3A_855 = arith.cmpi eq, %jit3A_853, %eq3A_854 : i32
          %jit3A_856 = arith.constant 1 : i32
          %select_n3A_857 = arith.select %eq3A_855, %jit3A_856, %jit3A_853 : i32
          %rem3A_858 = arith.remsi %add3A_828, %select_n3A_857 : i32
          %ne3A_859 = arith.constant 0 : i32
          %ne3A_860 = arith.cmpi ne, %rem3A_858, %ne3A_859 : i32
          %lt3A_861 = arith.constant 0 : i32
          %lt3A_862 = arith.cmpi slt, %rem3A_858, %lt3A_861 : i32
          %lt3A_863 = arith.constant 0 : i32
          %lt3A_864 = arith.cmpi slt, %select_n3A_857, %lt3A_863 : i32
          %ne3A_865 = arith.xori %lt3A_862, %lt3A_864 : i1
          %and3A_866 = arith.andi %ne3A_865, %ne3A_860 : i1
          %add3A_867 = arith.addi %rem3A_858, %select_n3A_857 : i32
          %select_n3A_868 = arith.select %and3A_866, %add3A_867, %rem3A_858 : i32
          %swap3A_869 = arith.index_cast %select_n3A_852 : i32 to index
          %swap3A_870 = arith.index_cast %select_n3A_868 : i32 to index
          %swap3A_871 = tpu.vector_load %arg14[%swap3A_869, %swap3A_870] {strides = array<i32>} : memref<32x128xi32, #tpu.memory_space<vmem>>, vector<16xi32>,
          tpu.vector_store %arg14[%swap3A_869, %swap3A_870], %add3A_824 {strides = array<i32>} : memref<32x128xi32, #tpu.memory_space<vmem>>, vector<16xi32>,
          %swap3A_872 = arith.index_cast %add3A_828 : i32 to index
          %swap3A_873 = tpu.vector_load %arg15[%swap3A_872] {strides = array<i32>} : memref<4096xf32, #tpu.memory_space<vmem>>, vector<16xf32>,
          tpu.vector_store %arg15[%swap3A_872], %mul3A_826 {strides = array<i32>} : memref<4096xf32, #tpu.memory_space<vmem>>, vector<16xf32>,
          %add3A_874 = arith.constant 0 : i32
          %add3A_875 = vector.broadcast %add3A_874 : i32 to vector<16xi32>
          %add3A_876 = arith.addi %sub3A, %add3A_875 : vector<16xi32>
          %add3A_877 = arith.constant 1 : i32
          %add3A_878 = vector.broadcast %add3A_877 : i32 to vector<16xi32>
          %add3A_879 = arith.addi %sub3A_719, %add3A_878 : vector<16xi32>
          %add3A_880 = arith.constant 0 : i32
          %add3A_881 = vector.broadcast %add3A_880 : i32 to vector<16xi32>
          %add3A_882 = arith.addi %sub3A_730, %add3A_881 : vector<16xi32>
          %mul3A_883 = arith.constant -1640531535 : i32
          %mul3A_884 = vector.broadcast %mul3A_883 : i32 to vector<16xi32>
          %mul3A_885 = arith.muli %add3A_879, %mul3A_884 : vector<16xi32>
          %xor3A_886 = arith.xori %add3A_876, %mul3A_885 : vector<16xi32>
          %mul3A_887 = arith.constant 805459861 : i32
          %mul3A_888 = vector.broadcast %mul3A_887 : i32 to vector<16xi32>
          %mul3A_889 = arith.muli %add3A_882, %mul3A_888 : vector<16xi32>
          %xor3A_890 = arith.xori %xor3A_886, %mul3A_889 : vector<16xi32>
          %and3A_891 = arith.constant 2097151 : i32
          %and3A_892 = vector.broadcast %and3A_891 : i32 to vector<16xi32>
          %and3A_893 = arith.andi %xor3A_890, %and3A_892 : vector<16xi32>
          %add3A_894 = arith.addi %and3A_893, %get3A_38 : vector<16xi32>
          %mul3A_895 = arith.mulf %sub3A_735, %sub3A_721 : vector<16xf32>
          %mul3A_896 = arith.mulf %mul3A_895, %sub3A_741 : vector<16xf32>
          %add3A_897 = arith.constant 1024 : i32
          %add3A_898 = arith.addi %add3A_897, %mul3A_694 : i32
          %jit3A_899 = arith.constant 128 : i32
          %div3A_900 = arith.divsi %add3A_898, %jit3A_899 : i32
          %sign3A_901 = arith.constant 0 : i32
          %sign3A_902 = arith.cmpi sgt, %add3A_898, %sign3A_901 : i32
          %sign3A_903 = arith.extui %sign3A_902 : i1 to i32
          %sign3A_904 = arith.constant 0 : i32
          %sign3A_905 = arith.cmpi slt, %add3A_898, %sign3A_904 : i32
          %sign3A_906 = arith.extui %sign3A_905 : i1 to i32
          %sign3A_907 = arith.subi %sign3A_903, %sign3A_906 : i32
          %sign3A_908 = arith.constant 0 : i32
          %sign3A_909 = arith.cmpi sgt, %jit3A_899, %sign3A_908 : i32
          %sign3A_910 = arith.extui %sign3A_909 : i1 to i32
          %sign3A_911 = arith.constant 0 : i32
          %sign3A_912 = arith.cmpi slt, %jit3A_899, %sign3A_911 : i32
          %sign3A_913 = arith.extui %sign3A_912 : i1 to i32
          %sign3A_914 = arith.subi %sign3A_910, %sign3A_913 : i32
          %ne3A_915 = arith.cmpi ne, %sign3A_907, %sign3A_914 : i32
          %rem3A_916 = arith.remsi %add3A_898, %jit3A_899 : i32
          %ne3A_917 = arith.constant 0 : i32
          %ne3A_918 = arith.cmpi ne, %rem3A_916, %ne3A_917 : i32
          %and3A_919 = arith.andi %ne3A_915, %ne3A_918 : i1
          %sub3A_920 = arith.constant 1 : i32
          %sub3A_921 = arith.subi %div3A_900, %sub3A_920 : i32
          %select_n3A_922 = arith.select %and3A_919, %sub3A_921, %div3A_900 : i32
          %jit3A_923 = arith.constant 128 : i32
          %eq3A_924 = arith.constant 0 : i32
          %eq3A_925 = arith.cmpi eq, %jit3A_923, %eq3A_924 : i32
          %jit3A_926 = arith.constant 1 : i32
          %select_n3A_927 = arith.select %eq3A_925, %jit3A_926, %jit3A_923 : i32
          %rem3A_928 = arith.remsi %add3A_898, %select_n3A_927 : i32
          %ne3A_929 = arith.constant 0 : i32
          %ne3A_930 = arith.cmpi ne, %rem3A_928, %ne3A_929 : i32
          %lt3A_931 = arith.constant 0 : i32
          %lt3A_932 = arith.cmpi slt, %rem3A_928, %lt3A_931 : i32
          %lt3A_933 = arith.constant 0 : i32
          %lt3A_934 = arith.cmpi slt, %select_n3A_927, %lt3A_933 : i32
          %ne3A_935 = arith.xori %lt3A_932, %lt3A_934 : i1
          %and3A_936 = arith.andi %ne3A_935, %ne3A_930 : i1
          %add3A_937 = arith.addi %rem3A_928, %select_n3A_927 : i32
          %select_n3A_938 = arith.select %and3A_936, %add3A_937, %rem3A_928 : i32
          %swap3A_939 = arith.index_cast %select_n3A_922 : i32 to index
          %swap3A_940 = arith.index_cast %select_n3A_938 : i32 to index
          %swap3A_941 = tpu.vector_load %arg14[%swap3A_939, %swap3A_940] {strides = array<i32>} : memref<32x128xi32, #tpu.memory_space<vmem>>, vector<16xi32>,
          tpu.vector_store %arg14[%swap3A_939, %swap3A_940], %add3A_894 {strides = array<i32>} : memref<32x128xi32, #tpu.memory_space<vmem>>, vector<16xi32>,
          %swap3A_942 = arith.index_cast %add3A_898 : i32 to index
          %swap3A_943 = tpu.vector_load %arg15[%swap3A_942] {strides = array<i32>} : memref<4096xf32, #tpu.memory_space<vmem>>, vector<16xf32>,
          tpu.vector_store %arg15[%swap3A_942], %mul3A_896 {strides = array<i32>} : memref<4096xf32, #tpu.memory_space<vmem>>, vector<16xf32>,
          %add3A_944 = arith.constant 1 : i32
          %add3A_945 = vector.broadcast %add3A_944 : i32 to vector<16xi32>
          %add3A_946 = arith.addi %sub3A, %add3A_945 : vector<16xi32>
          %add3A_947 = arith.constant 1 : i32
          %add3A_948 = vector.broadcast %add3A_947 : i32 to vector<16xi32>
          %add3A_949 = arith.addi %sub3A_719, %add3A_948 : vector<16xi32>
          %add3A_950 = arith.constant 0 : i32
          %add3A_951 = vector.broadcast %add3A_950 : i32 to vector<16xi32>
          %add3A_952 = arith.addi %sub3A_730, %add3A_951 : vector<16xi32>
          %mul3A_953 = arith.constant -1640531535 : i32
          %mul3A_954 = vector.broadcast %mul3A_953 : i32 to vector<16xi32>
          %mul3A_955 = arith.muli %add3A_949, %mul3A_954 : vector<16xi32>
          %xor3A_956 = arith.xori %add3A_946, %mul3A_955 : vector<16xi32>
          %mul3A_957 = arith.constant 805459861 : i32
          %mul3A_958 = vector.broadcast %mul3A_957 : i32 to vector<16xi32>
          %mul3A_959 = arith.muli %add3A_952, %mul3A_958 : vector<16xi32>
          %xor3A_960 = arith.xori %xor3A_956, %mul3A_959 : vector<16xi32>
          %and3A_961 = arith.constant 2097151 : i32
          %and3A_962 = vector.broadcast %and3A_961 : i32 to vector<16xi32>
          %and3A_963 = arith.andi %xor3A_960, %and3A_962 : vector<16xi32>
          %add3A_964 = arith.addi %and3A_963, %get3A_38 : vector<16xi32>
          %mul3A_965 = arith.mulf %sub3A_710, %sub3A_721 : vector<16xf32>
          %mul3A_966 = arith.mulf %mul3A_965, %sub3A_741 : vector<16xf32>
          %add3A_967 = arith.constant 1536 : i32
          %add3A_968 = arith.addi %add3A_967, %mul3A_694 : i32
          %jit3A_969 = arith.constant 128 : i32
          %div3A_970 = arith.divsi %add3A_968, %jit3A_969 : i32
          %sign3A_971 = arith.constant 0 : i32
          %sign3A_972 = arith.cmpi sgt, %add3A_968, %sign3A_971 : i32
          %sign3A_973 = arith.extui %sign3A_972 : i1 to i32
          %sign3A_974 = arith.constant 0 : i32
          %sign3A_975 = arith.cmpi slt, %add3A_968, %sign3A_974 : i32
          %sign3A_976 = arith.extui %sign3A_975 : i1 to i32
          %sign3A_977 = arith.subi %sign3A_973, %sign3A_976 : i32
          %sign3A_978 = arith.constant 0 : i32
          %sign3A_979 = arith.cmpi sgt, %jit3A_969, %sign3A_978 : i32
          %sign3A_980 = arith.extui %sign3A_979 : i1 to i32
          %sign3A_981 = arith.constant 0 : i32
          %sign3A_982 = arith.cmpi slt, %jit3A_969, %sign3A_981 : i32
          %sign3A_983 = arith.extui %sign3A_982 : i1 to i32
          %sign3A_984 = arith.subi %sign3A_980, %sign3A_983 : i32
          %ne3A_985 = arith.cmpi ne, %sign3A_977, %sign3A_984 : i32
          %rem3A_986 = arith.remsi %add3A_968, %jit3A_969 : i32
          %ne3A_987 = arith.constant 0 : i32
          %ne3A_988 = arith.cmpi ne, %rem3A_986, %ne3A_987 : i32
          %and3A_989 = arith.andi %ne3A_985, %ne3A_988 : i1
          %sub3A_990 = arith.constant 1 : i32
          %sub3A_991 = arith.subi %div3A_970, %sub3A_990 : i32
          %select_n3A_992 = arith.select %and3A_989, %sub3A_991, %div3A_970 : i32
          %jit3A_993 = arith.constant 128 : i32
          %eq3A_994 = arith.constant 0 : i32
          %eq3A_995 = arith.cmpi eq, %jit3A_993, %eq3A_994 : i32
          %jit3A_996 = arith.constant 1 : i32
          %select_n3A_997 = arith.select %eq3A_995, %jit3A_996, %jit3A_993 : i32
          %rem3A_998 = arith.remsi %add3A_968, %select_n3A_997 : i32
          %ne3A_999 = arith.constant 0 : i32
          %ne3A_1000 = arith.cmpi ne, %rem3A_998, %ne3A_999 : i32
          %lt3A_1001 = arith.constant 0 : i32
          %lt3A_1002 = arith.cmpi slt, %rem3A_998, %lt3A_1001 : i32
          %lt3A_1003 = arith.constant 0 : i32
          %lt3A_1004 = arith.cmpi slt, %select_n3A_997, %lt3A_1003 : i32
          %ne3A_1005 = arith.xori %lt3A_1002, %lt3A_1004 : i1
          %and3A_1006 = arith.andi %ne3A_1005, %ne3A_1000 : i1
          %add3A_1007 = arith.addi %rem3A_998, %select_n3A_997 : i32
          %select_n3A_1008 = arith.select %and3A_1006, %add3A_1007, %rem3A_998 : i32
          %swap3A_1009 = arith.index_cast %select_n3A_992 : i32 to index
          %swap3A_1010 = arith.index_cast %select_n3A_1008 : i32 to index
          %swap3A_1011 = tpu.vector_load %arg14[%swap3A_1009, %swap3A_1010] {strides = array<i32>} : memref<32x128xi32, #tpu.memory_space<vmem>>, vector<16xi32>,
          tpu.vector_store %arg14[%swap3A_1009, %swap3A_1010], %add3A_964 {strides = array<i32>} : memref<32x128xi32, #tpu.memory_space<vmem>>, vector<16xi32>,
          %swap3A_1012 = arith.index_cast %add3A_968 : i32 to index
          %swap3A_1013 = tpu.vector_load %arg15[%swap3A_1012] {strides = array<i32>} : memref<4096xf32, #tpu.memory_space<vmem>>, vector<16xf32>,
          tpu.vector_store %arg15[%swap3A_1012], %mul3A_966 {strides = array<i32>} : memref<4096xf32, #tpu.memory_space<vmem>>, vector<16xf32>,
          %add3A_1014 = arith.constant 0 : i32
          %add3A_1015 = vector.broadcast %add3A_1014 : i32 to vector<16xi32>
          %add3A_1016 = arith.addi %sub3A, %add3A_1015 : vector<16xi32>
          %add3A_1017 = arith.constant 0 : i32
          %add3A_1018 = vector.broadcast %add3A_1017 : i32 to vector<16xi32>
          %add3A_1019 = arith.addi %sub3A_719, %add3A_1018 : vector<16xi32>
          %add3A_1020 = arith.constant 1 : i32
          %add3A_1021 = vector.broadcast %add3A_1020 : i32 to vector<16xi32>
          %add3A_1022 = arith.addi %sub3A_730, %add3A_1021 : vector<16xi32>
          %mul3A_1023 = arith.constant -1640531535 : i32
          %mul3A_1024 = vector.broadcast %mul3A_1023 : i32 to vector<16xi32>
          %mul3A_1025 = arith.muli %add3A_1019, %mul3A_1024 : vector<16xi32>
          %xor3A_1026 = arith.xori %add3A_1016, %mul3A_1025 : vector<16xi32>
          %mul3A_1027 = arith.constant 805459861 : i32
          %mul3A_1028 = vector.broadcast %mul3A_1027 : i32 to vector<16xi32>
          %mul3A_1029 = arith.muli %add3A_1022, %mul3A_1028 : vector<16xi32>
          %xor3A_1030 = arith.xori %xor3A_1026, %mul3A_1029 : vector<16xi32>
          %and3A_1031 = arith.constant 2097151 : i32
          %and3A_1032 = vector.broadcast %and3A_1031 : i32 to vector<16xi32>
          %and3A_1033 = arith.andi %xor3A_1030, %and3A_1032 : vector<16xi32>
          %add3A_1034 = arith.addi %and3A_1033, %get3A_38 : vector<16xi32>
          %mul3A_1035 = arith.mulf %sub3A_735, %sub3A_738 : vector<16xf32>
          %mul3A_1036 = arith.mulf %mul3A_1035, %sub3A_732 : vector<16xf32>
          %add3A_1037 = arith.constant 2048 : i32
          %add3A_1038 = arith.addi %add3A_1037, %mul3A_694 : i32
          %jit3A_1039 = arith.constant 128 : i32
          %div3A_1040 = arith.divsi %add3A_1038, %jit3A_1039 : i32
          %sign3A_1041 = arith.constant 0 : i32
          %sign3A_1042 = arith.cmpi sgt, %add3A_1038, %sign3A_1041 : i32
          %sign3A_1043 = arith.extui %sign3A_1042 : i1 to i32
          %sign3A_1044 = arith.constant 0 : i32
          %sign3A_1045 = arith.cmpi slt, %add3A_1038, %sign3A_1044 : i32
          %sign3A_1046 = arith.extui %sign3A_1045 : i1 to i32
          %sign3A_1047 = arith.subi %sign3A_1043, %sign3A_1046 : i32
          %sign3A_1048 = arith.constant 0 : i32
          %sign3A_1049 = arith.cmpi sgt, %jit3A_1039, %sign3A_1048 : i32
          %sign3A_1050 = arith.extui %sign3A_1049 : i1 to i32
          %sign3A_1051 = arith.constant 0 : i32
          %sign3A_1052 = arith.cmpi slt, %jit3A_1039, %sign3A_1051 : i32
          %sign3A_1053 = arith.extui %sign3A_1052 : i1 to i32
          %sign3A_1054 = arith.subi %sign3A_1050, %sign3A_1053 : i32
          %ne3A_1055 = arith.cmpi ne, %sign3A_1047, %sign3A_1054 : i32
          %rem3A_1056 = arith.remsi %add3A_1038, %jit3A_1039 : i32
          %ne3A_1057 = arith.constant 0 : i32
          %ne3A_1058 = arith.cmpi ne, %rem3A_1056, %ne3A_1057 : i32
          %and3A_1059 = arith.andi %ne3A_1055, %ne3A_1058 : i1
          %sub3A_1060 = arith.constant 1 : i32
          %sub3A_1061 = arith.subi %div3A_1040, %sub3A_1060 : i32
          %select_n3A_1062 = arith.select %and3A_1059, %sub3A_1061, %div3A_1040 : i32
          %jit3A_1063 = arith.constant 128 : i32
          %eq3A_1064 = arith.constant 0 : i32
          %eq3A_1065 = arith.cmpi eq, %jit3A_1063, %eq3A_1064 : i32
          %jit3A_1066 = arith.constant 1 : i32
          %select_n3A_1067 = arith.select %eq3A_1065, %jit3A_1066, %jit3A_1063 : i32
          %rem3A_1068 = arith.remsi %add3A_1038, %select_n3A_1067 : i32
          %ne3A_1069 = arith.constant 0 : i32
          %ne3A_1070 = arith.cmpi ne, %rem3A_1068, %ne3A_1069 : i32
          %lt3A_1071 = arith.constant 0 : i32
          %lt3A_1072 = arith.cmpi slt, %rem3A_1068, %lt3A_1071 : i32
          %lt3A_1073 = arith.constant 0 : i32
          %lt3A_1074 = arith.cmpi slt, %select_n3A_1067, %lt3A_1073 : i32
          %ne3A_1075 = arith.xori %lt3A_1072, %lt3A_1074 : i1
          %and3A_1076 = arith.andi %ne3A_1075, %ne3A_1070 : i1
          %add3A_1077 = arith.addi %rem3A_1068, %select_n3A_1067 : i32
          %select_n3A_1078 = arith.select %and3A_1076, %add3A_1077, %rem3A_1068 : i32
          %swap3A_1079 = arith.index_cast %select_n3A_1062 : i32 to index
          %swap3A_1080 = arith.index_cast %select_n3A_1078 : i32 to index
          %swap3A_1081 = tpu.vector_load %arg14[%swap3A_1079, %swap3A_1080] {strides = array<i32>} : memref<32x128xi32, #tpu.memory_space<vmem>>, vector<16xi32>,
          tpu.vector_store %arg14[%swap3A_1079, %swap3A_1080], %add3A_1034 {strides = array<i32>} : memref<32x128xi32, #tpu.memory_space<vmem>>, vector<16xi32>,
          %swap3A_1082 = arith.index_cast %add3A_1038 : i32 to index
          %swap3A_1083 = tpu.vector_load %arg15[%swap3A_1082] {strides = array<i32>} : memref<4096xf32, #tpu.memory_space<vmem>>, vector<16xf32>,
          tpu.vector_store %arg15[%swap3A_1082], %mul3A_1036 {strides = array<i32>} : memref<4096xf32, #tpu.memory_space<vmem>>, vector<16xf32>,
          %add3A_1084 = arith.constant 1 : i32
          %add3A_1085 = vector.broadcast %add3A_1084 : i32 to vector<16xi32>
          %add3A_1086 = arith.addi %sub3A, %add3A_1085 : vector<16xi32>
          %add3A_1087 = arith.constant 0 : i32
          %add3A_1088 = vector.broadcast %add3A_1087 : i32 to vector<16xi32>
          %add3A_1089 = arith.addi %sub3A_719, %add3A_1088 : vector<16xi32>
          %add3A_1090 = arith.constant 1 : i32
          %add3A_1091 = vector.broadcast %add3A_1090 : i32 to vector<16xi32>
          %add3A_1092 = arith.addi %sub3A_730, %add3A_1091 : vector<16xi32>
          %mul3A_1093 = arith.constant -1640531535 : i32
          %mul3A_1094 = vector.broadcast %mul3A_1093 : i32 to vector<16xi32>
          %mul3A_1095 = arith.muli %add3A_1089, %mul3A_1094 : vector<16xi32>
          %xor3A_1096 = arith.xori %add3A_1086, %mul3A_1095 : vector<16xi32>
          %mul3A_1097 = arith.constant 805459861 : i32
          %mul3A_1098 = vector.broadcast %mul3A_1097 : i32 to vector<16xi32>
          %mul3A_1099 = arith.muli %add3A_1092, %mul3A_1098 : vector<16xi32>
          %xor3A_1100 = arith.xori %xor3A_1096, %mul3A_1099 : vector<16xi32>
          %and3A_1101 = arith.constant 2097151 : i32
          %and3A_1102 = vector.broadcast %and3A_1101 : i32 to vector<16xi32>
          %and3A_1103 = arith.andi %xor3A_1100, %and3A_1102 : vector<16xi32>
          %add3A_1104 = arith.addi %and3A_1103, %get3A_38 : vector<16xi32>
          %mul3A_1105 = arith.mulf %sub3A_710, %sub3A_738 : vector<16xf32>
          %mul3A_1106 = arith.mulf %mul3A_1105, %sub3A_732 : vector<16xf32>
          %add3A_1107 = arith.constant 2560 : i32
          %add3A_1108 = arith.addi %add3A_1107, %mul3A_694 : i32
          %jit3A_1109 = arith.constant 128 : i32
          %div3A_1110 = arith.divsi %add3A_1108, %jit3A_1109 : i32
          %sign3A_1111 = arith.constant 0 : i32
          %sign3A_1112 = arith.cmpi sgt, %add3A_1108, %sign3A_1111 : i32
          %sign3A_1113 = arith.extui %sign3A_1112 : i1 to i32
          %sign3A_1114 = arith.constant 0 : i32
          %sign3A_1115 = arith.cmpi slt, %add3A_1108, %sign3A_1114 : i32
          %sign3A_1116 = arith.extui %sign3A_1115 : i1 to i32
          %sign3A_1117 = arith.subi %sign3A_1113, %sign3A_1116 : i32
          %sign3A_1118 = arith.constant 0 : i32
          %sign3A_1119 = arith.cmpi sgt, %jit3A_1109, %sign3A_1118 : i32
          %sign3A_1120 = arith.extui %sign3A_1119 : i1 to i32
          %sign3A_1121 = arith.constant 0 : i32
          %sign3A_1122 = arith.cmpi slt, %jit3A_1109, %sign3A_1121 : i32
          %sign3A_1123 = arith.extui %sign3A_1122 : i1 to i32
          %sign3A_1124 = arith.subi %sign3A_1120, %sign3A_1123 : i32
          %ne3A_1125 = arith.cmpi ne, %sign3A_1117, %sign3A_1124 : i32
          %rem3A_1126 = arith.remsi %add3A_1108, %jit3A_1109 : i32
          %ne3A_1127 = arith.constant 0 : i32
          %ne3A_1128 = arith.cmpi ne, %rem3A_1126, %ne3A_1127 : i32
          %and3A_1129 = arith.andi %ne3A_1125, %ne3A_1128 : i1
          %sub3A_1130 = arith.constant 1 : i32
          %sub3A_1131 = arith.subi %div3A_1110, %sub3A_1130 : i32
          %select_n3A_1132 = arith.select %and3A_1129, %sub3A_1131, %div3A_1110 : i32
          %jit3A_1133 = arith.constant 128 : i32
          %eq3A_1134 = arith.constant 0 : i32
          %eq3A_1135 = arith.cmpi eq, %jit3A_1133, %eq3A_1134 : i32
          %jit3A_1136 = arith.constant 1 : i32
          %select_n3A_1137 = arith.select %eq3A_1135, %jit3A_1136, %jit3A_1133 : i32
          %rem3A_1138 = arith.remsi %add3A_1108, %select_n3A_1137 : i32
          %ne3A_1139 = arith.constant 0 : i32
          %ne3A_1140 = arith.cmpi ne, %rem3A_1138, %ne3A_1139 : i32
          %lt3A_1141 = arith.constant 0 : i32
          %lt3A_1142 = arith.cmpi slt, %rem3A_1138, %lt3A_1141 : i32
          %lt3A_1143 = arith.constant 0 : i32
          %lt3A_1144 = arith.cmpi slt, %select_n3A_1137, %lt3A_1143 : i32
          %ne3A_1145 = arith.xori %lt3A_1142, %lt3A_1144 : i1
          %and3A_1146 = arith.andi %ne3A_1145, %ne3A_1140 : i1
          %add3A_1147 = arith.addi %rem3A_1138, %select_n3A_1137 : i32
          %select_n3A_1148 = arith.select %and3A_1146, %add3A_1147, %rem3A_1138 : i32
          %swap3A_1149 = arith.index_cast %select_n3A_1132 : i32 to index
          %swap3A_1150 = arith.index_cast %select_n3A_1148 : i32 to index
          %swap3A_1151 = tpu.vector_load %arg14[%swap3A_1149, %swap3A_1150] {strides = array<i32>} : memref<32x128xi32, #tpu.memory_space<vmem>>, vector<16xi32>,
          tpu.vector_store %arg14[%swap3A_1149, %swap3A_1150], %add3A_1104 {strides = array<i32>} : memref<32x128xi32, #tpu.memory_space<vmem>>, vector<16xi32>,
          %swap3A_1152 = arith.index_cast %add3A_1108 : i32 to index
          %swap3A_1153 = tpu.vector_load %arg15[%swap3A_1152] {strides = array<i32>} : memref<4096xf32, #tpu.memory_space<vmem>>, vector<16xf32>,
          tpu.vector_store %arg15[%swap3A_1152], %mul3A_1106 {strides = array<i32>} : memref<4096xf32, #tpu.memory_space<vmem>>, vector<16xf32>,
          %add3A_1154 = arith.constant 0 : i32
          %add3A_1155 = vector.broadcast %add3A_1154 : i32 to vector<16xi32>
          %add3A_1156 = arith.addi %sub3A, %add3A_1155 : vector<16xi32>
          %add3A_1157 = arith.constant 1 : i32
          %add3A_1158 = vector.broadcast %add3A_1157 : i32 to vector<16xi32>
          %add3A_1159 = arith.addi %sub3A_719, %add3A_1158 : vector<16xi32>
          %add3A_1160 = arith.constant 1 : i32
          %add3A_1161 = vector.broadcast %add3A_1160 : i32 to vector<16xi32>
          %add3A_1162 = arith.addi %sub3A_730, %add3A_1161 : vector<16xi32>
          %mul3A_1163 = arith.constant -1640531535 : i32
          %mul3A_1164 = vector.broadcast %mul3A_1163 : i32 to vector<16xi32>
          %mul3A_1165 = arith.muli %add3A_1159, %mul3A_1164 : vector<16xi32>
          %xor3A_1166 = arith.xori %add3A_1156, %mul3A_1165 : vector<16xi32>
          %mul3A_1167 = arith.constant 805459861 : i32
          %mul3A_1168 = vector.broadcast %mul3A_1167 : i32 to vector<16xi32>
          %mul3A_1169 = arith.muli %add3A_1162, %mul3A_1168 : vector<16xi32>
          %xor3A_1170 = arith.xori %xor3A_1166, %mul3A_1169 : vector<16xi32>
          %and3A_1171 = arith.constant 2097151 : i32
          %and3A_1172 = vector.broadcast %and3A_1171 : i32 to vector<16xi32>
          %and3A_1173 = arith.andi %xor3A_1170, %and3A_1172 : vector<16xi32>
          %add3A_1174 = arith.addi %and3A_1173, %get3A_38 : vector<16xi32>
          %mul3A_1175 = arith.mulf %sub3A_735, %sub3A_721 : vector<16xf32>
          %mul3A_1176 = arith.mulf %mul3A_1175, %sub3A_732 : vector<16xf32>
          %add3A_1177 = arith.constant 3072 : i32
          %add3A_1178 = arith.addi %add3A_1177, %mul3A_694 : i32
          %jit3A_1179 = arith.constant 128 : i32
          %div3A_1180 = arith.divsi %add3A_1178, %jit3A_1179 : i32
          %sign3A_1181 = arith.constant 0 : i32
          %sign3A_1182 = arith.cmpi sgt, %add3A_1178, %sign3A_1181 : i32
          %sign3A_1183 = arith.extui %sign3A_1182 : i1 to i32
          %sign3A_1184 = arith.constant 0 : i32
          %sign3A_1185 = arith.cmpi slt, %add3A_1178, %sign3A_1184 : i32
          %sign3A_1186 = arith.extui %sign3A_1185 : i1 to i32
          %sign3A_1187 = arith.subi %sign3A_1183, %sign3A_1186 : i32
          %sign3A_1188 = arith.constant 0 : i32
          %sign3A_1189 = arith.cmpi sgt, %jit3A_1179, %sign3A_1188 : i32
          %sign3A_1190 = arith.extui %sign3A_1189 : i1 to i32
          %sign3A_1191 = arith.constant 0 : i32
          %sign3A_1192 = arith.cmpi slt, %jit3A_1179, %sign3A_1191 : i32
          %sign3A_1193 = arith.extui %sign3A_1192 : i1 to i32
          %sign3A_1194 = arith.subi %sign3A_1190, %sign3A_1193 : i32
          %ne3A_1195 = arith.cmpi ne, %sign3A_1187, %sign3A_1194 : i32
          %rem3A_1196 = arith.remsi %add3A_1178, %jit3A_1179 : i32
          %ne3A_1197 = arith.constant 0 : i32
          %ne3A_1198 = arith.cmpi ne, %rem3A_1196, %ne3A_1197 : i32
          %and3A_1199 = arith.andi %ne3A_1195, %ne3A_1198 : i1
          %sub3A_1200 = arith.constant 1 : i32
          %sub3A_1201 = arith.subi %div3A_1180, %sub3A_1200 : i32
          %select_n3A_1202 = arith.select %and3A_1199, %sub3A_1201, %div3A_1180 : i32
          %jit3A_1203 = arith.constant 128 : i32
          %eq3A_1204 = arith.constant 0 : i32
          %eq3A_1205 = arith.cmpi eq, %jit3A_1203, %eq3A_1204 : i32
          %jit3A_1206 = arith.constant 1 : i32
          %select_n3A_1207 = arith.select %eq3A_1205, %jit3A_1206, %jit3A_1203 : i32
          %rem3A_1208 = arith.remsi %add3A_1178, %select_n3A_1207 : i32
          %ne3A_1209 = arith.constant 0 : i32
          %ne3A_1210 = arith.cmpi ne, %rem3A_1208, %ne3A_1209 : i32
          %lt3A_1211 = arith.constant 0 : i32
          %lt3A_1212 = arith.cmpi slt, %rem3A_1208, %lt3A_1211 : i32
          %lt3A_1213 = arith.constant 0 : i32
          %lt3A_1214 = arith.cmpi slt, %select_n3A_1207, %lt3A_1213 : i32
          %ne3A_1215 = arith.xori %lt3A_1212, %lt3A_1214 : i1
          %and3A_1216 = arith.andi %ne3A_1215, %ne3A_1210 : i1
          %add3A_1217 = arith.addi %rem3A_1208, %select_n3A_1207 : i32
          %select_n3A_1218 = arith.select %and3A_1216, %add3A_1217, %rem3A_1208 : i32
          %swap3A_1219 = arith.index_cast %select_n3A_1202 : i32 to index
          %swap3A_1220 = arith.index_cast %select_n3A_1218 : i32 to index
          %swap3A_1221 = tpu.vector_load %arg14[%swap3A_1219, %swap3A_1220] {strides = array<i32>} : memref<32x128xi32, #tpu.memory_space<vmem>>, vector<16xi32>,
          tpu.vector_store %arg14[%swap3A_1219, %swap3A_1220], %add3A_1174 {strides = array<i32>} : memref<32x128xi32, #tpu.memory_space<vmem>>, vector<16xi32>,
          %swap3A_1222 = arith.index_cast %add3A_1178 : i32 to index
          %swap3A_1223 = tpu.vector_load %arg15[%swap3A_1222] {strides = array<i32>} : memref<4096xf32, #tpu.memory_space<vmem>>, vector<16xf32>,
          tpu.vector_store %arg15[%swap3A_1222], %mul3A_1176 {strides = array<i32>} : memref<4096xf32, #tpu.memory_space<vmem>>, vector<16xf32>,
          %add3A_1224 = arith.constant 1 : i32
          %add3A_1225 = vector.broadcast %add3A_1224 : i32 to vector<16xi32>
          %add3A_1226 = arith.addi %sub3A, %add3A_1225 : vector<16xi32>
          %add3A_1227 = arith.constant 1 : i32
          %add3A_1228 = vector.broadcast %add3A_1227 : i32 to vector<16xi32>
          %add3A_1229 = arith.addi %sub3A_719, %add3A_1228 : vector<16xi32>
          %add3A_1230 = arith.constant 1 : i32
          %add3A_1231 = vector.broadcast %add3A_1230 : i32 to vector<16xi32>
          %add3A_1232 = arith.addi %sub3A_730, %add3A_1231 : vector<16xi32>
          %mul3A_1233 = arith.constant -1640531535 : i32
          %mul3A_1234 = vector.broadcast %mul3A_1233 : i32 to vector<16xi32>
          %mul3A_1235 = arith.muli %add3A_1229, %mul3A_1234 : vector<16xi32>
          %xor3A_1236 = arith.xori %add3A_1226, %mul3A_1235 : vector<16xi32>
          %mul3A_1237 = arith.constant 805459861 : i32
          %mul3A_1238 = vector.broadcast %mul3A_1237 : i32 to vector<16xi32>
          %mul3A_1239 = arith.muli %add3A_1232, %mul3A_1238 : vector<16xi32>
          %xor3A_1240 = arith.xori %xor3A_1236, %mul3A_1239 : vector<16xi32>
          %and3A_1241 = arith.constant 2097151 : i32
          %and3A_1242 = vector.broadcast %and3A_1241 : i32 to vector<16xi32>
          %and3A_1243 = arith.andi %xor3A_1240, %and3A_1242 : vector<16xi32>
          %add3A_1244 = arith.addi %and3A_1243, %get3A_38 : vector<16xi32>
          %mul3A_1245 = arith.mulf %sub3A_710, %sub3A_721 : vector<16xf32>
          %mul3A_1246 = arith.mulf %mul3A_1245, %sub3A_732 : vector<16xf32>
          %add3A_1247 = arith.constant 3584 : i32
          %add3A_1248 = arith.addi %add3A_1247, %mul3A_694 : i32
          %jit3A_1249 = arith.constant 128 : i32
          %div3A_1250 = arith.divsi %add3A_1248, %jit3A_1249 : i32
          %sign3A_1251 = arith.constant 0 : i32
          %sign3A_1252 = arith.cmpi sgt, %add3A_1248, %sign3A_1251 : i32
          %sign3A_1253 = arith.extui %sign3A_1252 : i1 to i32
          %sign3A_1254 = arith.constant 0 : i32
          %sign3A_1255 = arith.cmpi slt, %add3A_1248, %sign3A_1254 : i32
          %sign3A_1256 = arith.extui %sign3A_1255 : i1 to i32
          %sign3A_1257 = arith.subi %sign3A_1253, %sign3A_1256 : i32
          %sign3A_1258 = arith.constant 0 : i32
          %sign3A_1259 = arith.cmpi sgt, %jit3A_1249, %sign3A_1258 : i32
          %sign3A_1260 = arith.extui %sign3A_1259 : i1 to i32
          %sign3A_1261 = arith.constant 0 : i32
          %sign3A_1262 = arith.cmpi slt, %jit3A_1249, %sign3A_1261 : i32
          %sign3A_1263 = arith.extui %sign3A_1262 : i1 to i32
          %sign3A_1264 = arith.subi %sign3A_1260, %sign3A_1263 : i32
          %ne3A_1265 = arith.cmpi ne, %sign3A_1257, %sign3A_1264 : i32
          %rem3A_1266 = arith.remsi %add3A_1248, %jit3A_1249 : i32
          %ne3A_1267 = arith.constant 0 : i32
          %ne3A_1268 = arith.cmpi ne, %rem3A_1266, %ne3A_1267 : i32
          %and3A_1269 = arith.andi %ne3A_1265, %ne3A_1268 : i1
          %sub3A_1270 = arith.constant 1 : i32
          %sub3A_1271 = arith.subi %div3A_1250, %sub3A_1270 : i32
          %select_n3A_1272 = arith.select %and3A_1269, %sub3A_1271, %div3A_1250 : i32
          %jit3A_1273 = arith.constant 128 : i32
          %eq3A_1274 = arith.constant 0 : i32
          %eq3A_1275 = arith.cmpi eq, %jit3A_1273, %eq3A_1274 : i32
          %jit3A_1276 = arith.constant 1 : i32
          %select_n3A_1277 = arith.select %eq3A_1275, %jit3A_1276, %jit3A_1273 : i32
          %rem3A_1278 = arith.remsi %add3A_1248, %select_n3A_1277 : i32
          %ne3A_1279 = arith.constant 0 : i32
          %ne3A_1280 = arith.cmpi ne, %rem3A_1278, %ne3A_1279 : i32
          %lt3A_1281 = arith.constant 0 : i32
          %lt3A_1282 = arith.cmpi slt, %rem3A_1278, %lt3A_1281 : i32
          %lt3A_1283 = arith.constant 0 : i32
          %lt3A_1284 = arith.cmpi slt, %select_n3A_1277, %lt3A_1283 : i32
          %ne3A_1285 = arith.xori %lt3A_1282, %lt3A_1284 : i1
          %and3A_1286 = arith.andi %ne3A_1285, %ne3A_1280 : i1
          %add3A_1287 = arith.addi %rem3A_1278, %select_n3A_1277 : i32
          %select_n3A_1288 = arith.select %and3A_1286, %add3A_1287, %rem3A_1278 : i32
          %swap3A_1289 = arith.index_cast %select_n3A_1272 : i32 to index
          %swap3A_1290 = arith.index_cast %select_n3A_1288 : i32 to index
          %swap3A_1291 = tpu.vector_load %arg14[%swap3A_1289, %swap3A_1290] {strides = array<i32>} : memref<32x128xi32, #tpu.memory_space<vmem>>, vector<16xi32>,
          tpu.vector_store %arg14[%swap3A_1289, %swap3A_1290], %add3A_1244 {strides = array<i32>} : memref<32x128xi32, #tpu.memory_space<vmem>>, vector<16xi32>,
          %swap3A_1292 = arith.index_cast %add3A_1248 : i32 to index
          %swap3A_1293 = tpu.vector_load %arg15[%swap3A_1292] {strides = array<i32>} : memref<4096xf32, #tpu.memory_space<vmem>>, vector<16xf32>,
          tpu.vector_store %arg15[%swap3A_1292], %mul3A_1246 {strides = array<i32>} : memref<4096xf32, #tpu.memory_space<vmem>>, vector<16xf32>,
        }
        %scan3A_47 = arith.constant 32 : i32
        %dma_start3A = arith.constant 0 : i32
        %dma_start3A_48 = arith.constant 0 : i32
        %dma_start3A_49 = arith.constant 0 : i32
        %dma_start3A_50 = tpu.memref_slice %arg16[%dma_start3A_48, %dma_start3A_49] : memref<4096x8xf32, #tpu.memory_space<vmem>> -> memref<128x8xf32, #tpu.memory_space<vmem>>
        %dma_start3A_51 = arith.constant 0 : i32
        %dma_start3A_52 = tpu.memref_slice %arg14[%dma_start3A, %dma_start3A_51] : memref<32x128xi32, #tpu.memory_space<vmem>> -> memref<1x128xi32, #tpu.memory_space<vmem>>
        %dma_start3A_53 = tpu.memref_squeeze %dma_start3A_52 : memref<1x128xi32, #tpu.memory_space<vmem>> -> memref<128xi32, #tpu.memory_space<vmem>>
        %dma_start3A_54 = arith.constant 0 : i32
        %dma_start3A_55 = arith.constant 0 : i32
        %dma_start3A_56 = tpu.memref_slice %arg5[%dma_start3A_54, %dma_start3A_55] : memref<22806528x8xf32, #tpu.memory_space<hbm>> -> memref<22806528x8xf32, #tpu.memory_space<hbm>>
        tpu.enqueue_indirect_dma source(%dma_start3A_56 : memref<22806528x8xf32, #tpu.memory_space<hbm>>) target(%dma_start3A_50 : memref<128x8xf32, #tpu.memory_space<vmem>>) offsets(%dma_start3A_53 : memref<128xi32, #tpu.memory_space<vmem>>) semaphore(%arg18 : memref<!tpu.dma_semaphore, #tpu.memory_space<semaphore_mem>>)
        %dma_start3A_57 = arith.constant 1 : i32
        %dma_start3A_58 = arith.constant 128 : i32
        %dma_start3A_59 = arith.constant 0 : i32
        %dma_start3A_60 = tpu.memref_slice %arg16[%dma_start3A_58, %dma_start3A_59] : memref<4096x8xf32, #tpu.memory_space<vmem>> -> memref<128x8xf32, #tpu.memory_space<vmem>>
        %dma_start3A_61 = arith.constant 0 : i32
        %dma_start3A_62 = tpu.memref_slice %arg14[%dma_start3A_57, %dma_start3A_61] : memref<32x128xi32, #tpu.memory_space<vmem>> -> memref<1x128xi32, #tpu.memory_space<vmem>>
        %dma_start3A_63 = tpu.memref_squeeze %dma_start3A_62 : memref<1x128xi32, #tpu.memory_space<vmem>> -> memref<128xi32, #tpu.memory_space<vmem>>
        %dma_start3A_64 = arith.constant 0 : i32
        %dma_start3A_65 = arith.constant 0 : i32
        %dma_start3A_66 = tpu.memref_slice %arg5[%dma_start3A_64, %dma_start3A_65] : memref<22806528x8xf32, #tpu.memory_space<hbm>> -> memref<22806528x8xf32, #tpu.memory_space<hbm>>
        tpu.enqueue_indirect_dma source(%dma_start3A_66 : memref<22806528x8xf32, #tpu.memory_space<hbm>>) target(%dma_start3A_60 : memref<128x8xf32, #tpu.memory_space<vmem>>) offsets(%dma_start3A_63 : memref<128xi32, #tpu.memory_space<vmem>>) semaphore(%arg18 : memref<!tpu.dma_semaphore, #tpu.memory_space<semaphore_mem>>)
        %dma_start3A_67 = arith.constant 2 : i32
        %dma_start3A_68 = arith.constant 256 : i32
        %dma_start3A_69 = arith.constant 0 : i32
        %dma_start3A_70 = tpu.memref_slice %arg16[%dma_start3A_68, %dma_start3A_69] : memref<4096x8xf32, #tpu.memory_space<vmem>> -> memref<128x8xf32, #tpu.memory_space<vmem>>
        %dma_start3A_71 = arith.constant 0 : i32
        %dma_start3A_72 = tpu.memref_slice %arg14[%dma_start3A_67, %dma_start3A_71] : memref<32x128xi32, #tpu.memory_space<vmem>> -> memref<1x128xi32, #tpu.memory_space<vmem>>
        %dma_start3A_73 = tpu.memref_squeeze %dma_start3A_72 : memref<1x128xi32, #tpu.memory_space<vmem>> -> memref<128xi32, #tpu.memory_space<vmem>>
        %dma_start3A_74 = arith.constant 0 : i32
        %dma_start3A_75 = arith.constant 0 : i32
        %dma_start3A_76 = tpu.memref_slice %arg5[%dma_start3A_74, %dma_start3A_75] : memref<22806528x8xf32, #tpu.memory_space<hbm>> -> memref<22806528x8xf32, #tpu.memory_space<hbm>>
        tpu.enqueue_indirect_dma source(%dma_start3A_76 : memref<22806528x8xf32, #tpu.memory_space<hbm>>) target(%dma_start3A_70 : memref<128x8xf32, #tpu.memory_space<vmem>>) offsets(%dma_start3A_73 : memref<128xi32, #tpu.memory_space<vmem>>) semaphore(%arg18 : memref<!tpu.dma_semaphore, #tpu.memory_space<semaphore_mem>>)
        %dma_start3A_77 = arith.constant 3 : i32
        %dma_start3A_78 = arith.constant 384 : i32
        %dma_start3A_79 = arith.constant 0 : i32
        %dma_start3A_80 = tpu.memref_slice %arg16[%dma_start3A_78, %dma_start3A_79] : memref<4096x8xf32, #tpu.memory_space<vmem>> -> memref<128x8xf32, #tpu.memory_space<vmem>>
        %dma_start3A_81 = arith.constant 0 : i32
        %dma_start3A_82 = tpu.memref_slice %arg14[%dma_start3A_77, %dma_start3A_81] : memref<32x128xi32, #tpu.memory_space<vmem>> -> memref<1x128xi32, #tpu.memory_space<vmem>>
        %dma_start3A_83 = tpu.memref_squeeze %dma_start3A_82 : memref<1x128xi32, #tpu.memory_space<vmem>> -> memref<128xi32, #tpu.memory_space<vmem>>
        %dma_start3A_84 = arith.constant 0 : i32
        %dma_start3A_85 = arith.constant 0 : i32
        %dma_start3A_86 = tpu.memref_slice %arg5[%dma_start3A_84, %dma_start3A_85] : memref<22806528x8xf32, #tpu.memory_space<hbm>> -> memref<22806528x8xf32, #tpu.memory_space<hbm>>
        tpu.enqueue_indirect_dma source(%dma_start3A_86 : memref<22806528x8xf32, #tpu.memory_space<hbm>>) target(%dma_start3A_80 : memref<128x8xf32, #tpu.memory_space<vmem>>) offsets(%dma_start3A_83 : memref<128xi32, #tpu.memory_space<vmem>>) semaphore(%arg18 : memref<!tpu.dma_semaphore, #tpu.memory_space<semaphore_mem>>)
        %dma_start3A_87 = arith.constant 4 : i32
        %dma_start3A_88 = arith.constant 512 : i32
        %dma_start3A_89 = arith.constant 0 : i32
        %dma_start3A_90 = tpu.memref_slice %arg16[%dma_start3A_88, %dma_start3A_89] : memref<4096x8xf32, #tpu.memory_space<vmem>> -> memref<128x8xf32, #tpu.memory_space<vmem>>
        %dma_start3A_91 = arith.constant 0 : i32
        %dma_start3A_92 = tpu.memref_slice %arg14[%dma_start3A_87, %dma_start3A_91] : memref<32x128xi32, #tpu.memory_space<vmem>> -> memref<1x128xi32, #tpu.memory_space<vmem>>
        %dma_start3A_93 = tpu.memref_squeeze %dma_start3A_92 : memref<1x128xi32, #tpu.memory_space<vmem>> -> memref<128xi32, #tpu.memory_space<vmem>>
        %dma_start3A_94 = arith.constant 0 : i32
        %dma_start3A_95 = arith.constant 0 : i32
        %dma_start3A_96 = tpu.memref_slice %arg5[%dma_start3A_94, %dma_start3A_95] : memref<22806528x8xf32, #tpu.memory_space<hbm>> -> memref<22806528x8xf32, #tpu.memory_space<hbm>>
        tpu.enqueue_indirect_dma source(%dma_start3A_96 : memref<22806528x8xf32, #tpu.memory_space<hbm>>) target(%dma_start3A_90 : memref<128x8xf32, #tpu.memory_space<vmem>>) offsets(%dma_start3A_93 : memref<128xi32, #tpu.memory_space<vmem>>) semaphore(%arg18 : memref<!tpu.dma_semaphore, #tpu.memory_space<semaphore_mem>>)
        %dma_start3A_97 = arith.constant 5 : i32
        %dma_start3A_98 = arith.constant 640 : i32
        %dma_start3A_99 = arith.constant 0 : i32
        %dma_start3A_100 = tpu.memref_slice %arg16[%dma_start3A_98, %dma_start3A_99] : memref<4096x8xf32, #tpu.memory_space<vmem>> -> memref<128x8xf32, #tpu.memory_space<vmem>>
        %dma_start3A_101 = arith.constant 0 : i32
        %dma_start3A_102 = tpu.memref_slice %arg14[%dma_start3A_97, %dma_start3A_101] : memref<32x128xi32, #tpu.memory_space<vmem>> -> memref<1x128xi32, #tpu.memory_space<vmem>>
        %dma_start3A_103 = tpu.memref_squeeze %dma_start3A_102 : memref<1x128xi32, #tpu.memory_space<vmem>> -> memref<128xi32, #tpu.memory_space<vmem>>
        %dma_start3A_104 = arith.constant 0 : i32
        %dma_start3A_105 = arith.constant 0 : i32
        %dma_start3A_106 = tpu.memref_slice %arg5[%dma_start3A_104, %dma_start3A_105] : memref<22806528x8xf32, #tpu.memory_space<hbm>> -> memref<22806528x8xf32, #tpu.memory_space<hbm>>
        tpu.enqueue_indirect_dma source(%dma_start3A_106 : memref<22806528x8xf32, #tpu.memory_space<hbm>>) target(%dma_start3A_100 : memref<128x8xf32, #tpu.memory_space<vmem>>) offsets(%dma_start3A_103 : memref<128xi32, #tpu.memory_space<vmem>>) semaphore(%arg18 : memref<!tpu.dma_semaphore, #tpu.memory_space<semaphore_mem>>)
        %dma_start3A_107 = arith.constant 6 : i32
        %dma_start3A_108 = arith.constant 768 : i32
        %dma_start3A_109 = arith.constant 0 : i32
        %dma_start3A_110 = tpu.memref_slice %arg16[%dma_start3A_108, %dma_start3A_109] : memref<4096x8xf32, #tpu.memory_space<vmem>> -> memref<128x8xf32, #tpu.memory_space<vmem>>
        %dma_start3A_111 = arith.constant 0 : i32
        %dma_start3A_112 = tpu.memref_slice %arg14[%dma_start3A_107, %dma_start3A_111] : memref<32x128xi32, #tpu.memory_space<vmem>> -> memref<1x128xi32, #tpu.memory_space<vmem>>
        %dma_start3A_113 = tpu.memref_squeeze %dma_start3A_112 : memref<1x128xi32, #tpu.memory_space<vmem>> -> memref<128xi32, #tpu.memory_space<vmem>>
        %dma_start3A_114 = arith.constant 0 : i32
        %dma_start3A_115 = arith.constant 0 : i32
        %dma_start3A_116 = tpu.memref_slice %arg5[%dma_start3A_114, %dma_start3A_115] : memref<22806528x8xf32, #tpu.memory_space<hbm>> -> memref<22806528x8xf32, #tpu.memory_space<hbm>>
        tpu.enqueue_indirect_dma source(%dma_start3A_116 : memref<22806528x8xf32, #tpu.memory_space<hbm>>) target(%dma_start3A_110 : memref<128x8xf32, #tpu.memory_space<vmem>>) offsets(%dma_start3A_113 : memref<128xi32, #tpu.memory_space<vmem>>) semaphore(%arg18 : memref<!tpu.dma_semaphore, #tpu.memory_space<semaphore_mem>>)
        %dma_start3A_117 = arith.constant 7 : i32
        %dma_start3A_118 = arith.constant 896 : i32
        %dma_start3A_119 = arith.constant 0 : i32
        %dma_start3A_120 = tpu.memref_slice %arg16[%dma_start3A_118, %dma_start3A_119] : memref<4096x8xf32, #tpu.memory_space<vmem>> -> memref<128x8xf32, #tpu.memory_space<vmem>>
        %dma_start3A_121 = arith.constant 0 : i32
        %dma_start3A_122 = tpu.memref_slice %arg14[%dma_start3A_117, %dma_start3A_121] : memref<32x128xi32, #tpu.memory_space<vmem>> -> memref<1x128xi32, #tpu.memory_space<vmem>>
        %dma_start3A_123 = tpu.memref_squeeze %dma_start3A_122 : memref<1x128xi32, #tpu.memory_space<vmem>> -> memref<128xi32, #tpu.memory_space<vmem>>
        %dma_start3A_124 = arith.constant 0 : i32
        %dma_start3A_125 = arith.constant 0 : i32
        %dma_start3A_126 = tpu.memref_slice %arg5[%dma_start3A_124, %dma_start3A_125] : memref<22806528x8xf32, #tpu.memory_space<hbm>> -> memref<22806528x8xf32, #tpu.memory_space<hbm>>
        tpu.enqueue_indirect_dma source(%dma_start3A_126 : memref<22806528x8xf32, #tpu.memory_space<hbm>>) target(%dma_start3A_120 : memref<128x8xf32, #tpu.memory_space<vmem>>) offsets(%dma_start3A_123 : memref<128xi32, #tpu.memory_space<vmem>>) semaphore(%arg18 : memref<!tpu.dma_semaphore, #tpu.memory_space<semaphore_mem>>)
        %dma_start3A_127 = arith.constant 8 : i32
        %dma_start3A_128 = arith.constant 1024 : i32
        %dma_start3A_129 = arith.constant 0 : i32
        %dma_start3A_130 = tpu.memref_slice %arg16[%dma_start3A_128, %dma_start3A_129] : memref<4096x8xf32, #tpu.memory_space<vmem>> -> memref<128x8xf32, #tpu.memory_space<vmem>>
        %dma_start3A_131 = arith.constant 0 : i32
        %dma_start3A_132 = tpu.memref_slice %arg14[%dma_start3A_127, %dma_start3A_131] : memref<32x128xi32, #tpu.memory_space<vmem>> -> memref<1x128xi32, #tpu.memory_space<vmem>>
        %dma_start3A_133 = tpu.memref_squeeze %dma_start3A_132 : memref<1x128xi32, #tpu.memory_space<vmem>> -> memref<128xi32, #tpu.memory_space<vmem>>
        %dma_start3A_134 = arith.constant 0 : i32
        %dma_start3A_135 = arith.constant 0 : i32
        %dma_start3A_136 = tpu.memref_slice %arg5[%dma_start3A_134, %dma_start3A_135] : memref<22806528x8xf32, #tpu.memory_space<hbm>> -> memref<22806528x8xf32, #tpu.memory_space<hbm>>
        tpu.enqueue_indirect_dma source(%dma_start3A_136 : memref<22806528x8xf32, #tpu.memory_space<hbm>>) target(%dma_start3A_130 : memref<128x8xf32, #tpu.memory_space<vmem>>) offsets(%dma_start3A_133 : memref<128xi32, #tpu.memory_space<vmem>>) semaphore(%arg18 : memref<!tpu.dma_semaphore, #tpu.memory_space<semaphore_mem>>)
        %dma_start3A_137 = arith.constant 9 : i32
        %dma_start3A_138 = arith.constant 1152 : i32
        %dma_start3A_139 = arith.constant 0 : i32
        %dma_start3A_140 = tpu.memref_slice %arg16[%dma_start3A_138, %dma_start3A_139] : memref<4096x8xf32, #tpu.memory_space<vmem>> -> memref<128x8xf32, #tpu.memory_space<vmem>>
        %dma_start3A_141 = arith.constant 0 : i32
        %dma_start3A_142 = tpu.memref_slice %arg14[%dma_start3A_137, %dma_start3A_141] : memref<32x128xi32, #tpu.memory_space<vmem>> -> memref<1x128xi32, #tpu.memory_space<vmem>>
        %dma_start3A_143 = tpu.memref_squeeze %dma_start3A_142 : memref<1x128xi32, #tpu.memory_space<vmem>> -> memref<128xi32, #tpu.memory_space<vmem>>
        %dma_start3A_144 = arith.constant 0 : i32
        %dma_start3A_145 = arith.constant 0 : i32
        %dma_start3A_146 = tpu.memref_slice %arg5[%dma_start3A_144, %dma_start3A_145] : memref<22806528x8xf32, #tpu.memory_space<hbm>> -> memref<22806528x8xf32, #tpu.memory_space<hbm>>
        tpu.enqueue_indirect_dma source(%dma_start3A_146 : memref<22806528x8xf32, #tpu.memory_space<hbm>>) target(%dma_start3A_140 : memref<128x8xf32, #tpu.memory_space<vmem>>) offsets(%dma_start3A_143 : memref<128xi32, #tpu.memory_space<vmem>>) semaphore(%arg18 : memref<!tpu.dma_semaphore, #tpu.memory_space<semaphore_mem>>)
        %dma_start3A_147 = arith.constant 10 : i32
        %dma_start3A_148 = arith.constant 1280 : i32
        %dma_start3A_149 = arith.constant 0 : i32
        %dma_start3A_150 = tpu.memref_slice %arg16[%dma_start3A_148, %dma_start3A_149] : memref<4096x8xf32, #tpu.memory_space<vmem>> -> memref<128x8xf32, #tpu.memory_space<vmem>>
        %dma_start3A_151 = arith.constant 0 : i32
        %dma_start3A_152 = tpu.memref_slice %arg14[%dma_start3A_147, %dma_start3A_151] : memref<32x128xi32, #tpu.memory_space<vmem>> -> memref<1x128xi32, #tpu.memory_space<vmem>>
        %dma_start3A_153 = tpu.memref_squeeze %dma_start3A_152 : memref<1x128xi32, #tpu.memory_space<vmem>> -> memref<128xi32, #tpu.memory_space<vmem>>
        %dma_start3A_154 = arith.constant 0 : i32
        %dma_start3A_155 = arith.constant 0 : i32
        %dma_start3A_156 = tpu.memref_slice %arg5[%dma_start3A_154, %dma_start3A_155] : memref<22806528x8xf32, #tpu.memory_space<hbm>> -> memref<22806528x8xf32, #tpu.memory_space<hbm>>
        tpu.enqueue_indirect_dma source(%dma_start3A_156 : memref<22806528x8xf32, #tpu.memory_space<hbm>>) target(%dma_start3A_150 : memref<128x8xf32, #tpu.memory_space<vmem>>) offsets(%dma_start3A_153 : memref<128xi32, #tpu.memory_space<vmem>>) semaphore(%arg18 : memref<!tpu.dma_semaphore, #tpu.memory_space<semaphore_mem>>)
        %dma_start3A_157 = arith.constant 11 : i32
        %dma_start3A_158 = arith.constant 1408 : i32
        %dma_start3A_159 = arith.constant 0 : i32
        %dma_start3A_160 = tpu.memref_slice %arg16[%dma_start3A_158, %dma_start3A_159] : memref<4096x8xf32, #tpu.memory_space<vmem>> -> memref<128x8xf32, #tpu.memory_space<vmem>>
        %dma_start3A_161 = arith.constant 0 : i32
        %dma_start3A_162 = tpu.memref_slice %arg14[%dma_start3A_157, %dma_start3A_161] : memref<32x128xi32, #tpu.memory_space<vmem>> -> memref<1x128xi32, #tpu.memory_space<vmem>>
        %dma_start3A_163 = tpu.memref_squeeze %dma_start3A_162 : memref<1x128xi32, #tpu.memory_space<vmem>> -> memref<128xi32, #tpu.memory_space<vmem>>
        %dma_start3A_164 = arith.constant 0 : i32
        %dma_start3A_165 = arith.constant 0 : i32
        %dma_start3A_166 = tpu.memref_slice %arg5[%dma_start3A_164, %dma_start3A_165] : memref<22806528x8xf32, #tpu.memory_space<hbm>> -> memref<22806528x8xf32, #tpu.memory_space<hbm>>
        tpu.enqueue_indirect_dma source(%dma_start3A_166 : memref<22806528x8xf32, #tpu.memory_space<hbm>>) target(%dma_start3A_160 : memref<128x8xf32, #tpu.memory_space<vmem>>) offsets(%dma_start3A_163 : memref<128xi32, #tpu.memory_space<vmem>>) semaphore(%arg18 : memref<!tpu.dma_semaphore, #tpu.memory_space<semaphore_mem>>)
        %dma_start3A_167 = arith.constant 12 : i32
        %dma_start3A_168 = arith.constant 1536 : i32
        %dma_start3A_169 = arith.constant 0 : i32
        %dma_start3A_170 = tpu.memref_slice %arg16[%dma_start3A_168, %dma_start3A_169] : memref<4096x8xf32, #tpu.memory_space<vmem>> -> memref<128x8xf32, #tpu.memory_space<vmem>>
        %dma_start3A_171 = arith.constant 0 : i32
        %dma_start3A_172 = tpu.memref_slice %arg14[%dma_start3A_167, %dma_start3A_171] : memref<32x128xi32, #tpu.memory_space<vmem>> -> memref<1x128xi32, #tpu.memory_space<vmem>>
        %dma_start3A_173 = tpu.memref_squeeze %dma_start3A_172 : memref<1x128xi32, #tpu.memory_space<vmem>> -> memref<128xi32, #tpu.memory_space<vmem>>
        %dma_start3A_174 = arith.constant 0 : i32
        %dma_start3A_175 = arith.constant 0 : i32
        %dma_start3A_176 = tpu.memref_slice %arg5[%dma_start3A_174, %dma_start3A_175] : memref<22806528x8xf32, #tpu.memory_space<hbm>> -> memref<22806528x8xf32, #tpu.memory_space<hbm>>
        tpu.enqueue_indirect_dma source(%dma_start3A_176 : memref<22806528x8xf32, #tpu.memory_space<hbm>>) target(%dma_start3A_170 : memref<128x8xf32, #tpu.memory_space<vmem>>) offsets(%dma_start3A_173 : memref<128xi32, #tpu.memory_space<vmem>>) semaphore(%arg18 : memref<!tpu.dma_semaphore, #tpu.memory_space<semaphore_mem>>)
        %dma_start3A_177 = arith.constant 13 : i32
        %dma_start3A_178 = arith.constant 1664 : i32
        %dma_start3A_179 = arith.constant 0 : i32
        %dma_start3A_180 = tpu.memref_slice %arg16[%dma_start3A_178, %dma_start3A_179] : memref<4096x8xf32, #tpu.memory_space<vmem>> -> memref<128x8xf32, #tpu.memory_space<vmem>>
        %dma_start3A_181 = arith.constant 0 : i32
        %dma_start3A_182 = tpu.memref_slice %arg14[%dma_start3A_177, %dma_start3A_181] : memref<32x128xi32, #tpu.memory_space<vmem>> -> memref<1x128xi32, #tpu.memory_space<vmem>>
        %dma_start3A_183 = tpu.memref_squeeze %dma_start3A_182 : memref<1x128xi32, #tpu.memory_space<vmem>> -> memref<128xi32, #tpu.memory_space<vmem>>
        %dma_start3A_184 = arith.constant 0 : i32
        %dma_start3A_185 = arith.constant 0 : i32
        %dma_start3A_186 = tpu.memref_slice %arg5[%dma_start3A_184, %dma_start3A_185] : memref<22806528x8xf32, #tpu.memory_space<hbm>> -> memref<22806528x8xf32, #tpu.memory_space<hbm>>
        tpu.enqueue_indirect_dma source(%dma_start3A_186 : memref<22806528x8xf32, #tpu.memory_space<hbm>>) target(%dma_start3A_180 : memref<128x8xf32, #tpu.memory_space<vmem>>) offsets(%dma_start3A_183 : memref<128xi32, #tpu.memory_space<vmem>>) semaphore(%arg18 : memref<!tpu.dma_semaphore, #tpu.memory_space<semaphore_mem>>)
        %dma_start3A_187 = arith.constant 14 : i32
        %dma_start3A_188 = arith.constant 1792 : i32
        %dma_start3A_189 = arith.constant 0 : i32
        %dma_start3A_190 = tpu.memref_slice %arg16[%dma_start3A_188, %dma_start3A_189] : memref<4096x8xf32, #tpu.memory_space<vmem>> -> memref<128x8xf32, #tpu.memory_space<vmem>>
        %dma_start3A_191 = arith.constant 0 : i32
        %dma_start3A_192 = tpu.memref_slice %arg14[%dma_start3A_187, %dma_start3A_191] : memref<32x128xi32, #tpu.memory_space<vmem>> -> memref<1x128xi32, #tpu.memory_space<vmem>>
        %dma_start3A_193 = tpu.memref_squeeze %dma_start3A_192 : memref<1x128xi32, #tpu.memory_space<vmem>> -> memref<128xi32, #tpu.memory_space<vmem>>
        %dma_start3A_194 = arith.constant 0 : i32
        %dma_start3A_195 = arith.constant 0 : i32
        %dma_start3A_196 = tpu.memref_slice %arg5[%dma_start3A_194, %dma_start3A_195] : memref<22806528x8xf32, #tpu.memory_space<hbm>> -> memref<22806528x8xf32, #tpu.memory_space<hbm>>
        tpu.enqueue_indirect_dma source(%dma_start3A_196 : memref<22806528x8xf32, #tpu.memory_space<hbm>>) target(%dma_start3A_190 : memref<128x8xf32, #tpu.memory_space<vmem>>) offsets(%dma_start3A_193 : memref<128xi32, #tpu.memory_space<vmem>>) semaphore(%arg18 : memref<!tpu.dma_semaphore, #tpu.memory_space<semaphore_mem>>)
        %dma_start3A_197 = arith.constant 15 : i32
        %dma_start3A_198 = arith.constant 1920 : i32
        %dma_start3A_199 = arith.constant 0 : i32
        %dma_start3A_200 = tpu.memref_slice %arg16[%dma_start3A_198, %dma_start3A_199] : memref<4096x8xf32, #tpu.memory_space<vmem>> -> memref<128x8xf32, #tpu.memory_space<vmem>>
        %dma_start3A_201 = arith.constant 0 : i32
        %dma_start3A_202 = tpu.memref_slice %arg14[%dma_start3A_197, %dma_start3A_201] : memref<32x128xi32, #tpu.memory_space<vmem>> -> memref<1x128xi32, #tpu.memory_space<vmem>>
        %dma_start3A_203 = tpu.memref_squeeze %dma_start3A_202 : memref<1x128xi32, #tpu.memory_space<vmem>> -> memref<128xi32, #tpu.memory_space<vmem>>
        %dma_start3A_204 = arith.constant 0 : i32
        %dma_start3A_205 = arith.constant 0 : i32
        %dma_start3A_206 = tpu.memref_slice %arg5[%dma_start3A_204, %dma_start3A_205] : memref<22806528x8xf32, #tpu.memory_space<hbm>> -> memref<22806528x8xf32, #tpu.memory_space<hbm>>
        tpu.enqueue_indirect_dma source(%dma_start3A_206 : memref<22806528x8xf32, #tpu.memory_space<hbm>>) target(%dma_start3A_200 : memref<128x8xf32, #tpu.memory_space<vmem>>) offsets(%dma_start3A_203 : memref<128xi32, #tpu.memory_space<vmem>>) semaphore(%arg18 : memref<!tpu.dma_semaphore, #tpu.memory_space<semaphore_mem>>)
        %dma_start3A_207 = arith.constant 16 : i32
        %dma_start3A_208 = arith.constant 2048 : i32
        %dma_start3A_209 = arith.constant 0 : i32
        %dma_start3A_210 = tpu.memref_slice %arg16[%dma_start3A_208, %dma_start3A_209] : memref<4096x8xf32, #tpu.memory_space<vmem>> -> memref<128x8xf32, #tpu.memory_space<vmem>>
        %dma_start3A_211 = arith.constant 0 : i32
        %dma_start3A_212 = tpu.memref_slice %arg14[%dma_start3A_207, %dma_start3A_211] : memref<32x128xi32, #tpu.memory_space<vmem>> -> memref<1x128xi32, #tpu.memory_space<vmem>>
        %dma_start3A_213 = tpu.memref_squeeze %dma_start3A_212 : memref<1x128xi32, #tpu.memory_space<vmem>> -> memref<128xi32, #tpu.memory_space<vmem>>
        %dma_start3A_214 = arith.constant 0 : i32
        %dma_start3A_215 = arith.constant 0 : i32
        %dma_start3A_216 = tpu.memref_slice %arg5[%dma_start3A_214, %dma_start3A_215] : memref<22806528x8xf32, #tpu.memory_space<hbm>> -> memref<22806528x8xf32, #tpu.memory_space<hbm>>
        tpu.enqueue_indirect_dma source(%dma_start3A_216 : memref<22806528x8xf32, #tpu.memory_space<hbm>>) target(%dma_start3A_210 : memref<128x8xf32, #tpu.memory_space<vmem>>) offsets(%dma_start3A_213 : memref<128xi32, #tpu.memory_space<vmem>>) semaphore(%arg18 : memref<!tpu.dma_semaphore, #tpu.memory_space<semaphore_mem>>)
        %dma_start3A_217 = arith.constant 17 : i32
        %dma_start3A_218 = arith.constant 2176 : i32
        %dma_start3A_219 = arith.constant 0 : i32
        %dma_start3A_220 = tpu.memref_slice %arg16[%dma_start3A_218, %dma_start3A_219] : memref<4096x8xf32, #tpu.memory_space<vmem>> -> memref<128x8xf32, #tpu.memory_space<vmem>>
        %dma_start3A_221 = arith.constant 0 : i32
        %dma_start3A_222 = tpu.memref_slice %arg14[%dma_start3A_217, %dma_start3A_221] : memref<32x128xi32, #tpu.memory_space<vmem>> -> memref<1x128xi32, #tpu.memory_space<vmem>>
        %dma_start3A_223 = tpu.memref_squeeze %dma_start3A_222 : memref<1x128xi32, #tpu.memory_space<vmem>> -> memref<128xi32, #tpu.memory_space<vmem>>
        %dma_start3A_224 = arith.constant 0 : i32
        %dma_start3A_225 = arith.constant 0 : i32
        %dma_start3A_226 = tpu.memref_slice %arg5[%dma_start3A_224, %dma_start3A_225] : memref<22806528x8xf32, #tpu.memory_space<hbm>> -> memref<22806528x8xf32, #tpu.memory_space<hbm>>
        tpu.enqueue_indirect_dma source(%dma_start3A_226 : memref<22806528x8xf32, #tpu.memory_space<hbm>>) target(%dma_start3A_220 : memref<128x8xf32, #tpu.memory_space<vmem>>) offsets(%dma_start3A_223 : memref<128xi32, #tpu.memory_space<vmem>>) semaphore(%arg18 : memref<!tpu.dma_semaphore, #tpu.memory_space<semaphore_mem>>)
        %dma_start3A_227 = arith.constant 18 : i32
        %dma_start3A_228 = arith.constant 2304 : i32
        %dma_start3A_229 = arith.constant 0 : i32
        %dma_start3A_230 = tpu.memref_slice %arg16[%dma_start3A_228, %dma_start3A_229] : memref<4096x8xf32, #tpu.memory_space<vmem>> -> memref<128x8xf32, #tpu.memory_space<vmem>>
        %dma_start3A_231 = arith.constant 0 : i32
        %dma_start3A_232 = tpu.memref_slice %arg14[%dma_start3A_227, %dma_start3A_231] : memref<32x128xi32, #tpu.memory_space<vmem>> -> memref<1x128xi32, #tpu.memory_space<vmem>>
        %dma_start3A_233 = tpu.memref_squeeze %dma_start3A_232 : memref<1x128xi32, #tpu.memory_space<vmem>> -> memref<128xi32, #tpu.memory_space<vmem>>
        %dma_start3A_234 = arith.constant 0 : i32
        %dma_start3A_235 = arith.constant 0 : i32
        %dma_start3A_236 = tpu.memref_slice %arg5[%dma_start3A_234, %dma_start3A_235] : memref<22806528x8xf32, #tpu.memory_space<hbm>> -> memref<22806528x8xf32, #tpu.memory_space<hbm>>
        tpu.enqueue_indirect_dma source(%dma_start3A_236 : memref<22806528x8xf32, #tpu.memory_space<hbm>>) target(%dma_start3A_230 : memref<128x8xf32, #tpu.memory_space<vmem>>) offsets(%dma_start3A_233 : memref<128xi32, #tpu.memory_space<vmem>>) semaphore(%arg18 : memref<!tpu.dma_semaphore, #tpu.memory_space<semaphore_mem>>)
        %dma_start3A_237 = arith.constant 19 : i32
        %dma_start3A_238 = arith.constant 2432 : i32
        %dma_start3A_239 = arith.constant 0 : i32
        %dma_start3A_240 = tpu.memref_slice %arg16[%dma_start3A_238, %dma_start3A_239] : memref<4096x8xf32, #tpu.memory_space<vmem>> -> memref<128x8xf32, #tpu.memory_space<vmem>>
        %dma_start3A_241 = arith.constant 0 : i32
        %dma_start3A_242 = tpu.memref_slice %arg14[%dma_start3A_237, %dma_start3A_241] : memref<32x128xi32, #tpu.memory_space<vmem>> -> memref<1x128xi32, #tpu.memory_space<vmem>>
        %dma_start3A_243 = tpu.memref_squeeze %dma_start3A_242 : memref<1x128xi32, #tpu.memory_space<vmem>> -> memref<128xi32, #tpu.memory_space<vmem>>
        %dma_start3A_244 = arith.constant 0 : i32
        %dma_start3A_245 = arith.constant 0 : i32
        %dma_start3A_246 = tpu.memref_slice %arg5[%dma_start3A_244, %dma_start3A_245] : memref<22806528x8xf32, #tpu.memory_space<hbm>> -> memref<22806528x8xf32, #tpu.memory_space<hbm>>
        tpu.enqueue_indirect_dma source(%dma_start3A_246 : memref<22806528x8xf32, #tpu.memory_space<hbm>>) target(%dma_start3A_240 : memref<128x8xf32, #tpu.memory_space<vmem>>) offsets(%dma_start3A_243 : memref<128xi32, #tpu.memory_space<vmem>>) semaphore(%arg18 : memref<!tpu.dma_semaphore, #tpu.memory_space<semaphore_mem>>)
        %dma_start3A_247 = arith.constant 20 : i32
        %dma_start3A_248 = arith.constant 2560 : i32
        %dma_start3A_249 = arith.constant 0 : i32
        %dma_start3A_250 = tpu.memref_slice %arg16[%dma_start3A_248, %dma_start3A_249] : memref<4096x8xf32, #tpu.memory_space<vmem>> -> memref<128x8xf32, #tpu.memory_space<vmem>>
        %dma_start3A_251 = arith.constant 0 : i32
        %dma_start3A_252 = tpu.memref_slice %arg14[%dma_start3A_247, %dma_start3A_251] : memref<32x128xi32, #tpu.memory_space<vmem>> -> memref<1x128xi32, #tpu.memory_space<vmem>>
        %dma_start3A_253 = tpu.memref_squeeze %dma_start3A_252 : memref<1x128xi32, #tpu.memory_space<vmem>> -> memref<128xi32, #tpu.memory_space<vmem>>
        %dma_start3A_254 = arith.constant 0 : i32
        %dma_start3A_255 = arith.constant 0 : i32
        %dma_start3A_256 = tpu.memref_slice %arg5[%dma_start3A_254, %dma_start3A_255] : memref<22806528x8xf32, #tpu.memory_space<hbm>> -> memref<22806528x8xf32, #tpu.memory_space<hbm>>
        tpu.enqueue_indirect_dma source(%dma_start3A_256 : memref<22806528x8xf32, #tpu.memory_space<hbm>>) target(%dma_start3A_250 : memref<128x8xf32, #tpu.memory_space<vmem>>) offsets(%dma_start3A_253 : memref<128xi32, #tpu.memory_space<vmem>>) semaphore(%arg18 : memref<!tpu.dma_semaphore, #tpu.memory_space<semaphore_mem>>)
        %dma_start3A_257 = arith.constant 21 : i32
        %dma_start3A_258 = arith.constant 2688 : i32
        %dma_start3A_259 = arith.constant 0 : i32
        %dma_start3A_260 = tpu.memref_slice %arg16[%dma_start3A_258, %dma_start3A_259] : memref<4096x8xf32, #tpu.memory_space<vmem>> -> memref<128x8xf32, #tpu.memory_space<vmem>>
        %dma_start3A_261 = arith.constant 0 : i32
        %dma_start3A_262 = tpu.memref_slice %arg14[%dma_start3A_257, %dma_start3A_261] : memref<32x128xi32, #tpu.memory_space<vmem>> -> memref<1x128xi32, #tpu.memory_space<vmem>>
        %dma_start3A_263 = tpu.memref_squeeze %dma_start3A_262 : memref<1x128xi32, #tpu.memory_space<vmem>> -> memref<128xi32, #tpu.memory_space<vmem>>
        %dma_start3A_264 = arith.constant 0 : i32
        %dma_start3A_265 = arith.constant 0 : i32
        %dma_start3A_266 = tpu.memref_slice %arg5[%dma_start3A_264, %dma_start3A_265] : memref<22806528x8xf32, #tpu.memory_space<hbm>> -> memref<22806528x8xf32, #tpu.memory_space<hbm>>
        tpu.enqueue_indirect_dma source(%dma_start3A_266 : memref<22806528x8xf32, #tpu.memory_space<hbm>>) target(%dma_start3A_260 : memref<128x8xf32, #tpu.memory_space<vmem>>) offsets(%dma_start3A_263 : memref<128xi32, #tpu.memory_space<vmem>>) semaphore(%arg18 : memref<!tpu.dma_semaphore, #tpu.memory_space<semaphore_mem>>)
        %dma_start3A_267 = arith.constant 22 : i32
        %dma_start3A_268 = arith.constant 2816 : i32
        %dma_start3A_269 = arith.constant 0 : i32
        %dma_start3A_270 = tpu.memref_slice %arg16[%dma_start3A_268, %dma_start3A_269] : memref<4096x8xf32, #tpu.memory_space<vmem>> -> memref<128x8xf32, #tpu.memory_space<vmem>>
        %dma_start3A_271 = arith.constant 0 : i32
        %dma_start3A_272 = tpu.memref_slice %arg14[%dma_start3A_267, %dma_start3A_271] : memref<32x128xi32, #tpu.memory_space<vmem>> -> memref<1x128xi32, #tpu.memory_space<vmem>>
        %dma_start3A_273 = tpu.memref_squeeze %dma_start3A_272 : memref<1x128xi32, #tpu.memory_space<vmem>> -> memref<128xi32, #tpu.memory_space<vmem>>
        %dma_start3A_274 = arith.constant 0 : i32
        %dma_start3A_275 = arith.constant 0 : i32
        %dma_start3A_276 = tpu.memref_slice %arg5[%dma_start3A_274, %dma_start3A_275] : memref<22806528x8xf32, #tpu.memory_space<hbm>> -> memref<22806528x8xf32, #tpu.memory_space<hbm>>
        tpu.enqueue_indirect_dma source(%dma_start3A_276 : memref<22806528x8xf32, #tpu.memory_space<hbm>>) target(%dma_start3A_270 : memref<128x8xf32, #tpu.memory_space<vmem>>) offsets(%dma_start3A_273 : memref<128xi32, #tpu.memory_space<vmem>>) semaphore(%arg18 : memref<!tpu.dma_semaphore, #tpu.memory_space<semaphore_mem>>)
        %dma_start3A_277 = arith.constant 23 : i32
        %dma_start3A_278 = arith.constant 2944 : i32
        %dma_start3A_279 = arith.constant 0 : i32
        %dma_start3A_280 = tpu.memref_slice %arg16[%dma_start3A_278, %dma_start3A_279] : memref<4096x8xf32, #tpu.memory_space<vmem>> -> memref<128x8xf32, #tpu.memory_space<vmem>>
        %dma_start3A_281 = arith.constant 0 : i32
        %dma_start3A_282 = tpu.memref_slice %arg14[%dma_start3A_277, %dma_start3A_281] : memref<32x128xi32, #tpu.memory_space<vmem>> -> memref<1x128xi32, #tpu.memory_space<vmem>>
        %dma_start3A_283 = tpu.memref_squeeze %dma_start3A_282 : memref<1x128xi32, #tpu.memory_space<vmem>> -> memref<128xi32, #tpu.memory_space<vmem>>
        %dma_start3A_284 = arith.constant 0 : i32
        %dma_start3A_285 = arith.constant 0 : i32
        %dma_start3A_286 = tpu.memref_slice %arg5[%dma_start3A_284, %dma_start3A_285] : memref<22806528x8xf32, #tpu.memory_space<hbm>> -> memref<22806528x8xf32, #tpu.memory_space<hbm>>
        tpu.enqueue_indirect_dma source(%dma_start3A_286 : memref<22806528x8xf32, #tpu.memory_space<hbm>>) target(%dma_start3A_280 : memref<128x8xf32, #tpu.memory_space<vmem>>) offsets(%dma_start3A_283 : memref<128xi32, #tpu.memory_space<vmem>>) semaphore(%arg18 : memref<!tpu.dma_semaphore, #tpu.memory_space<semaphore_mem>>)
        %dma_start3A_287 = arith.constant 24 : i32
        %dma_start3A_288 = arith.constant 3072 : i32
        %dma_start3A_289 = arith.constant 0 : i32
        %dma_start3A_290 = tpu.memref_slice %arg16[%dma_start3A_288, %dma_start3A_289] : memref<4096x8xf32, #tpu.memory_space<vmem>> -> memref<128x8xf32, #tpu.memory_space<vmem>>
        %dma_start3A_291 = arith.constant 0 : i32
        %dma_start3A_292 = tpu.memref_slice %arg14[%dma_start3A_287, %dma_start3A_291] : memref<32x128xi32, #tpu.memory_space<vmem>> -> memref<1x128xi32, #tpu.memory_space<vmem>>
        %dma_start3A_293 = tpu.memref_squeeze %dma_start3A_292 : memref<1x128xi32, #tpu.memory_space<vmem>> -> memref<128xi32, #tpu.memory_space<vmem>>
        %dma_start3A_294 = arith.constant 0 : i32
        %dma_start3A_295 = arith.constant 0 : i32
        %dma_start3A_296 = tpu.memref_slice %arg5[%dma_start3A_294, %dma_start3A_295] : memref<22806528x8xf32, #tpu.memory_space<hbm>> -> memref<22806528x8xf32, #tpu.memory_space<hbm>>
        tpu.enqueue_indirect_dma source(%dma_start3A_296 : memref<22806528x8xf32, #tpu.memory_space<hbm>>) target(%dma_start3A_290 : memref<128x8xf32, #tpu.memory_space<vmem>>) offsets(%dma_start3A_293 : memref<128xi32, #tpu.memory_space<vmem>>) semaphore(%arg18 : memref<!tpu.dma_semaphore, #tpu.memory_space<semaphore_mem>>)
        %dma_start3A_297 = arith.constant 25 : i32
        %dma_start3A_298 = arith.constant 3200 : i32
        %dma_start3A_299 = arith.constant 0 : i32
        %dma_start3A_300 = tpu.memref_slice %arg16[%dma_start3A_298, %dma_start3A_299] : memref<4096x8xf32, #tpu.memory_space<vmem>> -> memref<128x8xf32, #tpu.memory_space<vmem>>
        %dma_start3A_301 = arith.constant 0 : i32
        %dma_start3A_302 = tpu.memref_slice %arg14[%dma_start3A_297, %dma_start3A_301] : memref<32x128xi32, #tpu.memory_space<vmem>> -> memref<1x128xi32, #tpu.memory_space<vmem>>
        %dma_start3A_303 = tpu.memref_squeeze %dma_start3A_302 : memref<1x128xi32, #tpu.memory_space<vmem>> -> memref<128xi32, #tpu.memory_space<vmem>>
        %dma_start3A_304 = arith.constant 0 : i32
        %dma_start3A_305 = arith.constant 0 : i32
        %dma_start3A_306 = tpu.memref_slice %arg5[%dma_start3A_304, %dma_start3A_305] : memref<22806528x8xf32, #tpu.memory_space<hbm>> -> memref<22806528x8xf32, #tpu.memory_space<hbm>>
        tpu.enqueue_indirect_dma source(%dma_start3A_306 : memref<22806528x8xf32, #tpu.memory_space<hbm>>) target(%dma_start3A_300 : memref<128x8xf32, #tpu.memory_space<vmem>>) offsets(%dma_start3A_303 : memref<128xi32, #tpu.memory_space<vmem>>) semaphore(%arg18 : memref<!tpu.dma_semaphore, #tpu.memory_space<semaphore_mem>>)
        %dma_start3A_307 = arith.constant 26 : i32
        %dma_start3A_308 = arith.constant 3328 : i32
        %dma_start3A_309 = arith.constant 0 : i32
        %dma_start3A_310 = tpu.memref_slice %arg16[%dma_start3A_308, %dma_start3A_309] : memref<4096x8xf32, #tpu.memory_space<vmem>> -> memref<128x8xf32, #tpu.memory_space<vmem>>
        %dma_start3A_311 = arith.constant 0 : i32
        %dma_start3A_312 = tpu.memref_slice %arg14[%dma_start3A_307, %dma_start3A_311] : memref<32x128xi32, #tpu.memory_space<vmem>> -> memref<1x128xi32, #tpu.memory_space<vmem>>
        %dma_start3A_313 = tpu.memref_squeeze %dma_start3A_312 : memref<1x128xi32, #tpu.memory_space<vmem>> -> memref<128xi32, #tpu.memory_space<vmem>>
        %dma_start3A_314 = arith.constant 0 : i32
        %dma_start3A_315 = arith.constant 0 : i32
        %dma_start3A_316 = tpu.memref_slice %arg5[%dma_start3A_314, %dma_start3A_315] : memref<22806528x8xf32, #tpu.memory_space<hbm>> -> memref<22806528x8xf32, #tpu.memory_space<hbm>>
        tpu.enqueue_indirect_dma source(%dma_start3A_316 : memref<22806528x8xf32, #tpu.memory_space<hbm>>) target(%dma_start3A_310 : memref<128x8xf32, #tpu.memory_space<vmem>>) offsets(%dma_start3A_313 : memref<128xi32, #tpu.memory_space<vmem>>) semaphore(%arg18 : memref<!tpu.dma_semaphore, #tpu.memory_space<semaphore_mem>>)
        %dma_start3A_317 = arith.constant 27 : i32
        %dma_start3A_318 = arith.constant 3456 : i32
        %dma_start3A_319 = arith.constant 0 : i32
        %dma_start3A_320 = tpu.memref_slice %arg16[%dma_start3A_318, %dma_start3A_319] : memref<4096x8xf32, #tpu.memory_space<vmem>> -> memref<128x8xf32, #tpu.memory_space<vmem>>
        %dma_start3A_321 = arith.constant 0 : i32
        %dma_start3A_322 = tpu.memref_slice %arg14[%dma_start3A_317, %dma_start3A_321] : memref<32x128xi32, #tpu.memory_space<vmem>> -> memref<1x128xi32, #tpu.memory_space<vmem>>
        %dma_start3A_323 = tpu.memref_squeeze %dma_start3A_322 : memref<1x128xi32, #tpu.memory_space<vmem>> -> memref<128xi32, #tpu.memory_space<vmem>>
        %dma_start3A_324 = arith.constant 0 : i32
        %dma_start3A_325 = arith.constant 0 : i32
        %dma_start3A_326 = tpu.memref_slice %arg5[%dma_start3A_324, %dma_start3A_325] : memref<22806528x8xf32, #tpu.memory_space<hbm>> -> memref<22806528x8xf32, #tpu.memory_space<hbm>>
        tpu.enqueue_indirect_dma source(%dma_start3A_326 : memref<22806528x8xf32, #tpu.memory_space<hbm>>) target(%dma_start3A_320 : memref<128x8xf32, #tpu.memory_space<vmem>>) offsets(%dma_start3A_323 : memref<128xi32, #tpu.memory_space<vmem>>) semaphore(%arg18 : memref<!tpu.dma_semaphore, #tpu.memory_space<semaphore_mem>>)
        %dma_start3A_327 = arith.constant 28 : i32
        %dma_start3A_328 = arith.constant 3584 : i32
        %dma_start3A_329 = arith.constant 0 : i32
        %dma_start3A_330 = tpu.memref_slice %arg16[%dma_start3A_328, %dma_start3A_329] : memref<4096x8xf32, #tpu.memory_space<vmem>> -> memref<128x8xf32, #tpu.memory_space<vmem>>
        %dma_start3A_331 = arith.constant 0 : i32
        %dma_start3A_332 = tpu.memref_slice %arg14[%dma_start3A_327, %dma_start3A_331] : memref<32x128xi32, #tpu.memory_space<vmem>> -> memref<1x128xi32, #tpu.memory_space<vmem>>
        %dma_start3A_333 = tpu.memref_squeeze %dma_start3A_332 : memref<1x128xi32, #tpu.memory_space<vmem>> -> memref<128xi32, #tpu.memory_space<vmem>>
        %dma_start3A_334 = arith.constant 0 : i32
        %dma_start3A_335 = arith.constant 0 : i32
        %dma_start3A_336 = tpu.memref_slice %arg5[%dma_start3A_334, %dma_start3A_335] : memref<22806528x8xf32, #tpu.memory_space<hbm>> -> memref<22806528x8xf32, #tpu.memory_space<hbm>>
        tpu.enqueue_indirect_dma source(%dma_start3A_336 : memref<22806528x8xf32, #tpu.memory_space<hbm>>) target(%dma_start3A_330 : memref<128x8xf32, #tpu.memory_space<vmem>>) offsets(%dma_start3A_333 : memref<128xi32, #tpu.memory_space<vmem>>) semaphore(%arg18 : memref<!tpu.dma_semaphore, #tpu.memory_space<semaphore_mem>>)
        %dma_start3A_337 = arith.constant 29 : i32
        %dma_start3A_338 = arith.constant 3712 : i32
        %dma_start3A_339 = arith.constant 0 : i32
        %dma_start3A_340 = tpu.memref_slice %arg16[%dma_start3A_338, %dma_start3A_339] : memref<4096x8xf32, #tpu.memory_space<vmem>> -> memref<128x8xf32, #tpu.memory_space<vmem>>
        %dma_start3A_341 = arith.constant 0 : i32
        %dma_start3A_342 = tpu.memref_slice %arg14[%dma_start3A_337, %dma_start3A_341] : memref<32x128xi32, #tpu.memory_space<vmem>> -> memref<1x128xi32, #tpu.memory_space<vmem>>
        %dma_start3A_343 = tpu.memref_squeeze %dma_start3A_342 : memref<1x128xi32, #tpu.memory_space<vmem>> -> memref<128xi32, #tpu.memory_space<vmem>>
        %dma_start3A_344 = arith.constant 0 : i32
        %dma_start3A_345 = arith.constant 0 : i32
        %dma_start3A_346 = tpu.memref_slice %arg5[%dma_start3A_344, %dma_start3A_345] : memref<22806528x8xf32, #tpu.memory_space<hbm>> -> memref<22806528x8xf32, #tpu.memory_space<hbm>>
        tpu.enqueue_indirect_dma source(%dma_start3A_346 : memref<22806528x8xf32, #tpu.memory_space<hbm>>) target(%dma_start3A_340 : memref<128x8xf32, #tpu.memory_space<vmem>>) offsets(%dma_start3A_343 : memref<128xi32, #tpu.memory_space<vmem>>) semaphore(%arg18 : memref<!tpu.dma_semaphore, #tpu.memory_space<semaphore_mem>>)
        %dma_start3A_347 = arith.constant 30 : i32
        %dma_start3A_348 = arith.constant 3840 : i32
        %dma_start3A_349 = arith.constant 0 : i32
        %dma_start3A_350 = tpu.memref_slice %arg16[%dma_start3A_348, %dma_start3A_349] : memref<4096x8xf32, #tpu.memory_space<vmem>> -> memref<128x8xf32, #tpu.memory_space<vmem>>
        %dma_start3A_351 = arith.constant 0 : i32
        %dma_start3A_352 = tpu.memref_slice %arg14[%dma_start3A_347, %dma_start3A_351] : memref<32x128xi32, #tpu.memory_space<vmem>> -> memref<1x128xi32, #tpu.memory_space<vmem>>
        %dma_start3A_353 = tpu.memref_squeeze %dma_start3A_352 : memref<1x128xi32, #tpu.memory_space<vmem>> -> memref<128xi32, #tpu.memory_space<vmem>>
        %dma_start3A_354 = arith.constant 0 : i32
        %dma_start3A_355 = arith.constant 0 : i32
        %dma_start3A_356 = tpu.memref_slice %arg5[%dma_start3A_354, %dma_start3A_355] : memref<22806528x8xf32, #tpu.memory_space<hbm>> -> memref<22806528x8xf32, #tpu.memory_space<hbm>>
        tpu.enqueue_indirect_dma source(%dma_start3A_356 : memref<22806528x8xf32, #tpu.memory_space<hbm>>) target(%dma_start3A_350 : memref<128x8xf32, #tpu.memory_space<vmem>>) offsets(%dma_start3A_353 : memref<128xi32, #tpu.memory_space<vmem>>) semaphore(%arg18 : memref<!tpu.dma_semaphore, #tpu.memory_space<semaphore_mem>>)
        %dma_start3A_357 = arith.constant 31 : i32
        %dma_start3A_358 = arith.constant 3968 : i32
        %dma_start3A_359 = arith.constant 0 : i32
        %dma_start3A_360 = tpu.memref_slice %arg16[%dma_start3A_358, %dma_start3A_359] : memref<4096x8xf32, #tpu.memory_space<vmem>> -> memref<128x8xf32, #tpu.memory_space<vmem>>
        %dma_start3A_361 = arith.constant 0 : i32
        %dma_start3A_362 = tpu.memref_slice %arg14[%dma_start3A_357, %dma_start3A_361] : memref<32x128xi32, #tpu.memory_space<vmem>> -> memref<1x128xi32, #tpu.memory_space<vmem>>
        %dma_start3A_363 = tpu.memref_squeeze %dma_start3A_362 : memref<1x128xi32, #tpu.memory_space<vmem>> -> memref<128xi32, #tpu.memory_space<vmem>>
        %dma_start3A_364 = arith.constant 0 : i32
        %dma_start3A_365 = arith.constant 0 : i32
        %dma_start3A_366 = tpu.memref_slice %arg5[%dma_start3A_364, %dma_start3A_365] : memref<22806528x8xf32, #tpu.memory_space<hbm>> -> memref<22806528x8xf32, #tpu.memory_space<hbm>>
        tpu.enqueue_indirect_dma source(%dma_start3A_366 : memref<22806528x8xf32, #tpu.memory_space<hbm>>) target(%dma_start3A_360 : memref<128x8xf32, #tpu.memory_space<vmem>>) offsets(%dma_start3A_363 : memref<128xi32, #tpu.memory_space<vmem>>) semaphore(%arg18 : memref<!tpu.dma_semaphore, #tpu.memory_space<semaphore_mem>>)
        %dma_wait3A = arith.constant 0 : i32
        %dma_wait3A_367 = arith.constant 0 : i32
        %dma_wait3A_368 = arith.constant 0 : i32
        %dma_wait3A_369 = tpu.memref_slice %arg16[%dma_wait3A_367, %dma_wait3A_368] : memref<4096x8xf32, #tpu.memory_space<vmem>> -> memref<128x8xf32, #tpu.memory_space<vmem>>
        %dma_wait3A_370 = arith.constant 0 : i32
        %dma_wait3A_371 = tpu.memref_slice %arg14[%dma_wait3A, %dma_wait3A_370] : memref<32x128xi32, #tpu.memory_space<vmem>> -> memref<1x128xi32, #tpu.memory_space<vmem>>
        %dma_wait3A_372 = tpu.memref_squeeze %dma_wait3A_371 : memref<1x128xi32, #tpu.memory_space<vmem>> -> memref<128xi32, #tpu.memory_space<vmem>>
        %dma_wait3A_373 = arith.constant 0 : i32
        %dma_wait3A_374 = arith.constant 0 : i32
        %dma_wait3A_375 = tpu.memref_slice %arg5[%dma_wait3A_373, %dma_wait3A_374] : memref<22806528x8xf32, #tpu.memory_space<hbm>> -> memref<22806528x8xf32, #tpu.memory_space<hbm>>
        tpu.wait_indirect_dma semaphore(%arg18 : memref<!tpu.dma_semaphore, #tpu.memory_space<semaphore_mem>>) src(%dma_wait3A_375 : memref<22806528x8xf32, #tpu.memory_space<hbm>>) dst(%dma_wait3A_369 : memref<128x8xf32, #tpu.memory_space<vmem>>)
        %dma_wait3A_376 = arith.constant 1 : i32
        %dma_wait3A_377 = arith.constant 128 : i32
        %dma_wait3A_378 = arith.constant 0 : i32
        %dma_wait3A_379 = tpu.memref_slice %arg16[%dma_wait3A_377, %dma_wait3A_378] : memref<4096x8xf32, #tpu.memory_space<vmem>> -> memref<128x8xf32, #tpu.memory_space<vmem>>
        %dma_wait3A_380 = arith.constant 0 : i32
        %dma_wait3A_381 = tpu.memref_slice %arg14[%dma_wait3A_376, %dma_wait3A_380] : memref<32x128xi32, #tpu.memory_space<vmem>> -> memref<1x128xi32, #tpu.memory_space<vmem>>
        %dma_wait3A_382 = tpu.memref_squeeze %dma_wait3A_381 : memref<1x128xi32, #tpu.memory_space<vmem>> -> memref<128xi32, #tpu.memory_space<vmem>>
        %dma_wait3A_383 = arith.constant 0 : i32
        %dma_wait3A_384 = arith.constant 0 : i32
        %dma_wait3A_385 = tpu.memref_slice %arg5[%dma_wait3A_383, %dma_wait3A_384] : memref<22806528x8xf32, #tpu.memory_space<hbm>> -> memref<22806528x8xf32, #tpu.memory_space<hbm>>
        tpu.wait_indirect_dma semaphore(%arg18 : memref<!tpu.dma_semaphore, #tpu.memory_space<semaphore_mem>>) src(%dma_wait3A_385 : memref<22806528x8xf32, #tpu.memory_space<hbm>>) dst(%dma_wait3A_379 : memref<128x8xf32, #tpu.memory_space<vmem>>)
        %dma_wait3A_386 = arith.constant 2 : i32
        %dma_wait3A_387 = arith.constant 256 : i32
        %dma_wait3A_388 = arith.constant 0 : i32
        %dma_wait3A_389 = tpu.memref_slice %arg16[%dma_wait3A_387, %dma_wait3A_388] : memref<4096x8xf32, #tpu.memory_space<vmem>> -> memref<128x8xf32, #tpu.memory_space<vmem>>
        %dma_wait3A_390 = arith.constant 0 : i32
        %dma_wait3A_391 = tpu.memref_slice %arg14[%dma_wait3A_386, %dma_wait3A_390] : memref<32x128xi32, #tpu.memory_space<vmem>> -> memref<1x128xi32, #tpu.memory_space<vmem>>
        %dma_wait3A_392 = tpu.memref_squeeze %dma_wait3A_391 : memref<1x128xi32, #tpu.memory_space<vmem>> -> memref<128xi32, #tpu.memory_space<vmem>>
        %dma_wait3A_393 = arith.constant 0 : i32
        %dma_wait3A_394 = arith.constant 0 : i32
        %dma_wait3A_395 = tpu.memref_slice %arg5[%dma_wait3A_393, %dma_wait3A_394] : memref<22806528x8xf32, #tpu.memory_space<hbm>> -> memref<22806528x8xf32, #tpu.memory_space<hbm>>
        tpu.wait_indirect_dma semaphore(%arg18 : memref<!tpu.dma_semaphore, #tpu.memory_space<semaphore_mem>>) src(%dma_wait3A_395 : memref<22806528x8xf32, #tpu.memory_space<hbm>>) dst(%dma_wait3A_389 : memref<128x8xf32, #tpu.memory_space<vmem>>)
        %dma_wait3A_396 = arith.constant 3 : i32
        %dma_wait3A_397 = arith.constant 384 : i32
        %dma_wait3A_398 = arith.constant 0 : i32
        %dma_wait3A_399 = tpu.memref_slice %arg16[%dma_wait3A_397, %dma_wait3A_398] : memref<4096x8xf32, #tpu.memory_space<vmem>> -> memref<128x8xf32, #tpu.memory_space<vmem>>
        %dma_wait3A_400 = arith.constant 0 : i32
        %dma_wait3A_401 = tpu.memref_slice %arg14[%dma_wait3A_396, %dma_wait3A_400] : memref<32x128xi32, #tpu.memory_space<vmem>> -> memref<1x128xi32, #tpu.memory_space<vmem>>
        %dma_wait3A_402 = tpu.memref_squeeze %dma_wait3A_401 : memref<1x128xi32, #tpu.memory_space<vmem>> -> memref<128xi32, #tpu.memory_space<vmem>>
        %dma_wait3A_403 = arith.constant 0 : i32
        %dma_wait3A_404 = arith.constant 0 : i32
        %dma_wait3A_405 = tpu.memref_slice %arg5[%dma_wait3A_403, %dma_wait3A_404] : memref<22806528x8xf32, #tpu.memory_space<hbm>> -> memref<22806528x8xf32, #tpu.memory_space<hbm>>
        tpu.wait_indirect_dma semaphore(%arg18 : memref<!tpu.dma_semaphore, #tpu.memory_space<semaphore_mem>>) src(%dma_wait3A_405 : memref<22806528x8xf32, #tpu.memory_space<hbm>>) dst(%dma_wait3A_399 : memref<128x8xf32, #tpu.memory_space<vmem>>)
        %dma_wait3A_406 = arith.constant 4 : i32
        %dma_wait3A_407 = arith.constant 512 : i32
        %dma_wait3A_408 = arith.constant 0 : i32
        %dma_wait3A_409 = tpu.memref_slice %arg16[%dma_wait3A_407, %dma_wait3A_408] : memref<4096x8xf32, #tpu.memory_space<vmem>> -> memref<128x8xf32, #tpu.memory_space<vmem>>
        %dma_wait3A_410 = arith.constant 0 : i32
        %dma_wait3A_411 = tpu.memref_slice %arg14[%dma_wait3A_406, %dma_wait3A_410] : memref<32x128xi32, #tpu.memory_space<vmem>> -> memref<1x128xi32, #tpu.memory_space<vmem>>
        %dma_wait3A_412 = tpu.memref_squeeze %dma_wait3A_411 : memref<1x128xi32, #tpu.memory_space<vmem>> -> memref<128xi32, #tpu.memory_space<vmem>>
        %dma_wait3A_413 = arith.constant 0 : i32
        %dma_wait3A_414 = arith.constant 0 : i32
        %dma_wait3A_415 = tpu.memref_slice %arg5[%dma_wait3A_413, %dma_wait3A_414] : memref<22806528x8xf32, #tpu.memory_space<hbm>> -> memref<22806528x8xf32, #tpu.memory_space<hbm>>
        tpu.wait_indirect_dma semaphore(%arg18 : memref<!tpu.dma_semaphore, #tpu.memory_space<semaphore_mem>>) src(%dma_wait3A_415 : memref<22806528x8xf32, #tpu.memory_space<hbm>>) dst(%dma_wait3A_409 : memref<128x8xf32, #tpu.memory_space<vmem>>)
        %dma_wait3A_416 = arith.constant 5 : i32
        %dma_wait3A_417 = arith.constant 640 : i32
        %dma_wait3A_418 = arith.constant 0 : i32
        %dma_wait3A_419 = tpu.memref_slice %arg16[%dma_wait3A_417, %dma_wait3A_418] : memref<4096x8xf32, #tpu.memory_space<vmem>> -> memref<128x8xf32, #tpu.memory_space<vmem>>
        %dma_wait3A_420 = arith.constant 0 : i32
        %dma_wait3A_421 = tpu.memref_slice %arg14[%dma_wait3A_416, %dma_wait3A_420] : memref<32x128xi32, #tpu.memory_space<vmem>> -> memref<1x128xi32, #tpu.memory_space<vmem>>
        %dma_wait3A_422 = tpu.memref_squeeze %dma_wait3A_421 : memref<1x128xi32, #tpu.memory_space<vmem>> -> memref<128xi32, #tpu.memory_space<vmem>>
        %dma_wait3A_423 = arith.constant 0 : i32
        %dma_wait3A_424 = arith.constant 0 : i32
        %dma_wait3A_425 = tpu.memref_slice %arg5[%dma_wait3A_423, %dma_wait3A_424] : memref<22806528x8xf32, #tpu.memory_space<hbm>> -> memref<22806528x8xf32, #tpu.memory_space<hbm>>
        tpu.wait_indirect_dma semaphore(%arg18 : memref<!tpu.dma_semaphore, #tpu.memory_space<semaphore_mem>>) src(%dma_wait3A_425 : memref<22806528x8xf32, #tpu.memory_space<hbm>>) dst(%dma_wait3A_419 : memref<128x8xf32, #tpu.memory_space<vmem>>)
        %dma_wait3A_426 = arith.constant 6 : i32
        %dma_wait3A_427 = arith.constant 768 : i32
        %dma_wait3A_428 = arith.constant 0 : i32
        %dma_wait3A_429 = tpu.memref_slice %arg16[%dma_wait3A_427, %dma_wait3A_428] : memref<4096x8xf32, #tpu.memory_space<vmem>> -> memref<128x8xf32, #tpu.memory_space<vmem>>
        %dma_wait3A_430 = arith.constant 0 : i32
        %dma_wait3A_431 = tpu.memref_slice %arg14[%dma_wait3A_426, %dma_wait3A_430] : memref<32x128xi32, #tpu.memory_space<vmem>> -> memref<1x128xi32, #tpu.memory_space<vmem>>
        %dma_wait3A_432 = tpu.memref_squeeze %dma_wait3A_431 : memref<1x128xi32, #tpu.memory_space<vmem>> -> memref<128xi32, #tpu.memory_space<vmem>>
        %dma_wait3A_433 = arith.constant 0 : i32
        %dma_wait3A_434 = arith.constant 0 : i32
        %dma_wait3A_435 = tpu.memref_slice %arg5[%dma_wait3A_433, %dma_wait3A_434] : memref<22806528x8xf32, #tpu.memory_space<hbm>> -> memref<22806528x8xf32, #tpu.memory_space<hbm>>
        tpu.wait_indirect_dma semaphore(%arg18 : memref<!tpu.dma_semaphore, #tpu.memory_space<semaphore_mem>>) src(%dma_wait3A_435 : memref<22806528x8xf32, #tpu.memory_space<hbm>>) dst(%dma_wait3A_429 : memref<128x8xf32, #tpu.memory_space<vmem>>)
        %dma_wait3A_436 = arith.constant 7 : i32
        %dma_wait3A_437 = arith.constant 896 : i32
        %dma_wait3A_438 = arith.constant 0 : i32
        %dma_wait3A_439 = tpu.memref_slice %arg16[%dma_wait3A_437, %dma_wait3A_438] : memref<4096x8xf32, #tpu.memory_space<vmem>> -> memref<128x8xf32, #tpu.memory_space<vmem>>
        %dma_wait3A_440 = arith.constant 0 : i32
        %dma_wait3A_441 = tpu.memref_slice %arg14[%dma_wait3A_436, %dma_wait3A_440] : memref<32x128xi32, #tpu.memory_space<vmem>> -> memref<1x128xi32, #tpu.memory_space<vmem>>
        %dma_wait3A_442 = tpu.memref_squeeze %dma_wait3A_441 : memref<1x128xi32, #tpu.memory_space<vmem>> -> memref<128xi32, #tpu.memory_space<vmem>>
        %dma_wait3A_443 = arith.constant 0 : i32
        %dma_wait3A_444 = arith.constant 0 : i32
        %dma_wait3A_445 = tpu.memref_slice %arg5[%dma_wait3A_443, %dma_wait3A_444] : memref<22806528x8xf32, #tpu.memory_space<hbm>> -> memref<22806528x8xf32, #tpu.memory_space<hbm>>
        tpu.wait_indirect_dma semaphore(%arg18 : memref<!tpu.dma_semaphore, #tpu.memory_space<semaphore_mem>>) src(%dma_wait3A_445 : memref<22806528x8xf32, #tpu.memory_space<hbm>>) dst(%dma_wait3A_439 : memref<128x8xf32, #tpu.memory_space<vmem>>)
        %dma_wait3A_446 = arith.constant 8 : i32
        %dma_wait3A_447 = arith.constant 1024 : i32
        %dma_wait3A_448 = arith.constant 0 : i32
        %dma_wait3A_449 = tpu.memref_slice %arg16[%dma_wait3A_447, %dma_wait3A_448] : memref<4096x8xf32, #tpu.memory_space<vmem>> -> memref<128x8xf32, #tpu.memory_space<vmem>>
        %dma_wait3A_450 = arith.constant 0 : i32
        %dma_wait3A_451 = tpu.memref_slice %arg14[%dma_wait3A_446, %dma_wait3A_450] : memref<32x128xi32, #tpu.memory_space<vmem>> -> memref<1x128xi32, #tpu.memory_space<vmem>>
        %dma_wait3A_452 = tpu.memref_squeeze %dma_wait3A_451 : memref<1x128xi32, #tpu.memory_space<vmem>> -> memref<128xi32, #tpu.memory_space<vmem>>
        %dma_wait3A_453 = arith.constant 0 : i32
        %dma_wait3A_454 = arith.constant 0 : i32
        %dma_wait3A_455 = tpu.memref_slice %arg5[%dma_wait3A_453, %dma_wait3A_454] : memref<22806528x8xf32, #tpu.memory_space<hbm>> -> memref<22806528x8xf32, #tpu.memory_space<hbm>>
        tpu.wait_indirect_dma semaphore(%arg18 : memref<!tpu.dma_semaphore, #tpu.memory_space<semaphore_mem>>) src(%dma_wait3A_455 : memref<22806528x8xf32, #tpu.memory_space<hbm>>) dst(%dma_wait3A_449 : memref<128x8xf32, #tpu.memory_space<vmem>>)
        %dma_wait3A_456 = arith.constant 9 : i32
        %dma_wait3A_457 = arith.constant 1152 : i32
        %dma_wait3A_458 = arith.constant 0 : i32
        %dma_wait3A_459 = tpu.memref_slice %arg16[%dma_wait3A_457, %dma_wait3A_458] : memref<4096x8xf32, #tpu.memory_space<vmem>> -> memref<128x8xf32, #tpu.memory_space<vmem>>
        %dma_wait3A_460 = arith.constant 0 : i32
        %dma_wait3A_461 = tpu.memref_slice %arg14[%dma_wait3A_456, %dma_wait3A_460] : memref<32x128xi32, #tpu.memory_space<vmem>> -> memref<1x128xi32, #tpu.memory_space<vmem>>
        %dma_wait3A_462 = tpu.memref_squeeze %dma_wait3A_461 : memref<1x128xi32, #tpu.memory_space<vmem>> -> memref<128xi32, #tpu.memory_space<vmem>>
        %dma_wait3A_463 = arith.constant 0 : i32
        %dma_wait3A_464 = arith.constant 0 : i32
        %dma_wait3A_465 = tpu.memref_slice %arg5[%dma_wait3A_463, %dma_wait3A_464] : memref<22806528x8xf32, #tpu.memory_space<hbm>> -> memref<22806528x8xf32, #tpu.memory_space<hbm>>
        tpu.wait_indirect_dma semaphore(%arg18 : memref<!tpu.dma_semaphore, #tpu.memory_space<semaphore_mem>>) src(%dma_wait3A_465 : memref<22806528x8xf32, #tpu.memory_space<hbm>>) dst(%dma_wait3A_459 : memref<128x8xf32, #tpu.memory_space<vmem>>)
        %dma_wait3A_466 = arith.constant 10 : i32
        %dma_wait3A_467 = arith.constant 1280 : i32
        %dma_wait3A_468 = arith.constant 0 : i32
        %dma_wait3A_469 = tpu.memref_slice %arg16[%dma_wait3A_467, %dma_wait3A_468] : memref<4096x8xf32, #tpu.memory_space<vmem>> -> memref<128x8xf32, #tpu.memory_space<vmem>>
        %dma_wait3A_470 = arith.constant 0 : i32
        %dma_wait3A_471 = tpu.memref_slice %arg14[%dma_wait3A_466, %dma_wait3A_470] : memref<32x128xi32, #tpu.memory_space<vmem>> -> memref<1x128xi32, #tpu.memory_space<vmem>>
        %dma_wait3A_472 = tpu.memref_squeeze %dma_wait3A_471 : memref<1x128xi32, #tpu.memory_space<vmem>> -> memref<128xi32, #tpu.memory_space<vmem>>
        %dma_wait3A_473 = arith.constant 0 : i32
        %dma_wait3A_474 = arith.constant 0 : i32
        %dma_wait3A_475 = tpu.memref_slice %arg5[%dma_wait3A_473, %dma_wait3A_474] : memref<22806528x8xf32, #tpu.memory_space<hbm>> -> memref<22806528x8xf32, #tpu.memory_space<hbm>>
        tpu.wait_indirect_dma semaphore(%arg18 : memref<!tpu.dma_semaphore, #tpu.memory_space<semaphore_mem>>) src(%dma_wait3A_475 : memref<22806528x8xf32, #tpu.memory_space<hbm>>) dst(%dma_wait3A_469 : memref<128x8xf32, #tpu.memory_space<vmem>>)
        %dma_wait3A_476 = arith.constant 11 : i32
        %dma_wait3A_477 = arith.constant 1408 : i32
        %dma_wait3A_478 = arith.constant 0 : i32
        %dma_wait3A_479 = tpu.memref_slice %arg16[%dma_wait3A_477, %dma_wait3A_478] : memref<4096x8xf32, #tpu.memory_space<vmem>> -> memref<128x8xf32, #tpu.memory_space<vmem>>
        %dma_wait3A_480 = arith.constant 0 : i32
        %dma_wait3A_481 = tpu.memref_slice %arg14[%dma_wait3A_476, %dma_wait3A_480] : memref<32x128xi32, #tpu.memory_space<vmem>> -> memref<1x128xi32, #tpu.memory_space<vmem>>
        %dma_wait3A_482 = tpu.memref_squeeze %dma_wait3A_481 : memref<1x128xi32, #tpu.memory_space<vmem>> -> memref<128xi32, #tpu.memory_space<vmem>>
        %dma_wait3A_483 = arith.constant 0 : i32
        %dma_wait3A_484 = arith.constant 0 : i32
        %dma_wait3A_485 = tpu.memref_slice %arg5[%dma_wait3A_483, %dma_wait3A_484] : memref<22806528x8xf32, #tpu.memory_space<hbm>> -> memref<22806528x8xf32, #tpu.memory_space<hbm>>
        tpu.wait_indirect_dma semaphore(%arg18 : memref<!tpu.dma_semaphore, #tpu.memory_space<semaphore_mem>>) src(%dma_wait3A_485 : memref<22806528x8xf32, #tpu.memory_space<hbm>>) dst(%dma_wait3A_479 : memref<128x8xf32, #tpu.memory_space<vmem>>)
        %dma_wait3A_486 = arith.constant 12 : i32
        %dma_wait3A_487 = arith.constant 1536 : i32
        %dma_wait3A_488 = arith.constant 0 : i32
        %dma_wait3A_489 = tpu.memref_slice %arg16[%dma_wait3A_487, %dma_wait3A_488] : memref<4096x8xf32, #tpu.memory_space<vmem>> -> memref<128x8xf32, #tpu.memory_space<vmem>>
        %dma_wait3A_490 = arith.constant 0 : i32
        %dma_wait3A_491 = tpu.memref_slice %arg14[%dma_wait3A_486, %dma_wait3A_490] : memref<32x128xi32, #tpu.memory_space<vmem>> -> memref<1x128xi32, #tpu.memory_space<vmem>>
        %dma_wait3A_492 = tpu.memref_squeeze %dma_wait3A_491 : memref<1x128xi32, #tpu.memory_space<vmem>> -> memref<128xi32, #tpu.memory_space<vmem>>
        %dma_wait3A_493 = arith.constant 0 : i32
        %dma_wait3A_494 = arith.constant 0 : i32
        %dma_wait3A_495 = tpu.memref_slice %arg5[%dma_wait3A_493, %dma_wait3A_494] : memref<22806528x8xf32, #tpu.memory_space<hbm>> -> memref<22806528x8xf32, #tpu.memory_space<hbm>>
        tpu.wait_indirect_dma semaphore(%arg18 : memref<!tpu.dma_semaphore, #tpu.memory_space<semaphore_mem>>) src(%dma_wait3A_495 : memref<22806528x8xf32, #tpu.memory_space<hbm>>) dst(%dma_wait3A_489 : memref<128x8xf32, #tpu.memory_space<vmem>>)
        %dma_wait3A_496 = arith.constant 13 : i32
        %dma_wait3A_497 = arith.constant 1664 : i32
        %dma_wait3A_498 = arith.constant 0 : i32
        %dma_wait3A_499 = tpu.memref_slice %arg16[%dma_wait3A_497, %dma_wait3A_498] : memref<4096x8xf32, #tpu.memory_space<vmem>> -> memref<128x8xf32, #tpu.memory_space<vmem>>
        %dma_wait3A_500 = arith.constant 0 : i32
        %dma_wait3A_501 = tpu.memref_slice %arg14[%dma_wait3A_496, %dma_wait3A_500] : memref<32x128xi32, #tpu.memory_space<vmem>> -> memref<1x128xi32, #tpu.memory_space<vmem>>
        %dma_wait3A_502 = tpu.memref_squeeze %dma_wait3A_501 : memref<1x128xi32, #tpu.memory_space<vmem>> -> memref<128xi32, #tpu.memory_space<vmem>>
        %dma_wait3A_503 = arith.constant 0 : i32
        %dma_wait3A_504 = arith.constant 0 : i32
        %dma_wait3A_505 = tpu.memref_slice %arg5[%dma_wait3A_503, %dma_wait3A_504] : memref<22806528x8xf32, #tpu.memory_space<hbm>> -> memref<22806528x8xf32, #tpu.memory_space<hbm>>
        tpu.wait_indirect_dma semaphore(%arg18 : memref<!tpu.dma_semaphore, #tpu.memory_space<semaphore_mem>>) src(%dma_wait3A_505 : memref<22806528x8xf32, #tpu.memory_space<hbm>>) dst(%dma_wait3A_499 : memref<128x8xf32, #tpu.memory_space<vmem>>)
        %dma_wait3A_506 = arith.constant 14 : i32
        %dma_wait3A_507 = arith.constant 1792 : i32
        %dma_wait3A_508 = arith.constant 0 : i32
        %dma_wait3A_509 = tpu.memref_slice %arg16[%dma_wait3A_507, %dma_wait3A_508] : memref<4096x8xf32, #tpu.memory_space<vmem>> -> memref<128x8xf32, #tpu.memory_space<vmem>>
        %dma_wait3A_510 = arith.constant 0 : i32
        %dma_wait3A_511 = tpu.memref_slice %arg14[%dma_wait3A_506, %dma_wait3A_510] : memref<32x128xi32, #tpu.memory_space<vmem>> -> memref<1x128xi32, #tpu.memory_space<vmem>>
        %dma_wait3A_512 = tpu.memref_squeeze %dma_wait3A_511 : memref<1x128xi32, #tpu.memory_space<vmem>> -> memref<128xi32, #tpu.memory_space<vmem>>
        %dma_wait3A_513 = arith.constant 0 : i32
        %dma_wait3A_514 = arith.constant 0 : i32
        %dma_wait3A_515 = tpu.memref_slice %arg5[%dma_wait3A_513, %dma_wait3A_514] : memref<22806528x8xf32, #tpu.memory_space<hbm>> -> memref<22806528x8xf32, #tpu.memory_space<hbm>>
        tpu.wait_indirect_dma semaphore(%arg18 : memref<!tpu.dma_semaphore, #tpu.memory_space<semaphore_mem>>) src(%dma_wait3A_515 : memref<22806528x8xf32, #tpu.memory_space<hbm>>) dst(%dma_wait3A_509 : memref<128x8xf32, #tpu.memory_space<vmem>>)
        %dma_wait3A_516 = arith.constant 15 : i32
        %dma_wait3A_517 = arith.constant 1920 : i32
        %dma_wait3A_518 = arith.constant 0 : i32
        %dma_wait3A_519 = tpu.memref_slice %arg16[%dma_wait3A_517, %dma_wait3A_518] : memref<4096x8xf32, #tpu.memory_space<vmem>> -> memref<128x8xf32, #tpu.memory_space<vmem>>
        %dma_wait3A_520 = arith.constant 0 : i32
        %dma_wait3A_521 = tpu.memref_slice %arg14[%dma_wait3A_516, %dma_wait3A_520] : memref<32x128xi32, #tpu.memory_space<vmem>> -> memref<1x128xi32, #tpu.memory_space<vmem>>
        %dma_wait3A_522 = tpu.memref_squeeze %dma_wait3A_521 : memref<1x128xi32, #tpu.memory_space<vmem>> -> memref<128xi32, #tpu.memory_space<vmem>>
        %dma_wait3A_523 = arith.constant 0 : i32
        %dma_wait3A_524 = arith.constant 0 : i32
        %dma_wait3A_525 = tpu.memref_slice %arg5[%dma_wait3A_523, %dma_wait3A_524] : memref<22806528x8xf32, #tpu.memory_space<hbm>> -> memref<22806528x8xf32, #tpu.memory_space<hbm>>
        tpu.wait_indirect_dma semaphore(%arg18 : memref<!tpu.dma_semaphore, #tpu.memory_space<semaphore_mem>>) src(%dma_wait3A_525 : memref<22806528x8xf32, #tpu.memory_space<hbm>>) dst(%dma_wait3A_519 : memref<128x8xf32, #tpu.memory_space<vmem>>)
        %dma_wait3A_526 = arith.constant 16 : i32
        %dma_wait3A_527 = arith.constant 2048 : i32
        %dma_wait3A_528 = arith.constant 0 : i32
        %dma_wait3A_529 = tpu.memref_slice %arg16[%dma_wait3A_527, %dma_wait3A_528] : memref<4096x8xf32, #tpu.memory_space<vmem>> -> memref<128x8xf32, #tpu.memory_space<vmem>>
        %dma_wait3A_530 = arith.constant 0 : i32
        %dma_wait3A_531 = tpu.memref_slice %arg14[%dma_wait3A_526, %dma_wait3A_530] : memref<32x128xi32, #tpu.memory_space<vmem>> -> memref<1x128xi32, #tpu.memory_space<vmem>>
        %dma_wait3A_532 = tpu.memref_squeeze %dma_wait3A_531 : memref<1x128xi32, #tpu.memory_space<vmem>> -> memref<128xi32, #tpu.memory_space<vmem>>
        %dma_wait3A_533 = arith.constant 0 : i32
        %dma_wait3A_534 = arith.constant 0 : i32
        %dma_wait3A_535 = tpu.memref_slice %arg5[%dma_wait3A_533, %dma_wait3A_534] : memref<22806528x8xf32, #tpu.memory_space<hbm>> -> memref<22806528x8xf32, #tpu.memory_space<hbm>>
        tpu.wait_indirect_dma semaphore(%arg18 : memref<!tpu.dma_semaphore, #tpu.memory_space<semaphore_mem>>) src(%dma_wait3A_535 : memref<22806528x8xf32, #tpu.memory_space<hbm>>) dst(%dma_wait3A_529 : memref<128x8xf32, #tpu.memory_space<vmem>>)
        %dma_wait3A_536 = arith.constant 17 : i32
        %dma_wait3A_537 = arith.constant 2176 : i32
        %dma_wait3A_538 = arith.constant 0 : i32
        %dma_wait3A_539 = tpu.memref_slice %arg16[%dma_wait3A_537, %dma_wait3A_538] : memref<4096x8xf32, #tpu.memory_space<vmem>> -> memref<128x8xf32, #tpu.memory_space<vmem>>
        %dma_wait3A_540 = arith.constant 0 : i32
        %dma_wait3A_541 = tpu.memref_slice %arg14[%dma_wait3A_536, %dma_wait3A_540] : memref<32x128xi32, #tpu.memory_space<vmem>> -> memref<1x128xi32, #tpu.memory_space<vmem>>
        %dma_wait3A_542 = tpu.memref_squeeze %dma_wait3A_541 : memref<1x128xi32, #tpu.memory_space<vmem>> -> memref<128xi32, #tpu.memory_space<vmem>>
        %dma_wait3A_543 = arith.constant 0 : i32
        %dma_wait3A_544 = arith.constant 0 : i32
        %dma_wait3A_545 = tpu.memref_slice %arg5[%dma_wait3A_543, %dma_wait3A_544] : memref<22806528x8xf32, #tpu.memory_space<hbm>> -> memref<22806528x8xf32, #tpu.memory_space<hbm>>
        tpu.wait_indirect_dma semaphore(%arg18 : memref<!tpu.dma_semaphore, #tpu.memory_space<semaphore_mem>>) src(%dma_wait3A_545 : memref<22806528x8xf32, #tpu.memory_space<hbm>>) dst(%dma_wait3A_539 : memref<128x8xf32, #tpu.memory_space<vmem>>)
        %dma_wait3A_546 = arith.constant 18 : i32
        %dma_wait3A_547 = arith.constant 2304 : i32
        %dma_wait3A_548 = arith.constant 0 : i32
        %dma_wait3A_549 = tpu.memref_slice %arg16[%dma_wait3A_547, %dma_wait3A_548] : memref<4096x8xf32, #tpu.memory_space<vmem>> -> memref<128x8xf32, #tpu.memory_space<vmem>>
        %dma_wait3A_550 = arith.constant 0 : i32
        %dma_wait3A_551 = tpu.memref_slice %arg14[%dma_wait3A_546, %dma_wait3A_550] : memref<32x128xi32, #tpu.memory_space<vmem>> -> memref<1x128xi32, #tpu.memory_space<vmem>>
        %dma_wait3A_552 = tpu.memref_squeeze %dma_wait3A_551 : memref<1x128xi32, #tpu.memory_space<vmem>> -> memref<128xi32, #tpu.memory_space<vmem>>
        %dma_wait3A_553 = arith.constant 0 : i32
        %dma_wait3A_554 = arith.constant 0 : i32
        %dma_wait3A_555 = tpu.memref_slice %arg5[%dma_wait3A_553, %dma_wait3A_554] : memref<22806528x8xf32, #tpu.memory_space<hbm>> -> memref<22806528x8xf32, #tpu.memory_space<hbm>>
        tpu.wait_indirect_dma semaphore(%arg18 : memref<!tpu.dma_semaphore, #tpu.memory_space<semaphore_mem>>) src(%dma_wait3A_555 : memref<22806528x8xf32, #tpu.memory_space<hbm>>) dst(%dma_wait3A_549 : memref<128x8xf32, #tpu.memory_space<vmem>>)
        %dma_wait3A_556 = arith.constant 19 : i32
        %dma_wait3A_557 = arith.constant 2432 : i32
        %dma_wait3A_558 = arith.constant 0 : i32
        %dma_wait3A_559 = tpu.memref_slice %arg16[%dma_wait3A_557, %dma_wait3A_558] : memref<4096x8xf32, #tpu.memory_space<vmem>> -> memref<128x8xf32, #tpu.memory_space<vmem>>
        %dma_wait3A_560 = arith.constant 0 : i32
        %dma_wait3A_561 = tpu.memref_slice %arg14[%dma_wait3A_556, %dma_wait3A_560] : memref<32x128xi32, #tpu.memory_space<vmem>> -> memref<1x128xi32, #tpu.memory_space<vmem>>
        %dma_wait3A_562 = tpu.memref_squeeze %dma_wait3A_561 : memref<1x128xi32, #tpu.memory_space<vmem>> -> memref<128xi32, #tpu.memory_space<vmem>>
        %dma_wait3A_563 = arith.constant 0 : i32
        %dma_wait3A_564 = arith.constant 0 : i32
        %dma_wait3A_565 = tpu.memref_slice %arg5[%dma_wait3A_563, %dma_wait3A_564] : memref<22806528x8xf32, #tpu.memory_space<hbm>> -> memref<22806528x8xf32, #tpu.memory_space<hbm>>
        tpu.wait_indirect_dma semaphore(%arg18 : memref<!tpu.dma_semaphore, #tpu.memory_space<semaphore_mem>>) src(%dma_wait3A_565 : memref<22806528x8xf32, #tpu.memory_space<hbm>>) dst(%dma_wait3A_559 : memref<128x8xf32, #tpu.memory_space<vmem>>)
        %dma_wait3A_566 = arith.constant 20 : i32
        %dma_wait3A_567 = arith.constant 2560 : i32
        %dma_wait3A_568 = arith.constant 0 : i32
        %dma_wait3A_569 = tpu.memref_slice %arg16[%dma_wait3A_567, %dma_wait3A_568] : memref<4096x8xf32, #tpu.memory_space<vmem>> -> memref<128x8xf32, #tpu.memory_space<vmem>>
        %dma_wait3A_570 = arith.constant 0 : i32
        %dma_wait3A_571 = tpu.memref_slice %arg14[%dma_wait3A_566, %dma_wait3A_570] : memref<32x128xi32, #tpu.memory_space<vmem>> -> memref<1x128xi32, #tpu.memory_space<vmem>>
        %dma_wait3A_572 = tpu.memref_squeeze %dma_wait3A_571 : memref<1x128xi32, #tpu.memory_space<vmem>> -> memref<128xi32, #tpu.memory_space<vmem>>
        %dma_wait3A_573 = arith.constant 0 : i32
        %dma_wait3A_574 = arith.constant 0 : i32
        %dma_wait3A_575 = tpu.memref_slice %arg5[%dma_wait3A_573, %dma_wait3A_574] : memref<22806528x8xf32, #tpu.memory_space<hbm>> -> memref<22806528x8xf32, #tpu.memory_space<hbm>>
        tpu.wait_indirect_dma semaphore(%arg18 : memref<!tpu.dma_semaphore, #tpu.memory_space<semaphore_mem>>) src(%dma_wait3A_575 : memref<22806528x8xf32, #tpu.memory_space<hbm>>) dst(%dma_wait3A_569 : memref<128x8xf32, #tpu.memory_space<vmem>>)
        %dma_wait3A_576 = arith.constant 21 : i32
        %dma_wait3A_577 = arith.constant 2688 : i32
        %dma_wait3A_578 = arith.constant 0 : i32
        %dma_wait3A_579 = tpu.memref_slice %arg16[%dma_wait3A_577, %dma_wait3A_578] : memref<4096x8xf32, #tpu.memory_space<vmem>> -> memref<128x8xf32, #tpu.memory_space<vmem>>
        %dma_wait3A_580 = arith.constant 0 : i32
        %dma_wait3A_581 = tpu.memref_slice %arg14[%dma_wait3A_576, %dma_wait3A_580] : memref<32x128xi32, #tpu.memory_space<vmem>> -> memref<1x128xi32, #tpu.memory_space<vmem>>
        %dma_wait3A_582 = tpu.memref_squeeze %dma_wait3A_581 : memref<1x128xi32, #tpu.memory_space<vmem>> -> memref<128xi32, #tpu.memory_space<vmem>>
        %dma_wait3A_583 = arith.constant 0 : i32
        %dma_wait3A_584 = arith.constant 0 : i32
        %dma_wait3A_585 = tpu.memref_slice %arg5[%dma_wait3A_583, %dma_wait3A_584] : memref<22806528x8xf32, #tpu.memory_space<hbm>> -> memref<22806528x8xf32, #tpu.memory_space<hbm>>
        tpu.wait_indirect_dma semaphore(%arg18 : memref<!tpu.dma_semaphore, #tpu.memory_space<semaphore_mem>>) src(%dma_wait3A_585 : memref<22806528x8xf32, #tpu.memory_space<hbm>>) dst(%dma_wait3A_579 : memref<128x8xf32, #tpu.memory_space<vmem>>)
        %dma_wait3A_586 = arith.constant 22 : i32
        %dma_wait3A_587 = arith.constant 2816 : i32
        %dma_wait3A_588 = arith.constant 0 : i32
        %dma_wait3A_589 = tpu.memref_slice %arg16[%dma_wait3A_587, %dma_wait3A_588] : memref<4096x8xf32, #tpu.memory_space<vmem>> -> memref<128x8xf32, #tpu.memory_space<vmem>>
        %dma_wait3A_590 = arith.constant 0 : i32
        %dma_wait3A_591 = tpu.memref_slice %arg14[%dma_wait3A_586, %dma_wait3A_590] : memref<32x128xi32, #tpu.memory_space<vmem>> -> memref<1x128xi32, #tpu.memory_space<vmem>>
        %dma_wait3A_592 = tpu.memref_squeeze %dma_wait3A_591 : memref<1x128xi32, #tpu.memory_space<vmem>> -> memref<128xi32, #tpu.memory_space<vmem>>
        %dma_wait3A_593 = arith.constant 0 : i32
        %dma_wait3A_594 = arith.constant 0 : i32
        %dma_wait3A_595 = tpu.memref_slice %arg5[%dma_wait3A_593, %dma_wait3A_594] : memref<22806528x8xf32, #tpu.memory_space<hbm>> -> memref<22806528x8xf32, #tpu.memory_space<hbm>>
        tpu.wait_indirect_dma semaphore(%arg18 : memref<!tpu.dma_semaphore, #tpu.memory_space<semaphore_mem>>) src(%dma_wait3A_595 : memref<22806528x8xf32, #tpu.memory_space<hbm>>) dst(%dma_wait3A_589 : memref<128x8xf32, #tpu.memory_space<vmem>>)
        %dma_wait3A_596 = arith.constant 23 : i32
        %dma_wait3A_597 = arith.constant 2944 : i32
        %dma_wait3A_598 = arith.constant 0 : i32
        %dma_wait3A_599 = tpu.memref_slice %arg16[%dma_wait3A_597, %dma_wait3A_598] : memref<4096x8xf32, #tpu.memory_space<vmem>> -> memref<128x8xf32, #tpu.memory_space<vmem>>
        %dma_wait3A_600 = arith.constant 0 : i32
        %dma_wait3A_601 = tpu.memref_slice %arg14[%dma_wait3A_596, %dma_wait3A_600] : memref<32x128xi32, #tpu.memory_space<vmem>> -> memref<1x128xi32, #tpu.memory_space<vmem>>
        %dma_wait3A_602 = tpu.memref_squeeze %dma_wait3A_601 : memref<1x128xi32, #tpu.memory_space<vmem>> -> memref<128xi32, #tpu.memory_space<vmem>>
        %dma_wait3A_603 = arith.constant 0 : i32
        %dma_wait3A_604 = arith.constant 0 : i32
        %dma_wait3A_605 = tpu.memref_slice %arg5[%dma_wait3A_603, %dma_wait3A_604] : memref<22806528x8xf32, #tpu.memory_space<hbm>> -> memref<22806528x8xf32, #tpu.memory_space<hbm>>
        tpu.wait_indirect_dma semaphore(%arg18 : memref<!tpu.dma_semaphore, #tpu.memory_space<semaphore_mem>>) src(%dma_wait3A_605 : memref<22806528x8xf32, #tpu.memory_space<hbm>>) dst(%dma_wait3A_599 : memref<128x8xf32, #tpu.memory_space<vmem>>)
        %dma_wait3A_606 = arith.constant 24 : i32
        %dma_wait3A_607 = arith.constant 3072 : i32
        %dma_wait3A_608 = arith.constant 0 : i32
        %dma_wait3A_609 = tpu.memref_slice %arg16[%dma_wait3A_607, %dma_wait3A_608] : memref<4096x8xf32, #tpu.memory_space<vmem>> -> memref<128x8xf32, #tpu.memory_space<vmem>>
        %dma_wait3A_610 = arith.constant 0 : i32
        %dma_wait3A_611 = tpu.memref_slice %arg14[%dma_wait3A_606, %dma_wait3A_610] : memref<32x128xi32, #tpu.memory_space<vmem>> -> memref<1x128xi32, #tpu.memory_space<vmem>>
        %dma_wait3A_612 = tpu.memref_squeeze %dma_wait3A_611 : memref<1x128xi32, #tpu.memory_space<vmem>> -> memref<128xi32, #tpu.memory_space<vmem>>
        %dma_wait3A_613 = arith.constant 0 : i32
        %dma_wait3A_614 = arith.constant 0 : i32
        %dma_wait3A_615 = tpu.memref_slice %arg5[%dma_wait3A_613, %dma_wait3A_614] : memref<22806528x8xf32, #tpu.memory_space<hbm>> -> memref<22806528x8xf32, #tpu.memory_space<hbm>>
        tpu.wait_indirect_dma semaphore(%arg18 : memref<!tpu.dma_semaphore, #tpu.memory_space<semaphore_mem>>) src(%dma_wait3A_615 : memref<22806528x8xf32, #tpu.memory_space<hbm>>) dst(%dma_wait3A_609 : memref<128x8xf32, #tpu.memory_space<vmem>>)
        %dma_wait3A_616 = arith.constant 25 : i32
        %dma_wait3A_617 = arith.constant 3200 : i32
        %dma_wait3A_618 = arith.constant 0 : i32
        %dma_wait3A_619 = tpu.memref_slice %arg16[%dma_wait3A_617, %dma_wait3A_618] : memref<4096x8xf32, #tpu.memory_space<vmem>> -> memref<128x8xf32, #tpu.memory_space<vmem>>
        %dma_wait3A_620 = arith.constant 0 : i32
        %dma_wait3A_621 = tpu.memref_slice %arg14[%dma_wait3A_616, %dma_wait3A_620] : memref<32x128xi32, #tpu.memory_space<vmem>> -> memref<1x128xi32, #tpu.memory_space<vmem>>
        %dma_wait3A_622 = tpu.memref_squeeze %dma_wait3A_621 : memref<1x128xi32, #tpu.memory_space<vmem>> -> memref<128xi32, #tpu.memory_space<vmem>>
        %dma_wait3A_623 = arith.constant 0 : i32
        %dma_wait3A_624 = arith.constant 0 : i32
        %dma_wait3A_625 = tpu.memref_slice %arg5[%dma_wait3A_623, %dma_wait3A_624] : memref<22806528x8xf32, #tpu.memory_space<hbm>> -> memref<22806528x8xf32, #tpu.memory_space<hbm>>
        tpu.wait_indirect_dma semaphore(%arg18 : memref<!tpu.dma_semaphore, #tpu.memory_space<semaphore_mem>>) src(%dma_wait3A_625 : memref<22806528x8xf32, #tpu.memory_space<hbm>>) dst(%dma_wait3A_619 : memref<128x8xf32, #tpu.memory_space<vmem>>)
        %dma_wait3A_626 = arith.constant 26 : i32
        %dma_wait3A_627 = arith.constant 3328 : i32
        %dma_wait3A_628 = arith.constant 0 : i32
        %dma_wait3A_629 = tpu.memref_slice %arg16[%dma_wait3A_627, %dma_wait3A_628] : memref<4096x8xf32, #tpu.memory_space<vmem>> -> memref<128x8xf32, #tpu.memory_space<vmem>>
        %dma_wait3A_630 = arith.constant 0 : i32
        %dma_wait3A_631 = tpu.memref_slice %arg14[%dma_wait3A_626, %dma_wait3A_630] : memref<32x128xi32, #tpu.memory_space<vmem>> -> memref<1x128xi32, #tpu.memory_space<vmem>>
        %dma_wait3A_632 = tpu.memref_squeeze %dma_wait3A_631 : memref<1x128xi32, #tpu.memory_space<vmem>> -> memref<128xi32, #tpu.memory_space<vmem>>
        %dma_wait3A_633 = arith.constant 0 : i32
        %dma_wait3A_634 = arith.constant 0 : i32
        %dma_wait3A_635 = tpu.memref_slice %arg5[%dma_wait3A_633, %dma_wait3A_634] : memref<22806528x8xf32, #tpu.memory_space<hbm>> -> memref<22806528x8xf32, #tpu.memory_space<hbm>>
        tpu.wait_indirect_dma semaphore(%arg18 : memref<!tpu.dma_semaphore, #tpu.memory_space<semaphore_mem>>) src(%dma_wait3A_635 : memref<22806528x8xf32, #tpu.memory_space<hbm>>) dst(%dma_wait3A_629 : memref<128x8xf32, #tpu.memory_space<vmem>>)
        %dma_wait3A_636 = arith.constant 27 : i32
        %dma_wait3A_637 = arith.constant 3456 : i32
        %dma_wait3A_638 = arith.constant 0 : i32
        %dma_wait3A_639 = tpu.memref_slice %arg16[%dma_wait3A_637, %dma_wait3A_638] : memref<4096x8xf32, #tpu.memory_space<vmem>> -> memref<128x8xf32, #tpu.memory_space<vmem>>
        %dma_wait3A_640 = arith.constant 0 : i32
        %dma_wait3A_641 = tpu.memref_slice %arg14[%dma_wait3A_636, %dma_wait3A_640] : memref<32x128xi32, #tpu.memory_space<vmem>> -> memref<1x128xi32, #tpu.memory_space<vmem>>
        %dma_wait3A_642 = tpu.memref_squeeze %dma_wait3A_641 : memref<1x128xi32, #tpu.memory_space<vmem>> -> memref<128xi32, #tpu.memory_space<vmem>>
        %dma_wait3A_643 = arith.constant 0 : i32
        %dma_wait3A_644 = arith.constant 0 : i32
        %dma_wait3A_645 = tpu.memref_slice %arg5[%dma_wait3A_643, %dma_wait3A_644] : memref<22806528x8xf32, #tpu.memory_space<hbm>> -> memref<22806528x8xf32, #tpu.memory_space<hbm>>
        tpu.wait_indirect_dma semaphore(%arg18 : memref<!tpu.dma_semaphore, #tpu.memory_space<semaphore_mem>>) src(%dma_wait3A_645 : memref<22806528x8xf32, #tpu.memory_space<hbm>>) dst(%dma_wait3A_639 : memref<128x8xf32, #tpu.memory_space<vmem>>)
        %dma_wait3A_646 = arith.constant 28 : i32
        %dma_wait3A_647 = arith.constant 3584 : i32
        %dma_wait3A_648 = arith.constant 0 : i32
        %dma_wait3A_649 = tpu.memref_slice %arg16[%dma_wait3A_647, %dma_wait3A_648] : memref<4096x8xf32, #tpu.memory_space<vmem>> -> memref<128x8xf32, #tpu.memory_space<vmem>>
        %dma_wait3A_650 = arith.constant 0 : i32
        %dma_wait3A_651 = tpu.memref_slice %arg14[%dma_wait3A_646, %dma_wait3A_650] : memref<32x128xi32, #tpu.memory_space<vmem>> -> memref<1x128xi32, #tpu.memory_space<vmem>>
        %dma_wait3A_652 = tpu.memref_squeeze %dma_wait3A_651 : memref<1x128xi32, #tpu.memory_space<vmem>> -> memref<128xi32, #tpu.memory_space<vmem>>
        %dma_wait3A_653 = arith.constant 0 : i32
        %dma_wait3A_654 = arith.constant 0 : i32
        %dma_wait3A_655 = tpu.memref_slice %arg5[%dma_wait3A_653, %dma_wait3A_654] : memref<22806528x8xf32, #tpu.memory_space<hbm>> -> memref<22806528x8xf32, #tpu.memory_space<hbm>>
        tpu.wait_indirect_dma semaphore(%arg18 : memref<!tpu.dma_semaphore, #tpu.memory_space<semaphore_mem>>) src(%dma_wait3A_655 : memref<22806528x8xf32, #tpu.memory_space<hbm>>) dst(%dma_wait3A_649 : memref<128x8xf32, #tpu.memory_space<vmem>>)
        %dma_wait3A_656 = arith.constant 29 : i32
        %dma_wait3A_657 = arith.constant 3712 : i32
        %dma_wait3A_658 = arith.constant 0 : i32
        %dma_wait3A_659 = tpu.memref_slice %arg16[%dma_wait3A_657, %dma_wait3A_658] : memref<4096x8xf32, #tpu.memory_space<vmem>> -> memref<128x8xf32, #tpu.memory_space<vmem>>
        %dma_wait3A_660 = arith.constant 0 : i32
        %dma_wait3A_661 = tpu.memref_slice %arg14[%dma_wait3A_656, %dma_wait3A_660] : memref<32x128xi32, #tpu.memory_space<vmem>> -> memref<1x128xi32, #tpu.memory_space<vmem>>
        %dma_wait3A_662 = tpu.memref_squeeze %dma_wait3A_661 : memref<1x128xi32, #tpu.memory_space<vmem>> -> memref<128xi32, #tpu.memory_space<vmem>>
        %dma_wait3A_663 = arith.constant 0 : i32
        %dma_wait3A_664 = arith.constant 0 : i32
        %dma_wait3A_665 = tpu.memref_slice %arg5[%dma_wait3A_663, %dma_wait3A_664] : memref<22806528x8xf32, #tpu.memory_space<hbm>> -> memref<22806528x8xf32, #tpu.memory_space<hbm>>
        tpu.wait_indirect_dma semaphore(%arg18 : memref<!tpu.dma_semaphore, #tpu.memory_space<semaphore_mem>>) src(%dma_wait3A_665 : memref<22806528x8xf32, #tpu.memory_space<hbm>>) dst(%dma_wait3A_659 : memref<128x8xf32, #tpu.memory_space<vmem>>)
        %dma_wait3A_666 = arith.constant 30 : i32
        %dma_wait3A_667 = arith.constant 3840 : i32
        %dma_wait3A_668 = arith.constant 0 : i32
        %dma_wait3A_669 = tpu.memref_slice %arg16[%dma_wait3A_667, %dma_wait3A_668] : memref<4096x8xf32, #tpu.memory_space<vmem>> -> memref<128x8xf32, #tpu.memory_space<vmem>>
        %dma_wait3A_670 = arith.constant 0 : i32
        %dma_wait3A_671 = tpu.memref_slice %arg14[%dma_wait3A_666, %dma_wait3A_670] : memref<32x128xi32, #tpu.memory_space<vmem>> -> memref<1x128xi32, #tpu.memory_space<vmem>>
        %dma_wait3A_672 = tpu.memref_squeeze %dma_wait3A_671 : memref<1x128xi32, #tpu.memory_space<vmem>> -> memref<128xi32, #tpu.memory_space<vmem>>
        %dma_wait3A_673 = arith.constant 0 : i32
        %dma_wait3A_674 = arith.constant 0 : i32
        %dma_wait3A_675 = tpu.memref_slice %arg5[%dma_wait3A_673, %dma_wait3A_674] : memref<22806528x8xf32, #tpu.memory_space<hbm>> -> memref<22806528x8xf32, #tpu.memory_space<hbm>>
        tpu.wait_indirect_dma semaphore(%arg18 : memref<!tpu.dma_semaphore, #tpu.memory_space<semaphore_mem>>) src(%dma_wait3A_675 : memref<22806528x8xf32, #tpu.memory_space<hbm>>) dst(%dma_wait3A_669 : memref<128x8xf32, #tpu.memory_space<vmem>>)
        %dma_wait3A_676 = arith.constant 31 : i32
        %dma_wait3A_677 = arith.constant 3968 : i32
        %dma_wait3A_678 = arith.constant 0 : i32
        %dma_wait3A_679 = tpu.memref_slice %arg16[%dma_wait3A_677, %dma_wait3A_678] : memref<4096x8xf32, #tpu.memory_space<vmem>> -> memref<128x8xf32, #tpu.memory_space<vmem>>
        %dma_wait3A_680 = arith.constant 0 : i32
        %dma_wait3A_681 = tpu.memref_slice %arg14[%dma_wait3A_676, %dma_wait3A_680] : memref<32x128xi32, #tpu.memory_space<vmem>> -> memref<1x128xi32, #tpu.memory_space<vmem>>
        %dma_wait3A_682 = tpu.memref_squeeze %dma_wait3A_681 : memref<1x128xi32, #tpu.memory_space<vmem>> -> memref<128xi32, #tpu.memory_space<vmem>>
        %dma_wait3A_683 = arith.constant 0 : i32
        %dma_wait3A_684 = arith.constant 0 : i32
        %dma_wait3A_685 = tpu.memref_slice %arg5[%dma_wait3A_683, %dma_wait3A_684] : memref<22806528x8xf32, #tpu.memory_space<hbm>> -> memref<22806528x8xf32, #tpu.memory_space<hbm>>
        tpu.wait_indirect_dma semaphore(%arg18 : memref<!tpu.dma_semaphore, #tpu.memory_space<semaphore_mem>>) src(%dma_wait3A_685 : memref<22806528x8xf32, #tpu.memory_space<hbm>>) dst(%dma_wait3A_679 : memref<128x8xf32, #tpu.memory_space<vmem>>)
        %scan3A_686 = arith.constant 0 : i32
        %scan3A_687 = arith.constant 0 : i32
        %scan3A_688 = arith.constant 32 : i32
        %scan3A_689 = arith.addi %scan3A_687, %scan3A_688 : i32
        %scan3A_690 = arith.constant 1 : i32
        scf.for %scan3A_692 = %scan3A_687 to %scan3A_689 step %scan3A_690  : i32 {
          %mul3A_693 = arith.constant 16 : i32
          %mul3A_694 = arith.muli %scan3A_692, %mul3A_693 : i32
          %broadcast_in_dim3A_695 = arith.constant 0.000000e+00 : f32
          %broadcast_in_dim3A_696 = vector.broadcast %broadcast_in_dim3A_695 : f32 to vector<16xf32>
          %broadcast_in_dim3A_697 = arith.constant 0.000000e+00 : f32
          %broadcast_in_dim3A_698 = vector.broadcast %broadcast_in_dim3A_697 : f32 to vector<16xf32>
          %broadcast_in_dim3A_699 = arith.constant 0.000000e+00 : f32
          %broadcast_in_dim3A_700 = vector.broadcast %broadcast_in_dim3A_699 : f32 to vector<16xf32>
          %broadcast_in_dim3A_701 = arith.constant 0.000000e+00 : f32
          %broadcast_in_dim3A_702 = vector.broadcast %broadcast_in_dim3A_701 : f32 to vector<16xf32>
          %add3A_703 = arith.constant 0 : i32
          %add3A_704 = arith.addi %add3A_703, %mul3A_694 : i32
          %get3A_705 = arith.index_cast %add3A_704 : i32 to index
          %get3A_706 = tpu.vector_load %arg15[%get3A_705] {strides = array<i32>} : memref<4096xf32, #tpu.memory_space<vmem>>, vector<16xf32>,
          %add3A_707 = vector.broadcast %add3A_704 : i32 to vector<16xi32>
          %add3A_708 = arith.addi %iota3A, %add3A_707 : vector<16xi32>
          %broadcast_in_dim3A_709 = arith.constant 0 : i32
          %broadcast_in_dim3A_710 = vector.broadcast %broadcast_in_dim3A_709 : i32 to vector<16xi32>
          %gather3A = tpu.vector_load_idx %arg16[%add3A_708, %broadcast_in_dim3A_710] : memref<4096x8xf32, #tpu.memory_space<vmem>>[vector<16xi32>, vector<16xi32>], vector<16xf32>,
          %mul3A_711 = arith.mulf %get3A_706, %gather3A : vector<16xf32>
          %add3A_712 = arith.addf %broadcast_in_dim3A_696, %mul3A_711 : vector<16xf32>
          %broadcast_in_dim3A_713 = arith.constant 1 : i32
          %broadcast_in_dim3A_714 = vector.broadcast %broadcast_in_dim3A_713 : i32 to vector<16xi32>
          %gather3A_715 = tpu.vector_load_idx %arg16[%add3A_708, %broadcast_in_dim3A_714] : memref<4096x8xf32, #tpu.memory_space<vmem>>[vector<16xi32>, vector<16xi32>], vector<16xf32>,
          %mul3A_716 = arith.mulf %get3A_706, %gather3A_715 : vector<16xf32>
          %add3A_717 = arith.addf %broadcast_in_dim3A_698, %mul3A_716 : vector<16xf32>
          %broadcast_in_dim3A_718 = arith.constant 2 : i32
          %broadcast_in_dim3A_719 = vector.broadcast %broadcast_in_dim3A_718 : i32 to vector<16xi32>
          %gather3A_720 = tpu.vector_load_idx %arg16[%add3A_708, %broadcast_in_dim3A_719] : memref<4096x8xf32, #tpu.memory_space<vmem>>[vector<16xi32>, vector<16xi32>], vector<16xf32>,
          %mul3A_721 = arith.mulf %get3A_706, %gather3A_720 : vector<16xf32>
          %add3A_722 = arith.addf %broadcast_in_dim3A_700, %mul3A_721 : vector<16xf32>
          %broadcast_in_dim3A_723 = arith.constant 3 : i32
          %broadcast_in_dim3A_724 = vector.broadcast %broadcast_in_dim3A_723 : i32 to vector<16xi32>
          %gather3A_725 = tpu.vector_load_idx %arg16[%add3A_708, %broadcast_in_dim3A_724] : memref<4096x8xf32, #tpu.memory_space<vmem>>[vector<16xi32>, vector<16xi32>], vector<16xf32>,
          %mul3A_726 = arith.mulf %get3A_706, %gather3A_725 : vector<16xf32>
          %add3A_727 = arith.addf %broadcast_in_dim3A_702, %mul3A_726 : vector<16xf32>
          %add3A_728 = arith.constant 512 : i32
          %add3A_729 = arith.addi %add3A_728, %mul3A_694 : i32
          %get3A_730 = arith.index_cast %add3A_729 : i32 to index
          %get3A_731 = tpu.vector_load %arg15[%get3A_730] {strides = array<i32>} : memref<4096xf32, #tpu.memory_space<vmem>>, vector<16xf32>,
          %add3A_732 = vector.broadcast %add3A_729 : i32 to vector<16xi32>
          %add3A_733 = arith.addi %iota3A, %add3A_732 : vector<16xi32>
          %broadcast_in_dim3A_734 = arith.constant 0 : i32
          %broadcast_in_dim3A_735 = vector.broadcast %broadcast_in_dim3A_734 : i32 to vector<16xi32>
          %gather3A_736 = tpu.vector_load_idx %arg16[%add3A_733, %broadcast_in_dim3A_735] : memref<4096x8xf32, #tpu.memory_space<vmem>>[vector<16xi32>, vector<16xi32>], vector<16xf32>,
          %mul3A_737 = arith.mulf %get3A_731, %gather3A_736 : vector<16xf32>
          %add3A_738 = arith.addf %add3A_712, %mul3A_737 : vector<16xf32>
          %broadcast_in_dim3A_739 = arith.constant 1 : i32
          %broadcast_in_dim3A_740 = vector.broadcast %broadcast_in_dim3A_739 : i32 to vector<16xi32>
          %gather3A_741 = tpu.vector_load_idx %arg16[%add3A_733, %broadcast_in_dim3A_740] : memref<4096x8xf32, #tpu.memory_space<vmem>>[vector<16xi32>, vector<16xi32>], vector<16xf32>,
          %mul3A_742 = arith.mulf %get3A_731, %gather3A_741 : vector<16xf32>
          %add3A_743 = arith.addf %add3A_717, %mul3A_742 : vector<16xf32>
          %broadcast_in_dim3A_744 = arith.constant 2 : i32
          %broadcast_in_dim3A_745 = vector.broadcast %broadcast_in_dim3A_744 : i32 to vector<16xi32>
          %gather3A_746 = tpu.vector_load_idx %arg16[%add3A_733, %broadcast_in_dim3A_745] : memref<4096x8xf32, #tpu.memory_space<vmem>>[vector<16xi32>, vector<16xi32>], vector<16xf32>,
          %mul3A_747 = arith.mulf %get3A_731, %gather3A_746 : vector<16xf32>
          %add3A_748 = arith.addf %add3A_722, %mul3A_747 : vector<16xf32>
          %broadcast_in_dim3A_749 = arith.constant 3 : i32
          %broadcast_in_dim3A_750 = vector.broadcast %broadcast_in_dim3A_749 : i32 to vector<16xi32>
          %gather3A_751 = tpu.vector_load_idx %arg16[%add3A_733, %broadcast_in_dim3A_750] : memref<4096x8xf32, #tpu.memory_space<vmem>>[vector<16xi32>, vector<16xi32>], vector<16xf32>,
          %mul3A_752 = arith.mulf %get3A_731, %gather3A_751 : vector<16xf32>
          %add3A_753 = arith.addf %add3A_727, %mul3A_752 : vector<16xf32>
          %add3A_754 = arith.constant 1024 : i32
          %add3A_755 = arith.addi %add3A_754, %mul3A_694 : i32
          %get3A_756 = arith.index_cast %add3A_755 : i32 to index
          %get3A_757 = tpu.vector_load %arg15[%get3A_756] {strides = array<i32>} : memref<4096xf32, #tpu.memory_space<vmem>>, vector<16xf32>,
          %add3A_758 = vector.broadcast %add3A_755 : i32 to vector<16xi32>
          %add3A_759 = arith.addi %iota3A, %add3A_758 : vector<16xi32>
          %broadcast_in_dim3A_760 = arith.constant 0 : i32
          %broadcast_in_dim3A_761 = vector.broadcast %broadcast_in_dim3A_760 : i32 to vector<16xi32>
          %gather3A_762 = tpu.vector_load_idx %arg16[%add3A_759, %broadcast_in_dim3A_761] : memref<4096x8xf32, #tpu.memory_space<vmem>>[vector<16xi32>, vector<16xi32>], vector<16xf32>,
          %mul3A_763 = arith.mulf %get3A_757, %gather3A_762 : vector<16xf32>
          %add3A_764 = arith.addf %add3A_738, %mul3A_763 : vector<16xf32>
          %broadcast_in_dim3A_765 = arith.constant 1 : i32
          %broadcast_in_dim3A_766 = vector.broadcast %broadcast_in_dim3A_765 : i32 to vector<16xi32>
          %gather3A_767 = tpu.vector_load_idx %arg16[%add3A_759, %broadcast_in_dim3A_766] : memref<4096x8xf32, #tpu.memory_space<vmem>>[vector<16xi32>, vector<16xi32>], vector<16xf32>,
          %mul3A_768 = arith.mulf %get3A_757, %gather3A_767 : vector<16xf32>
          %add3A_769 = arith.addf %add3A_743, %mul3A_768 : vector<16xf32>
          %broadcast_in_dim3A_770 = arith.constant 2 : i32
          %broadcast_in_dim3A_771 = vector.broadcast %broadcast_in_dim3A_770 : i32 to vector<16xi32>
          %gather3A_772 = tpu.vector_load_idx %arg16[%add3A_759, %broadcast_in_dim3A_771] : memref<4096x8xf32, #tpu.memory_space<vmem>>[vector<16xi32>, vector<16xi32>], vector<16xf32>,
          %mul3A_773 = arith.mulf %get3A_757, %gather3A_772 : vector<16xf32>
          %add3A_774 = arith.addf %add3A_748, %mul3A_773 : vector<16xf32>
          %broadcast_in_dim3A_775 = arith.constant 3 : i32
          %broadcast_in_dim3A_776 = vector.broadcast %broadcast_in_dim3A_775 : i32 to vector<16xi32>
          %gather3A_777 = tpu.vector_load_idx %arg16[%add3A_759, %broadcast_in_dim3A_776] : memref<4096x8xf32, #tpu.memory_space<vmem>>[vector<16xi32>, vector<16xi32>], vector<16xf32>,
          %mul3A_778 = arith.mulf %get3A_757, %gather3A_777 : vector<16xf32>
          %add3A_779 = arith.addf %add3A_753, %mul3A_778 : vector<16xf32>
          %add3A_780 = arith.constant 1536 : i32
          %add3A_781 = arith.addi %add3A_780, %mul3A_694 : i32
          %get3A_782 = arith.index_cast %add3A_781 : i32 to index
          %get3A_783 = tpu.vector_load %arg15[%get3A_782] {strides = array<i32>} : memref<4096xf32, #tpu.memory_space<vmem>>, vector<16xf32>,
          %add3A_784 = vector.broadcast %add3A_781 : i32 to vector<16xi32>
          %add3A_785 = arith.addi %iota3A, %add3A_784 : vector<16xi32>
          %broadcast_in_dim3A_786 = arith.constant 0 : i32
          %broadcast_in_dim3A_787 = vector.broadcast %broadcast_in_dim3A_786 : i32 to vector<16xi32>
          %gather3A_788 = tpu.vector_load_idx %arg16[%add3A_785, %broadcast_in_dim3A_787] : memref<4096x8xf32, #tpu.memory_space<vmem>>[vector<16xi32>, vector<16xi32>], vector<16xf32>,
          %mul3A_789 = arith.mulf %get3A_783, %gather3A_788 : vector<16xf32>
          %add3A_790 = arith.addf %add3A_764, %mul3A_789 : vector<16xf32>
          %broadcast_in_dim3A_791 = arith.constant 1 : i32
          %broadcast_in_dim3A_792 = vector.broadcast %broadcast_in_dim3A_791 : i32 to vector<16xi32>
          %gather3A_793 = tpu.vector_load_idx %arg16[%add3A_785, %broadcast_in_dim3A_792] : memref<4096x8xf32, #tpu.memory_space<vmem>>[vector<16xi32>, vector<16xi32>], vector<16xf32>,
          %mul3A_794 = arith.mulf %get3A_783, %gather3A_793 : vector<16xf32>
          %add3A_795 = arith.addf %add3A_769, %mul3A_794 : vector<16xf32>
          %broadcast_in_dim3A_796 = arith.constant 2 : i32
          %broadcast_in_dim3A_797 = vector.broadcast %broadcast_in_dim3A_796 : i32 to vector<16xi32>
          %gather3A_798 = tpu.vector_load_idx %arg16[%add3A_785, %broadcast_in_dim3A_797] : memref<4096x8xf32, #tpu.memory_space<vmem>>[vector<16xi32>, vector<16xi32>], vector<16xf32>,
          %mul3A_799 = arith.mulf %get3A_783, %gather3A_798 : vector<16xf32>
          %add3A_800 = arith.addf %add3A_774, %mul3A_799 : vector<16xf32>
          %broadcast_in_dim3A_801 = arith.constant 3 : i32
          %broadcast_in_dim3A_802 = vector.broadcast %broadcast_in_dim3A_801 : i32 to vector<16xi32>
          %gather3A_803 = tpu.vector_load_idx %arg16[%add3A_785, %broadcast_in_dim3A_802] : memref<4096x8xf32, #tpu.memory_space<vmem>>[vector<16xi32>, vector<16xi32>], vector<16xf32>,
          %mul3A_804 = arith.mulf %get3A_783, %gather3A_803 : vector<16xf32>
          %add3A_805 = arith.addf %add3A_779, %mul3A_804 : vector<16xf32>
          %add3A_806 = arith.constant 2048 : i32
          %add3A_807 = arith.addi %add3A_806, %mul3A_694 : i32
          %get3A_808 = arith.index_cast %add3A_807 : i32 to index
          %get3A_809 = tpu.vector_load %arg15[%get3A_808] {strides = array<i32>} : memref<4096xf32, #tpu.memory_space<vmem>>, vector<16xf32>,
          %add3A_810 = vector.broadcast %add3A_807 : i32 to vector<16xi32>
          %add3A_811 = arith.addi %iota3A, %add3A_810 : vector<16xi32>
          %broadcast_in_dim3A_812 = arith.constant 0 : i32
          %broadcast_in_dim3A_813 = vector.broadcast %broadcast_in_dim3A_812 : i32 to vector<16xi32>
          %gather3A_814 = tpu.vector_load_idx %arg16[%add3A_811, %broadcast_in_dim3A_813] : memref<4096x8xf32, #tpu.memory_space<vmem>>[vector<16xi32>, vector<16xi32>], vector<16xf32>,
          %mul3A_815 = arith.mulf %get3A_809, %gather3A_814 : vector<16xf32>
          %add3A_816 = arith.addf %add3A_790, %mul3A_815 : vector<16xf32>
          %broadcast_in_dim3A_817 = arith.constant 1 : i32
          %broadcast_in_dim3A_818 = vector.broadcast %broadcast_in_dim3A_817 : i32 to vector<16xi32>
          %gather3A_819 = tpu.vector_load_idx %arg16[%add3A_811, %broadcast_in_dim3A_818] : memref<4096x8xf32, #tpu.memory_space<vmem>>[vector<16xi32>, vector<16xi32>], vector<16xf32>,
          %mul3A_820 = arith.mulf %get3A_809, %gather3A_819 : vector<16xf32>
          %add3A_821 = arith.addf %add3A_795, %mul3A_820 : vector<16xf32>
          %broadcast_in_dim3A_822 = arith.constant 2 : i32
          %broadcast_in_dim3A_823 = vector.broadcast %broadcast_in_dim3A_822 : i32 to vector<16xi32>
          %gather3A_824 = tpu.vector_load_idx %arg16[%add3A_811, %broadcast_in_dim3A_823] : memref<4096x8xf32, #tpu.memory_space<vmem>>[vector<16xi32>, vector<16xi32>], vector<16xf32>,
          %mul3A_825 = arith.mulf %get3A_809, %gather3A_824 : vector<16xf32>
          %add3A_826 = arith.addf %add3A_800, %mul3A_825 : vector<16xf32>
          %broadcast_in_dim3A_827 = arith.constant 3 : i32
          %broadcast_in_dim3A_828 = vector.broadcast %broadcast_in_dim3A_827 : i32 to vector<16xi32>
          %gather3A_829 = tpu.vector_load_idx %arg16[%add3A_811, %broadcast_in_dim3A_828] : memref<4096x8xf32, #tpu.memory_space<vmem>>[vector<16xi32>, vector<16xi32>], vector<16xf32>,
          %mul3A_830 = arith.mulf %get3A_809, %gather3A_829 : vector<16xf32>
          %add3A_831 = arith.addf %add3A_805, %mul3A_830 : vector<16xf32>
          %add3A_832 = arith.constant 2560 : i32
          %add3A_833 = arith.addi %add3A_832, %mul3A_694 : i32
          %get3A_834 = arith.index_cast %add3A_833 : i32 to index
          %get3A_835 = tpu.vector_load %arg15[%get3A_834] {strides = array<i32>} : memref<4096xf32, #tpu.memory_space<vmem>>, vector<16xf32>,
          %add3A_836 = vector.broadcast %add3A_833 : i32 to vector<16xi32>
          %add3A_837 = arith.addi %iota3A, %add3A_836 : vector<16xi32>
          %broadcast_in_dim3A_838 = arith.constant 0 : i32
          %broadcast_in_dim3A_839 = vector.broadcast %broadcast_in_dim3A_838 : i32 to vector<16xi32>
          %gather3A_840 = tpu.vector_load_idx %arg16[%add3A_837, %broadcast_in_dim3A_839] : memref<4096x8xf32, #tpu.memory_space<vmem>>[vector<16xi32>, vector<16xi32>], vector<16xf32>,
          %mul3A_841 = arith.mulf %get3A_835, %gather3A_840 : vector<16xf32>
          %add3A_842 = arith.addf %add3A_816, %mul3A_841 : vector<16xf32>
          %broadcast_in_dim3A_843 = arith.constant 1 : i32
          %broadcast_in_dim3A_844 = vector.broadcast %broadcast_in_dim3A_843 : i32 to vector<16xi32>
          %gather3A_845 = tpu.vector_load_idx %arg16[%add3A_837, %broadcast_in_dim3A_844] : memref<4096x8xf32, #tpu.memory_space<vmem>>[vector<16xi32>, vector<16xi32>], vector<16xf32>,
          %mul3A_846 = arith.mulf %get3A_835, %gather3A_845 : vector<16xf32>
          %add3A_847 = arith.addf %add3A_821, %mul3A_846 : vector<16xf32>
          %broadcast_in_dim3A_848 = arith.constant 2 : i32
          %broadcast_in_dim3A_849 = vector.broadcast %broadcast_in_dim3A_848 : i32 to vector<16xi32>
          %gather3A_850 = tpu.vector_load_idx %arg16[%add3A_837, %broadcast_in_dim3A_849] : memref<4096x8xf32, #tpu.memory_space<vmem>>[vector<16xi32>, vector<16xi32>], vector<16xf32>,
          %mul3A_851 = arith.mulf %get3A_835, %gather3A_850 : vector<16xf32>
          %add3A_852 = arith.addf %add3A_826, %mul3A_851 : vector<16xf32>
          %broadcast_in_dim3A_853 = arith.constant 3 : i32
          %broadcast_in_dim3A_854 = vector.broadcast %broadcast_in_dim3A_853 : i32 to vector<16xi32>
          %gather3A_855 = tpu.vector_load_idx %arg16[%add3A_837, %broadcast_in_dim3A_854] : memref<4096x8xf32, #tpu.memory_space<vmem>>[vector<16xi32>, vector<16xi32>], vector<16xf32>,
          %mul3A_856 = arith.mulf %get3A_835, %gather3A_855 : vector<16xf32>
          %add3A_857 = arith.addf %add3A_831, %mul3A_856 : vector<16xf32>
          %add3A_858 = arith.constant 3072 : i32
          %add3A_859 = arith.addi %add3A_858, %mul3A_694 : i32
          %get3A_860 = arith.index_cast %add3A_859 : i32 to index
          %get3A_861 = tpu.vector_load %arg15[%get3A_860] {strides = array<i32>} : memref<4096xf32, #tpu.memory_space<vmem>>, vector<16xf32>,
          %add3A_862 = vector.broadcast %add3A_859 : i32 to vector<16xi32>
          %add3A_863 = arith.addi %iota3A, %add3A_862 : vector<16xi32>
          %broadcast_in_dim3A_864 = arith.constant 0 : i32
          %broadcast_in_dim3A_865 = vector.broadcast %broadcast_in_dim3A_864 : i32 to vector<16xi32>
          %gather3A_866 = tpu.vector_load_idx %arg16[%add3A_863, %broadcast_in_dim3A_865] : memref<4096x8xf32, #tpu.memory_space<vmem>>[vector<16xi32>, vector<16xi32>], vector<16xf32>,
          %mul3A_867 = arith.mulf %get3A_861, %gather3A_866 : vector<16xf32>
          %add3A_868 = arith.addf %add3A_842, %mul3A_867 : vector<16xf32>
          %broadcast_in_dim3A_869 = arith.constant 1 : i32
          %broadcast_in_dim3A_870 = vector.broadcast %broadcast_in_dim3A_869 : i32 to vector<16xi32>
          %gather3A_871 = tpu.vector_load_idx %arg16[%add3A_863, %broadcast_in_dim3A_870] : memref<4096x8xf32, #tpu.memory_space<vmem>>[vector<16xi32>, vector<16xi32>], vector<16xf32>,
          %mul3A_872 = arith.mulf %get3A_861, %gather3A_871 : vector<16xf32>
          %add3A_873 = arith.addf %add3A_847, %mul3A_872 : vector<16xf32>
          %broadcast_in_dim3A_874 = arith.constant 2 : i32
          %broadcast_in_dim3A_875 = vector.broadcast %broadcast_in_dim3A_874 : i32 to vector<16xi32>
          %gather3A_876 = tpu.vector_load_idx %arg16[%add3A_863, %broadcast_in_dim3A_875] : memref<4096x8xf32, #tpu.memory_space<vmem>>[vector<16xi32>, vector<16xi32>], vector<16xf32>,
          %mul3A_877 = arith.mulf %get3A_861, %gather3A_876 : vector<16xf32>
          %add3A_878 = arith.addf %add3A_852, %mul3A_877 : vector<16xf32>
          %broadcast_in_dim3A_879 = arith.constant 3 : i32
          %broadcast_in_dim3A_880 = vector.broadcast %broadcast_in_dim3A_879 : i32 to vector<16xi32>
          %gather3A_881 = tpu.vector_load_idx %arg16[%add3A_863, %broadcast_in_dim3A_880] : memref<4096x8xf32, #tpu.memory_space<vmem>>[vector<16xi32>, vector<16xi32>], vector<16xf32>,
          %mul3A_882 = arith.mulf %get3A_861, %gather3A_881 : vector<16xf32>
          %add3A_883 = arith.addf %add3A_857, %mul3A_882 : vector<16xf32>
          %add3A_884 = arith.constant 3584 : i32
          %add3A_885 = arith.addi %add3A_884, %mul3A_694 : i32
          %get3A_886 = arith.index_cast %add3A_885 : i32 to index
          %get3A_887 = tpu.vector_load %arg15[%get3A_886] {strides = array<i32>} : memref<4096xf32, #tpu.memory_space<vmem>>, vector<16xf32>,
          %add3A_888 = vector.broadcast %add3A_885 : i32 to vector<16xi32>
          %add3A_889 = arith.addi %iota3A, %add3A_888 : vector<16xi32>
          %broadcast_in_dim3A_890 = arith.constant 0 : i32
          %broadcast_in_dim3A_891 = vector.broadcast %broadcast_in_dim3A_890 : i32 to vector<16xi32>
          %gather3A_892 = tpu.vector_load_idx %arg16[%add3A_889, %broadcast_in_dim3A_891] : memref<4096x8xf32, #tpu.memory_space<vmem>>[vector<16xi32>, vector<16xi32>], vector<16xf32>,
          %mul3A_893 = arith.mulf %get3A_887, %gather3A_892 : vector<16xf32>
          %add3A_894 = arith.addf %add3A_868, %mul3A_893 : vector<16xf32>
          %broadcast_in_dim3A_895 = arith.constant 1 : i32
          %broadcast_in_dim3A_896 = vector.broadcast %broadcast_in_dim3A_895 : i32 to vector<16xi32>
          %gather3A_897 = tpu.vector_load_idx %arg16[%add3A_889, %broadcast_in_dim3A_896] : memref<4096x8xf32, #tpu.memory_space<vmem>>[vector<16xi32>, vector<16xi32>], vector<16xf32>,
          %mul3A_898 = arith.mulf %get3A_887, %gather3A_897 : vector<16xf32>
          %add3A_899 = arith.addf %add3A_873, %mul3A_898 : vector<16xf32>
          %broadcast_in_dim3A_900 = arith.constant 2 : i32
          %broadcast_in_dim3A_901 = vector.broadcast %broadcast_in_dim3A_900 : i32 to vector<16xi32>
          %gather3A_902 = tpu.vector_load_idx %arg16[%add3A_889, %broadcast_in_dim3A_901] : memref<4096x8xf32, #tpu.memory_space<vmem>>[vector<16xi32>, vector<16xi32>], vector<16xf32>,
          %mul3A_903 = arith.mulf %get3A_887, %gather3A_902 : vector<16xf32>
          %add3A_904 = arith.addf %add3A_878, %mul3A_903 : vector<16xf32>
          %broadcast_in_dim3A_905 = arith.constant 3 : i32
          %broadcast_in_dim3A_906 = vector.broadcast %broadcast_in_dim3A_905 : i32 to vector<16xi32>
          %gather3A_907 = tpu.vector_load_idx %arg16[%add3A_889, %broadcast_in_dim3A_906] : memref<4096x8xf32, #tpu.memory_space<vmem>>[vector<16xi32>, vector<16xi32>], vector<16xf32>,
          %mul3A_908 = arith.mulf %get3A_887, %gather3A_907 : vector<16xf32>
          %add3A_909 = arith.addf %add3A_883, %mul3A_908 : vector<16xf32>
          %add3A_910 = vector.broadcast %mul3A_694 : i32 to vector<16xi32>
          %add3A_911 = arith.addi %iota3A, %add3A_910 : vector<16xi32>
          %mul3A_912 = arith.constant 4 : i32
          %mul3A_913 = arith.muli %scan3A_31, %mul3A_912 : i32
          %add3A_914 = arith.constant 0 : i32
          %add3A_915 = arith.addi %mul3A_913, %add3A_914 : i32
          %broadcast_in_dim3A_916 = vector.broadcast %add3A_915 : i32 to vector<16xi32>
          tpu.vector_store_idx %arg17[%add3A_911, %broadcast_in_dim3A_916], %add3A_894 : memref<512x128xf32, #tpu.memory_space<vmem>>[vector<16xi32>, vector<16xi32>], vector<16xf32>,
          %mul3A_917 = arith.constant 4 : i32
          %mul3A_918 = arith.muli %scan3A_31, %mul3A_917 : i32
          %add3A_919 = arith.constant 1 : i32
          %add3A_920 = arith.addi %mul3A_918, %add3A_919 : i32
          %broadcast_in_dim3A_921 = vector.broadcast %add3A_920 : i32 to vector<16xi32>
          tpu.vector_store_idx %arg17[%add3A_911, %broadcast_in_dim3A_921], %add3A_899 : memref<512x128xf32, #tpu.memory_space<vmem>>[vector<16xi32>, vector<16xi32>], vector<16xf32>,
          %mul3A_922 = arith.constant 4 : i32
          %mul3A_923 = arith.muli %scan3A_31, %mul3A_922 : i32
          %add3A_924 = arith.constant 2 : i32
          %add3A_925 = arith.addi %mul3A_923, %add3A_924 : i32
          %broadcast_in_dim3A_926 = vector.broadcast %add3A_925 : i32 to vector<16xi32>
          tpu.vector_store_idx %arg17[%add3A_911, %broadcast_in_dim3A_926], %add3A_904 : memref<512x128xf32, #tpu.memory_space<vmem>>[vector<16xi32>, vector<16xi32>], vector<16xf32>,
          %mul3A_927 = arith.constant 4 : i32
          %mul3A_928 = arith.muli %scan3A_31, %mul3A_927 : i32
          %add3A_929 = arith.constant 3 : i32
          %add3A_930 = arith.addi %mul3A_928, %add3A_929 : i32
          %broadcast_in_dim3A_931 = vector.broadcast %add3A_930 : i32 to vector<16xi32>
          tpu.vector_store_idx %arg17[%add3A_911, %broadcast_in_dim3A_931], %add3A_909 : memref<512x128xf32, #tpu.memory_space<vmem>>[vector<16xi32>, vector<16xi32>], vector<16xf32>,
        }
        %scan3A_691 = arith.constant 32 : i32
      }
      %scan3A_30 = arith.constant 10 : i32
      "tpu.region"() ({
        %run_scoped3A = tpu.sem_alloc : memref<!tpu.dma_semaphore, #tpu.memory_space<semaphore_mem>>
        %dma_start3A = arith.constant 0 : i32
        %dma_start3A_31 = tpu.memref_slice %arg8[%add3A_18, %dma_start3A] : memref<262144x128xf32, #tpu.memory_space<hbm>> -> memref<512x128xf32, #tpu.memory_space<hbm>>
        %dma_start3A_32 = arith.constant 0 : i32
        %dma_start3A_33 = tpu.memref_slice %arg8[%add3A_18, %dma_start3A_32] : memref<262144x128xf32, #tpu.memory_space<hbm>> -> memref<512x128xf32, #tpu.memory_space<hbm>>
        tpu.enqueue_dma source(%arg17 : memref<512x128xf32, #tpu.memory_space<vmem>>) target(%dma_start3A_33 : memref<512x128xf32, #tpu.memory_space<hbm>>) target_semaphore(%run_scoped3A : memref<!tpu.dma_semaphore, #tpu.memory_space<semaphore_mem>>)
        %dma_wait3A = arith.constant 0 : i32
        %dma_wait3A_34 = tpu.memref_slice %arg8[%add3A_18, %dma_wait3A] : memref<262144x128xf32, #tpu.memory_space<hbm>> -> memref<512x128xf32, #tpu.memory_space<hbm>>
        %dma_wait3A_35 = arith.constant 0 : i32
        %dma_wait3A_36 = tpu.memref_slice %arg8[%add3A_18, %dma_wait3A_35] : memref<262144x128xf32, #tpu.memory_space<hbm>> -> memref<512x128xf32, #tpu.memory_space<hbm>>
        tpu.wait_dma2 semaphore(%run_scoped3A : memref<!tpu.dma_semaphore, #tpu.memory_space<semaphore_mem>>) src(%arg17 : memref<512x128xf32, #tpu.memory_space<vmem>>) dst(%dma_wait3A_36 : memref<512x128xf32, #tpu.memory_space<hbm>>)
        tpu.yield
      }) : () -> ()
    }
    %scan3A_14 = arith.constant 16 : i32
    return
  }
}

module attributes {stable_mosaic.version = 14 : i64} {
  func.func @_mlp_body(%arg0: i32, %arg1: memref<4096x128xf32, #tpu.memory_space<vmem>>, %arg2: memref<128x64xf32, #tpu.memory_space<vmem>>, %arg3: memref<64x4xf32, #tpu.memory_space<vmem>>, %arg4: memref<4096x4xf32, #tpu.memory_space<vmem>>) attributes {dimension_semantics = [#tpu.dimension_semantics<arbitrary>], iteration_bounds = array<i64: 64>, scalar_prefetch = 0 : i64, scratch_operands = 0 : i64, tpu.core_type = #tpu.core_type<tc>, window_params = [{transform_indices = @transform_0, window_bounds = array<i64: 4096, 128>}, {pipeline_mode = #tpu.pipeline_mode<synchronous>, transform_indices = @transform_1, window_bounds = array<i64: 128, 64>}, {pipeline_mode = #tpu.pipeline_mode<synchronous>, transform_indices = @transform_2, window_bounds = array<i64: 64, 4>}, {transform_indices = @transform_3, window_bounds = array<i64: 4096, 4>}]} {
    %get3A = arith.constant 0 : index
    %get3A_0 = arith.constant 0 : index
    %get3A_1 = vector.load %arg1[%get3A, %get3A_0] : memref<4096x128xf32, #tpu.memory_space<vmem>>, vector<4096x128xf32>
    %get3A_2 = arith.constant 0 : index
    %get3A_3 = arith.constant 0 : index
    %get3A_4 = vector.load %arg2[%get3A_2, %get3A_3] : memref<128x64xf32, #tpu.memory_space<vmem>>, vector<128x64xf32>
    %dot_general3A = arith.constant dense<0.000000e+00> : vector<4096x64xf32>
    %dot_general3A_5 = tpu.matmul %get3A_1, %get3A_4, %dot_general3A {dimension_numbers = #tpu.dot_dimension_numbers<[1], [0], [0], [1], [0, 0, 1, 1], [], []>, transpose_lhs_hint = false} : vector<4096x128xf32>, vector<128x64xf32>, vector<4096x64xf32> -> vector<4096x64xf32>
    %max3A = arith.constant 0.000000e+00 : f32
    %max3A_6 = vector.broadcast %max3A : f32 to vector<4096x64xf32>
    %max3A_7 = arith.maximumf %dot_general3A_5, %max3A_6 : vector<4096x64xf32>
    %get3A_8 = arith.constant 0 : index
    %get3A_9 = arith.constant 0 : index
    %get3A_10 = vector.load %arg3[%get3A_8, %get3A_9] : memref<64x4xf32, #tpu.memory_space<vmem>>, vector<64x4xf32>
    %dot_general3A_11 = arith.constant dense<0.000000e+00> : vector<4096x4xf32>
    %dot_general3A_12 = tpu.matmul %max3A_7, %get3A_10, %dot_general3A_11 {dimension_numbers = #tpu.dot_dimension_numbers<[1], [0], [0], [1], [0, 0, 1, 1], [], []>, transpose_lhs_hint = false} : vector<4096x64xf32>, vector<64x4xf32>, vector<4096x4xf32> -> vector<4096x4xf32>
    %iota3A = tpu.iota {dimensions = array<i32: 1>} : vector<4096x4xi32>
    %neg3A = arith.constant 0.000000e+00 : f32
    %neg3A_13 = vector.broadcast %neg3A : f32 to vector<4096x4xf32>
    %neg3A_14 = arith.subf %neg3A_13, %dot_general3A_12 : vector<4096x4xf32>
    %exp3A = math.exp %neg3A_14 : vector<4096x4xf32>
    %add3A = arith.constant 1.000000e+00 : f32
    %add3A_15 = vector.broadcast %add3A : f32 to vector<4096x4xf32>
    %add3A_16 = arith.addf %add3A_15, %exp3A : vector<4096x4xf32>
    %div3A = arith.constant 1.000000e+00 : f32
    %div3A_17 = vector.broadcast %div3A : f32 to vector<4096x4xf32>
    %div3A_18 = arith.divf %div3A_17, %add3A_16 : vector<4096x4xf32>
    %lt3A = arith.constant 3 : i32
    %lt3A_19 = vector.broadcast %lt3A : i32 to vector<4096x4xi32>
    %lt3A_20 = arith.cmpi slt, %iota3A, %lt3A_19 : vector<4096x4xi32>
    %select_n3A = arith.select %lt3A_20, %div3A_18, %dot_general3A_12 : vector<4096x4xi1>, vector<4096x4xf32>
    %swap3A = arith.constant 0 : index
    %swap3A_21 = arith.constant 0 : index
    %swap3A_22 = vector.load %arg4[%swap3A, %swap3A_21] : memref<4096x4xf32, #tpu.memory_space<vmem>>, vector<4096x4xf32>
    tpu.vector_store %arg4[%swap3A, %swap3A_21], %select_n3A {strides = array<i32>} : memref<4096x4xf32, #tpu.memory_space<vmem>>, vector<4096x4xf32>,
    return
  }
  func.func @transform_0(%arg0: i32) -> (i32, i32) {
    %c0_i32 = arith.constant 0 : i32
    %c0_i32_0 = arith.constant 0 : i32
    return %arg0, %c0_i32 : i32, i32
  }
  func.func @transform_1(%arg0: i32) -> (i32, i32) {
    %c0_i32 = arith.constant 0 : i32
    %c0_i32_0 = arith.constant 0 : i32
    %c0_i32_1 = arith.constant 0 : i32
    return %c0_i32, %c0_i32_0 : i32, i32
  }
  func.func @transform_2(%arg0: i32) -> (i32, i32) {
    %c0_i32 = arith.constant 0 : i32
    %c0_i32_0 = arith.constant 0 : i32
    %c0_i32_1 = arith.constant 0 : i32
    return %c0_i32, %c0_i32_0 : i32, i32
  }
  func.func @transform_3(%arg0: i32) -> (i32, i32) {
    %c0_i32 = arith.constant 0 : i32
    %c0_i32_0 = arith.constant 0 : i32
    return %arg0, %c0_i32 : i32, i32
  }
}

</mosaic_0001>

<sc_bundles>
// kernel: kernel.5.cloned.1.call-start
scs
__scs_entry_jumppad:
0x0: {  	(pc) =	sbr.rel $0x88, $3  }
0x1: {  	(tag) =	ssettag $0x0;
	lr =	simm.s32 $0x1  }
0x2: {  	[smem:$0x3F9D] =	sst lr;
	_ =	strace $0xD0000000  }
0x3: {  	_ = 	snop  }
0x4: {  	_ = 	snop  }
0x5: {  	_ = 	snop  }
0x6: {  	_ = 	snop  }
0x7: {  	_ = 	snop  }
__scs_overlays_trampoline_lowered:
0x8: {  	[smem:$0x3FAC] =	sst s0  }
0x9: {  	[smem:$0x3FAD] =	sst s1  }
0xa: {  	[smem:$0x3FAE] =	sst s2  }
0xb: {  	[smem:$0x3FAF] =	sst s3  }
0xc: {  	[smem:$0x3FB0] =	sst s4  }
0xd: {  	[smem:$0x3FB1] =	sst s5  }
0xe: {  	[smem:$0x3FB2] =	sst s6  }
0xf: {  	[smem:$0x3FB3] =	sst s7  }
0x10: {  	[smem:$0x3FB4] =	sst s8  }
0x11: {  	[smem:$0x3FB5] =	sst s9;
	s0 =	simm.s32 @!p0 $0x0  }
0x12: {  	s1 =	sld [smem:$0x3F9B];
	s0 =	simm.s32 @p0 $0x1  }
0x13: {  	[smem:$0x3FB6] =	sst s0;
	s0 =	simm.s32 @!p1 $0x0  }
0x14: {  	s2 =	sld [smem:$0x3F9A];
	s0 =	simm.s32 @p1 $0x1  }
0x15: {  	[smem:$0x3FB7] =	sst s0;
	s0 =	simm.s32 @!p2 $0x0  }
0x16: {  	s3 =	sld [smem:$0x3FDB];
	s0 =	simm.s32 @p2 $0x1  }
0x17: {  	s4 =	simm.s32 $0x1BF5;
	[smem:$0x3FB9] =	sst s0  }
0x18: {  	s0 =	sld [smem:$0x3F9C];
	_ =	swait.ge [sflag:s4], $0x0  }
0x19: {  	s7 =	sld [smem:$0x3F9D]  }
0x1a: {  	s8 =	sadd.s32 $0xFFFFE003, lr  }
0x1b: {  	s9 =	sadd.s32 $0xFFFFFEF7, lr;
	s5 =	simm.s32 $0xFFFFFFFF;
	p2 =	slt.u32 s8, $0xFFFFF086  }
0x1c: {  	p1 =	slt.u32 s9, $0xF7A;
	s5 =	simm.s32 @!p2 $0x0  }
0x1d: {  	s5 =	simm.s32 @p1 $0x1;
	p0 =	seq.s32 s7, s2  }
0x1e: {  	s7 =	smul.u32 @!p0 $0xF7A, s2;
	p2 =	seq.s32 @!p0 s5, $0x0  }
0x1f: {  	s9 =	smul.u32 $0xF7A, s1;
	s8 =	simm.s32 @!p0 $0x1BF5;
	p2 =	por !p2, p0  }
0x20: {  	[sflag:s8] =	ssyncset.s32 @!p0 $0xFFFFF086;
	s6 =	sadd.s32 @!p0 s3, s7;
	s7 =	simm.s32 @!p0 $0x108  }
0x21: {  	s3 =	sadd.s32 s3, s9;
	s6 =	sadd.s32 @!p0 $0x88, s6;
	s7 =	simm.s32 @p2 $0x1082  }
0x22: {  	[simem:s7], [sflag:s8] =	dma.local @!p0 [hbm:s6], $0xF7A  }
0x23: {  	s9 =	sor.u32 $0xD0000000, s2;
	s6 =	simm.s32 $0x108;
	_ =	swait.ge @!p0 [sflag:s8], $0x0  }
0x24: {  	s3 =	sadd.s32 $0x88, s3;
	s6 =	simm.s32 @!p1 $0x1082;
	[sflag:s4] =	ssyncset.s32 $0xFFFFF086  }
0x25: {  	[simem:s6], [sflag:s4] =	dma.local [hbm:s3], $0xF7A  }
0x26: {  	[smem:$0x3F9D] =	sst s1;
	(tag) =	ssettag s2;
	_ =	strace s9  }
0x27: {  	s1 =	sld [smem:$0x3FAD]  }
0x28: {  	s2 =	sld [smem:$0x3FAE]  }
0x29: {  	s4 =	sld [smem:$0x3FB0]  }
0x2a: {  	p0 =	seq.s32 s5, $0x0;
	s5 =	sld [smem:$0x3FB1]  }
0x2b: {  	s6 =	sld [smem:$0x3FB2]  }
0x2c: {  	s7 =	sld [smem:$0x3FB3]  }
0x2d: {  	s3 =	simm.s32 $0x108;
	s8 =	sld [smem:$0x3FB4]  }
0x2e: {  	s3 =	simm.s32 @!p0 $0x1082;
	s9 =	sld [smem:$0x3FB5]  }
0x2f: {  	lr =	sadd.s32 s0, s3;
	s0 =	sld [smem:$0x3FAC]  }
0x30: {  	s3 =	sld [smem:$0x3FAF]  }
0x31: {  	[smem:$0x3FB8] =	sst s10  }
0x32: {  	s10 =	sld [smem:$0x3FB6];
	_ =	sdelay $0x3  }
0x33: {  	p0 =	seq.s32 s10, $0x1;
	s10 =	sld [smem:$0x3FB8];
	_ =	sdelay $0x3  }
0x34: {  	[smem:$0x3FB8] =	sst s10  }
0x35: {  	s10 =	sld [smem:$0x3FB7];
	_ =	sdelay $0x3  }
0x36: {  	p1 =	seq.s32 s10, $0x1;
	s10 =	sld [smem:$0x3FB8];
	_ =	sdelay $0x3  }
0x37: {  	[smem:$0x3FB8] =	sst s10  }
0x38: {  	s10 =	sld [smem:$0x3FB9]  }
0x39: {  	_ = 	snop;
	(pc) =	sbr.ind lr, $3  }
0x3a: {  	_ = 	snop  }
0x3b: {  	_ = 	snop  }
0x3c: {  	p2 =	seq.s32 s10, $0x1;
	s10 =	sld [smem:$0x3FB8]  }
0x3d: {  	_ =	shalt  }
0x3e: {  	_ =	shalt  }
0x3f: {  	_ =	shalt  }
0x40: {  	_ =	shalt  }
0x41: {  	_ =	shalt  }
0x42: {  	_ =	shalt  }
0x43: {  	_ =	shalt  }
0x44: {  	_ =	shalt  }
0x45: {  	_ =	shalt  }
0x46: {  	_ =	shalt  }
0x47: {  	_ =	shalt  }
0x48: {  	_ =	shalt  }
0x49: {  	_ =	shalt  }
0x4a: {  	_ =	shalt  }
0x4b: {  	_ =	shalt  }
0x4c: {  	_ =	shalt  }
0x4d: {  	_ =	shalt  }
0x4e: {  	_ =	shalt  }
0x4f: {  	_ =	shalt  }
0x50: {  	_ =	shalt  }
0x51: {  	_ =	shalt  }
0x52: {  	_ =	shalt  }
0x53: {  	_ =	shalt  }
0x54: {  	_ =	shalt  }
0x55: {  	_ =	shalt  }
0x56: {  	_ =	shalt  }
0x57: {  	_ =	shalt  }
0x58: {  	_ =	shalt  }
0x59: {  	_ =	shalt  }
0x5a: {  	_ =	shalt  }
0x5b: {  	_ =	shalt  }
0x5c: {  	_ =	shalt  }
0x5d: {  	_ =	shalt  }
0x5e: {  	_ =	shalt  }
0x5f: {  	_ =	shalt  }
0x60: {  	_ =	shalt  }
0x61: {  	_ =	shalt  }
0x62: {  	_ =	shalt  }
0x63: {  	_ =	shalt  }
0x64: {  	_ =	shalt  }
0x65: {  	_ =	shalt  }
0x66: {  	_ =	shalt  }
0x67: {  	_ =	shalt  }
0x68: {  	_ =	shalt  }
0x69: {  	_ =	shalt  }
0x6a: {  	_ =	shalt  }
0x6b: {  	_ =	shalt  }
0x6c: {  	_ =	shalt  }
0x6d: {  	_ =	shalt  }
0x6e: {  	_ =	shalt  }
0x6f: {  	_ =	shalt  }
0x70: {  	_ =	shalt  }
0x71: {  	_ =	shalt  }
0x72: {  	_ =	shalt  }
0x73: {  	_ =	shalt  }
0x74: {  	_ =	shalt  }
0x75: {  	_ =	shalt  }
0x76: {  	_ =	shalt  }
0x77: {  	_ =	shalt  }
0x78: {  	_ =	shalt  }
0x79: {  	_ =	shalt  }
0x7a: {  	_ =	shalt  }
0x7b: {  	_ =	shalt  }
0x7c: {  	_ =	shalt  }
0x7d: {  	_ =	shalt  }
0x7e: {  	_ =	shalt  }
0x7f: {  	_ =	shalt  }
0x80: {  	_ =	shalt  }
0x81: {  	_ =	shalt  }
0x82: {  	_ =	shalt  }
0x83: {  	_ =	shalt  }
0x84: {  	_ =	shalt  }
0x85: {  	_ =	shalt  }
0x86: {  	_ =	shalt  }
0x87: {  	_ =	shalt  }
.Lfunc_end0:
.L_simem_size_0:
called_computation_lowered:
.L_overlay_start_0:
0x88: {  	s2 =	sld [smem:$0x3FD9]  }
0x89: {  	s3 =	sld [smem:$0x3FFE];
	_ =	sdelay $0x1  }
0x8a: {  	s1 =	srdreg.scid  }
0x8b: {  	s0 =	sand.u32 $0x1, s1  }
0x8c: {  	s16 =	sshll.u32 s0, $0xA;
	s2 =	sadd.s32 s3, s2  }
0x8d: {  	s2 =	sadd.s32 s2, s16  }
0x8e: {  	[smem:$0x3FC4] =	sst s2  }
0x8f: {  	_ = 	snop  }
0x90: {  	(tm) =	ssettm $0x1  }
0x91: {  	s17 =	sld [smem:$0x3FFB];
	_ =	sdelay $0x3  }
0x92: {  	_ =	strace s17  }
0x93: {  	s2 =	sld [smem:$0x3FFC];
	_ =	sdelay $0x3  }
0x94: {  	_ =	strace s2  }
0x95: {  	s2 =	sld [smem:$0x3FFD];
	_ =	sdelay $0x3  }
0x96: {  	_ =	strace s2  }
0x97: {  	_ =	strace $0x8FFFFFFF  }
0x98: {  	s18 =	sld [smem:$0x3FDB];
	_ =	sdelay $0x1  }
0x99: {  	s19 =	simm.s32 $_scs_section_size  }
0x9a: {  	s4 =	simm.s32 $_size__tile_overlayer_lowered;
	s5 =	simm.s32 $_tile_overlayer_lowered  }
0x9b: {  	s22 =	simm.s32 $0x1BFF;
	s21 =	sshll.u32 s5, $0x1;
	s2 =	sadd.s32 s19, s18  }
0x9c: {  	s6 =	simm.s32 $0x0;
	s20 =	sshll.u32 s4, $0x1;
	s4 =	sadd.s32 s21, s2  }
0x9d: {  	[timem:s6], [sflag:s22] =	dma.local [hbm:s4], s20  }
0x9e: {  	_ =	swait.ge [sflag:s22], s20  }
0x9f: {  	s3 =	ssub.s32 $0x0, s20;
	[sflag:s22] =	ssyncset.done $0x0  }
0xa0: {  	[sflag:s22] =	ssyncadd.s32 s3;
	_ =	sdelay $0x1  }
0xa1: {  	s23 =	simm.s32 $0x1B8B  }
0xa2: {  	_ =	swait.ge [sflag:s23], $0x1  }
0xa3: {  	[sflag:s23] =	ssyncset.done $0x0  }
0xa4: {  	s25 =	simm.s32 $0x1B8E;
	s24 =	sld [smem:$0x3FFE];
	[sflag:s23] =	ssyncadd.s32 $0xFFFFFFFF  }
0xa5: {  	s26 =	simm.s32 $execute0_lowered;
	[smem:$0x3FD2] =	sst s25  }
0xa6: {  	s4 =	sshll.u32 s26, $0x1;
	_ =	strace $0x80000046;
	[dreg:$0x1] =	wrdreg $0xFFFFFFFF  }
0xa7: {  	s28 =	simm.s32 $_size_execute0_lowered;
	s2 =	sadd.s32 s2, s4;
	[dreg:$0x0] =	wrdreg $0x0  }
0xa8: {  	s4 =	sshll.u32 s28, $0x1;
	[dreg:$0x2] =	wrdreg s2  }
0xa9: {  	[dreg:$0x3] =	wrdreg s4  }
0xaa: {  	[dreg:$0x4] =	wrdreg $0xC0  }
0xab: {  	_ =	task [dreg:s6], $0x5FFFF  }
0xac: {  	[dreg:$0x1] =	wrdreg $0xFFFFFFFF  }
0xad: {  	[dreg:$0x0] =	wrdreg $0x60  }
0xae: {  	[dreg:$0x2] =	wrdreg s24  }
0xaf: {  	[dreg:$0x3] =	wrdreg $0x9  }
0xb0: {  	_ =	task.clear_ibuf [dreg:s6], $0x4FFFF;
	_ =	strace $0x90000046  }
0xb1: {  	s29 =	simm.s32 $0x9;
	_ =	strace $0x80000048  }
0xb2: {  	_ =	swait.ge [sflag:s29], $0x1  }
0xb3: {  	[sflag:s29] =	ssyncadd.s32 $0xFFFFFFFF  }
0xb4: {  	_ =	strace $0x90000048  }
0xb5: {  	_ =	sfence  }
0xb6: {  	s30 =	sld [smem:$0x0];
	_ =	sdelay $0x2  }
0xb7: {  	s31 =	sshll.u32 s1, $0xD;
	s1 =	sshrl.u32 s1, $0x2  }
0xb8: {  	s3 =	sand.u32 $0x4000, s31;
	s1 =	sadd.s32 s1, s30  }
0xb9: {  	s0 =	sor.u32 s3, s0;
	s1 =	sshll.u32 s1, $0x11  }
0xba: {  	s0 =	sor.u32 s1, s0  }
0xbb: {  	s0 =	sadd.s32 $0x8F2B, s0  }
0xbc: {  	[sflag:s0] =	ssyncadd.remote.s32 $0x1  }
0xbd: {  	_ =	sfence.sel $0xFFFF  }
0xbe: {  	[dreg:$0x0] =	wrdreg $0xFFFFFFFF;
	(pc) =	sbr.abs _section_cstart, $3  }
0xbf: {  	[dreg:$0x1] =	wrdreg $0xFFFFFFFF  }
0xc0: {  	_ =	task.clear_ibuf [dreg:s6], $0x2FFFF;
	_ =	strace $0x9FFFFFFF  }
0xc1: {  	(tm) =	ssettm $0x7FFFFFFF  }
tec
execute0_lowered:
.L_overlay_start_1:
0x0: {  	(tag) =	ssettag $0x1  }
0x1: {  	s7 =	rddreg [dreg:$0x0]  }
0x2: {  	v0 =	vimm.s32 $0x4000;
	vm0 =	vcmask $0x300;
	s0 =	rddreg [dreg:$0x1]  }
0x3: {  	s1 =	simm.s32 $0x0;
	vm9 =	vcmask $0x704;
	s3 =	srdreg.scid;
	s12 =	simm.s32 $0x2000;
	v0 =	vsel vm0, $0x0, v0  }
0x4: {  	vm10 =	vcmask $0xB08;
	s13 =	simm.s32 $0x3000;
	s14 =	simm.s32 $0x5010;
	s15 =	simm.s32 $0x0;
	v0 =	vsel vm9, $0x1000, v0  }
0x5: {  	vm11 =	vcmask $0xF0C;
	[smem:$0x7FF] =	sst s1;
	s2 =	sadd.s32 $0x2B8600, s7;
	s8 =	sand.u32 $0x1, s3;
	v0 =	vsel vm10, $0x2000, v0  }
0x6: {  	vm12 =	vcmask $0x2320;
	s4 =	sadd.s32 $0x600, s7;
	s3 =	stileid.u32;
	s5 =	sadd.s32 $0xD8CE00, s7;
	v0 =	vsel vm11, $0x3000, v0  }
0x7: {  	vm13 =	vcmask $0x2724;
	vm14 =	vcmask $0x2B28;
	s6 =	sadd.s32 $0xAD4E00, s7;
	s7 =	sadd.s32 $0x1044E00, s7;
	s9 =	ssub.s32 $0x2, s8;
	v0 =	vsel vm12, $0x1, v0  }
0x8: {  	vm15 =	vcmask $0x2F2C;
	v3 =	vlaneseq.u32;
	_ =	strace $0x80000047;
	s11 =	sshll.u32 s3, $0x1;
	s10 =	sshrl.u32 s9, $0x1;
	v0 =	vsel vm13, $0x1001, v0  }
0x9: {  	v1 =	vimm.f32 $0.0e+00;
	v2 =	vshrl.u32 v3, $0x3;
	s8 =	sor.u32 s8, s11;
	s11 =	simm.s32 $0x1000;
	s9 =	ssub.s32 s9, s10;
	v0 =	vsel vm14, $0x2001, v0  }
0xa: {  	v3 =	vand.u32 $0x7, v3;
	v2 =	vmul.u32 $0x8, v2;
	s8 =	smul.u32 $0xAE, s8;
	s10 =	simm.s32 $0x1;
	s9 =	smax.u32 s9, $0x1;
	v0 =	vsel vm15, $0x3001, v0  }
.LBB2_1:
0xb: {  	s16 =	simm.s32 $0x40;
	s17 =	simm.s32 $0x0  }
.LBB2_2:
0xc: {  	p0 =	sne.s32 s16, $0x4000;
	[tilespmem:s17+$0x4000] =	vst v1;
	s17 =	smov.u32 s16;
	s16 =	sadd.s32 $0x40, s16  }
.Ltmp0:
0xd: {  	(pc) =	sbr.rel @p0 .LBB2_2-.Ltmp0, $2  }
0xe: {  	_ =	sdelay $0x2  }
0xf: {  	s17 =	sshra.s32 s17, $0x2  }
0x10: {  	[tilespmem:s17+$0x4000] =	vst v1;
	s16 =	simm.s32 $0x0;
	s17 =	simm.s32 $0x0  }
.LBB2_4:
0x11: {  	s18 =	sadd.s32 s8, s17  }
0x12: {  	s19 =	sshll.u32 s18, $0x9  }
0x13: {  	s20 =	sadd.s32 s2, s19  }
0x14: {  	[tilespmem:s16], [sflag:$0x1] =	stream.linear.gather [hbm4b:s20+s16], $0x1000, $0x38;
	[tilespmem:$0xD010] =	vst v63  }
0x15: {  	_ =	swait.ge [sflag:s10], $0x1000  }
0x16: {  	[sflag:s10] =	ssyncset.done $0x0  }
0x17: {  	s30 =	sadd.s32 s4, s19;
	[sflag:s10] =	ssyncadd.s32 $0xFFFFF000  }
0x18: {  	[tilespmem:s11], [sflag:$0x1] =	stream.linear.gather [hbm4b:s30+s16], $0x1000, $0x38;
	[tilespmem:$0xD010] =	vst v63  }
0x19: {  	_ =	swait.ge [sflag:s10], $0x1000  }
0x1a: {  	[sflag:s10] =	ssyncset.done $0x0  }
0x1b: {  	s31 =	sadd.s32 s5, s19;
	[sflag:s10] =	ssyncadd.s32 $0xFFFFF000  }
0x1c: {  	[tilespmem:s12], [sflag:$0x1] =	stream.linear.gather [hbm4b:s31+s16], $0x1000, $0x38;
	[tilespmem:$0xD010] =	vst v63  }
0x1d: {  	_ =	swait.ge [sflag:s10], $0x1000  }
0x1e: {  	[sflag:s10] =	ssyncset.done $0x0  }
0x1f: {  	v4 =	vor.u32 s16, v0;
	s19 =	sadd.s32 s6, s19;
	[sflag:s10] =	ssyncadd.s32 $0xFFFFF000  }
0x20: {  	[tilespmem:s13], [sflag:$0x1] =	stream.linear.gather [hbm4b:s19+s16], $0x1000, $0x38;
	[tilespmem:$0xD010] =	vst v63  }
0x21: {  	v5 =	vmov s16;
	_ =	swait.ge [sflag:s10], $0x1000  }
0x22: {  	v5 =	vshll.u32 v5, $0x3;
	[sflag:s10] =	ssyncset.done $0x0  }
0x23: {  	v5 =	vor.u32 v2, v5;
	[sflag:s10] =	ssyncadd.s32 $0xFFFFF000  }
0x24: {  	v6 =	vor.u32 v3, v5;
	s19 =	simm.s32 $0x2;
	v4 =	vld.idx.msk [tilespmem:v4+s1+$0x0], $0xffff  }
0x25: {  	s20 =	simm.s32 $0x4;
	v5 =	vor.u32 s19, v0  }
.LBB2_5:
0x26: {  	p0 =	sne.s32 s20, $0xFFE;
	_ =	sdelay $0x1  }
.Ltmp1:
0x27: {  	v7 =	vmov s19;
	s19 =	smov.u32 s20;
	(pc) =	sbr.rel @p0 .LBB2_5-.Ltmp1, $4  }
0x28: {  	v7 =	vshll.u32 v7, $0x3;
	[tilespmem:v6+s14+$0x0] =	vst.idx.msk $0xffff, v4  }
0x29: {  	v4 =	vld.idx.msk [tilespmem:v5+s1+$0x0], $0xffff;
	v5 =	vor.u32 v2, v7  }
0x2a: {  	v6 =	vor.u32 v3, v5  }
0x2b: {  	s20 =	sadd.s32 $0x2, s20;
	v5 =	vor.u32 s19, v0  }
0x2c: {  	_ =	sdelay $0x1  }
0x2d: {  	v7 =	vmov s19  }
0x2e: {  	v7 =	vshll.u32 v7, $0x3  }
0x2f: {  	[tilespmem:v6+s14+$0x0] =	vst.idx.msk $0xffff, v4;
	v4 =	vor.u32 v2, v7  }
0x30: {  	v5 =	vld.idx.msk [tilespmem:v5+s1+$0x0], $0xffff;
	v4 =	vor.u32 v3, v4;
	_ =	sdelay $0x2  }
0x31: {  	s17 =	sadd.s32 $0x1, s17  }
0x32: {  	s18 =	sshll.u32 s18, $0xC;
	p0 =	sne.s32 s17, $0xAE  }
.Ltmp2:
0x33: {  	s18 =	sadd.s32 s7, s18;
	[tilespmem:v4+s14+$0x0] =	vst.idx.msk $0xffff, v5;
	(pc) =	sbr.rel @p0 .LBB2_4-.Ltmp2, $4  }
0x34: {  	[hbm4b:s18+s1] =	stream.linear.scatter [tilespmem:s14], [sflag:$0x1], $0x8000, $0x38;
	[tilespmem:$0xD010] =	vst v63  }
0x35: {  	_ =	swait.ge [sflag:s10], $0x8000  }
0x36: {  	[sflag:s10] =	ssyncset.done $0x0  }
0x37: {  	[sflag:s10] =	ssyncadd.s32 $0xFFFF8000  }
0x38: {  	s15 =	sadd.s32 $0x1, s15  }
0x39: {  	p0 =	sne.s32 s15, s9  }
.Ltmp3:
0x3a: {  	_ = 	snop;
	(pc) =	sbr.rel @p0 .LBB2_1-.Ltmp3, $1  }
0x3b: {  	_ =	sdelay $0x3  }
0x3c: {  	_ =	sfence.sel $0x180000  }
0x3d: {  	[bflag:$0x0] =	sbarrier.arrive $0xFFFF  }
0x3e: {  	p0 =	sne.s32 s3, $0x0;
	_ =	strace $0x90000047  }
0x3f: {  	s0 =	sadd.s32 @!p0 $0x100000, s0;
	[bflag:$0x2] =	sbarrier.arrive $0xFFFF  }
0x40: {  	[sflag:s0] =	ssyncadd.tile.s32 @!p0 $0x1;
	_ =	shalt  }
.Lfunc_end2:
_tile_overlayer_lowered:
.L_overlay_start_2:
0x41: {  	(tag) =	ssettag $0x2  }
0x42: {  	s0 =	rddreg [dreg:$0x0];
	s2 =	stileid.u32  }
0x43: {  	s1 =	rddreg [dreg:$0x1];
	p0 =	sne.s32 s2, $0x0  }
0x44: {  	s3 =	rddreg [dreg:$0x2];
	[bflag:$0x3] =	sbarrier.arrive $0xFFFF;
	s2 =	simm.s32 @!p0 $0x1C01  }
0x45: {  	[timem:s3], [sflag:s2] =	dma.local @!p0 [hbm:s0], s1  }
0x46: {  	s0 =	simm.s32 @!p0 $0x1  }
0x47: {  	_ =	swait.ge @!p0 [sflag:s0], s1  }
0x48: {  	s1 =	ssub.s32 @!p0 $0x0, s1;
	[sflag:s0] =	ssyncset.done @!p0 $0x0  }
0x49: {  	[sflag:s0] =	ssyncadd.s32 @!p0 s1  }
0x4a: {  	[bflag:$0x3] =	sbarrier.arrive $0xFFFF  }
0x4b: {  	_ =	shalt  }

// kernel: kernel.8.cloned.1.call-start
scs
__scs_entry_jumppad:
0x0: {  	(pc) =	sbr.rel $0x88, $3  }
0x1: {  	(tag) =	ssettag $0x0;
	lr =	simm.s32 $0x1  }
0x2: {  	[smem:$0x3F9D] =	sst lr;
	_ =	strace $0xD0000000  }
0x3: {  	_ = 	snop  }
0x4: {  	_ = 	snop  }
0x5: {  	_ = 	snop  }
0x6: {  	_ = 	snop  }
0x7: {  	_ = 	snop  }
__scs_overlays_trampoline_lowered:
0x8: {  	[smem:$0x3FAC] =	sst s0  }
0x9: {  	[smem:$0x3FAD] =	sst s1  }
0xa: {  	[smem:$0x3FAE] =	sst s2  }
0xb: {  	[smem:$0x3FAF] =	sst s3  }
0xc: {  	[smem:$0x3FB0] =	sst s4  }
0xd: {  	[smem:$0x3FB1] =	sst s5  }
0xe: {  	[smem:$0x3FB2] =	sst s6  }
0xf: {  	[smem:$0x3FB3] =	sst s7  }
0x10: {  	[smem:$0x3FB4] =	sst s8  }
0x11: {  	[smem:$0x3FB5] =	sst s9;
	s0 =	simm.s32 @!p0 $0x0  }
0x12: {  	s1 =	sld [smem:$0x3F9B];
	s0 =	simm.s32 @p0 $0x1  }
0x13: {  	[smem:$0x3FB6] =	sst s0;
	s0 =	simm.s32 @!p1 $0x0  }
0x14: {  	s2 =	sld [smem:$0x3F9A];
	s0 =	simm.s32 @p1 $0x1  }
0x15: {  	[smem:$0x3FB7] =	sst s0;
	s0 =	simm.s32 @!p2 $0x0  }
0x16: {  	s3 =	sld [smem:$0x3FDB];
	s0 =	simm.s32 @p2 $0x1  }
0x17: {  	s4 =	simm.s32 $0x1BF5;
	[smem:$0x3FB9] =	sst s0  }
0x18: {  	s0 =	sld [smem:$0x3F9C];
	_ =	swait.ge [sflag:s4], $0x0  }
0x19: {  	s7 =	sld [smem:$0x3F9D]  }
0x1a: {  	s8 =	sadd.s32 $0xFFFFE003, lr  }
0x1b: {  	s9 =	sadd.s32 $0xFFFFFEF7, lr;
	s5 =	simm.s32 $0xFFFFFFFF;
	p2 =	slt.u32 s8, $0xFFFFF086  }
0x1c: {  	p1 =	slt.u32 s9, $0xF7A;
	s5 =	simm.s32 @!p2 $0x0  }
0x1d: {  	s5 =	simm.s32 @p1 $0x1;
	p0 =	seq.s32 s7, s2  }
0x1e: {  	s7 =	smul.u32 @!p0 $0xF7A, s2;
	p2 =	seq.s32 @!p0 s5, $0x0  }
0x1f: {  	s9 =	smul.u32 $0xF7A, s1;
	s8 =	simm.s32 @!p0 $0x1BF5;
	p2 =	por !p2, p0  }
0x20: {  	[sflag:s8] =	ssyncset.s32 @!p0 $0xFFFFF086;
	s6 =	sadd.s32 @!p0 s3, s7;
	s7 =	simm.s32 @!p0 $0x108  }
0x21: {  	s3 =	sadd.s32 s3, s9;
	s6 =	sadd.s32 @!p0 $0x88, s6;
	s7 =	simm.s32 @p2 $0x1082  }
0x22: {  	[simem:s7], [sflag:s8] =	dma.local @!p0 [hbm:s6], $0xF7A  }
0x23: {  	s9 =	sor.u32 $0xD0000000, s2;
	s6 =	simm.s32 $0x108;
	_ =	swait.ge @!p0 [sflag:s8], $0x0  }
0x24: {  	s3 =	sadd.s32 $0x88, s3;
	s6 =	simm.s32 @!p1 $0x1082;
	[sflag:s4] =	ssyncset.s32 $0xFFFFF086  }
0x25: {  	[simem:s6], [sflag:s4] =	dma.local [hbm:s3], $0xF7A  }
0x26: {  	[smem:$0x3F9D] =	sst s1;
	(tag) =	ssettag s2;
	_ =	strace s9  }
0x27: {  	s1 =	sld [smem:$0x3FAD]  }
0x28: {  	s2 =	sld [smem:$0x3FAE]  }
0x29: {  	s4 =	sld [smem:$0x3FB0]  }
0x2a: {  	p0 =	seq.s32 s5, $0x0;
	s5 =	sld [smem:$0x3FB1]  }
0x2b: {  	s6 =	sld [smem:$0x3FB2]  }
0x2c: {  	s7 =	sld [smem:$0x3FB3]  }
0x2d: {  	s3 =	simm.s32 $0x108;
	s8 =	sld [smem:$0x3FB4]  }
0x2e: {  	s3 =	simm.s32 @!p0 $0x1082;
	s9 =	sld [smem:$0x3FB5]  }
0x2f: {  	lr =	sadd.s32 s0, s3;
	s0 =	sld [smem:$0x3FAC]  }
0x30: {  	s3 =	sld [smem:$0x3FAF]  }
0x31: {  	[smem:$0x3FB8] =	sst s10  }
0x32: {  	s10 =	sld [smem:$0x3FB6];
	_ =	sdelay $0x3  }
0x33: {  	p0 =	seq.s32 s10, $0x1;
	s10 =	sld [smem:$0x3FB8];
	_ =	sdelay $0x3  }
0x34: {  	[smem:$0x3FB8] =	sst s10  }
0x35: {  	s10 =	sld [smem:$0x3FB7];
	_ =	sdelay $0x3  }
0x36: {  	p1 =	seq.s32 s10, $0x1;
	s10 =	sld [smem:$0x3FB8];
	_ =	sdelay $0x3  }
0x37: {  	[smem:$0x3FB8] =	sst s10  }
0x38: {  	s10 =	sld [smem:$0x3FB9]  }
0x39: {  	_ = 	snop;
	(pc) =	sbr.ind lr, $3  }
0x3a: {  	_ = 	snop  }
0x3b: {  	_ = 	snop  }
0x3c: {  	p2 =	seq.s32 s10, $0x1;
	s10 =	sld [smem:$0x3FB8]  }
0x3d: {  	_ =	shalt  }
0x3e: {  	_ =	shalt  }
0x3f: {  	_ =	shalt  }
0x40: {  	_ =	shalt  }
0x41: {  	_ =	shalt  }
0x42: {  	_ =	shalt  }
0x43: {  	_ =	shalt  }
0x44: {  	_ =	shalt  }
0x45: {  	_ =	shalt  }
0x46: {  	_ =	shalt  }
0x47: {  	_ =	shalt  }
0x48: {  	_ =	shalt  }
0x49: {  	_ =	shalt  }
0x4a: {  	_ =	shalt  }
0x4b: {  	_ =	shalt  }
0x4c: {  	_ =	shalt  }
0x4d: {  	_ =	shalt  }
0x4e: {  	_ =	shalt  }
0x4f: {  	_ =	shalt  }
0x50: {  	_ =	shalt  }
0x51: {  	_ =	shalt  }
0x52: {  	_ =	shalt  }
0x53: {  	_ =	shalt  }
0x54: {  	_ =	shalt  }
0x55: {  	_ =	shalt  }
0x56: {  	_ =	shalt  }
0x57: {  	_ =	shalt  }
0x58: {  	_ =	shalt  }
0x59: {  	_ =	shalt  }
0x5a: {  	_ =	shalt  }
0x5b: {  	_ =	shalt  }
0x5c: {  	_ =	shalt  }
0x5d: {  	_ =	shalt  }
0x5e: {  	_ =	shalt  }
0x5f: {  	_ =	shalt  }
0x60: {  	_ =	shalt  }
0x61: {  	_ =	shalt  }
0x62: {  	_ =	shalt  }
0x63: {  	_ =	shalt  }
0x64: {  	_ =	shalt  }
0x65: {  	_ =	shalt  }
0x66: {  	_ =	shalt  }
0x67: {  	_ =	shalt  }
0x68: {  	_ =	shalt  }
0x69: {  	_ =	shalt  }
0x6a: {  	_ =	shalt  }
0x6b: {  	_ =	shalt  }
0x6c: {  	_ =	shalt  }
0x6d: {  	_ =	shalt  }
0x6e: {  	_ =	shalt  }
0x6f: {  	_ =	shalt  }
0x70: {  	_ =	shalt  }
0x71: {  	_ =	shalt  }
0x72: {  	_ =	shalt  }
0x73: {  	_ =	shalt  }
0x74: {  	_ =	shalt  }
0x75: {  	_ =	shalt  }
0x76: {  	_ =	shalt  }
0x77: {  	_ =	shalt  }
0x78: {  	_ =	shalt  }
0x79: {  	_ =	shalt  }
0x7a: {  	_ =	shalt  }
0x7b: {  	_ =	shalt  }
0x7c: {  	_ =	shalt  }
0x7d: {  	_ =	shalt  }
0x7e: {  	_ =	shalt  }
0x7f: {  	_ =	shalt  }
0x80: {  	_ =	shalt  }
0x81: {  	_ =	shalt  }
0x82: {  	_ =	shalt  }
0x83: {  	_ =	shalt  }
0x84: {  	_ =	shalt  }
0x85: {  	_ =	shalt  }
0x86: {  	_ =	shalt  }
0x87: {  	_ =	shalt  }
.Lfunc_end0:
.L_simem_size_0:
called_computation.1_lowered:
.L_overlay_start_0:
0x88: {  	s2 =	sld [smem:$0x3FD9]  }
0x89: {  	s3 =	sld [smem:$0x3FFE];
	_ =	sdelay $0x1  }
0x8a: {  	s1 =	srdreg.scid  }
0x8b: {  	s0 =	sand.u32 $0x1, s1  }
0x8c: {  	s17 =	sshll.u32 s0, $0xA;
	s2 =	sadd.s32 s3, s2  }
0x8d: {  	s2 =	sadd.s32 s2, s17  }
0x8e: {  	[smem:$0x3FC4] =	sst s2  }
0x8f: {  	_ = 	snop  }
0x90: {  	s2 =	sld [smem:$0x3FD0];
	(tm) =	ssettm $0x1  }
0x91: {  	s18 =	sld [smem:$0x3FFB];
	_ =	sdelay $0x3  }
0x92: {  	_ =	strace s18  }
0x93: {  	s3 =	sld [smem:$0x3FFC];
	_ =	sdelay $0x3  }
0x94: {  	_ =	strace s3  }
0x95: {  	s3 =	sld [smem:$0x3FFD];
	_ =	sdelay $0x3  }
0x96: {  	_ =	strace s3  }
0x97: {  	_ =	strace $0x8FFFFFFF  }
0x98: {  	s19 =	sld [smem:$0x3FDB];
	_ =	sdelay $0x1  }
0x99: {  	s4 =	simm.s32 $_scs_section_size  }
0x9a: {  	s5 =	simm.s32 $_size__tile_overlayer_lowered;
	s6 =	simm.s32 $_tile_overlayer_lowered  }
0x9b: {  	s22 =	simm.s32 $0x1BFF;
	s21 =	sshll.u32 s6, $0x1;
	s3 =	sadd.s32 s4, s19  }
0x9c: {  	s7 =	simm.s32 $0x0;
	s20 =	sshll.u32 s5, $0x1;
	s5 =	sadd.s32 s21, s3  }
0x9d: {  	[timem:s7], [sflag:s22] =	dma.local [hbm:s5], s20  }
0x9e: {  	_ =	swait.ge [sflag:s22], s20  }
0x9f: {  	s4 =	ssub.s32 $0x0, s20;
	[sflag:s22] =	ssyncset.done $0x0  }
0xa0: {  	[sflag:s22] =	ssyncadd.s32 s4;
	_ =	sdelay $0x1  }
0xa1: {  	s23 =	simm.s32 $0x1B8B  }
0xa2: {  	_ =	swait.ge [sflag:s23], $0x1  }
0xa3: {  	[sflag:s23] =	ssyncset.done $0x0  }
0xa4: {  	s25 =	simm.s32 $0x1B8E;
	s24 =	sld [smem:$0x3FFE];
	[sflag:s23] =	ssyncadd.s32 $0xFFFFFFFF  }
0xa5: {  	s26 =	simm.s32 $execute0_lowered;
	[smem:$0x3FD2] =	sst s25  }
0xa6: {  	s5 =	sshll.u32 s26, $0x1;
	_ =	strace $0x80000049;
	[dreg:$0x1] =	wrdreg $0xFFFFFFFF  }
0xa7: {  	s28 =	simm.s32 $_size_execute0_lowered;
	s3 =	sadd.s32 s3, s5;
	[dreg:$0x0] =	wrdreg $0x0  }
0xa8: {  	s5 =	sshll.u32 s28, $0x1;
	[dreg:$0x2] =	wrdreg s3  }
0xa9: {  	[dreg:$0x3] =	wrdreg s5  }
0xaa: {  	[dreg:$0x4] =	wrdreg $0xC0  }
0xab: {  	_ =	task [dreg:s7], $0x5FFFF  }
0xac: {  	[dreg:$0x1] =	wrdreg $0xFFFFFFFF  }
0xad: {  	[dreg:$0x0] =	wrdreg $0x60  }
0xae: {  	[dreg:$0x2] =	wrdreg s24  }
0xaf: {  	[dreg:$0x3] =	wrdreg s2  }
0xb0: {  	[dreg:$0x4] =	wrdreg $0x9  }
0xb1: {  	_ =	task.clear_ibuf [dreg:s7], $0x5FFFF;
	_ =	strace $0x90000049  }
0xb2: {  	s29 =	simm.s32 $0x9;
	_ =	strace $0x8000004B  }
0xb3: {  	_ =	swait.ge [sflag:s29], $0x1  }
0xb4: {  	[sflag:s29] =	ssyncadd.s32 $0xFFFFFFFF  }
0xb5: {  	_ =	strace $0x9000004B  }
0xb6: {  	_ =	sfence  }
0xb7: {  	s30 =	sld [smem:$0x0];
	_ =	sdelay $0x2  }
0xb8: {  	s31 =	sshll.u32 s1, $0xD;
	s1 =	sshrl.u32 s1, $0x2  }
0xb9: {  	s3 =	sand.u32 $0x4000, s31;
	s1 =	sadd.s32 s1, s30  }
0xba: {  	s0 =	sor.u32 s3, s0;
	s1 =	sshll.u32 s1, $0x11  }
0xbb: {  	s0 =	sor.u32 s1, s0  }
0xbc: {  	s0 =	sadd.s32 $0x8F2B, s0  }
0xbd: {  	[sflag:s0] =	ssyncadd.remote.s32 $0x1  }
0xbe: {  	_ =	sfence.sel $0xFFFF  }
0xbf: {  	[dreg:$0x0] =	wrdreg $0xFFFFFFFF;
	(pc) =	sbr.abs _section_cstart, $3  }
0xc0: {  	[dreg:$0x1] =	wrdreg $0xFFFFFFFF  }
0xc1: {  	_ =	task.clear_ibuf [dreg:s7], $0x2FFFF;
	_ =	strace $0x9FFFFFFF  }
0xc2: {  	(tm) =	ssettm $0x7FFFFFFF  }
0xc3: {  	_ =	shalt  }
tec
execute0_lowered:
.L_overlay_start_1:
0x0: {  	(tag) =	ssettag $0x1  }
0x1: {  	s0 =	rddreg [dreg:$0x0];
	s1 =	simm.s32 $0x0;
	s24 =	srdreg.scid  }
0x2: {  	s3 =	stileid.u32;
	s8 =	simm.s32 $0x2;
	s19 =	simm.s32 $0x2820  }
0x3: {  	s15 =	simm.s32 $0x8820;
	s16 =	simm.s32 $0x14A0;
	s4 =	simm.s32 $0x9020  }
0x4: {  	s9 =	simm.s32 $0x15A0;
	s10 =	simm.s32 $0x9420;
	s13 =	simm.s32 $0x1620  }
0x5: {  	s18 =	simm.s32 $0x9820;
	s20 =	simm.s32 $0x16A0;
	s21 =	simm.s32 $0x9C20  }
0x6: {  	s22 =	simm.s32 $0x1720;
	s28 =	simm.s32 $0xA820;
	[smem:$0x7FF] =	sst s1  }
0x7: {  	s17 =	simm.s32 $0x80;
	s23 =	sadd.s32 $0x578600, s0;
	s2 =	sadd.s32 $0x570600, s0  }
0x8: {  	s5 =	sadd.s32 $0x1044E00, s0;
	_ =	strace $0x8000004A;
	[dreg:$0x3] =	wrdreg s23  }
0x9: {  	s1 =	sand.u32 $0x1, s24;
	s25 =	sadd.s32 $0x800, s0;
	[dreg:$0x4] =	wrdreg s2  }
0xa: {  	s26 =	sadd.s32 $0x600, s0;
	s0 =	sadd.s32 $0xA00, s0;
	[dreg:$0x5] =	wrdreg s25  }
0xb: {  	s31 =	sshll.u32 s3, $0xE;
	s3 =	simm.s32 $0x1520;
	[dreg:$0x6] =	wrdreg s26  }
0xc: {  	s24 =	simm.s32 $0x17A0;
	s29 =	ssub.s32 $0x2, s1;
	[dreg:$0x7] =	wrdreg s0  }
0xd: {  	s1 =	sshll.u32 s1, $0xD;
	s2 =	simm.s32 $0x8C20;
	s30 =	sshrl.u32 s29, $0x1  }
0xe: {  	s23 =	simm.s32 $0xA020;
	s1 =	sor.u32 s1, s31;
	s0 =	ssub.s32 s29, s30  }
0xf: {  	v0 =	vlaneseq.u32;
	s25 =	simm.s32 $0xA420;
	[dreg:$0x8] =	wrdreg s1;
	s0 =	smax.u32 s0, $0x1  }
0x10: {  	v1 =	vimm.f32 $0.0e+00;
	v2 =	vimm.s32 $0x0;
	v3 =	vmul.u32 $0x8, v0;
	s26 =	simm.s32 $0x1;
	s1 =	simm.s32 $0x0;
	[dreg:$0x9] =	wrdreg s0  }
.LBB2_1:
0x11: {  	[dreg:$0xa] =	wrdreg s1  }
0x12: {  	s0 =	simm.s32 $0x0;
	s29 =	rddreg [dreg:$0x5];
	s6 =	simm.s32 $0x600  }
0x13: {  	[tilespmem:s6], [sflag:$0x2] =	stream.linear.gather [hbm4b:s29+s0], $0x110, $0x38;
	[tilespmem:$0x1A820] =	vst v63  }
0x14: {  	_ =	swait.ge [sflag:s8], $0x110  }
0x15: {  	[sflag:s8] =	ssyncset.done $0x0  }
0x16: {  	s31 =	simm.s32 $0x710;
	s30 =	rddreg [dreg:$0x6];
	[sflag:s8] =	ssyncadd.s32 $0xFFFFFEF0  }
0x17: {  	[tilespmem:s31], [sflag:$0x2] =	stream.linear.gather [hbm4b:s30+s0], $0x110, $0x38;
	[tilespmem:$0x1A820] =	vst v63  }
0x18: {  	_ =	swait.ge [sflag:s8], $0x110  }
0x19: {  	[sflag:s8] =	ssyncset.done $0x0  }
0x1a: {  	s6 =	simm.s32 $0xFFFC0200;
	s0 =	simm.s32 $0xFFFF0000;
	[sflag:s8] =	ssyncadd.s32 $0xFFFFFEF0  }
.LBB2_2:
0x1b: {  	p0 =	sne.s32 s6, $0xFFFFFE00;
	[tilespmem:s0+$0x1A890] =	vst v1;
	s7 =	smov.u32 s6;
	s6 =	sadd.s32 $0x200, s6  }
.Ltmp0:
0x1c: {  	[tilespmem:s0+$0x1A880] =	vst v1;
	(pc) =	sbr.rel @p0 .LBB2_2-.Ltmp0, $3  }
0x1d: {  	[tilespmem:s0+$0x1A860] =	vst v1  }
0x1e: {  	[tilespmem:s0+$0x1A870] =	vst v1;
	_ =	sdelay $0x1  }
0x1f: {  	s0 =	sshra.s32 s7, $0x2  }
0x20: {  	[tilespmem:s0+$0x1A890] =	vst v1  }
0x21: {  	[tilespmem:s0+$0x1A880] =	vst v1  }
0x22: {  	[tilespmem:s0+$0x1A860] =	vst v1  }
0x23: {  	[tilespmem:s0+$0x1A870] =	vst v1;
	s0 =	simm.s32 $0x0  }
.LBB2_4:
0x24: {  	[dreg:$0xb] =	wrdreg s0  }
0x25: {  	s6 =	sshll.u32 s0, $0x9;
	s1 =	rddreg [dreg:$0x8]  }
0x26: {  	s7 =	rddreg [dreg:$0x3];
	s0 =	sadd.s32 s1, s6  }
0x27: {  	[dreg:$0xc] =	wrdreg s0;
	s0 =	sshrl.u32 s0, $0x3  }
0x28: {  	s6 =	sadd.s32 s7, s0;
	s7 =	simm.s32 $0x0  }
0x29: {  	[tilespmem:s7], [sflag:$0x2] =	stream.linear.gather [hbm4b:s6+s7], $0x200, $0x38;
	[tilespmem:$0x1A820] =	vst v63  }
0x2a: {  	_ =	swait.ge [sflag:s8], $0x200  }
0x2b: {  	[sflag:s8] =	ssyncset.done $0x0;
	s11 =	rddreg [dreg:$0x4]  }
0x2c: {  	s14 =	simm.s32 $0x200;
	[sflag:s8] =	ssyncadd.s32 $0xFFFFFE00;
	s12 =	sadd.s32 s11, s0  }
0x2d: {  	[tilespmem:s14], [sflag:$0x2] =	stream.linear.gather [hbm4b:s12+s7], $0x200, $0x38;
	[tilespmem:$0x1A820] =	vst v63  }
0x2e: {  	_ =	swait.ge [sflag:s8], $0x200  }
0x2f: {  	[sflag:s8] =	ssyncset.done $0x0  }
0x30: {  	[sflag:s8] =	ssyncadd.s32 $0xFFFFFE00  }
0x31: {  	s30 =	rddreg [dreg:$0x1]  }
0x32: {  	s31 =	simm.s32 $0x400;
	s0 =	sadd.s32 s30, s0  }
0x33: {  	[tilespmem:s31], [sflag:$0x2] =	stream.linear.gather [hbm4b:s0+s7], $0x200, $0x38;
	[tilespmem:$0x1A820] =	vst v63  }
0x34: {  	_ =	swait.ge [sflag:s8], $0x200  }
0x35: {  	[sflag:s8] =	ssyncset.done $0x0  }
0x36: {  	s29 =	simm.s32 $0x0;
	[sflag:s8] =	ssyncadd.s32 $0xFFFFFE00  }
.LBB2_5:
0x37: {  	s0 =	sshll.u32 s29, $0x4  }
0x38: {  	s30 =	simm.s32 $0xE00;
	v6 =	vld [tilespmem:s0+$0x600]  }
0x39: {  	v4 =	vld [tilespmem:s30+$0xFFFFF400]  }
0x3a: {  	v7 =	vld [tilespmem:s30+$0xFFFFF200]  }
0x3b: {  	v8 =	vld [tilespmem:s30+$0xFFFFF600];
	_ =	sdelay $0x2  }
0x3c: {  	v5 =	vtrunc.f32 v6  }
0x3d: {  	v10 =	vmul.f32 v4, v6;
	v7 =	vmul.f32 v7, v6  }
0x3e: {  	v8 =	vmul.f32 v8, v6;
	v5 =	vcvt.f32.s32 v5  }
0x3f: {  	v9 =	vtrunc.f32 v10;
	v11 =	vtrunc.f32 v7  }
0x40: {  	v4 =	vadd.s32 $0x1, v5;
	v12 =	vcvt.f32.s32 v9;
	vm0 =	vlt.f32 v10, v9  }
0x41: {  	v9 =	vcvt.f32.s32 v11;
	vm1 =	vlt.f32 v7, v11;
	v11 =	vtrunc.f32 v8  }
0x42: {  	v13 =	vsel vm0, $0xFFFFFFFF, v2;
	v14 =	vcvt.f32.s32 v11;
	vm0 =	vlt.f32 v8, v11  }
0x43: {  	v11 =	vsel vm1, $0xFFFFFFFF, v2;
	v19 =	vadd.s32 v12, v13;
	v12 =	vsel vm0, $0xFFFFFFFF, v2  }
0x44: {  	v16 =	vadd.s32 v9, v11;
	v13 =	vadd.s32 v14, v12;
	vm0 =	vgt.s32 v19, $0x0  }
0x45: {  	v9 =	vcvt.s32.f32 v16;
	v18 =	vnsel vm0, $0x0, v19;
	vm0 =	vgt.s32 v13, $0x0  }
0x46: {  	v11 =	vcvt.s32.f32 v19;
	v12 =	vcvt.s32.f32 v13;
	v14 =	vnsel vm0, $0x0, v13  }
0x47: {  	v19 =	vadd.s32 $0x1, v19;
	v9 =	vsub.f32 v7, v9;
	vm1 =	vlt.s32 v14, v5  }
0x48: {  	vm0 =	vgt.s32 v16, $0x0;
	v11 =	vsub.f32 v10, v11;
	v7 =	vsel vm1, v14, v5  }
0x49: {  	v8 =	vsub.f32 v8, v12;
	vm1 =	vlt.s32 v18, v5;
	v15 =	vmul.u32 v4, v7  }
0x4a: {  	s31 =	simm.s32 $0x3800;
	v17 =	vnsel vm0, $0x0, v16;
	v14 =	vsub.f32 $1.000000000e+00, v9;
	v10 =	vsel vm1, v18, v5  }
0x4b: {  	s6 =	simm.s32 $0x0;
	s12 =	simm.s32 $0x3840;
	v12 =	vsub.f32 $1.000000000e+00, v11;
	vm0 =	vlt.s32 v17, v5;
	v7 =	vld [tilespmem:s0+$0x710];
	s0 =	simm.s32 $0x0;
	v18 =	vadd.s32 v10, v15  }
.LBB2_6:
0x4c: {  	p0 =	sne.s32 s12, $0x3FC0  }
0x4d: {  	v16 =	vadd.s32 $0x1, v16;
	vm1 =	vgt.s32 v19, $0x0;
	v20 =	vmul.f32 v11, v14;
	s6 =	sadd.s32 $0x10, s6;
	s14 =	smov.u32 s12;
	s12 =	sadd.s32 $0x40, s12  }
0x4e: {  	v13 =	vadd.s32 $0x1, v13;
	vm2 =	vgt.s32 v16, $0x0;
	v19 =	vnsel vm1, $0x0, v19  }
0x4f: {  	v16 =	vnsel vm2, $0x0, v16;
	vm1 =	vlt.s32 v19, v5;
	vm2 =	vgt.s32 v13, $0x0  }
0x50: {  	vm3 =	vlt.s32 v16, v5;
	v19 =	vsel vm1, v19, v5;
	v13 =	vnsel vm2, $0x0, v13  }
0x51: {  	v17 =	vsel vm0, v17, v5;
	s7 =	sadd.s32 $0xFFFFC800, s31;
	v16 =	vsel vm3, v16, v5;
	v15 =	vadd.s32 v19, v15  }
0x52: {  	v21 =	vsub.f32 $1.000000000e+00, v8;
	v18 =	vmul.u32 v4, v18;
	v14 =	vmul.f32 v12, v14;
	s1 =	sadd.s32 $0xFFFFD000, s31;
	s11 =	sand.u32 $0x600, s7  }
0x53: {  	s8 =	sand.u32 $0x70, s0;
	s7 =	sshra.s32 s14, $0x2;
	v17 =	vadd.s32 v7, v17;
	s0 =	sshrl.u32 s11, $0x2;
	vm0 =	vlt.s32 v13, v5;
	v15 =	vmul.u32 v4, v15  }
0x54: {  	v12 =	vmul.f32 v12, v9;
	s1 =	sand.u32 $0xE00, s1;
	v22 =	vadd.s32 v18, v17;
	v23 =	vmul.f32 v21, v14;
	s11 =	sor.u32 s8, s0;
	s0 =	smov.u32 s6  }
0x55: {  	s1 =	sshrl.u32 s1, $0x2;
	v14 =	vmul.f32 v14, v8;
	v16 =	vadd.s32 v7, v16;
	[tilespmem:s11+$0x820] =	vst v22;
	v22 =	vadd.s32 v15, v17;
	s11 =	sadd.s32 $0xFFFFD800, s31  }
0x56: {  	s1 =	sor.u32 s8, s1;
	v13 =	vsel vm0, v13, v5;
	v18 =	vadd.s32 v18, v16;
	[tilespmem:s30+$0xA20] =	vst v23;
	v23 =	vmul.f32 v21, v12;
	s11 =	sand.u32 $0x1600, s11  }
0x57: {  	v9 =	vmul.f32 v11, v9;
	v11 =	vmul.u32 v4, v13;
	v12 =	vmul.f32 v12, v8;
	[tilespmem:s1+$0x820] =	vst v18;
	s1 =	sshrl.u32 s11, $0x2;
	s11 =	sadd.s32 $0xFFFFE000, s31  }
0x58: {  	v13 =	vmul.f32 v21, v20;
	v18 =	vmul.f32 v8, v20;
	[tilespmem:s30+$0xC20] =	vst v23;
	s1 =	sor.u32 s8, s1;
	s11 =	sand.u32 $0x1E00, s11  }
0x59: {  	v10 =	vadd.s32 v10, v11;
	v11 =	vadd.s32 v19, v11;
	v8 =	vmul.f32 v8, v9;
	[tilespmem:s1+$0x820] =	vst v22;
	s1 =	sshrl.u32 s11, $0x2;
	s11 =	sadd.s32 $0xFFFFE800, s31  }
0x5a: {  	v10 =	vmul.u32 v4, v10;
	v9 =	vmul.f32 v21, v9;
	[tilespmem:s30+$0xE20] =	vst v13;
	v13 =	vadd.s32 v15, v16;
	s1 =	sor.u32 s8, s1;
	s11 =	sand.u32 $0x2600, s11  }
0x5b: {  	v11 =	vmul.u32 v4, v11;
	[tilespmem:s1+$0x820] =	vst v13;
	s1 =	sshrl.u32 s11, $0x2;
	s11 =	sadd.s32 $0xFFFFF000, s31  }
0x5c: {  	[tilespmem:s30+$0x1020] =	vst v9;
	v9 =	vadd.s32 v10, v17;
	s1 =	sor.u32 s8, s1;
	v10 =	vadd.s32 v10, v16;
	s11 =	sand.u32 $0x2E00, s11  }
0x5d: {  	[tilespmem:s1+$0x820] =	vst v9;
	s1 =	sshrl.u32 s11, $0x2;
	v9 =	vadd.s32 v11, v17;
	s11 =	sadd.s32 $0xFFFFF800, s31;
	v11 =	vadd.s32 v11, v16  }
0x5e: {  	[tilespmem:s30+$0x1220] =	vst v14;
	s1 =	sor.u32 s8, s1;
	s11 =	sand.u32 $0x3600, s11  }
0x5f: {  	[tilespmem:s1+$0x820] =	vst v10;
	s1 =	sshrl.u32 s11, $0x2  }
0x60: {  	s11 =	sand.u32 $0x3E00, s31;
	s31 =	smov.u32 s14;
	[tilespmem:s30+$0x1420] =	vst v12;
	s1 =	sor.u32 s8, s1  }
0x61: {  	[tilespmem:s1+$0x820] =	vst v9;
	s1 =	sshrl.u32 s11, $0x2  }
0x62: {  	[tilespmem:s30+$0x1620] =	vst v18;
	s1 =	sor.u32 s8, s1  }
0x63: {  	[tilespmem:s1+$0x820] =	vst v11  }
0x64: {  	v9 =	vld [tilespmem:s7+$0xFFFFF400];
	[tilespmem:s30+$0x1820] =	vst v8;
	s30 =	smov.u32 s7  }
0x65: {  	v8 =	vld [tilespmem:s30+$0xFFFFF200]  }
0x66: {  	v10 =	vld [tilespmem:s30+$0xFFFFF600];
	_ =	sdelay $0x2  }
0x67: {  	v11 =	vmul.f32 v9, v6  }
0x68: {  	v8 =	vmul.f32 v8, v6  }
0x69: {  	v10 =	vmul.f32 v10, v6;
	v9 =	vtrunc.f32 v11  }
0x6a: {  	v12 =	vtrunc.f32 v8;
	v13 =	vcvt.f32.s32 v9;
	vm0 =	vlt.f32 v11, v9  }
0x6b: {  	v9 =	vcvt.f32.s32 v12;
	vm1 =	vlt.f32 v8, v12;
	v12 =	vtrunc.f32 v10  }
0x6c: {  	v14 =	vsel vm0, $0xFFFFFFFF, v2;
	v15 =	vcvt.f32.s32 v12;
	vm0 =	vlt.f32 v10, v12  }
0x6d: {  	v12 =	vsel vm1, $0xFFFFFFFF, v2;
	v19 =	vadd.s32 v13, v14;
	v13 =	vsel vm0, $0xFFFFFFFF, v2  }
0x6e: {  	v16 =	vadd.s32 v9, v12;
	vm0 =	vgt.s32 v19, $0x0;
	v13 =	vadd.s32 v15, v13  }
0x6f: {  	v9 =	vcvt.s32.f32 v16;
	v18 =	vnsel vm0, $0x0, v19;
	vm0 =	vgt.s32 v13, $0x0  }
0x70: {  	v12 =	vcvt.s32.f32 v19;
	v14 =	vcvt.s32.f32 v13;
	v15 =	vnsel vm0, $0x0, v13  }
.Ltmp1:
0x71: {  	v9 =	vsub.f32 v8, v9;
	vm0 =	vgt.s32 v16, $0x0;
	vm1 =	vlt.s32 v15, v5;
	(pc) =	sbr.rel @p0 .LBB2_6-.Ltmp1, $4  }
0x72: {  	v11 =	vsub.f32 v11, v12;
	v8 =	vsub.f32 v10, v14;
	v10 =	vsel vm1, v15, v5  }
0x73: {  	v14 =	vsub.f32 $1.000000000e+00, v9;
	vm1 =	vlt.s32 v18, v5;
	v15 =	vmul.u32 v4, v10  }
0x74: {  	v12 =	vsub.f32 $1.000000000e+00, v11;
	v17 =	vnsel vm0, $0x0, v16;
	v10 =	vsel vm1, v18, v5  }
0x75: {  	v19 =	vadd.s32 $0x1, v19;
	vm0 =	vlt.s32 v17, v5;
	v18 =	vadd.s32 v10, v15  }
0x76: {  	v6 =	vadd.s32 $0x1, v16  }
0x77: {  	vm1 =	vgt.s32 v19, $0x0;
	v16 =	vmul.f32 v11, v14;
	v13 =	vadd.s32 $0x1, v13  }
0x78: {  	v17 =	vsel vm0, v17, v5;
	v20 =	vsub.f32 $1.000000000e+00, v8;
	v18 =	vmul.u32 v4, v18  }
0x79: {  	v14 =	vmul.f32 v12, v14;
	v12 =	vmul.f32 v12, v9;
	vm2 =	vgt.s32 v6, $0x0  }
0x7a: {  	s1 =	sadd.s32 $0xFFFFC800, s31;
	v19 =	vnsel vm1, $0x0, v19;
	vm14 =	vgt.s32 v13, $0x0;
	v17 =	vadd.s32 v7, v17  }
0x7b: {  	s1 =	sand.u32 $0x600, s1;
	v6 =	vnsel vm2, $0x0, v6;
	vm1 =	vlt.s32 v19, v5;
	v13 =	vnsel vm14, $0x0, v13  }
0x7c: {  	s6 =	sadd.s32 $0xFFFFD000, s31;
	s0 =	sand.u32 $0x70, s0;
	s1 =	sshrl.u32 s1, $0x2;
	v21 =	vadd.s32 v18, v17;
	v22 =	vmul.f32 v20, v14;
	vm3 =	vlt.s32 v6, v5  }
0x7d: {  	s6 =	sand.u32 $0xE00, s6;
	v19 =	vsel vm1, v19, v5;
	s1 =	sor.u32 s0, s1;
	vm15 =	vlt.s32 v13, v5;
	v6 =	vsel vm3, v6, v5  }
0x7e: {  	s14 =	sadd.s32 $0xFFFFD800, s31;
	s12 =	sshrl.u32 s6, $0x2;
	v15 =	vadd.s32 v19, v15;
	[tilespmem:s1+$0x820] =	vst v21;
	v5 =	vsel vm15, v13, v5;
	v6 =	vadd.s32 v7, v6  }
0x7f: {  	s6 =	sand.u32 $0x1600, s14;
	s1 =	sor.u32 s0, s12;
	v15 =	vmul.u32 v4, v15;
	[tilespmem:s30+$0xA20] =	vst v22;
	v7 =	vadd.s32 v18, v6;
	v18 =	vmul.f32 v20, v12  }
0x80: {  	s7 =	sadd.s32 $0xFFFFE000, s31;
	s6 =	sshrl.u32 s6, $0x2;
	v5 =	vmul.u32 v4, v5;
	[tilespmem:s1+$0x820] =	vst v7  }
0x81: {  	v9 =	vmul.f32 v11, v9;
	v11 =	vmul.f32 v20, v16;
	v7 =	vadd.s32 v15, v17;
	s1 =	sor.u32 s0, s6;
	s6 =	sand.u32 $0x1E00, s7;
	[tilespmem:s30+$0xC20] =	vst v18  }
0x82: {  	s11 =	sadd.s32 $0xFFFFE800, s31;
	s8 =	sshrl.u32 s6, $0x2;
	[tilespmem:s1+$0x820] =	vst v7;
	v7 =	vadd.s32 v10, v5  }
0x83: {  	s6 =	sand.u32 $0x2600, s11;
	v10 =	vadd.s32 v15, v6;
	s1 =	sor.u32 s0, s8;
	[tilespmem:s30+$0xE20] =	vst v11;
	v11 =	vmul.f32 v20, v9;
	v7 =	vmul.u32 v4, v7  }
0x84: {  	s14 =	sadd.s32 $0xFFFFF000, s31;
	s12 =	sshrl.u32 s6, $0x2;
	[tilespmem:s1+$0x820] =	vst v10  }
0x85: {  	s6 =	sand.u32 $0x2E00, s14;
	v10 =	vmul.f32 v14, v8;
	s1 =	sor.u32 s0, s12;
	[tilespmem:s30+$0x1020] =	vst v11;
	v11 =	vadd.s32 v7, v17  }
0x86: {  	v5 =	vadd.s32 v19, v5;
	s8 =	sadd.s32 $0xFFFFF800, s31;
	s7 =	sshrl.u32 s6, $0x2;
	[tilespmem:s1+$0x820] =	vst v11  }
0x87: {  	v4 =	vmul.u32 v4, v5;
	s6 =	sand.u32 $0x3600, s8;
	v5 =	vadd.s32 v7, v6;
	v11 =	vmul.f32 v12, v8;
	s1 =	sor.u32 s0, s7;
	[tilespmem:s30+$0x1220] =	vst v10  }
0x88: {  	s11 =	sshrl.u32 s6, $0x2;
	[tilespmem:s1+$0x820] =	vst v5  }
0x89: {  	s12 =	sand.u32 $0x3E00, s31;
	v7 =	vadd.s32 v4, v17;
	v5 =	vmul.f32 v8, v16;
	s1 =	sor.u32 s0, s11;
	[tilespmem:s30+$0x1420] =	vst v11  }
0x8a: {  	s14 =	sshrl.u32 s12, $0x2;
	[tilespmem:s1+$0x820] =	vst v7  }
0x8b: {  	v4 =	vadd.s32 v4, v6;
	s0 =	sor.u32 s0, s14;
	v7 =	vmul.f32 v8, v9;
	[tilespmem:s30+$0x1620] =	vst v5  }
0x8c: {  	[tilespmem:s0+$0x820] =	vst v4  }
0x8d: {  	s14 =	simm.s32 $0x820;
	[tilespmem:s30+$0x1820] =	vst v7  }
0x8e: {  	[tilespmem:s19], [sflag:$0x1] =	stream.indirect.gather [hbm4b:s5+s17], $0x8, s14, s17, $0xb8;
	[tilespmem:$0x1A820] =	vst v63  }
0x8f: {  	s6 =	simm.s32 $0x2C20;
	s1 =	simm.s32 $0x8A0  }
0x90: {  	[tilespmem:s6], [sflag:$0x1] =	stream.indirect.gather [hbm4b:s5+s17], $0x8, s1, s17, $0xb8;
	[tilespmem:$0x1A820] =	vst v63  }
0x91: {  	s8 =	simm.s32 $0x3020;
	s7 =	simm.s32 $0x920  }
0x92: {  	[tilespmem:s8], [sflag:$0x1] =	stream.indirect.gather [hbm4b:s5+s17], $0x8, s7, s17, $0xb8;
	[tilespmem:$0x1A820] =	vst v63  }
0x93: {  	s12 =	simm.s32 $0x3420;
	s11 =	simm.s32 $0x9A0  }
0x94: {  	[tilespmem:s12], [sflag:$0x1] =	stream.indirect.gather [hbm4b:s5+s17], $0x8, s11, s17, $0xb8;
	[tilespmem:$0x1A820] =	vst v63  }
0x95: {  	s1 =	simm.s32 $0xA20;
	s6 =	simm.s32 $0x3820  }
0x96: {  	[tilespmem:s6], [sflag:$0x1] =	stream.indirect.gather [hbm4b:s5+s17], $0x8, s1, s17, $0xb8;
	[tilespmem:$0x1A820] =	vst v63  }
0x97: {  	s7 =	simm.s32 $0xAA0;
	s8 =	simm.s32 $0x3C20  }
0x98: {  	[tilespmem:s8], [sflag:$0x1] =	stream.indirect.gather [hbm4b:s5+s17], $0x8, s7, s17, $0xb8;
	[tilespmem:$0x1A820] =	vst v63  }
0x99: {  	s11 =	simm.s32 $0xB20;
	s12 =	simm.s32 $0x4020  }
0x9a: {  	[tilespmem:s12], [sflag:$0x1] =	stream.indirect.gather [hbm4b:s5+s17], $0x8, s11, s17, $0xb8;
	[tilespmem:$0x1A820] =	vst v63  }
0x9b: {  	s1 =	simm.s32 $0xBA0;
	s6 =	simm.s32 $0x4420  }
0x9c: {  	[tilespmem:s6], [sflag:$0x1] =	stream.indirect.gather [hbm4b:s5+s17], $0x8, s1, s17, $0xb8;
	[tilespmem:$0x1A820] =	vst v63  }
0x9d: {  	s7 =	simm.s32 $0xC20;
	s8 =	simm.s32 $0x4820  }
0x9e: {  	[tilespmem:s8], [sflag:$0x1] =	stream.indirect.gather [hbm4b:s5+s17], $0x8, s7, s17, $0xb8;
	[tilespmem:$0x1A820] =	vst v63  }
0x9f: {  	s11 =	simm.s32 $0xCA0;
	s12 =	simm.s32 $0x4C20  }
0xa0: {  	[tilespmem:s12], [sflag:$0x1] =	stream.indirect.gather [hbm4b:s5+s17], $0x8, s11, s17, $0xb8;
	[tilespmem:$0x1A820] =	vst v63  }
0xa1: {  	s1 =	simm.s32 $0xD20;
	s6 =	simm.s32 $0x5020  }
0xa2: {  	[tilespmem:s6], [sflag:$0x1] =	stream.indirect.gather [hbm4b:s5+s17], $0x8, s1, s17, $0xb8;
	[tilespmem:$0x1A820] =	vst v63  }
0xa3: {  	s7 =	simm.s32 $0xDA0;
	s8 =	simm.s32 $0x5420  }
0xa4: {  	[tilespmem:s8], [sflag:$0x1] =	stream.indirect.gather [hbm4b:s5+s17], $0x8, s7, s17, $0xb8;
	[tilespmem:$0x1A820] =	vst v63  }
0xa5: {  	s11 =	simm.s32 $0xE20;
	s12 =	simm.s32 $0x5820  }
0xa6: {  	[tilespmem:s12], [sflag:$0x1] =	stream.indirect.gather [hbm4b:s5+s17], $0x8, s11, s17, $0xb8;
	[tilespmem:$0x1A820] =	vst v63  }
0xa7: {  	s1 =	simm.s32 $0xEA0;
	s6 =	simm.s32 $0x5C20  }
0xa8: {  	[tilespmem:s6], [sflag:$0x1] =	stream.indirect.gather [hbm4b:s5+s17], $0x8, s1, s17, $0xb8;
	[tilespmem:$0x1A820] =	vst v63  }
0xa9: {  	s7 =	simm.s32 $0xF20;
	s8 =	simm.s32 $0x6020  }
0xaa: {  	[tilespmem:s8], [sflag:$0x1] =	stream.indirect.gather [hbm4b:s5+s17], $0x8, s7, s17, $0xb8;
	[tilespmem:$0x1A820] =	vst v63  }
0xab: {  	s11 =	simm.s32 $0xFA0;
	s12 =	simm.s32 $0x6420  }
0xac: {  	[tilespmem:s12], [sflag:$0x1] =	stream.indirect.gather [hbm4b:s5+s17], $0x8, s11, s17, $0xb8;
	[tilespmem:$0x1A820] =	vst v63  }
0xad: {  	s1 =	simm.s32 $0x1020;
	s6 =	simm.s32 $0x6820  }
0xae: {  	[tilespmem:s6], [sflag:$0x1] =	stream.indirect.gather [hbm4b:s5+s17], $0x8, s1, s17, $0xb8;
	[tilespmem:$0x1A820] =	vst v63  }
0xaf: {  	s7 =	simm.s32 $0x10A0;
	s8 =	simm.s32 $0x6C20  }
0xb0: {  	[tilespmem:s8], [sflag:$0x1] =	stream.indirect.gather [hbm4b:s5+s17], $0x8, s7, s17, $0xb8;
	[tilespmem:$0x1A820] =	vst v63  }
0xb1: {  	s11 =	simm.s32 $0x1120;
	s12 =	simm.s32 $0x7020  }
0xb2: {  	[tilespmem:s12], [sflag:$0x1] =	stream.indirect.gather [hbm4b:s5+s17], $0x8, s11, s17, $0xb8;
	[tilespmem:$0x1A820] =	vst v63  }
0xb3: {  	s1 =	simm.s32 $0x11A0;
	s6 =	simm.s32 $0x7420  }
0xb4: {  	[tilespmem:s6], [sflag:$0x1] =	stream.indirect.gather [hbm4b:s5+s17], $0x8, s1, s17, $0xb8;
	[tilespmem:$0x1A820] =	vst v63  }
0xb5: {  	s7 =	simm.s32 $0x1220;
	s8 =	simm.s32 $0x7820  }
0xb6: {  	[tilespmem:s8], [sflag:$0x1] =	stream.indirect.gather [hbm4b:s5+s17], $0x8, s7, s17, $0xb8;
	[tilespmem:$0x1A820] =	vst v63  }
0xb7: {  	s11 =	simm.s32 $0x12A0;
	s12 =	simm.s32 $0x7C20  }
0xb8: {  	[tilespmem:s12], [sflag:$0x1] =	stream.indirect.gather [hbm4b:s5+s17], $0x8, s11, s17, $0xb8;
	[tilespmem:$0x1A820] =	vst v63  }
0xb9: {  	s6 =	simm.s32 $0x1320;
	s7 =	simm.s32 $0x8020  }
0xba: {  	[tilespmem:s7], [sflag:$0x1] =	stream.indirect.gather [hbm4b:s5+s17], $0x8, s6, s17, $0xb8;
	[tilespmem:$0x1A820] =	vst v63  }
0xbb: {  	s8 =	simm.s32 $0x13A0;
	s11 =	simm.s32 $0x8420  }
0xbc: {  	[tilespmem:s11], [sflag:$0x1] =	stream.indirect.gather [hbm4b:s5+s17], $0x8, s8, s17, $0xb8;
	[tilespmem:$0x1A820] =	vst v63  }
0xbd: {  	s12 =	simm.s32 $0x1420  }
0xbe: {  	[tilespmem:s15], [sflag:$0x1] =	stream.indirect.gather [hbm4b:s5+s17], $0x8, s12, s17, $0xb8;
	[tilespmem:$0x1A820] =	vst v63  }
0xbf: {  	_ = 	snop  }
0xc0: {  	[tilespmem:s2], [sflag:$0x1] =	stream.indirect.gather [hbm4b:s5+s17], $0x8, s16, s17, $0xb8;
	[tilespmem:$0x1A820] =	vst v63  }
0xc1: {  	_ = 	snop  }
0xc2: {  	[tilespmem:s4], [sflag:$0x1] =	stream.indirect.gather [hbm4b:s5+s17], $0x8, s3, s17, $0xb8;
	[tilespmem:$0x1A820] =	vst v63  }
0xc3: {  	_ = 	snop  }
0xc4: {  	[tilespmem:s10], [sflag:$0x1] =	stream.indirect.gather [hbm4b:s5+s17], $0x8, s9, s17, $0xb8;
	[tilespmem:$0x1A820] =	vst v63  }
0xc5: {  	_ = 	snop  }
0xc6: {  	[tilespmem:s18], [sflag:$0x1] =	stream.indirect.gather [hbm4b:s5+s17], $0x8, s13, s17, $0xb8;
	[tilespmem:$0x1A820] =	vst v63  }
0xc7: {  	_ = 	snop  }
0xc8: {  	[tilespmem:s21], [sflag:$0x1] =	stream.indirect.gather [hbm4b:s5+s17], $0x8, s20, s17, $0xb8;
	[tilespmem:$0x1A820] =	vst v63  }
0xc9: {  	_ = 	snop  }
0xca: {  	[tilespmem:s23], [sflag:$0x1] =	stream.indirect.gather [hbm4b:s5+s17], $0x8, s22, s17, $0xb8;
	[tilespmem:$0x1A820] =	vst v63  }
0xcb: {  	_ = 	snop  }
0xcc: {  	[tilespmem:s25], [sflag:$0x1] =	stream.indirect.gather [hbm4b:s5+s17], $0x8, s24, s17, $0xb8;
	[tilespmem:$0x1A820] =	vst v63  }
0xcd: {  	_ =	swait.ge [sflag:s26], $0x400  }
0xce: {  	[sflag:s26] =	ssyncset.done $0x0  }
0xcf: {  	[sflag:s26] =	ssyncadd.s32 $0xFFFFFC00  }
0xd0: {  	_ =	swait.ge [sflag:s26], $0x400  }
0xd1: {  	[sflag:s26] =	ssyncset.done $0x0  }
0xd2: {  	[sflag:s26] =	ssyncadd.s32 $0xFFFFFC00  }
0xd3: {  	_ =	swait.ge [sflag:s26], $0x400  }
0xd4: {  	[sflag:s26] =	ssyncset.done $0x0  }
0xd5: {  	[sflag:s26] =	ssyncadd.s32 $0xFFFFFC00  }
0xd6: {  	_ =	swait.ge [sflag:s26], $0x400  }
0xd7: {  	[sflag:s26] =	ssyncset.done $0x0  }
0xd8: {  	[sflag:s26] =	ssyncadd.s32 $0xFFFFFC00  }
0xd9: {  	_ =	swait.ge [sflag:s26], $0x400  }
0xda: {  	[sflag:s26] =	ssyncset.done $0x0  }
0xdb: {  	[sflag:s26] =	ssyncadd.s32 $0xFFFFFC00  }
0xdc: {  	_ =	swait.ge [sflag:s26], $0x400  }
0xdd: {  	[sflag:s26] =	ssyncset.done $0x0  }
0xde: {  	[sflag:s26] =	ssyncadd.s32 $0xFFFFFC00  }
0xdf: {  	_ =	swait.ge [sflag:s26], $0x400  }
0xe0: {  	[sflag:s26] =	ssyncset.done $0x0  }
0xe1: {  	[sflag:s26] =	ssyncadd.s32 $0xFFFFFC00  }
0xe2: {  	_ =	swait.ge [sflag:s26], $0x400  }
0xe3: {  	[sflag:s26] =	ssyncset.done $0x0  }
0xe4: {  	[sflag:s26] =	ssyncadd.s32 $0xFFFFFC00  }
0xe5: {  	_ =	swait.ge [sflag:s26], $0x400  }
0xe6: {  	[sflag:s26] =	ssyncset.done $0x0  }
0xe7: {  	[sflag:s26] =	ssyncadd.s32 $0xFFFFFC00  }
0xe8: {  	_ =	swait.ge [sflag:s26], $0x400  }
0xe9: {  	[sflag:s26] =	ssyncset.done $0x0  }
0xea: {  	[sflag:s26] =	ssyncadd.s32 $0xFFFFFC00  }
0xeb: {  	_ =	swait.ge [sflag:s26], $0x400  }
0xec: {  	[sflag:s26] =	ssyncset.done $0x0  }
0xed: {  	[sflag:s26] =	ssyncadd.s32 $0xFFFFFC00  }
0xee: {  	_ =	swait.ge [sflag:s26], $0x400  }
0xef: {  	[sflag:s26] =	ssyncset.done $0x0  }
0xf0: {  	[sflag:s26] =	ssyncadd.s32 $0xFFFFFC00  }
0xf1: {  	_ =	swait.ge [sflag:s26], $0x400  }
0xf2: {  	[sflag:s26] =	ssyncset.done $0x0  }
0xf3: {  	[sflag:s26] =	ssyncadd.s32 $0xFFFFFC00  }
0xf4: {  	_ =	swait.ge [sflag:s26], $0x400  }
0xf5: {  	[sflag:s26] =	ssyncset.done $0x0  }
0xf6: {  	[sflag:s26] =	ssyncadd.s32 $0xFFFFFC00  }
0xf7: {  	_ =	swait.ge [sflag:s26], $0x400  }
0xf8: {  	[sflag:s26] =	ssyncset.done $0x0  }
0xf9: {  	[sflag:s26] =	ssyncadd.s32 $0xFFFFFC00  }
0xfa: {  	_ =	swait.ge [sflag:s26], $0x400  }
0xfb: {  	[sflag:s26] =	ssyncset.done $0x0  }
0xfc: {  	[sflag:s26] =	ssyncadd.s32 $0xFFFFFC00  }
0xfd: {  	_ =	swait.ge [sflag:s26], $0x400  }
0xfe: {  	[sflag:s26] =	ssyncset.done $0x0  }
0xff: {  	[sflag:s26] =	ssyncadd.s32 $0xFFFFFC00  }
0x100: {  	_ =	swait.ge [sflag:s26], $0x400  }
0x101: {  	[sflag:s26] =	ssyncset.done $0x0  }
0x102: {  	[sflag:s26] =	ssyncadd.s32 $0xFFFFFC00  }
0x103: {  	_ =	swait.ge [sflag:s26], $0x400  }
0x104: {  	[sflag:s26] =	ssyncset.done $0x0  }
0x105: {  	[sflag:s26] =	ssyncadd.s32 $0xFFFFFC00  }
0x106: {  	_ =	swait.ge [sflag:s26], $0x400  }
0x107: {  	[sflag:s26] =	ssyncset.done $0x0  }
0x108: {  	[sflag:s26] =	ssyncadd.s32 $0xFFFFFC00  }
0x109: {  	_ =	swait.ge [sflag:s26], $0x400  }
0x10a: {  	[sflag:s26] =	ssyncset.done $0x0  }
0x10b: {  	[sflag:s26] =	ssyncadd.s32 $0xFFFFFC00  }
0x10c: {  	_ =	swait.ge [sflag:s26], $0x400  }
0x10d: {  	[sflag:s26] =	ssyncset.done $0x0  }
0x10e: {  	[sflag:s26] =	ssyncadd.s32 $0xFFFFFC00  }
0x10f: {  	_ =	swait.ge [sflag:s26], $0x400  }
0x110: {  	[sflag:s26] =	ssyncset.done $0x0  }
0x111: {  	[sflag:s26] =	ssyncadd.s32 $0xFFFFFC00  }
0x112: {  	_ =	swait.ge [sflag:s26], $0x400  }
0x113: {  	[sflag:s26] =	ssyncset.done $0x0  }
0x114: {  	[sflag:s26] =	ssyncadd.s32 $0xFFFFFC00  }
0x115: {  	_ =	swait.ge [sflag:s26], $0x400  }
0x116: {  	[sflag:s26] =	ssyncset.done $0x0  }
0x117: {  	[sflag:s26] =	ssyncadd.s32 $0xFFFFFC00  }
0x118: {  	_ =	swait.ge [sflag:s26], $0x400  }
0x119: {  	[sflag:s26] =	ssyncset.done $0x0  }
0x11a: {  	[sflag:s26] =	ssyncadd.s32 $0xFFFFFC00  }
0x11b: {  	_ =	swait.ge [sflag:s26], $0x400  }
0x11c: {  	[sflag:s26] =	ssyncset.done $0x0  }
0x11d: {  	[sflag:s26] =	ssyncadd.s32 $0xFFFFFC00  }
0x11e: {  	_ =	swait.ge [sflag:s26], $0x400  }
0x11f: {  	[sflag:s26] =	ssyncset.done $0x0  }
0x120: {  	[sflag:s26] =	ssyncadd.s32 $0xFFFFFC00  }
0x121: {  	_ =	swait.ge [sflag:s26], $0x400  }
0x122: {  	[sflag:s26] =	ssyncset.done $0x0  }
0x123: {  	[sflag:s26] =	ssyncadd.s32 $0xFFFFFC00  }
0x124: {  	_ =	swait.ge [sflag:s26], $0x400  }
0x125: {  	[sflag:s26] =	ssyncset.done $0x0  }
0x126: {  	s1 =	simm.s32 $0xA00;
	[sflag:s26] =	ssyncadd.s32 $0xFFFFFC00  }
0x127: {  	v4 =	vmov s1;
	s6 =	simm.s32 $0x800;
	_ =	swait.ge [sflag:s26], $0x400  }
0x128: {  	v4 =	vshll.u32 v4, $0x3;
	v5 =	vmov s6;
	[sflag:s26] =	ssyncset.done $0x0  }
0x129: {  	v4 =	vor.u32 v3, v4;
	v5 =	vshll.u32 v5, $0x3;
	[sflag:s26] =	ssyncadd.s32 $0xFFFFFC00  }
0x12a: {  	v6 =	vor.u32 $0x3, v4;
	v5 =	vor.u32 v3, v5;
	_ =	swait.ge [sflag:s26], $0x400  }
0x12b: {  	s8 =	simm.s32 $0x0;
	v7 =	vor.u32 $0x2, v5;
	[sflag:s26] =	ssyncset.done $0x0  }
0x12c: {  	s30 =	simm.s32 $0x2020;
	s7 =	sshll.u32 s29, $0x2;
	v10 =	vor.u32 s8, v0;
	[sflag:s26] =	ssyncadd.s32 $0xFFFFFC00  }
0x12d: {  	v8 =	vmov s7;
	v13 =	vshll.u32 v10, $0x3;
	v11 =	vld [tilespmem:s30+$0xFFFFFE00]  }
0x12e: {  	s0 =	sor.u32 $0x2, s7;
	v8 =	vand.u32 $0x1C, v8;
	v14 =	vor.u32 $0x3, v13;
	v15 =	vld [tilespmem:s30+$0xFFFFFC00]  }
0x12f: {  	v21 =	vor.u32 $0x2, v4;
	s11 =	sor.u32 $0x1, s7;
	v16 =	vmov s0;
	v8 =	vbroadcast v8, $0x0;
	s12 =	simm.s32 $0x600;
	v18 =	vld.idx.msk [tilespmem:v6+s19+$0x0], $0xffff  }
0x130: {  	v9 =	vmov s11;
	v29 =	vor.u32 $0x1, v5;
	v12 =	vmov s12;
	v33 =	vld.idx.msk [tilespmem:v7+s19+$0x0], $0xffff  }
0x131: {  	v20 =	vor.u32 $0x1, v13;
	v22 =	vor.u32 $0x2, v13;
	v6 =	vand.u32 $0x1D, v9;
	v19 =	vld [tilespmem:s30+$0xFFFFFA00]  }
0x132: {  	s7 =	simm.s32 $0x200;
	v12 =	vshll.u32 v12, $0x3;
	v39 =	vld [tilespmem:s30+$0xFFFFF800];
	v9 =	vbroadcast v6, $0x0;
	v6 =	vand.u32 $0x1E, v16  }
0x133: {  	s12 =	simm.s32 $0xC00;
	v31 =	vor.u32 v3, v12;
	v27 =	vld.idx.msk [tilespmem:v14+s19+$0x0], $0xffff;
	v12 =	vbroadcast v6, $0x0;
	v6 =	vmov s7  }
0x134: {  	v24 =	vmov s12;
	v17 =	vor.u32 $0x1, v31;
	v36 =	vld.idx.msk [tilespmem:v13+s19+$0x0], $0xffff;
	v6 =	vshll.u32 v6, $0x3  }
0x135: {  	s11 =	simm.s32 $0x400;
	v25 =	vshll.u32 v24, $0x3;
	v41 =	vor.u32 $0x2, v31;
	v23 =	vld [tilespmem:s30+$0x200];
	v30 =	vor.u32 v3, v6  }
0x136: {  	v26 =	vor.u32 v3, v25;
	v38 =	vld.idx.msk [tilespmem:v20+s19+$0x0], $0xffff;
	v6 =	vmov s11;
	v28 =	vor.u32 $0x2, v30  }
0x137: {  	s8 =	sshllo.u32 s29, $0x2;
	v25 =	vor.u32 $0x3, v31;
	v44 =	vld.idx.msk [tilespmem:v22+s19+$0x0], $0xffff;
	v6 =	vshll.u32 v6, $0x3;
	v45 =	vor.u32 $0x1, v30  }
0x138: {  	v35 =	vor.u32 $0x3, v26;
	v7 =	vmov s8;
	v16 =	vld [tilespmem:s30+$0x0];
	v6 =	vor.u32 v3, v6  }
0x139: {  	v13 =	vor.u32 $0x1, v4;
	v34 =	vld.idx.msk [tilespmem:v17+s19+$0x0], $0xffff;
	v7 =	vand.u32 $0x1F, v7;
	v37 =	vor.u32 $0x2, v6  }
0x13a: {  	v20 =	vor.u32 $0x1, v26;
	v41 =	vld.idx.msk [tilespmem:v41+s19+$0x0], $0xffff;
	v14 =	vbroadcast v7, $0x0;
	v17 =	vor.u32 $0x1, v6  }
0x13b: {  	v22 =	vor.u32 $0x2, v26;
	v27 =	vmul.f32 v27, v39;
	v36 =	vmul.f32 v36, v39;
	v43 =	vld.idx.msk [tilespmem:v28+s19+$0x0], $0xffff  }
0x13c: {  	v7 =	vor.u32 $0x3, v5;
	v38 =	vmul.f32 v38, v39;
	v44 =	vmul.f32 v44, v39;
	v39 =	vld.idx.msk [tilespmem:v45+s19+$0x0], $0xffff  }
0x13d: {  	v32 =	vor.u32 $0x3, v30;
	v18 =	vmul.f32 v18, v23;
	v33 =	vmul.f32 v33, v16;
	v40 =	vld.idx.msk [tilespmem:v6+s19+$0x0], $0xffff  }
0x13e: {  	v24 =	vor.u32 $0x3, v6;
	v36 =	vadd.f32 $0.0e+00, v36;
	v28 =	vshll.u32 v10, $0x7;
	v37 =	vld.idx.msk [tilespmem:v37+s19+$0x0], $0xffff  }
0x13f: {  	s31 =	simm.s32 $0x2020;
	s0 =	simm.s32 $0xE00;
	s7 =	simm.s32 $0xE10;
	v6 =	vor.u32 v14, v28;
	v10 =	vor.u32 v12, v28;
	v42 =	vld.idx.msk [tilespmem:v17+s19+$0x0], $0xffff;
	v17 =	vor.u32 v8, v28  }
.LBB2_8:
0x140: {  	s1 =	sadd.s32 $0xFFFFFA00, s7  }
0x141: {  	v30 =	vld.idx.msk [tilespmem:v30+s19+$0x0], $0xffff;
	v43 =	vmul.f32 v43, v19;
	v45 =	vmov s0;
	v28 =	vor.u32 v9, v28;
	s30 =	sadd.s32 $0x10, s30;
	s0 =	smov.u32 s7;
	s6 =	sadd.s32 $0x10, s7  }
0x142: {  	p0 =	sne.s32 s7, $0xFF0;
	v40 =	vmul.f32 v40, v15;
	v46 =	vmov s1;
	s1 =	sadd.s32 $0xFFFFFC00, s0;
	v44 =	vadd.f32 $0.0e+00, v44;
	v31 =	vld.idx.msk [tilespmem:v31+s19+$0x0], $0xffff  }
0x143: {  	v45 =	vshll.u32 v45, $0x3;
	v46 =	vshll.u32 v46, $0x3;
	v47 =	vmov s1;
	v48 =	vld.idx.msk [tilespmem:v29+s19+$0x0], $0xffff  }
0x144: {  	v42 =	vmul.f32 v42, v15;
	v47 =	vshll.u32 v47, $0x3;
	v49 =	vld.idx.msk [tilespmem:v5+s19+$0x0], $0xffff;
	v5 =	vor.u32 v3, v46  }
0x145: {  	v37 =	vmul.f32 v37, v15;
	v41 =	vmul.f32 v41, v11;
	v29 =	vor.u32 $0x2, v5;
	v46 =	vld [tilespmem:s31+$0x600]  }
0x146: {  	v34 =	vmul.f32 v34, v11;
	v43 =	vadd.f32 v43, v44;
	v47 =	vor.u32 v3, v47;
	v35 =	vld.idx.msk [tilespmem:v35+s19+$0x0], $0xffff  }
0x147: {  	v38 =	vadd.f32 $0.0e+00, v38;
	v44 =	vor.u32 v3, v45;
	v39 =	vmul.f32 v39, v19;
	v21 =	vld.idx.msk [tilespmem:v21+s19+$0x0], $0xffff  }
0x148: {  	v30 =	vmul.f32 v30, v19;
	v37 =	vadd.f32 v37, v43;
	v31 =	vmul.f32 v31, v11;
	v43 =	vld [tilespmem:s31+$0x400];
	s31 =	smov.u32 s30  }
0x149: {  	v38 =	vadd.f32 v39, v38;
	v39 =	vmul.f32 v48, v16;
	v48 =	vor.u32 $0x1, v44;
	v45 =	vld.idx.msk [tilespmem:v13+s19+$0x0], $0xffff  }
0x14a: {  	v13 =	vadd.f32 v30, v36;
	v30 =	vadd.f32 v41, v37;
	v36 =	vmul.f32 v49, v16;
	v37 =	vld.idx.msk [tilespmem:v4+s19+$0x0], $0xffff  }
0x14b: {  	v38 =	vadd.f32 v42, v38;
	v41 =	vor.u32 $0x2, v44;
	v42 =	vor.u32 $0x3, v44;
	v4 =	vmovc v47;
	v32 =	vld.idx.msk [tilespmem:v32+s19+$0x0], $0xffff  }
0x14c: {  	v40 =	vadd.f32 v40, v13;
	v30 =	vadd.f32 v33, v30;
	v26 =	vld.idx.msk [tilespmem:v26+s19+$0x0], $0xffff  }
0x14d: {  	v13 =	vor.u32 $0x1, v4;
	v33 =	vadd.f32 v34, v38;
	v34 =	vmul.f32 v21, v23;
	v24 =	vld.idx.msk [tilespmem:v24+s19+$0x0], $0xffff  }
0x14e: {  	v38 =	vor.u32 $0x3, v4;
	v21 =	vor.u32 $0x3, v5;
	v31 =	vadd.f32 v31, v40;
	v40 =	vld.idx.msk [tilespmem:v44+s19+$0x0], $0xffff  }
0x14f: {  	v33 =	vadd.f32 v39, v33;
	v39 =	vmul.f32 v45, v23;
	v25 =	vld.idx.msk [tilespmem:v25+s19+$0x0], $0xffff  }
0x150: {  	v31 =	vadd.f32 v36, v31;
	v23 =	vmul.f32 v37, v23;
	v36 =	vld.idx.msk [tilespmem:v7+s19+$0x0], $0xffff;
	v7 =	vmov v21  }
0x151: {  	v27 =	vadd.f32 $0.0e+00, v27;
	v19 =	vmul.f32 v32, v19;
	v32 =	vadd.f32 v39, v33;
	v22 =	vld.idx.msk [tilespmem:v22+s19+$0x0], $0xffff  }
0x152: {  	v21 =	vor.u32 $0x2, v4;
	v23 =	vadd.f32 v23, v31;
	v26 =	vmul.f32 v26, v43;
	v20 =	vld.idx.msk [tilespmem:v20+s19+$0x0], $0xffff  }
0x153: {  	v19 =	vadd.f32 v19, v27;
	v15 =	vmul.f32 v24, v15  }
0x154: {  	v24 =	vadd.f32 v34, v30;
	v23 =	vadd.f32 v26, v23;
	v26 =	vmul.f32 v40, v46  }
0x155: {  	s1 =	sadd.s32 $0xFFFFF200, s0;
	v15 =	vadd.f32 v15, v19;
	v11 =	vmul.f32 v25, v11;
	v19 =	vmul.f32 v35, v43;
	v25 =	vld.idx.msk [tilespmem:v48+s19+$0x0], $0xffff  }
0x156: {  	v27 =	vor.u32 s1, v0;
	s1 =	sadd.s32 $0xFFFFF400, s0;
	v16 =	vmul.f32 v36, v16;
	v23 =	vadd.f32 v26, v23;
	v26 =	vld.idx.msk [tilespmem:v41+s19+$0x0], $0xffff  }
0x157: {  	v33 =	vshll.u32 v27, $0x3;
	v30 =	vmov s1;
	v11 =	vadd.f32 v11, v15;
	v15 =	vld.idx.msk [tilespmem:v42+s19+$0x0], $0xffff  }
0x158: {  	v37 =	vor.u32 $0x2, v33;
	v36 =	vor.u32 $0x1, v33;
	v20 =	vmul.f32 v20, v43;
	[tilespmem:v17+s28+$0x0] =	vst.idx.msk $0xffff, v23  }
0x159: {  	v17 =	vor.u32 $0x3, v33;
	v23 =	vshll.u32 v30, $0x3;
	v11 =	vadd.f32 v16, v11  }
0x15a: {  	s1 =	sadd.s32 $0xFFFFF600, s0;
	v30 =	vor.u32 v3, v23;
	v16 =	vadd.f32 v20, v32;
	v20 =	vmul.f32 v22, v43  }
0x15b: {  	v22 =	vmov s1;
	v39 =	vor.u32 $0x2, v30;
	v11 =	vadd.f32 v18, v11  }
0x15c: {  	v18 =	vshll.u32 v22, $0x3;
	v20 =	vadd.f32 v20, v24;
	v22 =	vmul.f32 v26, v46  }
0x15d: {  	s7 =	sadd.s32 $0xFFFFFE00, s0;
	s1 =	sadd.s32 $0xFFFFF800, s0;
	v23 =	vmul.f32 v25, v46;
	v18 =	vor.u32 v3, v18;
	v15 =	vmul.f32 v15, v46  }
0x15e: {  	v41 =	vor.u32 $0x2, v18;
	v24 =	vor.u32 $0x3, v18;
	v11 =	vadd.f32 v19, v11  }
0x15f: {  	v42 =	vor.u32 $0x1, v18;
	v19 =	vmov s1;
	v16 =	vadd.f32 v23, v16  }
0x160: {  	v23 =	vmov s7;
	v19 =	vshll.u32 v19, $0x3;
	v20 =	vadd.f32 v22, v20  }
0x161: {  	v31 =	vor.u32 v3, v19;
	v19 =	vshll.u32 v23, $0x3;
	v11 =	vadd.f32 v15, v11;
	[tilespmem:v28+s28+$0x0] =	vst.idx.msk $0xffff, v16  }
0x162: {  	v34 =	vor.u32 $0x1, v31;
	v25 =	vor.u32 $0x3, v31;
	v26 =	vor.u32 v3, v19;
	[tilespmem:v10+s28+$0x0] =	vst.idx.msk $0xffff, v20  }
0x163: {  	v44 =	vor.u32 $0x2, v31;
	v22 =	vor.u32 $0x2, v26;
	v20 =	vor.u32 $0x1, v26;
	[tilespmem:v6+s28+$0x0] =	vst.idx.msk $0xffff, v11  }
0x164: {  	v35 =	vor.u32 $0x3, v26;
	v11 =	vld [tilespmem:s30+$0xFFFFFE00]  }
0x165: {  	v32 =	vor.u32 $0x3, v30;
	v15 =	vld [tilespmem:s30+$0xFFFFFC00]  }
0x166: {  	v38 =	vld.idx.msk [tilespmem:v38+s19+$0x0], $0xffff  }
0x167: {  	v45 =	vld.idx.msk [tilespmem:v29+s19+$0x0], $0xffff  }
0x168: {  	v29 =	vor.u32 $0x1, v5;
	v19 =	vld [tilespmem:s30+$0xFFFFFA00]  }
0x169: {  	v16 =	vld [tilespmem:s30+$0x0]  }
0x16a: {  	v46 =	vld [tilespmem:s30+$0xFFFFF800]  }
0x16b: {  	v40 =	vld.idx.msk [tilespmem:v17+s19+$0x0], $0xffff  }
0x16c: {  	v28 =	vshll.u32 v27, $0x7;
	v33 =	vld.idx.msk [tilespmem:v33+s19+$0x0], $0xffff  }
0x16d: {  	v6 =	vor.u32 v14, v28;
	v23 =	vld [tilespmem:s30+$0x200]  }
0x16e: {  	v10 =	vor.u32 v12, v28;
	v34 =	vld.idx.msk [tilespmem:v34+s19+$0x0], $0xffff  }
0x16f: {  	v17 =	vor.u32 v8, v28;
	v36 =	vld.idx.msk [tilespmem:v36+s19+$0x0], $0xffff  }
0x170: {  	v47 =	vld.idx.msk [tilespmem:v37+s19+$0x0], $0xffff  }
0x171: {  	v48 =	vor.u32 $0x1, v30;
	v27 =	vmul.f32 v40, v46;
	v43 =	vld.idx.msk [tilespmem:v39+s19+$0x0], $0xffff  }
.Ltmp2:
0x172: {  	v39 =	vmul.f32 v33, v46;
	v40 =	vld.idx.msk [tilespmem:v18+s19+$0x0], $0xffff;
	v18 =	vmul.f32 v38, v23;
	(pc) =	sbr.rel @p0 .LBB2_8-.Ltmp2, $4  }
0x173: {  	v33 =	vmul.f32 v45, v16;
	v37 =	vld.idx.msk [tilespmem:v41+s19+$0x0], $0xffff  }
0x174: {  	v42 =	vld.idx.msk [tilespmem:v42+s19+$0x0], $0xffff  }
0x175: {  	v38 =	vmul.f32 v36, v46;
	v41 =	vld.idx.msk [tilespmem:v44+s19+$0x0], $0xffff  }
0x176: {  	s7 =	smov.u32 s6;
	v36 =	vadd.f32 $0.0e+00, v39;
	v44 =	vmul.f32 v47, v46;
	v39 =	vld.idx.msk [tilespmem:v48+s19+$0x0], $0xffff  }
0x177: {  	_ =	sdelay $0x3  }
0x178: {  	v8 =	vld.idx.msk [tilespmem:v30+s19+$0x0], $0xffff  }
0x179: {  	v12 =	vld.idx.msk [tilespmem:v31+s19+$0x0], $0xffff  }
0x17a: {  	v14 =	vld.idx.msk [tilespmem:v29+s19+$0x0], $0xffff  }
0x17b: {  	v5 =	vld.idx.msk [tilespmem:v5+s19+$0x0], $0xffff  }
0x17c: {  	v29 =	vld [tilespmem:s31+$0x600]  }
0x17d: {  	v61 =	vmul.f32 v43, v19;
	v9 =	vor.u32 v9, v28;
	v21 =	vld.idx.msk [tilespmem:v21+s19+$0x0], $0xffff  }
0x17e: {  	v63 =	vmov s0;
	v40 =	vmul.f32 v40, v15;
	v38 =	vadd.f32 $0.0e+00, v38;
	v32 =	vld.idx.msk [tilespmem:v32+s19+$0x0], $0xffff  }
0x17f: {  	v34 =	vmul.f32 v34, v11;
	v13 =	vld.idx.msk [tilespmem:v13+s19+$0x0], $0xffff;
	v27 =	vadd.f32 $0.0e+00, v27;
	v62 =	vadd.f32 $0.0e+00, v44  }
0x180: {  	v24 =	vld.idx.msk [tilespmem:v24+s19+$0x0], $0xffff;
	v37 =	vmul.f32 v37, v15;
	v28 =	vshll.u32 v63, $0x3;
	v42 =	vmul.f32 v42, v15  }
0x181: {  	v4 =	vld.idx.msk [tilespmem:v4+s19+$0x0], $0xffff;
	v28 =	vor.u32 v3, v28;
	v30 =	vadd.f32 v61, v62;
	v41 =	vmul.f32 v41, v11  }
0x182: {  	v25 =	vld.idx.msk [tilespmem:v25+s19+$0x0], $0xffff;
	v46 =	vor.u32 $0x1, v28;
	v47 =	vor.u32 $0x2, v28;
	v8 =	vmul.f32 v8, v19  }
0x183: {  	v26 =	vld.idx.msk [tilespmem:v26+s19+$0x0], $0xffff;
	v49 =	vor.u32 $0x3, v28;
	v39 =	vmul.f32 v39, v19;
	v30 =	vadd.f32 v37, v30  }
0x184: {  	v7 =	vld.idx.msk [tilespmem:v7+s19+$0x0], $0xffff;
	v12 =	vmul.f32 v12, v11;
	v14 =	vmul.f32 v14, v16;
	v8 =	vadd.f32 v8, v36  }
0x185: {  	v53 =	vld.idx.msk [tilespmem:v22+s19+$0x0], $0xffff;
	v48 =	vmul.f32 v32, v19;
	v50 =	vmul.f32 v24, v15;
	v45 =	vadd.f32 v39, v38  }
0x186: {  	v44 =	vld [tilespmem:s31+$0x400];
	v5 =	vmul.f32 v5, v16;
	v13 =	vmul.f32 v13, v23;
	v8 =	vadd.f32 v40, v8  }
0x187: {  	v52 =	vld.idx.msk [tilespmem:v20+s19+$0x0], $0xffff;
	v54 =	vmul.f32 v25, v11;
	v19 =	vadd.f32 v48, v27;
	v37 =	vadd.f32 v42, v45  }
0x188: {  	v55 =	vmul.f32 v21, v23;
	v30 =	vadd.f32 v41, v30;
	v28 =	vld.idx.msk [tilespmem:v28+s19+$0x0], $0xffff;
	v8 =	vadd.f32 v12, v8  }
0x189: {  	v4 =	vmul.f32 v4, v23;
	v56 =	vld.idx.msk [tilespmem:v46+s19+$0x0], $0xffff;
	v15 =	vadd.f32 v50, v19;
	v34 =	vadd.f32 v34, v37  }
0x18a: {  	v35 =	vld.idx.msk [tilespmem:v35+s19+$0x0], $0xffff;
	v7 =	vmul.f32 v7, v16;
	v30 =	vadd.f32 v33, v30;
	v5 =	vadd.f32 v5, v8  }
0x18b: {  	v61 =	vmul.f32 v53, v44;
	v57 =	vld.idx.msk [tilespmem:v47+s19+$0x0], $0xffff;
	v11 =	vadd.f32 v54, v15;
	v51 =	vadd.f32 v14, v34  }
0x18c: {  	v59 =	vld.idx.msk [tilespmem:v49+s19+$0x0], $0xffff;
	v58 =	vadd.f32 v55, v30;
	v4 =	vadd.f32 v4, v5;
	v5 =	vmul.f32 v26, v44  }
0x18d: {  	v14 =	vmul.f32 v52, v44;
	v7 =	vadd.f32 v7, v11;
	v12 =	vadd.f32 v13, v51  }
0x18e: {  	v60 =	vmul.f32 v28, v29;
	v8 =	vmul.f32 v56, v29;
	v4 =	vadd.f32 v5, v4  }
0x18f: {  	s29 =	sadd.s32 $0x1, s29;
	v7 =	vadd.f32 v18, v7;
	v12 =	vadd.f32 v14, v12;
	v5 =	vmul.f32 v35, v44  }
0x190: {  	p0 =	sne.s32 s29, $0x7;
	v11 =	vadd.f32 v61, v58;
	v13 =	vmul.f32 v57, v29;
	v4 =	vadd.f32 v60, v4  }
.Ltmp3:
0x191: {  	v62 =	vmul.f32 v59, v29;
	v63 =	vadd.f32 v8, v12;
	v5 =	vadd.f32 v5, v7;
	(pc) =	sbr.rel @p0 .LBB2_5-.Ltmp3, $4  }
0x192: {  	[tilespmem:v17+s28+$0x0] =	vst.idx.msk $0xffff, v4;
	v4 =	vadd.f32 v13, v11  }
0x193: {  	v5 =	vadd.f32 v62, v5;
	[tilespmem:v9+s28+$0x0] =	vst.idx.msk $0xffff, v63  }
0x194: {  	[tilespmem:v10+s28+$0x0] =	vst.idx.msk $0xffff, v4  }
0x195: {  	[tilespmem:v6+s28+$0x0] =	vst.idx.msk $0xffff, v5  }
0x196: {  	s29 =	simm.s32 $0x7  }
.LBB2_11:
0x197: {  	s0 =	sshll.u32 s29, $0x4  }
0x198: {  	s30 =	simm.s32 $0xE00;
	v4 =	vld [tilespmem:s0+$0x600]  }
0x199: {  	v5 =	vld [tilespmem:s30+$0xFFFFF200]  }
0x19a: {  	v6 =	vld [tilespmem:s30+$0xFFFFF400]  }
0x19b: {  	v7 =	vld [tilespmem:s30+$0xFFFFF600];
	_ =	sdelay $0x3  }
0x19c: {  	v5 =	vmul.f32 v5, v4;
	v6 =	vmul.f32 v6, v4  }
0x19d: {  	v7 =	vmul.f32 v7, v4  }
0x19e: {  	v8 =	vtrunc.f32 v5;
	v9 =	vtrunc.f32 v6  }
0x19f: {  	vm0 =	vlt.f32 v5, v8;
	v8 =	vcvt.f32.s32 v8;
	v11 =	vcvt.f32.s32 v9  }
0x1a0: {  	vm14 =	vlt.f32 v6, v9;
	v9 =	vtrunc.f32 v7;
	v10 =	vsel vm0, $0xFFFFFFFF, v2  }
0x1a1: {  	v12 =	vsel vm14, $0xFFFFFFFF, v2;
	v13 =	vcvt.f32.s32 v9;
	vm15 =	vlt.f32 v7, v9  }
0x1a2: {  	v8 =	vadd.s32 v8, v10;
	v9 =	vadd.s32 v11, v12;
	v10 =	vsel vm15, $0xFFFFFFFF, v2  }
0x1a3: {  	v11 =	vcvt.s32.f32 v8;
	v12 =	vcvt.s32.f32 v9;
	v10 =	vadd.s32 v13, v10  }
0x1a4: {  	v13 =	vcvt.s32.f32 v10  }
0x1a5: {  	v11 =	vsub.f32 v5, v11;
	v6 =	vsub.f32 v6, v12  }
0x1a6: {  	v9 =	vmul.u32 $0x9E3779B1, v9;
	v56 =	vadd.s32 $0x1, v8;
	v5 =	vld [tilespmem:s0+$0x710];
	v13 =	vsub.f32 v7, v13  }
0x1a7: {  	v10 =	vmul.u32 $0x30025795, v10;
	v14 =	vsub.f32 $1.000000000e+00, v6;
	v15 =	vsub.f32 $1.000000000e+00, v11  }
0x1a8: {  	s8 =	simm.s32 $0x0;
	v16 =	vxor.u32 v56, v9;
	v7 =	vxor.u32 v8, v9;
	v9 =	vadd.s32 $0x9E3779B1, v9  }
0x1a9: {  	s31 =	simm.s32 $0x0;
	s0 =	sand.u32 $0x600, s8;
	v17 =	vxor.u32 v10, v7;
	v19 =	vsub.f32 $1.000000000e+00, v13;
	v20 =	vmul.f32 v14, v15  }
0x1aa: {  	s1 =	simm.s32 $0x800;
	s6 =	sand.u32 $0x70, s31;
	v18 =	vxor.u32 v10, v16;
	s0 =	sshrl.u32 s0, $0x2;
	v8 =	vxor.u32 v8, v9;
	v17 =	vand.u32 $0x1FFFFF, v17  }
0x1ab: {  	s1 =	sand.u32 $0xE00, s1;
	s0 =	sor.u32 s6, s0;
	v14 =	vmul.f32 v14, v11;
	v17 =	vadd.s32 v5, v17;
	v21 =	vmul.f32 v19, v20  }
0x1ac: {  	s12 =	simm.s32 $0x1000;
	s11 =	sshrl.u32 s1, $0x2;
	v18 =	vand.u32 $0x1FFFFF, v18;
	v9 =	vxor.u32 v56, v9;
	v57 =	vxor.u32 v10, v8;
	[tilespmem:s0+$0x820] =	vst v17  }
0x1ad: {  	s1 =	sand.u32 $0x1600, s12;
	v15 =	vmul.f32 v6, v15;
	v58 =	vadd.s32 v5, v18;
	v59 =	vmul.f32 v19, v14;
	s0 =	sor.u32 s6, s11;
	[tilespmem:s30+$0xA20] =	vst v21  }
0x1ae: {  	s7 =	sshrl.u32 s1, $0x2;
	s8 =	simm.s32 $0x1800;
	v60 =	vxor.u32 v10, v9;
	v12 =	vand.u32 $0x1FFFFF, v57;
	[tilespmem:s0+$0x820] =	vst v58  }
0x1af: {  	s12 =	simm.s32 $0x2000;
	s1 =	sand.u32 $0x1E00, s8;
	v6 =	vmul.f32 v6, v11;
	v11 =	vadd.s32 v5, v12;
	v22 =	vmul.f32 v19, v15;
	s0 =	sor.u32 s6, s7;
	[tilespmem:s30+$0xC20] =	vst v59  }
0x1b0: {  	v10 =	vadd.s32 $0x30025795, v10;
	v61 =	vand.u32 $0x1FFFFF, v60;
	s11 =	sshrl.u32 s1, $0x2;
	[tilespmem:s0+$0x820] =	vst v11  }
0x1b1: {  	v7 =	vxor.u32 v7, v10;
	v62 =	vmul.f32 v19, v6;
	s1 =	sand.u32 $0x2600, s12;
	v11 =	vadd.s32 v5, v61;
	s0 =	sor.u32 s6, s11;
	[tilespmem:s30+$0xE20] =	vst v22  }
0x1b2: {  	s8 =	simm.s32 $0x2800;
	v7 =	vand.u32 $0x1FFFFF, v7;
	s7 =	sshrl.u32 s1, $0x2;
	[tilespmem:s0+$0x820] =	vst v11  }
0x1b3: {  	v16 =	vxor.u32 v16, v10;
	v7 =	vadd.s32 v5, v7;
	s1 =	sand.u32 $0x2E00, s8;
	v11 =	vmul.f32 v20, v13;
	s0 =	sor.u32 s6, s7;
	[tilespmem:s30+$0x1020] =	vst v62  }
0x1b4: {  	v63 =	vand.u32 $0x1FFFFF, v16;
	s12 =	simm.s32 $0x3000;
	s11 =	sshrl.u32 s1, $0x2;
	[tilespmem:s0+$0x820] =	vst v7  }
0x1b5: {  	s1 =	sand.u32 $0x3600, s12;
	s7 =	simm.s32 $0x3800;
	v7 =	vxor.u32 v10, v8;
	v8 =	vmul.f32 v14, v13;
	s0 =	sor.u32 s6, s11;
	[tilespmem:s30+$0x1220] =	vst v11;
	v11 =	vadd.s32 v5, v63  }
0x1b6: {  	v9 =	vxor.u32 v10, v9;
	s1 =	sshrl.u32 s1, $0x2;
	s7 =	sand.u32 $0x3E00, s7;
	v7 =	vand.u32 $0x1FFFFF, v7;
	[tilespmem:s0+$0x820] =	vst v11  }
0x1b7: {  	v9 =	vand.u32 $0x1FFFFF, v9;
	s8 =	sshrl.u32 s7, $0x2;
	s11 =	sor.u32 s6, s1;
	v10 =	vadd.s32 v5, v7;
	[tilespmem:s30+$0x1420] =	vst v8  }
0x1b8: {  	v6 =	vmul.f32 v13, v6;
	s12 =	sor.u32 s6, s8;
	s0 =	simm.s32 $0x3840;
	v7 =	vadd.s32 v5, v9;
	v8 =	vmul.f32 v13, v15;
	[tilespmem:s11+$0x820] =	vst v10  }
.LBB2_12:
0x1b9: {  	p0 =	sne.s32 s0, $0x3FC0  }
0x1ba: {  	[tilespmem:s30+$0x1620] =	vst v8;
	s31 =	sadd.s32 $0x10, s31;
	s6 =	smov.u32 s0;
	s0 =	sadd.s32 $0x40, s0  }
0x1bb: {  	s1 =	sshra.s32 s6, $0x2;
	[tilespmem:s12+$0x820] =	vst v7  }
0x1bc: {  	v7 =	vld [tilespmem:s1+$0xFFFFF200];
	[tilespmem:s30+$0x1820] =	vst v6;
	s30 =	smov.u32 s1  }
0x1bd: {  	v6 =	vld [tilespmem:s30+$0xFFFFF400]  }
0x1be: {  	v8 =	vld [tilespmem:s30+$0xFFFFF600];
	_ =	sdelay $0x2  }
0x1bf: {  	v7 =	vmul.f32 v7, v4  }
0x1c0: {  	v6 =	vmul.f32 v6, v4  }
0x1c1: {  	v8 =	vmul.f32 v8, v4;
	v9 =	vtrunc.f32 v7  }
0x1c2: {  	v10 =	vcvt.f32.s32 v9;
	vm0 =	vlt.f32 v7, v9;
	v9 =	vtrunc.f32 v6  }
0x1c3: {  	v11 =	vsel vm0, $0xFFFFFFFF, v2;
	v12 =	vcvt.f32.s32 v9;
	vm0 =	vlt.f32 v6, v9  }
0x1c4: {  	v9 =	vadd.s32 v10, v11;
	v10 =	vsel vm0, $0xFFFFFFFF, v2;
	v11 =	vtrunc.f32 v8  }
0x1c5: {  	v10 =	vadd.s32 v12, v10;
	v12 =	vcvt.f32.s32 v11;
	vm0 =	vlt.f32 v8, v11  }
0x1c6: {  	v11 =	vcvt.s32.f32 v9;
	v13 =	vcvt.s32.f32 v10;
	v14 =	vsel vm0, $0xFFFFFFFF, v2  }
0x1c7: {  	v10 =	vmul.u32 $0x9E3779B1, v10;
	v12 =	vadd.s32 v12, v14;
	v14 =	vadd.s32 $0x1, v9  }
0x1c8: {  	v7 =	vsub.f32 v7, v11;
	v6 =	vsub.f32 v6, v13;
	v11 =	vcvt.s32.f32 v12  }
0x1c9: {  	v13 =	vxor.u32 v9, v10;
	v12 =	vmul.u32 $0x30025795, v12;
	v15 =	vadd.s32 $0x9E3779B1, v10  }
0x1ca: {  	v10 =	vxor.u32 v14, v10;
	v8 =	vsub.f32 v8, v11;
	v11 =	vsub.f32 $1.000000000e+00, v6  }
0x1cb: {  	s1 =	sadd.s32 $0xFFFFC800, s6;
	v16 =	vsub.f32 $1.000000000e+00, v7;
	v17 =	vxor.u32 v12, v13;
	v18 =	vxor.u32 v12, v10  }
0x1cc: {  	s8 =	sand.u32 $0x3E00, s6;
	s1 =	sand.u32 $0x600, s1;
	v17 =	vand.u32 $0x1FFFFF, v17;
	v18 =	vand.u32 $0x1FFFFF, v18;
	v19 =	vsub.f32 $1.000000000e+00, v8  }
0x1cd: {  	s7 =	sand.u32 $0x70, s31;
	s8 =	sshrl.u32 s8, $0x2;
	s1 =	sshrl.u32 s1, $0x2;
	v17 =	vadd.s32 v5, v17;
	v20 =	vmul.f32 v11, v16;
	v11 =	vmul.f32 v11, v7  }
0x1ce: {  	s11 =	sadd.s32 $0xFFFFD000, s6;
	s12 =	sor.u32 s7, s8;
	s1 =	sor.u32 s7, s1;
	v9 =	vxor.u32 v9, v15;
	v14 =	vxor.u32 v14, v15;
	v16 =	vmul.f32 v6, v16  }
0x1cf: {  	v21 =	vxor.u32 v12, v14;
	v15 =	vmul.f32 v19, v20;
	[tilespmem:s1+$0x820] =	vst v17;
	s1 =	sand.u32 $0xE00, s11;
	v17 =	vxor.u32 v12, v9  }
0x1d0: {  	s8 =	sadd.s32 $0xFFFFD800, s6;
	v18 =	vadd.s32 v5, v18;
	v22 =	vmul.f32 v19, v16;
	s1 =	sshrl.u32 s1, $0x2;
	v17 =	vand.u32 $0x1FFFFF, v17  }
0x1d1: {  	s8 =	sand.u32 $0x1600, s8;
	v21 =	vand.u32 $0x1FFFFF, v21;
	v6 =	vmul.f32 v6, v7;
	[tilespmem:s30+$0xA20] =	vst v15;
	v15 =	vmul.f32 v19, v11;
	s1 =	sor.u32 s7, s1  }
0x1d2: {  	v12 =	vadd.s32 $0x30025795, v12;
	v7 =	vadd.s32 v5, v17;
	v17 =	vmul.f32 v20, v8;
	[tilespmem:s1+$0x820] =	vst v18;
	s1 =	sshrl.u32 s8, $0x2;
	s8 =	sadd.s32 $0xFFFFE000, s6  }
0x1d3: {  	v13 =	vxor.u32 v13, v12;
	v9 =	vxor.u32 v12, v9;
	v14 =	vxor.u32 v12, v14;
	[tilespmem:s30+$0xC20] =	vst v15;
	s1 =	sor.u32 s7, s1;
	s8 =	sand.u32 $0x1E00, s8  }
0x1d4: {  	v13 =	vand.u32 $0x1FFFFF, v13;
	v15 =	vmul.f32 v19, v6;
	[tilespmem:s1+$0x820] =	vst v7;
	v7 =	vadd.s32 v5, v21;
	s1 =	sshrl.u32 s8, $0x2;
	s8 =	sadd.s32 $0xFFFFE800, s6  }
0x1d5: {  	v11 =	vmul.f32 v11, v8;
	v9 =	vand.u32 $0x1FFFFF, v9;
	v14 =	vand.u32 $0x1FFFFF, v14;
	[tilespmem:s30+$0xE20] =	vst v22;
	s1 =	sor.u32 s7, s1;
	s8 =	sand.u32 $0x2600, s8  }
0x1d6: {  	v10 =	vxor.u32 v10, v12;
	v6 =	vmul.f32 v8, v6;
	[tilespmem:s1+$0x820] =	vst v7;
	s1 =	sshrl.u32 s8, $0x2;
	s8 =	sadd.s32 $0xFFFFF000, s6;
	v7 =	vadd.s32 v5, v14  }
0x1d7: {  	v10 =	vand.u32 $0x1FFFFF, v10;
	v12 =	vadd.s32 v5, v13;
	v8 =	vmul.f32 v8, v16;
	[tilespmem:s30+$0x1020] =	vst v15;
	s1 =	sor.u32 s7, s1;
	s8 =	sand.u32 $0x2E00, s8  }
.Ltmp4:
0x1d8: {  	s6 =	sadd.s32 $0xFFFFF800, s6;
	[tilespmem:s1+$0x820] =	vst v12;
	s1 =	sshrl.u32 s8, $0x2;
	(pc) =	sbr.rel @p0 .LBB2_12-.Ltmp4, $4  }
0x1d9: {  	v10 =	vadd.s32 v5, v10;
	s6 =	sand.u32 $0x3600, s6;
	[tilespmem:s30+$0x1220] =	vst v17;
	s1 =	sor.u32 s7, s1  }
0x1da: {  	[tilespmem:s1+$0x820] =	vst v10;
	s1 =	sshrl.u32 s6, $0x2  }
0x1db: {  	v9 =	vadd.s32 v5, v9;
	[tilespmem:s30+$0x1420] =	vst v11;
	s1 =	sor.u32 s7, s1  }
0x1dc: {  	[tilespmem:s1+$0x820] =	vst v9  }
0x1dd: {  	[tilespmem:s30+$0x1620] =	vst v8  }
0x1de: {  	[tilespmem:s12+$0x820] =	vst v7  }
0x1df: {  	[tilespmem:s30+$0x1820] =	vst v6  }
0x1e0: {  	[tilespmem:s19], [sflag:$0x1] =	stream.indirect.gather [hbm4b:s5+s17], $0x8, s14, s17, $0xb8;
	[tilespmem:$0x1A820] =	vst v63  }
0x1e1: {  	s0 =	simm.s32 $0x8A0;
	s1 =	simm.s32 $0x2C20  }
0x1e2: {  	[tilespmem:s1], [sflag:$0x1] =	stream.indirect.gather [hbm4b:s5+s17], $0x8, s0, s17, $0xb8;
	[tilespmem:$0x1A820] =	vst v63  }
0x1e3: {  	s11 =	simm.s32 $0x920;
	s12 =	simm.s32 $0x3020  }
0x1e4: {  	[tilespmem:s12], [sflag:$0x1] =	stream.indirect.gather [hbm4b:s5+s17], $0x8, s11, s17, $0xb8;
	[tilespmem:$0x1A820] =	vst v63  }
0x1e5: {  	s6 =	simm.s32 $0x3420;
	s1 =	simm.s32 $0x9A0  }
0x1e6: {  	[tilespmem:s6], [sflag:$0x1] =	stream.indirect.gather [hbm4b:s5+s17], $0x8, s1, s17, $0xb8;
	[tilespmem:$0x1A820] =	vst v63  }
0x1e7: {  	s7 =	simm.s32 $0xA20;
	s8 =	simm.s32 $0x3820  }
0x1e8: {  	[tilespmem:s8], [sflag:$0x1] =	stream.indirect.gather [hbm4b:s5+s17], $0x8, s7, s17, $0xb8;
	[tilespmem:$0x1A820] =	vst v63  }
0x1e9: {  	s11 =	simm.s32 $0xAA0;
	s12 =	simm.s32 $0x3C20  }
0x1ea: {  	[tilespmem:s12], [sflag:$0x1] =	stream.indirect.gather [hbm4b:s5+s17], $0x8, s11, s17, $0xb8;
	[tilespmem:$0x1A820] =	vst v63  }
0x1eb: {  	s1 =	simm.s32 $0xB20;
	s6 =	simm.s32 $0x4020  }
0x1ec: {  	[tilespmem:s6], [sflag:$0x1] =	stream.indirect.gather [hbm4b:s5+s17], $0x8, s1, s17, $0xb8;
	[tilespmem:$0x1A820] =	vst v63  }
0x1ed: {  	s7 =	simm.s32 $0xBA0;
	s8 =	simm.s32 $0x4420  }
0x1ee: {  	[tilespmem:s8], [sflag:$0x1] =	stream.indirect.gather [hbm4b:s5+s17], $0x8, s7, s17, $0xb8;
	[tilespmem:$0x1A820] =	vst v63  }
0x1ef: {  	s11 =	simm.s32 $0xC20;
	s12 =	simm.s32 $0x4820  }
0x1f0: {  	[tilespmem:s12], [sflag:$0x1] =	stream.indirect.gather [hbm4b:s5+s17], $0x8, s11, s17, $0xb8;
	[tilespmem:$0x1A820] =	vst v63  }
0x1f1: {  	s1 =	simm.s32 $0xCA0;
	s6 =	simm.s32 $0x4C20  }
0x1f2: {  	[tilespmem:s6], [sflag:$0x1] =	stream.indirect.gather [hbm4b:s5+s17], $0x8, s1, s17, $0xb8;
	[tilespmem:$0x1A820] =	vst v63  }
0x1f3: {  	s7 =	simm.s32 $0xD20;
	s8 =	simm.s32 $0x5020  }
0x1f4: {  	[tilespmem:s8], [sflag:$0x1] =	stream.indirect.gather [hbm4b:s5+s17], $0x8, s7, s17, $0xb8;
	[tilespmem:$0x1A820] =	vst v63  }
0x1f5: {  	s11 =	simm.s32 $0xDA0;
	s12 =	simm.s32 $0x5420  }
0x1f6: {  	[tilespmem:s12], [sflag:$0x1] =	stream.indirect.gather [hbm4b:s5+s17], $0x8, s11, s17, $0xb8;
	[tilespmem:$0x1A820] =	vst v63  }
0x1f7: {  	s1 =	simm.s32 $0xE20;
	s6 =	simm.s32 $0x5820  }
0x1f8: {  	[tilespmem:s6], [sflag:$0x1] =	stream.indirect.gather [hbm4b:s5+s17], $0x8, s1, s17, $0xb8;
	[tilespmem:$0x1A820] =	vst v63  }
0x1f9: {  	s7 =	simm.s32 $0xEA0;
	s8 =	simm.s32 $0x5C20  }
0x1fa: {  	[tilespmem:s8], [sflag:$0x1] =	stream.indirect.gather [hbm4b:s5+s17], $0x8, s7, s17, $0xb8;
	[tilespmem:$0x1A820] =	vst v63  }
0x1fb: {  	s11 =	simm.s32 $0xF20;
	s12 =	simm.s32 $0x6020  }
0x1fc: {  	[tilespmem:s12], [sflag:$0x1] =	stream.indirect.gather [hbm4b:s5+s17], $0x8, s11, s17, $0xb8;
	[tilespmem:$0x1A820] =	vst v63  }
0x1fd: {  	s1 =	simm.s32 $0xFA0;
	s6 =	simm.s32 $0x6420  }
0x1fe: {  	[tilespmem:s6], [sflag:$0x1] =	stream.indirect.gather [hbm4b:s5+s17], $0x8, s1, s17, $0xb8;
	[tilespmem:$0x1A820] =	vst v63  }
0x1ff: {  	s7 =	simm.s32 $0x1020;
	s8 =	simm.s32 $0x6820  }
0x200: {  	[tilespmem:s8], [sflag:$0x1] =	stream.indirect.gather [hbm4b:s5+s17], $0x8, s7, s17, $0xb8;
	[tilespmem:$0x1A820] =	vst v63  }
0x201: {  	s11 =	simm.s32 $0x10A0;
	s12 =	simm.s32 $0x6C20  }
0x202: {  	[tilespmem:s12], [sflag:$0x1] =	stream.indirect.gather [hbm4b:s5+s17], $0x8, s11, s17, $0xb8;
	[tilespmem:$0x1A820] =	vst v63  }
0x203: {  	s1 =	simm.s32 $0x1120;
	s6 =	simm.s32 $0x7020  }
0x204: {  	[tilespmem:s6], [sflag:$0x1] =	stream.indirect.gather [hbm4b:s5+s17], $0x8, s1, s17, $0xb8;
	[tilespmem:$0x1A820] =	vst v63  }
0x205: {  	s7 =	simm.s32 $0x11A0;
	s8 =	simm.s32 $0x7420  }
0x206: {  	[tilespmem:s8], [sflag:$0x1] =	stream.indirect.gather [hbm4b:s5+s17], $0x8, s7, s17, $0xb8;
	[tilespmem:$0x1A820] =	vst v63  }
0x207: {  	s11 =	simm.s32 $0x1220;
	s12 =	simm.s32 $0x7820  }
0x208: {  	[tilespmem:s12], [sflag:$0x1] =	stream.indirect.gather [hbm4b:s5+s17], $0x8, s11, s17, $0xb8;
	[tilespmem:$0x1A820] =	vst v63  }
0x209: {  	s1 =	simm.s32 $0x12A0;
	s6 =	simm.s32 $0x7C20  }
0x20a: {  	[tilespmem:s6], [sflag:$0x1] =	stream.indirect.gather [hbm4b:s5+s17], $0x8, s1, s17, $0xb8;
	[tilespmem:$0x1A820] =	vst v63  }
0x20b: {  	s7 =	simm.s32 $0x1320;
	s8 =	simm.s32 $0x8020  }
0x20c: {  	[tilespmem:s8], [sflag:$0x1] =	stream.indirect.gather [hbm4b:s5+s17], $0x8, s7, s17, $0xb8;
	[tilespmem:$0x1A820] =	vst v63  }
0x20d: {  	s11 =	simm.s32 $0x13A0;
	s12 =	simm.s32 $0x8420  }
0x20e: {  	[tilespmem:s12], [sflag:$0x1] =	stream.indirect.gather [hbm4b:s5+s17], $0x8, s11, s17, $0xb8;
	[tilespmem:$0x1A820] =	vst v63  }
0x20f: {  	s1 =	simm.s32 $0x1420  }
0x210: {  	[tilespmem:s15], [sflag:$0x1] =	stream.indirect.gather [hbm4b:s5+s17], $0x8, s1, s17, $0xb8;
	[tilespmem:$0x1A820] =	vst v63  }
0x211: {  	_ = 	snop  }
0x212: {  	[tilespmem:s2], [sflag:$0x1] =	stream.indirect.gather [hbm4b:s5+s17], $0x8, s16, s17, $0xb8;
	[tilespmem:$0x1A820] =	vst v63  }
0x213: {  	_ = 	snop  }
0x214: {  	[tilespmem:s4], [sflag:$0x1] =	stream.indirect.gather [hbm4b:s5+s17], $0x8, s3, s17, $0xb8;
	[tilespmem:$0x1A820] =	vst v63  }
0x215: {  	_ = 	snop  }
0x216: {  	[tilespmem:s10], [sflag:$0x1] =	stream.indirect.gather [hbm4b:s5+s17], $0x8, s9, s17, $0xb8;
	[tilespmem:$0x1A820] =	vst v63  }
0x217: {  	_ = 	snop  }
0x218: {  	[tilespmem:s18], [sflag:$0x1] =	stream.indirect.gather [hbm4b:s5+s17], $0x8, s13, s17, $0xb8;
	[tilespmem:$0x1A820] =	vst v63  }
0x219: {  	_ = 	snop  }
0x21a: {  	[tilespmem:s21], [sflag:$0x1] =	stream.indirect.gather [hbm4b:s5+s17], $0x8, s20, s17, $0xb8;
	[tilespmem:$0x1A820] =	vst v63  }
0x21b: {  	_ = 	snop  }
0x21c: {  	[tilespmem:s23], [sflag:$0x1] =	stream.indirect.gather [hbm4b:s5+s17], $0x8, s22, s17, $0xb8;
	[tilespmem:$0x1A820] =	vst v63  }
0x21d: {  	_ = 	snop  }
0x21e: {  	[tilespmem:s25], [sflag:$0x1] =	stream.indirect.gather [hbm4b:s5+s17], $0x8, s24, s17, $0xb8;
	[tilespmem:$0x1A820] =	vst v63  }
0x21f: {  	_ =	swait.ge [sflag:s26], $0x400  }
0x220: {  	[sflag:s26] =	ssyncset.done $0x0  }
0x221: {  	[sflag:s26] =	ssyncadd.s32 $0xFFFFFC00  }
0x222: {  	_ =	swait.ge [sflag:s26], $0x400  }
0x223: {  	[sflag:s26] =	ssyncset.done $0x0  }
0x224: {  	[sflag:s26] =	ssyncadd.s32 $0xFFFFFC00  }
0x225: {  	_ =	swait.ge [sflag:s26], $0x400  }
0x226: {  	[sflag:s26] =	ssyncset.done $0x0  }
0x227: {  	[sflag:s26] =	ssyncadd.s32 $0xFFFFFC00  }
0x228: {  	_ =	swait.ge [sflag:s26], $0x400  }
0x229: {  	[sflag:s26] =	ssyncset.done $0x0  }
0x22a: {  	[sflag:s26] =	ssyncadd.s32 $0xFFFFFC00  }
0x22b: {  	_ =	swait.ge [sflag:s26], $0x400  }
0x22c: {  	[sflag:s26] =	ssyncset.done $0x0  }
0x22d: {  	[sflag:s26] =	ssyncadd.s32 $0xFFFFFC00  }
0x22e: {  	_ =	swait.ge [sflag:s26], $0x400  }
0x22f: {  	[sflag:s26] =	ssyncset.done $0x0  }
0x230: {  	[sflag:s26] =	ssyncadd.s32 $0xFFFFFC00  }
0x231: {  	_ =	swait.ge [sflag:s26], $0x400  }
0x232: {  	[sflag:s26] =	ssyncset.done $0x0  }
0x233: {  	[sflag:s26] =	ssyncadd.s32 $0xFFFFFC00  }
0x234: {  	_ =	swait.ge [sflag:s26], $0x400  }
0x235: {  	[sflag:s26] =	ssyncset.done $0x0  }
0x236: {  	[sflag:s26] =	ssyncadd.s32 $0xFFFFFC00  }
0x237: {  	_ =	swait.ge [sflag:s26], $0x400  }
0x238: {  	[sflag:s26] =	ssyncset.done $0x0  }
0x239: {  	[sflag:s26] =	ssyncadd.s32 $0xFFFFFC00  }
0x23a: {  	_ =	swait.ge [sflag:s26], $0x400  }
0x23b: {  	[sflag:s26] =	ssyncset.done $0x0  }
0x23c: {  	[sflag:s26] =	ssyncadd.s32 $0xFFFFFC00  }
0x23d: {  	_ =	swait.ge [sflag:s26], $0x400  }
0x23e: {  	[sflag:s26] =	ssyncset.done $0x0  }
0x23f: {  	[sflag:s26] =	ssyncadd.s32 $0xFFFFFC00  }
0x240: {  	_ =	swait.ge [sflag:s26], $0x400  }
0x241: {  	[sflag:s26] =	ssyncset.done $0x0  }
0x242: {  	[sflag:s26] =	ssyncadd.s32 $0xFFFFFC00  }
0x243: {  	_ =	swait.ge [sflag:s26], $0x400  }
0x244: {  	[sflag:s26] =	ssyncset.done $0x0  }
0x245: {  	[sflag:s26] =	ssyncadd.s32 $0xFFFFFC00  }
0x246: {  	_ =	swait.ge [sflag:s26], $0x400  }
0x247: {  	[sflag:s26] =	ssyncset.done $0x0  }
0x248: {  	[sflag:s26] =	ssyncadd.s32 $0xFFFFFC00  }
0x249: {  	_ =	swait.ge [sflag:s26], $0x400  }
0x24a: {  	[sflag:s26] =	ssyncset.done $0x0  }
0x24b: {  	[sflag:s26] =	ssyncadd.s32 $0xFFFFFC00  }
0x24c: {  	_ =	swait.ge [sflag:s26], $0x400  }
0x24d: {  	[sflag:s26] =	ssyncset.done $0x0  }
0x24e: {  	[sflag:s26] =	ssyncadd.s32 $0xFFFFFC00  }
0x24f: {  	_ =	swait.ge [sflag:s26], $0x400  }
0x250: {  	[sflag:s26] =	ssyncset.done $0x0  }
0x251: {  	[sflag:s26] =	ssyncadd.s32 $0xFFFFFC00  }
0x252: {  	_ =	swait.ge [sflag:s26], $0x400  }
0x253: {  	[sflag:s26] =	ssyncset.done $0x0  }
0x254: {  	[sflag:s26] =	ssyncadd.s32 $0xFFFFFC00  }
0x255: {  	_ =	swait.ge [sflag:s26], $0x400  }
0x256: {  	[sflag:s26] =	ssyncset.done $0x0  }
0x257: {  	[sflag:s26] =	ssyncadd.s32 $0xFFFFFC00  }
0x258: {  	_ =	swait.ge [sflag:s26], $0x400  }
0x259: {  	[sflag:s26] =	ssyncset.done $0x0  }
0x25a: {  	[sflag:s26] =	ssyncadd.s32 $0xFFFFFC00  }
0x25b: {  	_ =	swait.ge [sflag:s26], $0x400  }
0x25c: {  	[sflag:s26] =	ssyncset.done $0x0  }
0x25d: {  	[sflag:s26] =	ssyncadd.s32 $0xFFFFFC00  }
0x25e: {  	_ =	swait.ge [sflag:s26], $0x400  }
0x25f: {  	[sflag:s26] =	ssyncset.done $0x0  }
0x260: {  	[sflag:s26] =	ssyncadd.s32 $0xFFFFFC00  }
0x261: {  	_ =	swait.ge [sflag:s26], $0x400  }
0x262: {  	[sflag:s26] =	ssyncset.done $0x0  }
0x263: {  	[sflag:s26] =	ssyncadd.s32 $0xFFFFFC00  }
0x264: {  	_ =	swait.ge [sflag:s26], $0x400  }
0x265: {  	[sflag:s26] =	ssyncset.done $0x0  }
0x266: {  	[sflag:s26] =	ssyncadd.s32 $0xFFFFFC00  }
0x267: {  	_ =	swait.ge [sflag:s26], $0x400  }
0x268: {  	[sflag:s26] =	ssyncset.done $0x0  }
0x269: {  	[sflag:s26] =	ssyncadd.s32 $0xFFFFFC00  }
0x26a: {  	_ =	swait.ge [sflag:s26], $0x400  }
0x26b: {  	[sflag:s26] =	ssyncset.done $0x0  }
0x26c: {  	[sflag:s26] =	ssyncadd.s32 $0xFFFFFC00  }
0x26d: {  	_ =	swait.ge [sflag:s26], $0x400  }
0x26e: {  	[sflag:s26] =	ssyncset.done $0x0  }
0x26f: {  	[sflag:s26] =	ssyncadd.s32 $0xFFFFFC00  }
0x270: {  	_ =	swait.ge [sflag:s26], $0x400  }
0x271: {  	[sflag:s26] =	ssyncset.done $0x0  }
0x272: {  	[sflag:s26] =	ssyncadd.s32 $0xFFFFFC00  }
0x273: {  	_ =	swait.ge [sflag:s26], $0x400  }
0x274: {  	[sflag:s26] =	ssyncset.done $0x0  }
0x275: {  	[sflag:s26] =	ssyncadd.s32 $0xFFFFFC00  }
0x276: {  	_ =	swait.ge [sflag:s26], $0x400  }
0x277: {  	[sflag:s26] =	ssyncset.done $0x0  }
0x278: {  	s6 =	simm.s32 $0xA00;
	[sflag:s26] =	ssyncadd.s32 $0xFFFFFC00  }
0x279: {  	v4 =	vmov s6;
	s7 =	simm.s32 $0x800;
	_ =	swait.ge [sflag:s26], $0x400  }
0x27a: {  	v4 =	vshll.u32 v4, $0x3;
	v5 =	vmov s7;
	[sflag:s26] =	ssyncset.done $0x0  }
0x27b: {  	v4 =	vor.u32 v3, v4;
	v5 =	vshll.u32 v5, $0x3;
	[sflag:s26] =	ssyncadd.s32 $0xFFFFFC00  }
0x27c: {  	v6 =	vor.u32 $0x3, v4;
	v5 =	vor.u32 v3, v5;
	_ =	swait.ge [sflag:s26], $0x400  }
0x27d: {  	s11 =	simm.s32 $0x0;
	v7 =	vor.u32 $0x2, v5;
	[sflag:s26] =	ssyncset.done $0x0  }
0x27e: {  	s30 =	simm.s32 $0x2020;
	v10 =	vor.u32 s11, v0;
	[sflag:s26] =	ssyncadd.s32 $0xFFFFFC00  }
0x27f: {  	s6 =	simm.s32 $0x600;
	s8 =	sshll.u32 s29, $0x2;
	v13 =	vshll.u32 v10, $0x3;
	v11 =	vld [tilespmem:s30+$0xFFFFFE00]  }
0x280: {  	v12 =	vmov s6;
	v8 =	vmov s8;
	s0 =	sor.u32 $0x2, s8;
	v14 =	vor.u32 $0x3, v13;
	v15 =	vld [tilespmem:s30+$0xFFFFFC00]  }
0x281: {  	v12 =	vshll.u32 v12, $0x3;
	v8 =	vand.u32 $0x7C, v8;
	s12 =	sor.u32 $0x1, s8;
	v16 =	vmov s0;
	v18 =	vld.idx.msk [tilespmem:v6+s19+$0x0], $0xffff  }
0x282: {  	v31 =	vor.u32 v3, v12;
	v21 =	vor.u32 $0x2, v4;
	v9 =	vmov s12;
	v33 =	vld.idx.msk [tilespmem:v7+s19+$0x0], $0xffff  }
0x283: {  	v8 =	vbroadcast v8, $0x0;
	v20 =	vor.u32 $0x1, v13;
	v6 =	vand.u32 $0x7D, v9;
	v19 =	vld [tilespmem:s30+$0xFFFFFA00]  }
0x284: {  	s7 =	simm.s32 $0x200;
	v22 =	vor.u32 $0x2, v13;
	v39 =	vld [tilespmem:s30+$0xFFFFF800];
	v9 =	vbroadcast v6, $0x0;
	v6 =	vand.u32 $0x7E, v16  }
0x285: {  	v17 =	vor.u32 $0x1, v31;
	s12 =	simm.s32 $0xC00;
	v27 =	vld.idx.msk [tilespmem:v14+s19+$0x0], $0xffff;
	v12 =	vbroadcast v6, $0x0;
	v6 =	vmov s7  }
0x286: {  	v41 =	vor.u32 $0x2, v31;
	v24 =	vmov s12;
	v36 =	vld.idx.msk [tilespmem:v13+s19+$0x0], $0xffff;
	v6 =	vshll.u32 v6, $0x3  }
0x287: {  	s11 =	simm.s32 $0x400;
	v29 =	vor.u32 $0x1, v5;
	v25 =	vshll.u32 v24, $0x3;
	v23 =	vld [tilespmem:s30+$0x200];
	v30 =	vor.u32 v3, v6  }
0x288: {  	v26 =	vor.u32 v3, v25;
	v38 =	vld.idx.msk [tilespmem:v20+s19+$0x0], $0xffff;
	v6 =	vmov s11;
	v28 =	vor.u32 $0x2, v30  }
0x289: {  	s8 =	sshllo.u32 s29, $0x2;
	v25 =	vor.u32 $0x3, v31;
	v44 =	vld.idx.msk [tilespmem:v22+s19+$0x0], $0xffff;
	v6 =	vshll.u32 v6, $0x3;
	v45 =	vor.u32 $0x1, v30  }
0x28a: {  	v35 =	vor.u32 $0x3, v26;
	v7 =	vmov s8;
	v16 =	vld [tilespmem:s30+$0x0];
	v6 =	vor.u32 v3, v6  }
0x28b: {  	v13 =	vor.u32 $0x1, v4;
	v34 =	vld.idx.msk [tilespmem:v17+s19+$0x0], $0xffff;
	v7 =	vand.u32 $0x7F, v7;
	v37 =	vor.u32 $0x2, v6  }
0x28c: {  	v20 =	vor.u32 $0x1, v26;
	v41 =	vld.idx.msk [tilespmem:v41+s19+$0x0], $0xffff;
	v14 =	vbroadcast v7, $0x0;
	v17 =	vor.u32 $0x1, v6  }
0x28d: {  	v22 =	vor.u32 $0x2, v26;
	v27 =	vmul.f32 v27, v39;
	v36 =	vmul.f32 v36, v39;
	v43 =	vld.idx.msk [tilespmem:v28+s19+$0x0], $0xffff  }
0x28e: {  	v7 =	vor.u32 $0x3, v5;
	v38 =	vmul.f32 v38, v39;
	v44 =	vmul.f32 v44, v39;
	v39 =	vld.idx.msk [tilespmem:v45+s19+$0x0], $0xffff  }
0x28f: {  	v32 =	vor.u32 $0x3, v30;
	v18 =	vmul.f32 v18, v23;
	v33 =	vmul.f32 v33, v16;
	v40 =	vld.idx.msk [tilespmem:v6+s19+$0x0], $0xffff  }
0x290: {  	v24 =	vor.u32 $0x3, v6;
	v36 =	vadd.f32 $0.0e+00, v36;
	v28 =	vshll.u32 v10, $0x7;
	v37 =	vld.idx.msk [tilespmem:v37+s19+$0x0], $0xffff  }
0x291: {  	s31 =	simm.s32 $0x2020;
	s0 =	simm.s32 $0xE00;
	s7 =	simm.s32 $0xE10;
	v6 =	vor.u32 v14, v28;
	v10 =	vor.u32 v12, v28;
	v42 =	vld.idx.msk [tilespmem:v17+s19+$0x0], $0xffff;
	v17 =	vor.u32 v8, v28  }
.LBB2_14:
0x292: {  	s1 =	sadd.s32 $0xFFFFFA00, s7  }
0x293: {  	v30 =	vld.idx.msk [tilespmem:v30+s19+$0x0], $0xffff;
	v43 =	vmul.f32 v43, v19;
	v45 =	vmov s0;
	v28 =	vor.u32 v9, v28;
	s30 =	sadd.s32 $0x10, s30;
	s0 =	smov.u32 s7;
	s6 =	sadd.s32 $0x10, s7  }
0x294: {  	p0 =	sne.s32 s7, $0xFF0;
	v40 =	vmul.f32 v40, v15;
	v46 =	vmov s1;
	s1 =	sadd.s32 $0xFFFFFC00, s0;
	v44 =	vadd.f32 $0.0e+00, v44;
	v31 =	vld.idx.msk [tilespmem:v31+s19+$0x0], $0xffff  }
0x295: {  	v45 =	vshll.u32 v45, $0x3;
	v46 =	vshll.u32 v46, $0x3;
	v47 =	vmov s1;
	v48 =	vld.idx.msk [tilespmem:v29+s19+$0x0], $0xffff  }
0x296: {  	v42 =	vmul.f32 v42, v15;
	v47 =	vshll.u32 v47, $0x3;
	v49 =	vld.idx.msk [tilespmem:v5+s19+$0x0], $0xffff;
	v5 =	vor.u32 v3, v46  }
0x297: {  	v37 =	vmul.f32 v37, v15;
	v41 =	vmul.f32 v41, v11;
	v29 =	vor.u32 $0x2, v5;
	v46 =	vld [tilespmem:s31+$0x600]  }
0x298: {  	v34 =	vmul.f32 v34, v11;
	v43 =	vadd.f32 v43, v44;
	v47 =	vor.u32 v3, v47;
	v35 =	vld.idx.msk [tilespmem:v35+s19+$0x0], $0xffff  }
0x299: {  	v38 =	vadd.f32 $0.0e+00, v38;
	v44 =	vor.u32 v3, v45;
	v39 =	vmul.f32 v39, v19;
	v21 =	vld.idx.msk [tilespmem:v21+s19+$0x0], $0xffff  }
0x29a: {  	v30 =	vmul.f32 v30, v19;
	v37 =	vadd.f32 v37, v43;
	v31 =	vmul.f32 v31, v11;
	v43 =	vld [tilespmem:s31+$0x400];
	s31 =	smov.u32 s30  }
0x29b: {  	v38 =	vadd.f32 v39, v38;
	v39 =	vmul.f32 v48, v16;
	v48 =	vor.u32 $0x1, v44;
	v45 =	vld.idx.msk [tilespmem:v13+s19+$0x0], $0xffff  }
0x29c: {  	v13 =	vadd.f32 v30, v36;
	v30 =	vadd.f32 v41, v37;
	v36 =	vmul.f32 v49, v16;
	v37 =	vld.idx.msk [tilespmem:v4+s19+$0x0], $0xffff  }
0x29d: {  	v38 =	vadd.f32 v42, v38;
	v41 =	vor.u32 $0x2, v44;
	v42 =	vor.u32 $0x3, v44;
	v4 =	vmovc v47;
	v32 =	vld.idx.msk [tilespmem:v32+s19+$0x0], $0xffff  }
0x29e: {  	v40 =	vadd.f32 v40, v13;
	v30 =	vadd.f32 v33, v30;
	v26 =	vld.idx.msk [tilespmem:v26+s19+$0x0], $0xffff  }
0x29f: {  	v13 =	vor.u32 $0x1, v4;
	v33 =	vadd.f32 v34, v38;
	v34 =	vmul.f32 v21, v23;
	v24 =	vld.idx.msk [tilespmem:v24+s19+$0x0], $0xffff  }
0x2a0: {  	v38 =	vor.u32 $0x3, v4;
	v21 =	vor.u32 $0x3, v5;
	v31 =	vadd.f32 v31, v40;
	v40 =	vld.idx.msk [tilespmem:v44+s19+$0x0], $0xffff  }
0x2a1: {  	v33 =	vadd.f32 v39, v33;
	v39 =	vmul.f32 v45, v23;
	v25 =	vld.idx.msk [tilespmem:v25+s19+$0x0], $0xffff  }
0x2a2: {  	v31 =	vadd.f32 v36, v31;
	v23 =	vmul.f32 v37, v23;
	v36 =	vld.idx.msk [tilespmem:v7+s19+$0x0], $0xffff;
	v7 =	vmov v21  }
0x2a3: {  	v27 =	vadd.f32 $0.0e+00, v27;
	v19 =	vmul.f32 v32, v19;
	v32 =	vadd.f32 v39, v33;
	v22 =	vld.idx.msk [tilespmem:v22+s19+$0x0], $0xffff  }
0x2a4: {  	v21 =	vor.u32 $0x2, v4;
	v23 =	vadd.f32 v23, v31;
	v26 =	vmul.f32 v26, v43;
	v20 =	vld.idx.msk [tilespmem:v20+s19+$0x0], $0xffff  }
0x2a5: {  	v19 =	vadd.f32 v19, v27;
	v15 =	vmul.f32 v24, v15  }
0x2a6: {  	v24 =	vadd.f32 v34, v30;
	v23 =	vadd.f32 v26, v23;
	v26 =	vmul.f32 v40, v46  }
0x2a7: {  	s1 =	sadd.s32 $0xFFFFF200, s0;
	v15 =	vadd.f32 v15, v19;
	v11 =	vmul.f32 v25, v11;
	v19 =	vmul.f32 v35, v43;
	v25 =	vld.idx.msk [tilespmem:v48+s19+$0x0], $0xffff  }
0x2a8: {  	v27 =	vor.u32 s1, v0;
	s1 =	sadd.s32 $0xFFFFF400, s0;
	v16 =	vmul.f32 v36, v16;
	v23 =	vadd.f32 v26, v23;
	v26 =	vld.idx.msk [tilespmem:v41+s19+$0x0], $0xffff  }
0x2a9: {  	v33 =	vshll.u32 v27, $0x3;
	v30 =	vmov s1;
	v11 =	vadd.f32 v11, v15;
	v15 =	vld.idx.msk [tilespmem:v42+s19+$0x0], $0xffff  }
0x2aa: {  	v37 =	vor.u32 $0x2, v33;
	v36 =	vor.u32 $0x1, v33;
	v20 =	vmul.f32 v20, v43;
	[tilespmem:v17+s28+$0x0] =	vst.idx.msk $0xffff, v23  }
0x2ab: {  	v17 =	vor.u32 $0x3, v33;
	v23 =	vshll.u32 v30, $0x3;
	v11 =	vadd.f32 v16, v11  }
0x2ac: {  	s1 =	sadd.s32 $0xFFFFF600, s0;
	v30 =	vor.u32 v3, v23;
	v16 =	vadd.f32 v20, v32;
	v20 =	vmul.f32 v22, v43  }
0x2ad: {  	v22 =	vmov s1;
	v39 =	vor.u32 $0x2, v30;
	v11 =	vadd.f32 v18, v11  }
0x2ae: {  	v18 =	vshll.u32 v22, $0x3;
	v20 =	vadd.f32 v20, v24;
	v22 =	vmul.f32 v26, v46  }
0x2af: {  	s7 =	sadd.s32 $0xFFFFFE00, s0;
	s1 =	sadd.s32 $0xFFFFF800, s0;
	v23 =	vmul.f32 v25, v46;
	v18 =	vor.u32 v3, v18;
	v15 =	vmul.f32 v15, v46  }
0x2b0: {  	v41 =	vor.u32 $0x2, v18;
	v24 =	vor.u32 $0x3, v18;
	v11 =	vadd.f32 v19, v11  }
0x2b1: {  	v42 =	vor.u32 $0x1, v18;
	v19 =	vmov s1;
	v16 =	vadd.f32 v23, v16  }
0x2b2: {  	v23 =	vmov s7;
	v19 =	vshll.u32 v19, $0x3;
	v20 =	vadd.f32 v22, v20  }
0x2b3: {  	v31 =	vor.u32 v3, v19;
	v19 =	vshll.u32 v23, $0x3;
	v11 =	vadd.f32 v15, v11;
	[tilespmem:v28+s28+$0x0] =	vst.idx.msk $0xffff, v16  }
0x2b4: {  	v34 =	vor.u32 $0x1, v31;
	v25 =	vor.u32 $0x3, v31;
	v26 =	vor.u32 v3, v19;
	[tilespmem:v10+s28+$0x0] =	vst.idx.msk $0xffff, v20  }
0x2b5: {  	v44 =	vor.u32 $0x2, v31;
	v22 =	vor.u32 $0x2, v26;
	v20 =	vor.u32 $0x1, v26;
	[tilespmem:v6+s28+$0x0] =	vst.idx.msk $0xffff, v11  }
0x2b6: {  	v35 =	vor.u32 $0x3, v26;
	v11 =	vld [tilespmem:s30+$0xFFFFFE00]  }
0x2b7: {  	v32 =	vor.u32 $0x3, v30;
	v15 =	vld [tilespmem:s30+$0xFFFFFC00]  }
0x2b8: {  	v38 =	vld.idx.msk [tilespmem:v38+s19+$0x0], $0xffff  }
0x2b9: {  	v45 =	vld.idx.msk [tilespmem:v29+s19+$0x0], $0xffff  }
0x2ba: {  	v29 =	vor.u32 $0x1, v5;
	v19 =	vld [tilespmem:s30+$0xFFFFFA00]  }
0x2bb: {  	v16 =	vld [tilespmem:s30+$0x0]  }
0x2bc: {  	v46 =	vld [tilespmem:s30+$0xFFFFF800]  }
0x2bd: {  	v40 =	vld.idx.msk [tilespmem:v17+s19+$0x0], $0xffff  }
0x2be: {  	v28 =	vshll.u32 v27, $0x7;
	v33 =	vld.idx.msk [tilespmem:v33+s19+$0x0], $0xffff  }
0x2bf: {  	v6 =	vor.u32 v14, v28;
	v23 =	vld [tilespmem:s30+$0x200]  }
0x2c0: {  	v10 =	vor.u32 v12, v28;
	v34 =	vld.idx.msk [tilespmem:v34+s19+$0x0], $0xffff  }
0x2c1: {  	v17 =	vor.u32 v8, v28;
	v36 =	vld.idx.msk [tilespmem:v36+s19+$0x0], $0xffff  }
0x2c2: {  	v47 =	vld.idx.msk [tilespmem:v37+s19+$0x0], $0xffff  }
0x2c3: {  	v48 =	vor.u32 $0x1, v30;
	v27 =	vmul.f32 v40, v46;
	v43 =	vld.idx.msk [tilespmem:v39+s19+$0x0], $0xffff  }
.Ltmp5:
0x2c4: {  	v39 =	vmul.f32 v33, v46;
	v40 =	vld.idx.msk [tilespmem:v18+s19+$0x0], $0xffff;
	v18 =	vmul.f32 v38, v23;
	(pc) =	sbr.rel @p0 .LBB2_14-.Ltmp5, $4  }
0x2c5: {  	v33 =	vmul.f32 v45, v16;
	v37 =	vld.idx.msk [tilespmem:v41+s19+$0x0], $0xffff  }
0x2c6: {  	v42 =	vld.idx.msk [tilespmem:v42+s19+$0x0], $0xffff  }
0x2c7: {  	v38 =	vmul.f32 v36, v46;
	v41 =	vld.idx.msk [tilespmem:v44+s19+$0x0], $0xffff  }
0x2c8: {  	s7 =	smov.u32 s6;
	v36 =	vadd.f32 $0.0e+00, v39;
	v44 =	vmul.f32 v47, v46;
	v39 =	vld.idx.msk [tilespmem:v48+s19+$0x0], $0xffff  }
0x2c9: {  	_ =	sdelay $0x3  }
0x2ca: {  	v8 =	vld.idx.msk [tilespmem:v30+s19+$0x0], $0xffff  }
0x2cb: {  	v12 =	vld.idx.msk [tilespmem:v31+s19+$0x0], $0xffff  }
0x2cc: {  	v14 =	vld.idx.msk [tilespmem:v29+s19+$0x0], $0xffff  }
0x2cd: {  	v5 =	vld.idx.msk [tilespmem:v5+s19+$0x0], $0xffff  }
0x2ce: {  	v29 =	vld [tilespmem:s31+$0x600]  }
0x2cf: {  	v61 =	vmul.f32 v43, v19;
	v9 =	vor.u32 v9, v28;
	v21 =	vld.idx.msk [tilespmem:v21+s19+$0x0], $0xffff  }
0x2d0: {  	v63 =	vmov s0;
	v40 =	vmul.f32 v40, v15;
	v38 =	vadd.f32 $0.0e+00, v38;
	v32 =	vld.idx.msk [tilespmem:v32+s19+$0x0], $0xffff  }
0x2d1: {  	v34 =	vmul.f32 v34, v11;
	v13 =	vld.idx.msk [tilespmem:v13+s19+$0x0], $0xffff;
	v27 =	vadd.f32 $0.0e+00, v27;
	v62 =	vadd.f32 $0.0e+00, v44  }
0x2d2: {  	v24 =	vld.idx.msk [tilespmem:v24+s19+$0x0], $0xffff;
	v37 =	vmul.f32 v37, v15;
	v28 =	vshll.u32 v63, $0x3;
	v42 =	vmul.f32 v42, v15  }
0x2d3: {  	v4 =	vld.idx.msk [tilespmem:v4+s19+$0x0], $0xffff;
	v28 =	vor.u32 v3, v28;
	v30 =	vadd.f32 v61, v62;
	v41 =	vmul.f32 v41, v11  }
0x2d4: {  	v25 =	vld.idx.msk [tilespmem:v25+s19+$0x0], $0xffff;
	v46 =	vor.u32 $0x1, v28;
	v47 =	vor.u32 $0x2, v28;
	v8 =	vmul.f32 v8, v19  }
0x2d5: {  	v26 =	vld.idx.msk [tilespmem:v26+s19+$0x0], $0xffff;
	v49 =	vor.u32 $0x3, v28;
	v39 =	vmul.f32 v39, v19;
	v30 =	vadd.f32 v37, v30  }
0x2d6: {  	v7 =	vld.idx.msk [tilespmem:v7+s19+$0x0], $0xffff;
	v12 =	vmul.f32 v12, v11;
	v14 =	vmul.f32 v14, v16;
	v8 =	vadd.f32 v8, v36  }
0x2d7: {  	v53 =	vld.idx.msk [tilespmem:v22+s19+$0x0], $0xffff;
	v48 =	vmul.f32 v32, v19;
	v50 =	vmul.f32 v24, v15;
	v45 =	vadd.f32 v39, v38  }
0x2d8: {  	v44 =	vld [tilespmem:s31+$0x400];
	v5 =	vmul.f32 v5, v16;
	v13 =	vmul.f32 v13, v23;
	v8 =	vadd.f32 v40, v8  }
0x2d9: {  	v52 =	vld.idx.msk [tilespmem:v20+s19+$0x0], $0xffff;
	v54 =	vmul.f32 v25, v11;
	v19 =	vadd.f32 v48, v27;
	v37 =	vadd.f32 v42, v45  }
0x2da: {  	v55 =	vmul.f32 v21, v23;
	v30 =	vadd.f32 v41, v30;
	v28 =	vld.idx.msk [tilespmem:v28+s19+$0x0], $0xffff;
	v8 =	vadd.f32 v12, v8  }
0x2db: {  	v4 =	vmul.f32 v4, v23;
	v56 =	vld.idx.msk [tilespmem:v46+s19+$0x0], $0xffff;
	v15 =	vadd.f32 v50, v19;
	v34 =	vadd.f32 v34, v37  }
0x2dc: {  	v35 =	vld.idx.msk [tilespmem:v35+s19+$0x0], $0xffff;
	v7 =	vmul.f32 v7, v16;
	v30 =	vadd.f32 v33, v30;
	v5 =	vadd.f32 v5, v8  }
0x2dd: {  	v61 =	vmul.f32 v53, v44;
	v57 =	vld.idx.msk [tilespmem:v47+s19+$0x0], $0xffff;
	v11 =	vadd.f32 v54, v15;
	v51 =	vadd.f32 v14, v34  }
0x2de: {  	v59 =	vld.idx.msk [tilespmem:v49+s19+$0x0], $0xffff;
	v58 =	vadd.f32 v55, v30;
	v4 =	vadd.f32 v4, v5;
	v5 =	vmul.f32 v26, v44  }
0x2df: {  	v14 =	vmul.f32 v52, v44;
	v7 =	vadd.f32 v7, v11;
	v12 =	vadd.f32 v13, v51  }
0x2e0: {  	v60 =	vmul.f32 v28, v29;
	v8 =	vmul.f32 v56, v29;
	v4 =	vadd.f32 v5, v4  }
0x2e1: {  	s29 =	sadd.s32 $0x1, s29;
	v7 =	vadd.f32 v18, v7;
	v12 =	vadd.f32 v14, v12;
	v5 =	vmul.f32 v35, v44  }
0x2e2: {  	p0 =	sne.s32 s29, $0x11;
	v11 =	vadd.f32 v61, v58;
	v13 =	vmul.f32 v57, v29;
	v4 =	vadd.f32 v60, v4  }
.Ltmp6:
0x2e3: {  	v62 =	vmul.f32 v59, v29;
	v63 =	vadd.f32 v8, v12;
	v5 =	vadd.f32 v5, v7;
	(pc) =	sbr.rel @p0 .LBB2_11-.Ltmp6, $4  }
0x2e4: {  	[tilespmem:v17+s28+$0x0] =	vst.idx.msk $0xffff, v4;
	v4 =	vadd.f32 v13, v11  }
0x2e5: {  	v5 =	vadd.f32 v62, v5;
	[tilespmem:v9+s28+$0x0] =	vst.idx.msk $0xffff, v63  }
0x2e6: {  	[tilespmem:v10+s28+$0x0] =	vst.idx.msk $0xffff, v4  }
0x2e7: {  	[tilespmem:v6+s28+$0x0] =	vst.idx.msk $0xffff, v5  }
0x2e8: {  	s0 =	rddreg [dreg:$0xc]  }
0x2e9: {  	s1 =	rddreg [dreg:$0x7];
	s0 =	sshll.u32 s0, $0x4  }
0x2ea: {  	s30 =	simm.s32 $0x0;
	s8 =	simm.s32 $0x2;
	s0 =	sadd.s32 s1, s0  }
0x2eb: {  	[hbm4b:s0+s30] =	stream.linear.scatter [tilespmem:s28], [sflag:$0x2], $0x10000, $0x38;
	[tilespmem:$0x1A820] =	vst v63  }
0x2ec: {  	_ =	swait.ge [sflag:s8], $0x10000  }
0x2ed: {  	s31 =	rddreg [dreg:$0xb]  }
0x2ee: {  	s0 =	sadd.s32 $0x1, s31  }
0x2ef: {  	p0 =	sne.s32 s0, $0x10  }
.Ltmp7:
0x2f0: {  	_ = 	snop;
	(pc) =	sbr.rel @p0 .LBB2_4-.Ltmp7, $3  }
0x2f1: {  	_ =	sdelay $0x1  }
0x2f2: {  	[sflag:s8] =	ssyncset.done $0x0  }
0x2f3: {  	[sflag:s8] =	ssyncadd.s32 $0xFFFF0000  }
0x2f4: {  	s1 =	rddreg [dreg:$0xa]  }
0x2f5: {  	s0 =	rddreg [dreg:$0x9];
	s1 =	sadd.s32 $0x1, s1  }
0x2f6: {  	p0 =	sne.s32 s1, s0  }
.Ltmp8:
0x2f7: {  	_ = 	snop;
	(pc) =	sbr.rel @p0 .LBB2_1-.Ltmp8, $1  }
0x2f8: {  	_ =	sdelay $0x3  }
0x2f9: {  	_ =	sfence.sel $0x180000  }
0x2fa: {  	[bflag:$0x0] =	sbarrier.arrive $0xFFFF  }
0x2fb: {  	_ =	strace $0x9000004A  }
0x2fc: {  	s0 =	stileid.u32;
	[bflag:$0x2] =	sbarrier.arrive $0xFFFF  }
0x2fd: {  	p0 =	sne.s32 s0, $0x0;
	s0 =	rddreg [dreg:$0x2]  }
0x2fe: {  	s0 =	sadd.s32 @!p0 $0x100000, s0  }
0x2ff: {  	[sflag:s0] =	ssyncadd.tile.s32 @!p0 $0x1;
	_ =	shalt  }
.Lfunc_end2:
_tile_overlayer_lowered:
.L_overlay_start_2:
0x300: {  	(tag) =	ssettag $0x2  }
0x301: {  	s0 =	rddreg [dreg:$0x0];
	s2 =	stileid.u32  }
0x302: {  	s1 =	rddreg [dreg:$0x1];
	p0 =	sne.s32 s2, $0x0  }
0x303: {  	s3 =	rddreg [dreg:$0x2];
	[bflag:$0x3] =	sbarrier.arrive $0xFFFF;
	s2 =	simm.s32 @!p0 $0x1C02  }
0x304: {  	[timem:s3], [sflag:s2] =	dma.local @!p0 [hbm:s0], s1  }
0x305: {  	s0 =	simm.s32 @!p0 $0x2  }
0x306: {  	_ =	swait.ge @!p0 [sflag:s0], s1  }
0x307: {  	s1 =	ssub.s32 @!p0 $0x0, s1;
	[sflag:s0] =	ssyncset.done @!p0 $0x0  }
0x308: {  	[sflag:s0] =	ssyncadd.s32 @!p0 s1  }
0x309: {  	[bflag:$0x3] =	sbarrier.arrive $0xFFFF  }
0x30a: {  	_ =	shalt  }

</sc_bundles>
